<compile_context>
chip_gen: v7x
topology: tpu7x:2x2x1
jax: 0.10.2.dev20260603
libtpu: 0.0.44.dev20260713+nightly
codegen_flags: <defaults>
</compile_context>

<pallas_src>
import functools
import jax
import jax.numpy as jnp
from jax import lax
from jax.experimental import pallas as pl
from jax.experimental.pallas import tpu as pltpu
from jax.experimental.pallas import tpu_sc as plsc

NG = 5000
NP = 2000
H = 64
B = 32
EPS = 1e-5
GB = 200
NBLK = NG // GB
NROWS = float(B * NG)

NGP = 5120
NPP = 2048
NTOT = NGP + NPP
DUMP = NTOT - 1
ECO = 100000
EGO = 40000
NW = 32
CHUNK = 128
ECO_P = 102400
EGO_P = 40960
ETOT = ECO_P + EGO_P
EPW = ETOT // NW
NCH = EPW // CHUNK
TPS = NTOT // 16
TW = 128

def _sc_mesh():
    return plsc.VectorSubcoreMesh(core_axis_name="c", subcore_axis_name="s")


@functools.cache
def _make_sc_deg():
    return functools.partial(
        pl.kernel,
        out_type=jax.ShapeDtypeStruct((2, NTOT, TW), jnp.float32),
        mesh=_sc_mesh(),
        scratch_types=[
            pltpu.VMEM((NCH, CHUNK), jnp.int32),
            pltpu.VMEM((NCH, CHUNK), jnp.float32),
            pltpu.VMEM((CHUNK, TW), jnp.float32),
            pltpu.VMEM((CHUNK, TW), jnp.float32),
            pltpu.VMEM_SHARED((NTOT, TW), jnp.float32),
            pltpu.SemaphoreType.DMA,
        ],
    )(_sc_deg_body)


def _sc_deg(col3, ew3, z64):
    return _make_sc_deg()(col3, ew3, z64)


def _sc_deg_body(col_hbm, ew_hbm, z64_hbm, out_hbm,
                 cslab, wslab, s0, s1, acc, semw):
    c = lax.axis_index("c")
    s = lax.axis_index("s")
    w = s * 2 + c
    t0 = pl.multiple_of(s * TPS, 8)

    pltpu.sync_copy(z64_hbm.at[pl.ds(t0, TPS), :], acc.at[pl.ds(t0, TPS), :])
    pltpu.sync_copy(col_hbm.at[w], cslab)
    pltpu.sync_copy(ew_hbm.at[w], wslab)

    def _zsrc(k, cc):
        for g in range(1, TW // 16):
            s0[k, pl.ds(g * 16, 16)] = jnp.zeros((16,), jnp.float32)
            s1[k, pl.ds(g * 16, 16)] = jnp.zeros((16,), jnp.float32)
        return cc

    lax.fori_loop(0, CHUNK, _zsrc, 0)
    plsc.subcore_barrier()

    def _build(sb, x):
        def _bg(g, cc):
            sv = wslab[x, pl.ds(g * 16, 16)]
            for l in range(16):
                sb[g * 16 + l, pl.ds(0, 16)] = jnp.full((16,), sv[l],
                                                        jnp.float32)
            return cc

        lax.fori_loop(0, CHUNK // 16, _bg, 0)

    _build(s0, 0)

    def _pair(q, cc):
        a = 2 * q
        b = 2 * q + 1
        pltpu.async_copy(s0, acc.at[cslab.at[a]], semw, add=True)
        _build(s1, b)
        pltpu.make_async_copy(s0, acc.at[cslab.at[a]], semw).wait()
        pltpu.async_copy(s1, acc.at[cslab.at[b]], semw, add=True)

        @pl.when(q < NCH // 2 - 1)
        def _nb():
            _build(s0, b + 1)

        pltpu.make_async_copy(s1, acc.at[cslab.at[b]], semw).wait()
        return cc

    lax.fori_loop(0, NCH // 2, _pair, 0)
    if NCH % 2:
        _build(s0, NCH - 1)
        pltpu.sync_copy(s0, acc.at[cslab.at[NCH - 1]], add=True)
    plsc.subcore_barrier()
    pltpu.sync_copy(acc.at[pl.ds(t0, TPS), :],
                    out_hbm.at[c, pl.ds(t0, TPS), :])


@functools.cache
def _make_sc_agg():
    return functools.partial(
        pl.kernel,
        out_type=jax.ShapeDtypeStruct((2, NTOT, TW), jnp.float32),
        mesh=_sc_mesh(),
        scratch_types=[
            pltpu.VMEM((CHUNK,), jnp.int32),
            pltpu.VMEM((CHUNK,), jnp.int32),
            pltpu.VMEM((CHUNK,), jnp.float32),
            pltpu.VMEM((CHUNK, TW), jnp.float32),
            pltpu.VMEM_SHARED((NTOT, TW), jnp.float32),
        ],
    )(_sc_agg_body)


def _sc_agg(row1, col1, ew1, tab, z64):
    return _make_sc_agg()(row1, col1, ew1, tab, z64)


def _sc_agg_body(row_hbm, col_hbm, ew_hbm, tab_hbm, z64_hbm, out_hbm,
                 rowbuf, colbuf, ewbuf, gbuf, acc):
    c = lax.axis_index("c")
    s = lax.axis_index("s")
    w = s * 2 + c
    t0 = pl.multiple_of(s * TPS, 8)

    pltpu.sync_copy(z64_hbm.at[pl.ds(t0, TPS), :], acc.at[pl.ds(t0, TPS), :])
    plsc.subcore_barrier()

    def _chunk(ci, carry):
        base = w * EPW + ci * CHUNK
        pltpu.sync_copy(row_hbm.at[pl.ds(base, CHUNK)], rowbuf)
        pltpu.sync_copy(col_hbm.at[pl.ds(base, CHUNK)], colbuf)
        pltpu.sync_copy(ew_hbm.at[pl.ds(base, CHUNK)], ewbuf)
        pltpu.sync_copy(tab_hbm.at[rowbuf], gbuf)

        def _scale(g, cc):
            sv = ewbuf[pl.ds(g * 16, 16)]
            for l in range(16):
                sc = sv[l]
                k = g * 16 + l
                for c2 in range(H // 16):
                    gbuf[k, pl.ds(c2 * 16, 16)] = (
                        sc * gbuf[k, pl.ds(c2 * 16, 16)])
            return cc

        lax.fori_loop(0, CHUNK // 16, _scale, 0)
        pltpu.sync_copy(gbuf, acc.at[colbuf], add=True)
        return carry

    lax.fori_loop(0, NCH, _chunk, 0)
    plsc.subcore_barrier()
    pltpu.sync_copy(acc.at[pl.ds(t0, TPS), :],
                    out_hbm.at[c, pl.ds(t0, TPS), :])


def _tc_pre_kernel(ge, ep, pe, dacc, pW, pb,
                   base0, posR, tabcat, discol):
    def renorm(t):
        n = jnp.sqrt(jnp.sum(t * t, axis=1, keepdims=True))
        return t * jnp.where(n > 1.0, 1.0 / (n + 1e-7), 1.0)

    gen = renorm(ge[...])
    m = gen.mean(axis=0)
    v = (gen * gen).mean(axis=0) - m * m
    base0[...] = jax.nn.relu((gen - m) * lax.rsqrt(v + EPS))

    epn = renorm(ep[...])
    pen = renorm(pe[...])

    deg = dacc[0, :, 0:1] + dacc[1, :, 0:1] + 1.0
    dis = lax.rsqrt(deg)
    discol[...] = dis

    tabcat[0:NGP, 0:H] = jnp.concatenate(
        [dis[0:NG] * epn, jnp.zeros((NGP - NG, H), jnp.float32)], axis=0)
    tabcat[NGP:NTOT, 0:H] = jnp.concatenate(
        [dis[NGP:NGP + NP] * pen, jnp.zeros((NPP - NP, H), jnp.float32)],
        axis=0)
    tabcat[:, H:TW] = jnp.zeros((NTOT, TW - H), jnp.float32)

    posR[...] = jnp.dot(epn, pW[...],
                        preferred_element_type=jnp.float32) + pb[0, :]


def _tc_pre(ge, ep, pe, dacc, pW, pb):
    return pl.pallas_call(
        _tc_pre_kernel,
        out_shape=[
            jax.ShapeDtypeStruct((NG, H), jnp.float32),
            jax.ShapeDtypeStruct((NG, H), jnp.float32),
            jax.ShapeDtypeStruct((NTOT, TW), jnp.float32),
            jax.ShapeDtypeStruct((NTOT, 1), jnp.float32),
        ],
    )(ge, ep, pe, dacc, pW, pb)


def _tc_mid_kernel(base0, posR, Sacc, tabcat, discol, pidx,
                   pW, pb, gW, gb, eW1, eb1, eW2, eb2,
                   fW1, fb1, fW2, fb2,
                   uA_o, uB_o, vet_o):
    Scomb = Sacc[0, :, 0:H] + Sacc[1, :, 0:H] + tabcat[:, 0:H]
    agg = discol[...] * Scomb

    pos0 = jnp.dot(agg[0:NG], pW[...],
                   preferred_element_type=jnp.float32) + pb[0, :]
    b0 = base0[...]
    beA = b0 + 0.2 * pos0
    beB = b0 + 0.2 * posR[...]

    def wbn2(hA, hB):
        m = (hA.sum(axis=0) + 31.0 * hB.sum(axis=0)) / NROWS
        sq = ((hA * hA).sum(axis=0) + 31.0 * (hB * hB).sum(axis=0)) / NROWS
        s = lax.rsqrt(sq - m * m + EPS)
        return (hA - m) * s, (hB - m) * s

    def mm(a, w, b):
        return jnp.dot(a, w, preferred_element_type=jnp.float32) + b

    hA, hB = wbn2(mm(beA, eW1[...], eb1[0, :]), mm(beB, eW1[...], eb1[0, :]))
    hA, hB = jax.nn.relu(hA), jax.nn.relu(hB)
    beA, beB = wbn2(mm(hA, eW2[...], eb2[0, :]), mm(hB, eW2[...], eb2[0, :]))

    pi = pidx[...]
    jidx = lax.broadcasted_iota(jnp.int32, (B, NPP), 1)
    M = ((jidx == pi[:, 0:1]).astype(jnp.float32)
         + (jidx == pi[:, 1:2]).astype(jnp.float32))
    aggo = agg[NGP:NTOT]
    t = jnp.dot(M, aggo, preferred_element_type=jnp.float32)
    summed = jnp.dot(t, gW[...],
                     preferred_element_type=jnp.float32) + 2.0 * gb[0, :]

    def bn(h):
        m = h.mean(axis=0)
        v = (h * h).mean(axis=0) - m * m
        return (h - m) * lax.rsqrt(v + EPS)

    et = bn(mm(jax.nn.relu(bn(mm(summed, fW1[...], fb1[0, :]))),
               fW2[...], fb2[0, :]))

    sumA, sumB = beA.sum(axis=0), beB.sum(axis=0)
    sqA, sqB = (beA * beA).sum(axis=0), (beB * beB).sum(axis=0)
    sum_et = et.sum(axis=0)
    et0 = et[0, :]
    sum_et_r = sum_et - et0
    sq_et_r = (et * et).sum(axis=0) - et0 * et0
    mean3 = (sumA + 31.0 * sumB) / NROWS + sum_et / 32.0
    Esq = (sqA + 2.0 * et0 * sumA + NG * et0 * et0
           + 31.0 * sqB + 2.0 * sum_et_r * sumB + NG * sq_et_r) / NROWS
    s3 = lax.rsqrt(Esq - mean3 * mean3 + EPS)

    uA_o[...] = (beA - mean3) * s3
    uB_o[...] = (beB - mean3) * s3
    vet_o[...] = et * s3


def _tc_mid(base0, posR, Sacc, tabcat, discol, pidx, weights):
    return pl.pallas_call(
        _tc_mid_kernel,
        out_shape=[
            jax.ShapeDtypeStruct((NG, H), jnp.float32),
            jax.ShapeDtypeStruct((NG, H), jnp.float32),
            jax.ShapeDtypeStruct((B, H), jnp.float32),
        ],
    )(base0, posR, Sacc, tabcat, discol, pidx, *weights)


def _big_kernel(uA, uB, vet, W1, b1, W2, b2, iw1,
                cgs_W1, cgs_b1, cgs_W2, cgs_b2,
                ib1c, iw2a, iw2r, ib2, xT,
                out, acc1, acc2, stats1, stats2, o1_scr):
    p = pl.program_id(0)
    j = pl.program_id(1)

    @pl.when((p == 0) & (j == 0))
    def _init():
        acc1[...] = jnp.zeros_like(acc1)
        acc2[...] = jnp.zeros_like(acc2)

    @pl.when((p == 1) & (j == 0))
    def _fin1():
        m = acc1[0, :] / NROWS
        v = acc1[1, :] / NROWS - m * m
        stats1[0, :] = m
        stats1[1, :] = jax.lax.rsqrt(v + EPS)

    @pl.when((p == 2) & (j == 0))
    def _fin2():
        m = acc2[0, :] / NROWS
        v = acc2[1, :] / NROWS - m * m
        stats2[0, :] = m
        stats2[1, :] = jax.lax.rsqrt(v + EPS)

    ua = uA[...]
    ub = uB[...]
    bidx = jax.lax.broadcasted_iota(jnp.int32, (1, B, 1), 1)
    u3 = jnp.where(bidx == 0, ua[:, None, :], ub[:, None, :])
    R = jax.nn.relu(u3 + vet[...][None, :, :]).reshape(GB * B, H)
    h1 = jnp.dot(R, W1[...], preferred_element_type=jnp.float32) + b1[0, :]

    @pl.when(p == 0)
    def _acc_h1():
        acc1[0, :] += h1.sum(axis=0)
        acc1[1, :] += (h1 * h1).sum(axis=0)

    @pl.when(p >= 1)
    def _later():
        h1n = jax.nn.relu((h1 - stats1[0, :]) * stats1[1, :])
        h2 = jnp.dot(h1n, W2[...], preferred_element_type=jnp.float32) + b2[0, :]

        @pl.when(p == 1)
        def _acc_h2():
            acc2[0, :64] += h2.sum(axis=0)
            acc2[1, :64] += (h2 * h2).sum(axis=0)

        @pl.when(p == 2)
        def _dec():
            h2n = (h2 - stats2[0, :64]) * stats2[1, :64]
            w = iw1[...]
            h3 = h2n.reshape(GB, B, H)
            o1b = (h3 * w[:, None, :]).sum(axis=-1)
            o1_scr[pl.ds(pl.multiple_of(j * GB, 8), GB), :] = o1b

            @pl.when(j == NBLK - 1)
            def _tail():
                o1 = o1_scr[...] + ib1c[...]
                z = jax.lax.dot_general(
                    o1, cgs_W1[...], (((0,), (0,)), ((), ())),
                    preferred_element_type=jnp.float32) + cgs_b1[0, :]
                zm = z.mean(axis=0)
                zv = ((z * z).mean(axis=0) - zm * zm)
                z = jax.nn.relu((z - zm) * jax.lax.rsqrt(zv + EPS))
                z = jnp.dot(z, cgs_W2[...],
                            preferred_element_type=jnp.float32) + cgs_b2[0, :]
                zm = z.mean(axis=0)
                zv = ((z * z).mean(axis=0) - zm * zm)
                cg = (z - zm) * jax.lax.rsqrt(zv + EPS)
                term2 = jax.lax.dot_general(
                    iw2r[...], cg, (((1,), (1,)), ((), ())),
                    preferred_element_type=jnp.float32)
                out[...] = (o1 * iw2a[...] + term2 + ib2[...] + xT[...])


def _run_big(uA, uB, vet, W1, b1, W2, b2, iw1,
             cgs_W1, cgs_b1, cgs_W2, cgs_b2, ib1c, iw2a, iw2r, ib2, xT):
    full = lambda s: pl.BlockSpec(s, lambda p, j: tuple(0 for _ in s))
    gblk = lambda d: pl.BlockSpec((GB, d), lambda p, j: (j, 0))
    grid = (3, NBLK)
    return pl.pallas_call(
        _big_kernel,
        grid=grid,
        in_specs=[
            gblk(H),
            gblk(H),
            full((B, H)),
            full((H, 2 * H)),
            full((1, 2 * H)),
            full((2 * H, H)),
            full((1, H)),
            gblk(H),
            full((NG, H)),
            full((1, H)),
            full((H, H)),
            full((1, H)),
            full((NG, 1)),
            full((NG, 1)),
            full((NG, H)),
            full((NG, 1)),
            full((NG, B)),
        ],
        out_specs=full((NG, B)),
        out_shape=jax.ShapeDtypeStruct((NG, B), jnp.float32),
        scratch_shapes=[
            pltpu.VMEM((2, 2 * H), jnp.float32),
            pltpu.VMEM((2, 2 * H), jnp.float32),
            pltpu.VMEM((2, 2 * H), jnp.float32),
            pltpu.VMEM((2, 2 * H), jnp.float32),
            pltpu.VMEM((NG, B), jnp.float32),
        ],
    )(uA, uB, vet, W1, b1, W2, b2, iw1,
      cgs_W1, cgs_b1, cgs_W2, cgs_b2, ib1c, iw2a, iw2r, ib2, xT)


def _pad_to(a, n, val):
    return jnp.concatenate([a, jnp.full((n - a.shape[0],), val, a.dtype)])


def _pad_spread(a, n):
    k = n - a.shape[0]
    return jnp.concatenate([a, (jnp.arange(k, dtype=jnp.int32) * 7) % NTOT])


def kernel(x, params, pert_idx, batch, G_coexpress, G_coexpress_weight,
           G_go, G_go_weight):
    p = params
    gcw = G_coexpress_weight
    ggw = G_go_weight

    rowc = jnp.concatenate(
        [_pad_to(G_coexpress[0].astype(jnp.int32), ECO_P, 0),
         _pad_to(G_go[0].astype(jnp.int32) + NGP, EGO_P, 0)])
    colc = jnp.concatenate(
        [_pad_spread(G_coexpress[1].astype(jnp.int32), ECO_P),
         _pad_spread(G_go[1].astype(jnp.int32) + NGP, EGO_P)])
    ewc = jnp.concatenate([_pad_to(gcw, ECO_P, 0.0),
                           _pad_to(ggw, EGO_P, 0.0)])

    z64 = jnp.zeros((NTOT, TW), jnp.float32)

    dacc = _sc_deg(colc.reshape(NW, NCH, CHUNK),
                   ewc.reshape(NW, NCH, CHUNK), z64)
    base0, posR, tabcat, discol = _tc_pre(
        p['gene_emb'], p['emb_pos'], p['pert_emb'], dacc,
        p['lin_pos_W'], p['lin_pos_b'].reshape(1, H))
    Sacc = _sc_agg(rowc, colc, ewc, tabcat, z64)
    uA, uB, vet = _tc_mid(
        base0, posR, Sacc, tabcat, discol, pert_idx.astype(jnp.int32),
        (p['lin_pos_W'], p['lin_pos_b'].reshape(1, H),
         p['lin_go_W'], p['lin_go_b'].reshape(1, H),
         p['etv2_W1'], p['etv2_b1'].reshape(1, H),
         p['etv2_W2'], p['etv2_b2'].reshape(1, H),
         p['pf_W1'], p['pf_b1'].reshape(1, H),
         p['pf_W2'], p['pf_b2'].reshape(1, H)))

    outT = _run_big(
        uA, uB, vet,
        p['rw_W1'], p['rw_b1'].reshape(1, 2 * H),
        p['rw_W2'], p['rw_b2'].reshape(1, H),
        p['indv_w1'][:, :, 0],
        p['cgs_W1'], p['cgs_b1'].reshape(1, H),
        p['cgs_W2'], p['cgs_b2'].reshape(1, H),
        p['indv_b1'],
        p['indv_w2'][0, :, 0].reshape(NG, 1),
        p['indv_w2'][0, :, 1:],
        p['indv_b2'][0].reshape(NG, 1),
        x.reshape(B, NG).T,
    )
    return outT.T

# --- scband reference (transcript-rebuilt; emitter-appended) ---
"""Pipeline reference for scband-gearsnetwork-11098195493604 (READ-ONLY COPY).

The authoritative reference and input builder live on the scoring server;
editing this copy changes nothing except your own understanding.
"""

import jax, jax.numpy as jnp
import numpy as np

NG = 5000   # num_genes
NP = 2000   # num_perts
H = 64      # hidden_size
B = 32      # num_graphs
ECO = 100000
EGO = 40000


def setup_inputs(seed: int = 0) -> dict:
    key = jax.random.key(seed)
    ks = jax.random.split(key, 32)
    x = jax.random.normal(ks[0], (B * NG, 1), dtype=jnp.float32)
    pert_idx = jax.random.randint(ks[1], (B, 2), 0, NP)
    batch = (jnp.arange(B * NG) // NG).astype(jnp.int64)
    G_coexpress = jax.random.randint(ks[2], (2, ECO), 0, NG)
    G_coexpress_weight = jax.random.uniform(ks[3], (ECO,), dtype=jnp.float32)
    G_go = jax.random.randint(ks[4], (2, EGO), 0, NP)
    G_go_weight = jax.random.uniform(ks[5], (EGO,), dtype=jnp.float32)

    def lin(k, i, o):
        return (jax.random.normal(k, (i, o), jnp.float32) * 0.02,
                jnp.zeros((o,), jnp.float32))

    p = {}
    p['gene_emb'] = jax.random.normal(ks[6], (NG, H), jnp.float32)
    p['pert_emb'] = jax.random.normal(ks[7], (NP, H), jnp.float32)
    p['emb_pos'] = jax.random.normal(ks[8], (NG, H), jnp.float32)
    p['lin_pos_W'], p['lin_pos_b'] = lin(ks[9], H, H)
    p['lin_go_W'], p['lin_go_b'] = lin(ks[10], H, H)
    p['etv2_W1'], p['etv2_b1'] = lin(ks[11], H, H)
    p['etv2_W2'], p['etv2_b2'] = lin(ks[12], H, H)
    p['pf_W1'], p['pf_b1'] = lin(ks[13], H, H)
    p['pf_W2'], p['pf_b2'] = lin(ks[14], H, H)
    p['rw_W1'], p['rw_b1'] = lin(ks[15], H, 2 * H)
    p['rw_W2'], p['rw_b2'] = lin(ks[16], 2 * H, H)
    p['indv_w1'] = jax.random.normal(ks[17], (NG, H, 1), jnp.float32) * 0.02
    p['indv_b1'] = jax.random.normal(ks[18], (NG, 1), jnp.float32) * 0.02
    p['cgs_W1'], p['cgs_b1'] = lin(ks[19], NG, H)
    p['cgs_W2'], p['cgs_b2'] = lin(ks[20], H, H)
    p['indv_w2'] = jax.random.normal(ks[21], (1, NG, H + 1), jnp.float32) * 0.02
    p['indv_b2'] = jax.random.normal(ks[22], (1, NG), jnp.float32) * 0.02
    return {"x": x, "params": p, "pert_idx": pert_idx, "batch": batch,
            "G_coexpress": G_coexpress, "G_coexpress_weight": G_coexpress_weight,
            "G_go": G_go, "G_go_weight": G_go_weight}


def _bn(h, eps=1e-5):
    # BatchNorm1d in training mode with default affine init (gamma=1, beta=0)
    m = h.mean(axis=0)
    v = h.var(axis=0)
    return (h - m) / jnp.sqrt(v + eps)


def _renorm(t, max_norm=1.0):
    # nn.Embedding(max_norm=True): rows renormed to L2 norm <= 1 on lookup
    n = jnp.linalg.norm(t, axis=1, keepdims=True)
    return t * jnp.where(n > max_norm, max_norm / (n + 1e-7), 1.0)


def _sgconv(xh, ei, ew, W, b):
    # torch_geometric SGConv(K=1) with gcn_norm (add self loops, sym norm)
    N = xh.shape[0]
    row = jnp.concatenate([ei[0], jnp.arange(N)])
    col = jnp.concatenate([ei[1], jnp.arange(N)])
    w = jnp.concatenate([ew, jnp.ones((N,), xh.dtype)])
    deg = jnp.zeros((N,), xh.dtype).at[col].add(w)
    dis = deg ** -0.5
    norm = dis[row] * w * dis[col]
    agg = jnp.zeros_like(xh).at[col].add(norm[:, None] * xh[row])
    return agg @ W + b


def _mlp2(h, W1, b1, W2, b2):
    # MLP([a,b,c]): Linear->BN->ReLU->Linear->BN (trailing ReLU dropped by [:-1])
    h = jax.nn.relu(_bn(h @ W1 + b1))
    return _bn(h @ W2 + b2)


def _forward(x, p, gcw, ggw, pert_idx, G_coexpress, G_go):
    nb = pert_idx.shape[0]
    # gene embeddings tiled per graph (arange(NG).repeat(nb))
    emb = jnp.tile(_renorm(p['gene_emb']), (nb, 1))
    base_emb = jax.nn.relu(_bn(emb))  # bn_emb + emb_trans
    pos_emb = jnp.tile(_renorm(p['emb_pos']), (nb, 1))
    # single gene-gnn SGConv layer (no relu after last layer)
    pos_emb = _sgconv(pos_emb, G_coexpress, gcw, p['lin_pos_W'], p['lin_pos_b'])
    base_emb = base_emb + 0.2 * pos_emb
    base_emb = _mlp2(base_emb, p['etv2_W1'], p['etv2_b1'], p['etv2_W2'], p['etv2_b2'])
    # single go-gnn SGConv layer on pert embeddings
    pert_global = _sgconv(_renorm(p['pert_emb']), G_go, ggw, p['lin_go_W'], p['lin_go_b'])
    base_emb = base_emb.reshape(nb, NG, -1)
    # pert_track: sum pert_global_emb over each graph's perts (no -1 entries)
    summed = pert_global[pert_idx].sum(axis=1)  # [B, H]
    emb_total = _mlp2(summed, p['pf_W1'], p['pf_b1'], p['pf_W2'], p['pf_b2'])
    base_emb = base_emb + emb_total[:, None, :]
    base_emb = base_emb.reshape(nb * NG, -1)
    base_emb = jax.nn.relu(_bn(base_emb))  # bn_pert_base + transform
    out = _mlp2(base_emb, p['rw_W1'], p['rw_b1'], p['rw_W2'], p['rw_b2'])  # recovery_w
    out = out.reshape(nb, NG, -1)
    out = (out[..., None] * p['indv_w1']).sum(axis=2) + p['indv_b1']  # [B, NG, 1]
    cg = _mlp2(out.reshape(nb, NG), p['cgs_W1'], p['cgs_b1'], p['cgs_W2'], p['cgs_b2'])
    cge = jnp.tile(cg, (1, NG)).reshape(nb, NG, -1)
    cgo = jnp.concatenate([out, cge], axis=2) * p['indv_w2']
    o = cgo.sum(axis=2) + p['indv_b2']  # [B, NG]
    o = o.reshape(nb * NG, 1) + x.reshape(-1, 1)
    return o.flatten().reshape(nb, NG)  # torch.split + stack


def reference(x, params, pert_idx, batch, G_coexpress, G_coexpress_weight, G_go, G_go_weight):
    # num_graphs = len(batch.unique()) == pert_idx.shape[0] by construction
    return _forward(x, params, G_coexpress_weight, G_go_weight, pert_idx, G_coexpress, G_go)

if __name__ == "__main__":
    import jax
    _d = setup_inputs()
    print(jax.jit(kernel)(*tuple(_d.values())))

</pallas_src>

<mosaic_0001>
#map = affine_map<(d0, d1) -> (0, 0, 0)>
#map1 = affine_map<(d0, d1) -> (0, 0)>
module attributes {stable_mosaic.version = 14 : i64} {
  func.func @_sc_deg_body(%arg0: i32, %arg1: i32, %arg2: memref<32x35x128xi32, #tpu.memory_space<hbm>>, %arg3: memref<32x35x128xf32, #tpu.memory_space<hbm>>, %arg4: memref<7168x128xf32, #tpu.memory_space<hbm>>, %arg5: memref<2x7168x128xf32, #tpu.memory_space<hbm>>, %arg6: memref<35x128xi32, #tpu.memory_space<vmem>>, %arg7: memref<35x128xf32, #tpu.memory_space<vmem>>, %arg8: memref<128x128xf32, #tpu.memory_space<vmem>>, %arg9: memref<128x128xf32, #tpu.memory_space<vmem>>, %arg10: memref<7168x128xf32, #tpu.memory_space<vmem_shared>>, %arg11: memref<!tpu.dma_semaphore, #tpu.memory_space<semaphore_mem>>) attributes {dimension_semantics = [#tpu.dimension_semantics<core_parallel>, #tpu.dimension_semantics<subcore_parallel>], iteration_bounds = array<i64: 2, 16>, scalar_prefetch = 0 : i64, scratch_operands = 6 : i64, tpu.core_type = #tpu.core_type<sc_vector_subcore>, window_params = [{transform_indices = #map}, {transform_indices = #map}, {transform_indices = #map1}, {transform_indices = #map}]} {
    %mul3A = arith.constant 2 : i32
    %mul3A_0 = arith.muli %arg1, %mul3A : i32
    %add3A = arith.addi %mul3A_0, %arg0 : i32
    %mul3A_1 = arith.constant 448 : i32
    %mul3A_2 = arith.muli %arg1, %mul3A_1 : i32
    %multiple_of3A = tpu.assume_multiple %mul3A_2, 8 : i32
    "tpu.region"() ({
      %run_scoped3A_27 = tpu.sem_alloc : memref<!tpu.dma_semaphore, #tpu.memory_space<semaphore_mem>>
      %dma_start3A = arith.constant 0 : i32
      %dma_start3A_28 = tpu.memref_slice %arg10[%multiple_of3A, %dma_start3A] : memref<7168x128xf32, #tpu.memory_space<vmem_shared>> -> memref<448x128xf32, #tpu.memory_space<vmem_shared>>
      %dma_start3A_29 = arith.constant 0 : i32
      %dma_start3A_30 = tpu.memref_slice %arg4[%multiple_of3A, %dma_start3A_29] : memref<7168x128xf32, #tpu.memory_space<hbm>> -> memref<448x128xf32, #tpu.memory_space<hbm>>
      tpu.enqueue_dma source(%dma_start3A_30 : memref<448x128xf32, #tpu.memory_space<hbm>>) target(%dma_start3A_28 : memref<448x128xf32, #tpu.memory_space<vmem_shared>>) target_semaphore(%run_scoped3A_27 : memref<!tpu.dma_semaphore, #tpu.memory_space<semaphore_mem>>)
      %dma_wait3A = arith.constant 0 : i32
      %dma_wait3A_31 = tpu.memref_slice %arg10[%multiple_of3A, %dma_wait3A] : memref<7168x128xf32, #tpu.memory_space<vmem_shared>> -> memref<448x128xf32, #tpu.memory_space<vmem_shared>>
      %dma_wait3A_32 = arith.constant 0 : i32
      %dma_wait3A_33 = tpu.memref_slice %arg4[%multiple_of3A, %dma_wait3A_32] : memref<7168x128xf32, #tpu.memory_space<hbm>> -> memref<448x128xf32, #tpu.memory_space<hbm>>
      tpu.wait_dma2 semaphore(%run_scoped3A_27 : memref<!tpu.dma_semaphore, #tpu.memory_space<semaphore_mem>>) src(%dma_wait3A_33 : memref<448x128xf32, #tpu.memory_space<hbm>>) dst(%dma_wait3A_31 : memref<448x128xf32, #tpu.memory_space<vmem_shared>>)
      tpu.yield
    }) : () -> ()
    "tpu.region"() ({
      %run_scoped3A_27 = tpu.sem_alloc : memref<!tpu.dma_semaphore, #tpu.memory_space<semaphore_mem>>
      %dma_start3A = arith.constant 0 : i32
      %dma_start3A_28 = arith.constant 0 : i32
      %dma_start3A_29 = tpu.memref_slice %arg2[%add3A, %dma_start3A, %dma_start3A_28] : memref<32x35x128xi32, #tpu.memory_space<hbm>> -> memref<1x35x128xi32, #tpu.memory_space<hbm>>
      %dma_start3A_30 = tpu.memref_squeeze %dma_start3A_29 : memref<1x35x128xi32, #tpu.memory_space<hbm>> -> memref<35x128xi32, #tpu.memory_space<hbm>>
      %dma_start3A_31 = arith.constant 0 : i32
      %dma_start3A_32 = arith.constant 0 : i32
      %dma_start3A_33 = tpu.memref_slice %arg2[%add3A, %dma_start3A_31, %dma_start3A_32] : memref<32x35x128xi32, #tpu.memory_space<hbm>> -> memref<1x35x128xi32, #tpu.memory_space<hbm>>
      %dma_start3A_34 = tpu.memref_squeeze %dma_start3A_33 : memref<1x35x128xi32, #tpu.memory_space<hbm>> -> memref<35x128xi32, #tpu.memory_space<hbm>>
      tpu.enqueue_dma source(%dma_start3A_34 : memref<35x128xi32, #tpu.memory_space<hbm>>) target(%arg6 : memref<35x128xi32, #tpu.memory_space<vmem>>) target_semaphore(%run_scoped3A_27 : memref<!tpu.dma_semaphore, #tpu.memory_space<semaphore_mem>>)
      %dma_wait3A = arith.constant 0 : i32
      %dma_wait3A_35 = arith.constant 0 : i32
      %dma_wait3A_36 = tpu.memref_slice %arg2[%add3A, %dma_wait3A, %dma_wait3A_35] : memref<32x35x128xi32, #tpu.memory_space<hbm>> -> memref<1x35x128xi32, #tpu.memory_space<hbm>>
      %dma_wait3A_37 = tpu.memref_squeeze %dma_wait3A_36 : memref<1x35x128xi32, #tpu.memory_space<hbm>> -> memref<35x128xi32, #tpu.memory_space<hbm>>
      %dma_wait3A_38 = arith.constant 0 : i32
      %dma_wait3A_39 = arith.constant 0 : i32
      %dma_wait3A_40 = tpu.memref_slice %arg2[%add3A, %dma_wait3A_38, %dma_wait3A_39] : memref<32x35x128xi32, #tpu.memory_space<hbm>> -> memref<1x35x128xi32, #tpu.memory_space<hbm>>
      %dma_wait3A_41 = tpu.memref_squeeze %dma_wait3A_40 : memref<1x35x128xi32, #tpu.memory_space<hbm>> -> memref<35x128xi32, #tpu.memory_space<hbm>>
      tpu.wait_dma2 semaphore(%run_scoped3A_27 : memref<!tpu.dma_semaphore, #tpu.memory_space<semaphore_mem>>) src(%dma_wait3A_41 : memref<35x128xi32, #tpu.memory_space<hbm>>) dst(%arg6 : memref<35x128xi32, #tpu.memory_space<vmem>>)
      tpu.yield
    }) : () -> ()
    "tpu.region"() ({
      %run_scoped3A_27 = tpu.sem_alloc : memref<!tpu.dma_semaphore, #tpu.memory_space<semaphore_mem>>
      %dma_start3A = arith.constant 0 : i32
      %dma_start3A_28 = arith.constant 0 : i32
      %dma_start3A_29 = tpu.memref_slice %arg3[%add3A, %dma_start3A, %dma_start3A_28] : memref<32x35x128xf32, #tpu.memory_space<hbm>> -> memref<1x35x128xf32, #tpu.memory_space<hbm>>
      %dma_start3A_30 = tpu.memref_squeeze %dma_start3A_29 : memref<1x35x128xf32, #tpu.memory_space<hbm>> -> memref<35x128xf32, #tpu.memory_space<hbm>>
      %dma_start3A_31 = arith.constant 0 : i32
      %dma_start3A_32 = arith.constant 0 : i32
      %dma_start3A_33 = tpu.memref_slice %arg3[%add3A, %dma_start3A_31, %dma_start3A_32] : memref<32x35x128xf32, #tpu.memory_space<hbm>> -> memref<1x35x128xf32, #tpu.memory_space<hbm>>
      %dma_start3A_34 = tpu.memref_squeeze %dma_start3A_33 : memref<1x35x128xf32, #tpu.memory_space<hbm>> -> memref<35x128xf32, #tpu.memory_space<hbm>>
      tpu.enqueue_dma source(%dma_start3A_34 : memref<35x128xf32, #tpu.memory_space<hbm>>) target(%arg7 : memref<35x128xf32, #tpu.memory_space<vmem>>) target_semaphore(%run_scoped3A_27 : memref<!tpu.dma_semaphore, #tpu.memory_space<semaphore_mem>>)
      %dma_wait3A = arith.constant 0 : i32
      %dma_wait3A_35 = arith.constant 0 : i32
      %dma_wait3A_36 = tpu.memref_slice %arg3[%add3A, %dma_wait3A, %dma_wait3A_35] : memref<32x35x128xf32, #tpu.memory_space<hbm>> -> memref<1x35x128xf32, #tpu.memory_space<hbm>>
      %dma_wait3A_37 = tpu.memref_squeeze %dma_wait3A_36 : memref<1x35x128xf32, #tpu.memory_space<hbm>> -> memref<35x128xf32, #tpu.memory_space<hbm>>
      %dma_wait3A_38 = arith.constant 0 : i32
      %dma_wait3A_39 = arith.constant 0 : i32
      %dma_wait3A_40 = tpu.memref_slice %arg3[%add3A, %dma_wait3A_38, %dma_wait3A_39] : memref<32x35x128xf32, #tpu.memory_space<hbm>> -> memref<1x35x128xf32, #tpu.memory_space<hbm>>
      %dma_wait3A_41 = tpu.memref_squeeze %dma_wait3A_40 : memref<1x35x128xf32, #tpu.memory_space<hbm>> -> memref<35x128xf32, #tpu.memory_space<hbm>>
      tpu.wait_dma2 semaphore(%run_scoped3A_27 : memref<!tpu.dma_semaphore, #tpu.memory_space<semaphore_mem>>) src(%dma_wait3A_41 : memref<35x128xf32, #tpu.memory_space<hbm>>) dst(%arg7 : memref<35x128xf32, #tpu.memory_space<vmem>>)
      tpu.yield
    }) : () -> ()
    %scan3A = arith.constant 0 : i32
    %scan3A_3 = arith.constant 0 : i32
    %scan3A_4 = arith.constant 128 : i32
    %scan3A_5 = arith.addi %scan3A_3, %scan3A_4 : i32
    %scan3A_6 = arith.constant 1 : i32
    scf.for %scan3A_27 = %scan3A_3 to %scan3A_5 step %scan3A_6  : i32 {
      %broadcast_in_dim3A = arith.constant 0.000000e+00 : f32
      %broadcast_in_dim3A_28 = vector.broadcast %broadcast_in_dim3A : f32 to vector<16xf32>
      %swap3A = arith.index_cast %scan3A_27 : i32 to index
      %swap3A_29 = arith.constant 16 : index
      %swap3A_30 = tpu.vector_load %arg8[%swap3A, %swap3A_29] {strides = array<i32>} : memref<128x128xf32, #tpu.memory_space<vmem>>, vector<1x16xf32>,
      %swap3A_31 = vector.shape_cast %swap3A_30 : vector<1x16xf32> to vector<16xf32>
      %swap3A_32 = vector.shape_cast %broadcast_in_dim3A_28 : vector<16xf32> to vector<1x16xf32>
      tpu.vector_store %arg8[%swap3A, %swap3A_29], %swap3A_32 {strides = array<i32>} : memref<128x128xf32, #tpu.memory_space<vmem>>, vector<1x16xf32>,
      %broadcast_in_dim3A_33 = arith.constant 0.000000e+00 : f32
      %broadcast_in_dim3A_34 = vector.broadcast %broadcast_in_dim3A_33 : f32 to vector<16xf32>
      %swap3A_35 = arith.index_cast %scan3A_27 : i32 to index
      %swap3A_36 = arith.constant 16 : index
      %swap3A_37 = tpu.vector_load %arg9[%swap3A_35, %swap3A_36] {strides = array<i32>} : memref<128x128xf32, #tpu.memory_space<vmem>>, vector<1x16xf32>,
      %swap3A_38 = vector.shape_cast %swap3A_37 : vector<1x16xf32> to vector<16xf32>
      %swap3A_39 = vector.shape_cast %broadcast_in_dim3A_34 : vector<16xf32> to vector<1x16xf32>
      tpu.vector_store %arg9[%swap3A_35, %swap3A_36], %swap3A_39 {strides = array<i32>} : memref<128x128xf32, #tpu.memory_space<vmem>>, vector<1x16xf32>,
      %broadcast_in_dim3A_40 = arith.constant 0.000000e+00 : f32
      %broadcast_in_dim3A_41 = vector.broadcast %broadcast_in_dim3A_40 : f32 to vector<16xf32>
      %swap3A_42 = arith.index_cast %scan3A_27 : i32 to index
      %swap3A_43 = arith.constant 32 : index
      %swap3A_44 = tpu.vector_load %arg8[%swap3A_42, %swap3A_43] {strides = array<i32>} : memref<128x128xf32, #tpu.memory_space<vmem>>, vector<1x16xf32>,
      %swap3A_45 = vector.shape_cast %swap3A_44 : vector<1x16xf32> to vector<16xf32>
      %swap3A_46 = vector.shape_cast %broadcast_in_dim3A_41 : vector<16xf32> to vector<1x16xf32>
      tpu.vector_store %arg8[%swap3A_42, %swap3A_43], %swap3A_46 {strides = array<i32>} : memref<128x128xf32, #tpu.memory_space<vmem>>, vector<1x16xf32>,
      %broadcast_in_dim3A_47 = arith.constant 0.000000e+00 : f32
      %broadcast_in_dim3A_48 = vector.broadcast %broadcast_in_dim3A_47 : f32 to vector<16xf32>
      %swap3A_49 = arith.index_cast %scan3A_27 : i32 to index
      %swap3A_50 = arith.constant 32 : index
      %swap3A_51 = tpu.vector_load %arg9[%swap3A_49, %swap3A_50] {strides = array<i32>} : memref<128x128xf32, #tpu.memory_space<vmem>>, vector<1x16xf32>,
      %swap3A_52 = vector.shape_cast %swap3A_51 : vector<1x16xf32> to vector<16xf32>
      %swap3A_53 = vector.shape_cast %broadcast_in_dim3A_48 : vector<16xf32> to vector<1x16xf32>
      tpu.vector_store %arg9[%swap3A_49, %swap3A_50], %swap3A_53 {strides = array<i32>} : memref<128x128xf32, #tpu.memory_space<vmem>>, vector<1x16xf32>,
      %broadcast_in_dim3A_54 = arith.constant 0.000000e+00 : f32
      %broadcast_in_dim3A_55 = vector.broadcast %broadcast_in_dim3A_54 : f32 to vector<16xf32>
      %swap3A_56 = arith.index_cast %scan3A_27 : i32 to index
      %swap3A_57 = arith.constant 48 : index
      %swap3A_58 = tpu.vector_load %arg8[%swap3A_56, %swap3A_57] {strides = array<i32>} : memref<128x128xf32, #tpu.memory_space<vmem>>, vector<1x16xf32>,
      %swap3A_59 = vector.shape_cast %swap3A_58 : vector<1x16xf32> to vector<16xf32>
      %swap3A_60 = vector.shape_cast %broadcast_in_dim3A_55 : vector<16xf32> to vector<1x16xf32>
      tpu.vector_store %arg8[%swap3A_56, %swap3A_57], %swap3A_60 {strides = array<i32>} : memref<128x128xf32, #tpu.memory_space<vmem>>, vector<1x16xf32>,
      %broadcast_in_dim3A_61 = arith.constant 0.000000e+00 : f32
      %broadcast_in_dim3A_62 = vector.broadcast %broadcast_in_dim3A_61 : f32 to vector<16xf32>
      %swap3A_63 = arith.index_cast %scan3A_27 : i32 to index
      %swap3A_64 = arith.constant 48 : index
      %swap3A_65 = tpu.vector_load %arg9[%swap3A_63, %swap3A_64] {strides = array<i32>} : memref<128x128xf32, #tpu.memory_space<vmem>>, vector<1x16xf32>,
      %swap3A_66 = vector.shape_cast %swap3A_65 : vector<1x16xf32> to vector<16xf32>
      %swap3A_67 = vector.shape_cast %broadcast_in_dim3A_62 : vector<16xf32> to vector<1x16xf32>
      tpu.vector_store %arg9[%swap3A_63, %swap3A_64], %swap3A_67 {strides = array<i32>} : memref<128x128xf32, #tpu.memory_space<vmem>>, vector<1x16xf32>,
      %broadcast_in_dim3A_68 = arith.constant 0.000000e+00 : f32
      %broadcast_in_dim3A_69 = vector.broadcast %broadcast_in_dim3A_68 : f32 to vector<16xf32>
      %swap3A_70 = arith.index_cast %scan3A_27 : i32 to index
      %swap3A_71 = arith.constant 64 : index
      %swap3A_72 = tpu.vector_load %arg8[%swap3A_70, %swap3A_71] {strides = array<i32>} : memref<128x128xf32, #tpu.memory_space<vmem>>, vector<1x16xf32>,
      %swap3A_73 = vector.shape_cast %swap3A_72 : vector<1x16xf32> to vector<16xf32>
      %swap3A_74 = vector.shape_cast %broadcast_in_dim3A_69 : vector<16xf32> to vector<1x16xf32>
      tpu.vector_store %arg8[%swap3A_70, %swap3A_71], %swap3A_74 {strides = array<i32>} : memref<128x128xf32, #tpu.memory_space<vmem>>, vector<1x16xf32>,
      %broadcast_in_dim3A_75 = arith.constant 0.000000e+00 : f32
      %broadcast_in_dim3A_76 = vector.broadcast %broadcast_in_dim3A_75 : f32 to vector<16xf32>
      %swap3A_77 = arith.index_cast %scan3A_27 : i32 to index
      %swap3A_78 = arith.constant 64 : index
      %swap3A_79 = tpu.vector_load %arg9[%swap3A_77, %swap3A_78] {strides = array<i32>} : memref<128x128xf32, #tpu.memory_space<vmem>>, vector<1x16xf32>,
      %swap3A_80 = vector.shape_cast %swap3A_79 : vector<1x16xf32> to vector<16xf32>
      %swap3A_81 = vector.shape_cast %broadcast_in_dim3A_76 : vector<16xf32> to vector<1x16xf32>
      tpu.vector_store %arg9[%swap3A_77, %swap3A_78], %swap3A_81 {strides = array<i32>} : memref<128x128xf32, #tpu.memory_space<vmem>>, vector<1x16xf32>,
      %broadcast_in_dim3A_82 = arith.constant 0.000000e+00 : f32
      %broadcast_in_dim3A_83 = vector.broadcast %broadcast_in_dim3A_82 : f32 to vector<16xf32>
      %swap3A_84 = arith.index_cast %scan3A_27 : i32 to index
      %swap3A_85 = arith.constant 80 : index
      %swap3A_86 = tpu.vector_load %arg8[%swap3A_84, %swap3A_85] {strides = array<i32>} : memref<128x128xf32, #tpu.memory_space<vmem>>, vector<1x16xf32>,
      %swap3A_87 = vector.shape_cast %swap3A_86 : vector<1x16xf32> to vector<16xf32>
      %swap3A_88 = vector.shape_cast %broadcast_in_dim3A_83 : vector<16xf32> to vector<1x16xf32>
      tpu.vector_store %arg8[%swap3A_84, %swap3A_85], %swap3A_88 {strides = array<i32>} : memref<128x128xf32, #tpu.memory_space<vmem>>, vector<1x16xf32>,
      %broadcast_in_dim3A_89 = arith.constant 0.000000e+00 : f32
      %broadcast_in_dim3A_90 = vector.broadcast %broadcast_in_dim3A_89 : f32 to vector<16xf32>
      %swap3A_91 = arith.index_cast %scan3A_27 : i32 to index
      %swap3A_92 = arith.constant 80 : index
      %swap3A_93 = tpu.vector_load %arg9[%swap3A_91, %swap3A_92] {strides = array<i32>} : memref<128x128xf32, #tpu.memory_space<vmem>>, vector<1x16xf32>,
      %swap3A_94 = vector.shape_cast %swap3A_93 : vector<1x16xf32> to vector<16xf32>
      %swap3A_95 = vector.shape_cast %broadcast_in_dim3A_90 : vector<16xf32> to vector<1x16xf32>
      tpu.vector_store %arg9[%swap3A_91, %swap3A_92], %swap3A_95 {strides = array<i32>} : memref<128x128xf32, #tpu.memory_space<vmem>>, vector<1x16xf32>,
      %broadcast_in_dim3A_96 = arith.constant 0.000000e+00 : f32
      %broadcast_in_dim3A_97 = vector.broadcast %broadcast_in_dim3A_96 : f32 to vector<16xf32>
      %swap3A_98 = arith.index_cast %scan3A_27 : i32 to index
      %swap3A_99 = arith.constant 96 : index
      %swap3A_100 = tpu.vector_load %arg8[%swap3A_98, %swap3A_99] {strides = array<i32>} : memref<128x128xf32, #tpu.memory_space<vmem>>, vector<1x16xf32>,
      %swap3A_101 = vector.shape_cast %swap3A_100 : vector<1x16xf32> to vector<16xf32>
      %swap3A_102 = vector.shape_cast %broadcast_in_dim3A_97 : vector<16xf32> to vector<1x16xf32>
      tpu.vector_store %arg8[%swap3A_98, %swap3A_99], %swap3A_102 {strides = array<i32>} : memref<128x128xf32, #tpu.memory_space<vmem>>, vector<1x16xf32>,
      %broadcast_in_dim3A_103 = arith.constant 0.000000e+00 : f32
      %broadcast_in_dim3A_104 = vector.broadcast %broadcast_in_dim3A_103 : f32 to vector<16xf32>
      %swap3A_105 = arith.index_cast %scan3A_27 : i32 to index
      %swap3A_106 = arith.constant 96 : index
      %swap3A_107 = tpu.vector_load %arg9[%swap3A_105, %swap3A_106] {strides = array<i32>} : memref<128x128xf32, #tpu.memory_space<vmem>>, vector<1x16xf32>,
      %swap3A_108 = vector.shape_cast %swap3A_107 : vector<1x16xf32> to vector<16xf32>
      %swap3A_109 = vector.shape_cast %broadcast_in_dim3A_104 : vector<16xf32> to vector<1x16xf32>
      tpu.vector_store %arg9[%swap3A_105, %swap3A_106], %swap3A_109 {strides = array<i32>} : memref<128x128xf32, #tpu.memory_space<vmem>>, vector<1x16xf32>,
      %broadcast_in_dim3A_110 = arith.constant 0.000000e+00 : f32
      %broadcast_in_dim3A_111 = vector.broadcast %broadcast_in_dim3A_110 : f32 to vector<16xf32>
      %swap3A_112 = arith.index_cast %scan3A_27 : i32 to index
      %swap3A_113 = arith.constant 112 : index
      %swap3A_114 = tpu.vector_load %arg8[%swap3A_112, %swap3A_113] {strides = array<i32>} : memref<128x128xf32, #tpu.memory_space<vmem>>, vector<1x16xf32>,
      %swap3A_115 = vector.shape_cast %swap3A_114 : vector<1x16xf32> to vector<16xf32>
      %swap3A_116 = vector.shape_cast %broadcast_in_dim3A_111 : vector<16xf32> to vector<1x16xf32>
      tpu.vector_store %arg8[%swap3A_112, %swap3A_113], %swap3A_116 {strides = array<i32>} : memref<128x128xf32, #tpu.memory_space<vmem>>, vector<1x16xf32>,
      %broadcast_in_dim3A_117 = arith.constant 0.000000e+00 : f32
      %broadcast_in_dim3A_118 = vector.broadcast %broadcast_in_dim3A_117 : f32 to vector<16xf32>
      %swap3A_119 = arith.index_cast %scan3A_27 : i32 to index
      %swap3A_120 = arith.constant 112 : index
      %swap3A_121 = tpu.vector_load %arg9[%swap3A_119, %swap3A_120] {strides = array<i32>} : memref<128x128xf32, #tpu.memory_space<vmem>>, vector<1x16xf32>,
      %swap3A_122 = vector.shape_cast %swap3A_121 : vector<1x16xf32> to vector<16xf32>
      %swap3A_123 = vector.shape_cast %broadcast_in_dim3A_118 : vector<16xf32> to vector<1x16xf32>
      tpu.vector_store %arg9[%swap3A_119, %swap3A_120], %swap3A_123 {strides = array<i32>} : memref<128x128xf32, #tpu.memory_space<vmem>>, vector<1x16xf32>,
    }
    %scan3A_7 = arith.constant 128 : i32
    %barrier3A = arith.constant 0 : index
    tpu.barrier barrier_id(%barrier3A)
    %scan3A_8 = arith.constant 0 : i32
    %scan3A_9 = arith.constant 0 : i32
    %scan3A_10 = arith.constant 8 : i32
    %scan3A_11 = arith.addi %scan3A_9, %scan3A_10 : i32
    %scan3A_12 = arith.constant 1 : i32
    scf.for %scan3A_27 = %scan3A_9 to %scan3A_11 step %scan3A_12  : i32 {
      %mul3A_28 = arith.constant 16 : i32
      %mul3A_29 = arith.muli %scan3A_27, %mul3A_28 : i32
      %get3A = arith.constant 0 : i32
      %get3A_30 = arith.index_cast %get3A : i32 to index
      %get3A_31 = arith.index_cast %mul3A_29 : i32 to index
      %get3A_32 = tpu.vector_load %arg7[%get3A_30, %get3A_31] {strides = array<i32>} : memref<35x128xf32, #tpu.memory_space<vmem>>, vector<1x16xf32>,
      %get3A_33 = vector.shape_cast %get3A_32 : vector<1x16xf32> to vector<16xf32>
      %slice3A = vector.extract_strided_slice %get3A_33 {offsets = [0], sizes = [1], strides = [1]} : vector<16xf32> to vector<1xf32>
      %squeeze3A = vector.extract %slice3A[0] : f32 from vector<1xf32>
      %broadcast_in_dim3A = vector.broadcast %squeeze3A : f32 to vector<16xf32>
      %mul3A_34 = arith.constant 16 : i32
      %mul3A_35 = arith.muli %scan3A_27, %mul3A_34 : i32
      %add3A_36 = arith.constant 0 : i32
      %add3A_37 = arith.addi %mul3A_35, %add3A_36 : i32
      %swap3A = arith.index_cast %add3A_37 : i32 to index
      %swap3A_38 = arith.constant 0 : index
      %swap3A_39 = tpu.vector_load %arg8[%swap3A, %swap3A_38] {strides = array<i32>} : memref<128x128xf32, #tpu.memory_space<vmem>>, vector<1x16xf32>,
      %swap3A_40 = vector.shape_cast %swap3A_39 : vector<1x16xf32> to vector<16xf32>
      %swap3A_41 = vector.shape_cast %broadcast_in_dim3A : vector<16xf32> to vector<1x16xf32>
      tpu.vector_store %arg8[%swap3A, %swap3A_38], %swap3A_41 {strides = array<i32>} : memref<128x128xf32, #tpu.memory_space<vmem>>, vector<1x16xf32>,
      %slice3A_42 = vector.extract_strided_slice %get3A_33 {offsets = [1], sizes = [1], strides = [1]} : vector<16xf32> to vector<1xf32>
      %squeeze3A_43 = vector.extract %slice3A_42[0] : f32 from vector<1xf32>
      %broadcast_in_dim3A_44 = vector.broadcast %squeeze3A_43 : f32 to vector<16xf32>
      %mul3A_45 = arith.constant 16 : i32
      %mul3A_46 = arith.muli %scan3A_27, %mul3A_45 : i32
      %add3A_47 = arith.constant 1 : i32
      %add3A_48 = arith.addi %mul3A_46, %add3A_47 : i32
      %swap3A_49 = arith.index_cast %add3A_48 : i32 to index
      %swap3A_50 = arith.constant 0 : index
      %swap3A_51 = tpu.vector_load %arg8[%swap3A_49, %swap3A_50] {strides = array<i32>} : memref<128x128xf32, #tpu.memory_space<vmem>>, vector<1x16xf32>,
      %swap3A_52 = vector.shape_cast %swap3A_51 : vector<1x16xf32> to vector<16xf32>
      %swap3A_53 = vector.shape_cast %broadcast_in_dim3A_44 : vector<16xf32> to vector<1x16xf32>
      tpu.vector_store %arg8[%swap3A_49, %swap3A_50], %swap3A_53 {strides = array<i32>} : memref<128x128xf32, #tpu.memory_space<vmem>>, vector<1x16xf32>,
      %slice3A_54 = vector.extract_strided_slice %get3A_33 {offsets = [2], sizes = [1], strides = [1]} : vector<16xf32> to vector<1xf32>
      %squeeze3A_55 = vector.extract %slice3A_54[0] : f32 from vector<1xf32>
      %broadcast_in_dim3A_56 = vector.broadcast %squeeze3A_55 : f32 to vector<16xf32>
      %mul3A_57 = arith.constant 16 : i32
      %mul3A_58 = arith.muli %scan3A_27, %mul3A_57 : i32
      %add3A_59 = arith.constant 2 : i32
      %add3A_60 = arith.addi %mul3A_58, %add3A_59 : i32
      %swap3A_61 = arith.index_cast %add3A_60 : i32 to index
      %swap3A_62 = arith.constant 0 : index
      %swap3A_63 = tpu.vector_load %arg8[%swap3A_61, %swap3A_62] {strides = array<i32>} : memref<128x128xf32, #tpu.memory_space<vmem>>, vector<1x16xf32>,
      %swap3A_64 = vector.shape_cast %swap3A_63 : vector<1x16xf32> to vector<16xf32>
      %swap3A_65 = vector.shape_cast %broadcast_in_dim3A_56 : vector<16xf32> to vector<1x16xf32>
      tpu.vector_store %arg8[%swap3A_61, %swap3A_62], %swap3A_65 {strides = array<i32>} : memref<128x128xf32, #tpu.memory_space<vmem>>, vector<1x16xf32>,
      %slice3A_66 = vector.extract_strided_slice %get3A_33 {offsets = [3], sizes = [1], strides = [1]} : vector<16xf32> to vector<1xf32>
      %squeeze3A_67 = vector.extract %slice3A_66[0] : f32 from vector<1xf32>
      %broadcast_in_dim3A_68 = vector.broadcast %squeeze3A_67 : f32 to vector<16xf32>
      %mul3A_69 = arith.constant 16 : i32
      %mul3A_70 = arith.muli %scan3A_27, %mul3A_69 : i32
      %add3A_71 = arith.constant 3 : i32
      %add3A_72 = arith.addi %mul3A_70, %add3A_71 : i32
      %swap3A_73 = arith.index_cast %add3A_72 : i32 to index
      %swap3A_74 = arith.constant 0 : index
      %swap3A_75 = tpu.vector_load %arg8[%swap3A_73, %swap3A_74] {strides = array<i32>} : memref<128x128xf32, #tpu.memory_space<vmem>>, vector<1x16xf32>,
      %swap3A_76 = vector.shape_cast %swap3A_75 : vector<1x16xf32> to vector<16xf32>
      %swap3A_77 = vector.shape_cast %broadcast_in_dim3A_68 : vector<16xf32> to vector<1x16xf32>
      tpu.vector_store %arg8[%swap3A_73, %swap3A_74], %swap3A_77 {strides = array<i32>} : memref<128x128xf32, #tpu.memory_space<vmem>>, vector<1x16xf32>,
      %slice3A_78 = vector.extract_strided_slice %get3A_33 {offsets = [4], sizes = [1], strides = [1]} : vector<16xf32> to vector<1xf32>
      %squeeze3A_79 = vector.extract %slice3A_78[0] : f32 from vector<1xf32>
      %broadcast_in_dim3A_80 = vector.broadcast %squeeze3A_79 : f32 to vector<16xf32>
      %mul3A_81 = arith.constant 16 : i32
      %mul3A_82 = arith.muli %scan3A_27, %mul3A_81 : i32
      %add3A_83 = arith.constant 4 : i32
      %add3A_84 = arith.addi %mul3A_82, %add3A_83 : i32
      %swap3A_85 = arith.index_cast %add3A_84 : i32 to index
      %swap3A_86 = arith.constant 0 : index
      %swap3A_87 = tpu.vector_load %arg8[%swap3A_85, %swap3A_86] {strides = array<i32>} : memref<128x128xf32, #tpu.memory_space<vmem>>, vector<1x16xf32>,
      %swap3A_88 = vector.shape_cast %swap3A_87 : vector<1x16xf32> to vector<16xf32>
      %swap3A_89 = vector.shape_cast %broadcast_in_dim3A_80 : vector<16xf32> to vector<1x16xf32>
      tpu.vector_store %arg8[%swap3A_85, %swap3A_86], %swap3A_89 {strides = array<i32>} : memref<128x128xf32, #tpu.memory_space<vmem>>, vector<1x16xf32>,
      %slice3A_90 = vector.extract_strided_slice %get3A_33 {offsets = [5], sizes = [1], strides = [1]} : vector<16xf32> to vector<1xf32>
      %squeeze3A_91 = vector.extract %slice3A_90[0] : f32 from vector<1xf32>
      %broadcast_in_dim3A_92 = vector.broadcast %squeeze3A_91 : f32 to vector<16xf32>
      %mul3A_93 = arith.constant 16 : i32
      %mul3A_94 = arith.muli %scan3A_27, %mul3A_93 : i32
      %add3A_95 = arith.constant 5 : i32
      %add3A_96 = arith.addi %mul3A_94, %add3A_95 : i32
      %swap3A_97 = arith.index_cast %add3A_96 : i32 to index
      %swap3A_98 = arith.constant 0 : index
      %swap3A_99 = tpu.vector_load %arg8[%swap3A_97, %swap3A_98] {strides = array<i32>} : memref<128x128xf32, #tpu.memory_space<vmem>>, vector<1x16xf32>,
      %swap3A_100 = vector.shape_cast %swap3A_99 : vector<1x16xf32> to vector<16xf32>
      %swap3A_101 = vector.shape_cast %broadcast_in_dim3A_92 : vector<16xf32> to vector<1x16xf32>
      tpu.vector_store %arg8[%swap3A_97, %swap3A_98], %swap3A_101 {strides = array<i32>} : memref<128x128xf32, #tpu.memory_space<vmem>>, vector<1x16xf32>,
      %slice3A_102 = vector.extract_strided_slice %get3A_33 {offsets = [6], sizes = [1], strides = [1]} : vector<16xf32> to vector<1xf32>
      %squeeze3A_103 = vector.extract %slice3A_102[0] : f32 from vector<1xf32>
      %broadcast_in_dim3A_104 = vector.broadcast %squeeze3A_103 : f32 to vector<16xf32>
      %mul3A_105 = arith.constant 16 : i32
      %mul3A_106 = arith.muli %scan3A_27, %mul3A_105 : i32
      %add3A_107 = arith.constant 6 : i32
      %add3A_108 = arith.addi %mul3A_106, %add3A_107 : i32
      %swap3A_109 = arith.index_cast %add3A_108 : i32 to index
      %swap3A_110 = arith.constant 0 : index
      %swap3A_111 = tpu.vector_load %arg8[%swap3A_109, %swap3A_110] {strides = array<i32>} : memref<128x128xf32, #tpu.memory_space<vmem>>, vector<1x16xf32>,
      %swap3A_112 = vector.shape_cast %swap3A_111 : vector<1x16xf32> to vector<16xf32>
      %swap3A_113 = vector.shape_cast %broadcast_in_dim3A_104 : vector<16xf32> to vector<1x16xf32>
      tpu.vector_store %arg8[%swap3A_109, %swap3A_110], %swap3A_113 {strides = array<i32>} : memref<128x128xf32, #tpu.memory_space<vmem>>, vector<1x16xf32>,
      %slice3A_114 = vector.extract_strided_slice %get3A_33 {offsets = [7], sizes = [1], strides = [1]} : vector<16xf32> to vector<1xf32>
      %squeeze3A_115 = vector.extract %slice3A_114[0] : f32 from vector<1xf32>
      %broadcast_in_dim3A_116 = vector.broadcast %squeeze3A_115 : f32 to vector<16xf32>
      %mul3A_117 = arith.constant 16 : i32
      %mul3A_118 = arith.muli %scan3A_27, %mul3A_117 : i32
      %add3A_119 = arith.constant 7 : i32
      %add3A_120 = arith.addi %mul3A_118, %add3A_119 : i32
      %swap3A_121 = arith.index_cast %add3A_120 : i32 to index
      %swap3A_122 = arith.constant 0 : index
      %swap3A_123 = tpu.vector_load %arg8[%swap3A_121, %swap3A_122] {strides = array<i32>} : memref<128x128xf32, #tpu.memory_space<vmem>>, vector<1x16xf32>,
      %swap3A_124 = vector.shape_cast %swap3A_123 : vector<1x16xf32> to vector<16xf32>
      %swap3A_125 = vector.shape_cast %broadcast_in_dim3A_116 : vector<16xf32> to vector<1x16xf32>
      tpu.vector_store %arg8[%swap3A_121, %swap3A_122], %swap3A_125 {strides = array<i32>} : memref<128x128xf32, #tpu.memory_space<vmem>>, vector<1x16xf32>,
      %slice3A_126 = vector.extract_strided_slice %get3A_33 {offsets = [8], sizes = [1], strides = [1]} : vector<16xf32> to vector<1xf32>
      %squeeze3A_127 = vector.extract %slice3A_126[0] : f32 from vector<1xf32>
      %broadcast_in_dim3A_128 = vector.broadcast %squeeze3A_127 : f32 to vector<16xf32>
      %mul3A_129 = arith.constant 16 : i32
      %mul3A_130 = arith.muli %scan3A_27, %mul3A_129 : i32
      %add3A_131 = arith.constant 8 : i32
      %add3A_132 = arith.addi %mul3A_130, %add3A_131 : i32
      %swap3A_133 = arith.index_cast %add3A_132 : i32 to index
      %swap3A_134 = arith.constant 0 : index
      %swap3A_135 = tpu.vector_load %arg8[%swap3A_133, %swap3A_134] {strides = array<i32>} : memref<128x128xf32, #tpu.memory_space<vmem>>, vector<1x16xf32>,
      %swap3A_136 = vector.shape_cast %swap3A_135 : vector<1x16xf32> to vector<16xf32>
      %swap3A_137 = vector.shape_cast %broadcast_in_dim3A_128 : vector<16xf32> to vector<1x16xf32>
      tpu.vector_store %arg8[%swap3A_133, %swap3A_134], %swap3A_137 {strides = array<i32>} : memref<128x128xf32, #tpu.memory_space<vmem>>, vector<1x16xf32>,
      %slice3A_138 = vector.extract_strided_slice %get3A_33 {offsets = [9], sizes = [1], strides = [1]} : vector<16xf32> to vector<1xf32>
      %squeeze3A_139 = vector.extract %slice3A_138[0] : f32 from vector<1xf32>
      %broadcast_in_dim3A_140 = vector.broadcast %squeeze3A_139 : f32 to vector<16xf32>
      %mul3A_141 = arith.constant 16 : i32
      %mul3A_142 = arith.muli %scan3A_27, %mul3A_141 : i32
      %add3A_143 = arith.constant 9 : i32
      %add3A_144 = arith.addi %mul3A_142, %add3A_143 : i32
      %swap3A_145 = arith.index_cast %add3A_144 : i32 to index
      %swap3A_146 = arith.constant 0 : index
      %swap3A_147 = tpu.vector_load %arg8[%swap3A_145, %swap3A_146] {strides = array<i32>} : memref<128x128xf32, #tpu.memory_space<vmem>>, vector<1x16xf32>,
      %swap3A_148 = vector.shape_cast %swap3A_147 : vector<1x16xf32> to vector<16xf32>
      %swap3A_149 = vector.shape_cast %broadcast_in_dim3A_140 : vector<16xf32> to vector<1x16xf32>
      tpu.vector_store %arg8[%swap3A_145, %swap3A_146], %swap3A_149 {strides = array<i32>} : memref<128x128xf32, #tpu.memory_space<vmem>>, vector<1x16xf32>,
      %slice3A_150 = vector.extract_strided_slice %get3A_33 {offsets = [10], sizes = [1], strides = [1]} : vector<16xf32> to vector<1xf32>
      %squeeze3A_151 = vector.extract %slice3A_150[0] : f32 from vector<1xf32>
      %broadcast_in_dim3A_152 = vector.broadcast %squeeze3A_151 : f32 to vector<16xf32>
      %mul3A_153 = arith.constant 16 : i32
      %mul3A_154 = arith.muli %scan3A_27, %mul3A_153 : i32
      %add3A_155 = arith.constant 10 : i32
      %add3A_156 = arith.addi %mul3A_154, %add3A_155 : i32
      %swap3A_157 = arith.index_cast %add3A_156 : i32 to index
      %swap3A_158 = arith.constant 0 : index
      %swap3A_159 = tpu.vector_load %arg8[%swap3A_157, %swap3A_158] {strides = array<i32>} : memref<128x128xf32, #tpu.memory_space<vmem>>, vector<1x16xf32>,
      %swap3A_160 = vector.shape_cast %swap3A_159 : vector<1x16xf32> to vector<16xf32>
      %swap3A_161 = vector.shape_cast %broadcast_in_dim3A_152 : vector<16xf32> to vector<1x16xf32>
      tpu.vector_store %arg8[%swap3A_157, %swap3A_158], %swap3A_161 {strides = array<i32>} : memref<128x128xf32, #tpu.memory_space<vmem>>, vector<1x16xf32>,
      %slice3A_162 = vector.extract_strided_slice %get3A_33 {offsets = [11], sizes = [1], strides = [1]} : vector<16xf32> to vector<1xf32>
      %squeeze3A_163 = vector.extract %slice3A_162[0] : f32 from vector<1xf32>
      %broadcast_in_dim3A_164 = vector.broadcast %squeeze3A_163 : f32 to vector<16xf32>
      %mul3A_165 = arith.constant 16 : i32
      %mul3A_166 = arith.muli %scan3A_27, %mul3A_165 : i32
      %add3A_167 = arith.constant 11 : i32
      %add3A_168 = arith.addi %mul3A_166, %add3A_167 : i32
      %swap3A_169 = arith.index_cast %add3A_168 : i32 to index
      %swap3A_170 = arith.constant 0 : index
      %swap3A_171 = tpu.vector_load %arg8[%swap3A_169, %swap3A_170] {strides = array<i32>} : memref<128x128xf32, #tpu.memory_space<vmem>>, vector<1x16xf32>,
      %swap3A_172 = vector.shape_cast %swap3A_171 : vector<1x16xf32> to vector<16xf32>
      %swap3A_173 = vector.shape_cast %broadcast_in_dim3A_164 : vector<16xf32> to vector<1x16xf32>
      tpu.vector_store %arg8[%swap3A_169, %swap3A_170], %swap3A_173 {strides = array<i32>} : memref<128x128xf32, #tpu.memory_space<vmem>>, vector<1x16xf32>,
      %slice3A_174 = vector.extract_strided_slice %get3A_33 {offsets = [12], sizes = [1], strides = [1]} : vector<16xf32> to vector<1xf32>
      %squeeze3A_175 = vector.extract %slice3A_174[0] : f32 from vector<1xf32>
      %broadcast_in_dim3A_176 = vector.broadcast %squeeze3A_175 : f32 to vector<16xf32>
      %mul3A_177 = arith.constant 16 : i32
      %mul3A_178 = arith.muli %scan3A_27, %mul3A_177 : i32
      %add3A_179 = arith.constant 12 : i32
      %add3A_180 = arith.addi %mul3A_178, %add3A_179 : i32
      %swap3A_181 = arith.index_cast %add3A_180 : i32 to index
      %swap3A_182 = arith.constant 0 : index
      %swap3A_183 = tpu.vector_load %arg8[%swap3A_181, %swap3A_182] {strides = array<i32>} : memref<128x128xf32, #tpu.memory_space<vmem>>, vector<1x16xf32>,
      %swap3A_184 = vector.shape_cast %swap3A_183 : vector<1x16xf32> to vector<16xf32>
      %swap3A_185 = vector.shape_cast %broadcast_in_dim3A_176 : vector<16xf32> to vector<1x16xf32>
      tpu.vector_store %arg8[%swap3A_181, %swap3A_182], %swap3A_185 {strides = array<i32>} : memref<128x128xf32, #tpu.memory_space<vmem>>, vector<1x16xf32>,
      %slice3A_186 = vector.extract_strided_slice %get3A_33 {offsets = [13], sizes = [1], strides = [1]} : vector<16xf32> to vector<1xf32>
      %squeeze3A_187 = vector.extract %slice3A_186[0] : f32 from vector<1xf32>
      %broadcast_in_dim3A_188 = vector.broadcast %squeeze3A_187 : f32 to vector<16xf32>
      %mul3A_189 = arith.constant 16 : i32
      %mul3A_190 = arith.muli %scan3A_27, %mul3A_189 : i32
      %add3A_191 = arith.constant 13 : i32
      %add3A_192 = arith.addi %mul3A_190, %add3A_191 : i32
      %swap3A_193 = arith.index_cast %add3A_192 : i32 to index
      %swap3A_194 = arith.constant 0 : index
      %swap3A_195 = tpu.vector_load %arg8[%swap3A_193, %swap3A_194] {strides = array<i32>} : memref<128x128xf32, #tpu.memory_space<vmem>>, vector<1x16xf32>,
      %swap3A_196 = vector.shape_cast %swap3A_195 : vector<1x16xf32> to vector<16xf32>
      %swap3A_197 = vector.shape_cast %broadcast_in_dim3A_188 : vector<16xf32> to vector<1x16xf32>
      tpu.vector_store %arg8[%swap3A_193, %swap3A_194], %swap3A_197 {strides = array<i32>} : memref<128x128xf32, #tpu.memory_space<vmem>>, vector<1x16xf32>,
      %slice3A_198 = vector.extract_strided_slice %get3A_33 {offsets = [14], sizes = [1], strides = [1]} : vector<16xf32> to vector<1xf32>
      %squeeze3A_199 = vector.extract %slice3A_198[0] : f32 from vector<1xf32>
      %broadcast_in_dim3A_200 = vector.broadcast %squeeze3A_199 : f32 to vector<16xf32>
      %mul3A_201 = arith.constant 16 : i32
      %mul3A_202 = arith.muli %scan3A_27, %mul3A_201 : i32
      %add3A_203 = arith.constant 14 : i32
      %add3A_204 = arith.addi %mul3A_202, %add3A_203 : i32
      %swap3A_205 = arith.index_cast %add3A_204 : i32 to index
      %swap3A_206 = arith.constant 0 : index
      %swap3A_207 = tpu.vector_load %arg8[%swap3A_205, %swap3A_206] {strides = array<i32>} : memref<128x128xf32, #tpu.memory_space<vmem>>, vector<1x16xf32>,
      %swap3A_208 = vector.shape_cast %swap3A_207 : vector<1x16xf32> to vector<16xf32>
      %swap3A_209 = vector.shape_cast %broadcast_in_dim3A_200 : vector<16xf32> to vector<1x16xf32>
      tpu.vector_store %arg8[%swap3A_205, %swap3A_206], %swap3A_209 {strides = array<i32>} : memref<128x128xf32, #tpu.memory_space<vmem>>, vector<1x16xf32>,
      %slice3A_210 = vector.extract_strided_slice %get3A_33 {offsets = [15], sizes = [1], strides = [1]} : vector<16xf32> to vector<1xf32>
      %squeeze3A_211 = vector.extract %slice3A_210[0] : f32 from vector<1xf32>
      %broadcast_in_dim3A_212 = vector.broadcast %squeeze3A_211 : f32 to vector<16xf32>
      %mul3A_213 = arith.constant 16 : i32
      %mul3A_214 = arith.muli %scan3A_27, %mul3A_213 : i32
      %add3A_215 = arith.constant 15 : i32
      %add3A_216 = arith.addi %mul3A_214, %add3A_215 : i32
      %swap3A_217 = arith.index_cast %add3A_216 : i32 to index
      %swap3A_218 = arith.constant 0 : index
      %swap3A_219 = tpu.vector_load %arg8[%swap3A_217, %swap3A_218] {strides = array<i32>} : memref<128x128xf32, #tpu.memory_space<vmem>>, vector<1x16xf32>,
      %swap3A_220 = vector.shape_cast %swap3A_219 : vector<1x16xf32> to vector<16xf32>
      %swap3A_221 = vector.shape_cast %broadcast_in_dim3A_212 : vector<16xf32> to vector<1x16xf32>
      tpu.vector_store %arg8[%swap3A_217, %swap3A_218], %swap3A_221 {strides = array<i32>} : memref<128x128xf32, #tpu.memory_space<vmem>>, vector<1x16xf32>,
    }
    %scan3A_13 = arith.constant 8 : i32
    %scan3A_14 = arith.constant 0 : i32
    %scan3A_15 = arith.constant 0 : i32
    %scan3A_16 = arith.constant 17 : i32
    %scan3A_17 = arith.addi %scan3A_15, %scan3A_16 : i32
    %scan3A_18 = arith.constant 1 : i32
    scf.for %scan3A_27 = %scan3A_15 to %scan3A_17 step %scan3A_18  : i32 {
      %mul3A_28 = arith.constant 2 : i32
      %mul3A_29 = arith.muli %mul3A_28, %scan3A_27 : i32
      %mul3A_30 = arith.constant 2 : i32
      %mul3A_31 = arith.muli %mul3A_30, %scan3A_27 : i32
      %add3A_32 = arith.constant 1 : i32
      %add3A_33 = arith.addi %mul3A_31, %add3A_32 : i32
      %dma_start3A = arith.constant 0 : i32
      %dma_start3A_34 = tpu.memref_slice %arg6[%mul3A_29, %dma_start3A] : memref<35x128xi32, #tpu.memory_space<vmem>> -> memref<1x128xi32, #tpu.memory_space<vmem>>
      %dma_start3A_35 = tpu.memref_squeeze %dma_start3A_34 : memref<1x128xi32, #tpu.memory_space<vmem>> -> memref<128xi32, #tpu.memory_space<vmem>>
      %dma_start3A_36 = arith.constant 0 : i32
      %dma_start3A_37 = arith.constant 0 : i32
      %dma_start3A_38 = tpu.memref_slice %arg10[%dma_start3A_36, %dma_start3A_37] : memref<7168x128xf32, #tpu.memory_space<vmem_shared>> -> memref<7168x128xf32, #tpu.memory_space<vmem_shared>>
      tpu.enqueue_indirect_dma source(%arg8 : memref<128x128xf32, #tpu.memory_space<vmem>>) target(%dma_start3A_38 : memref<7168x128xf32, #tpu.memory_space<vmem_shared>>) offsets(%dma_start3A_35 : memref<128xi32, #tpu.memory_space<vmem>>) semaphore(%arg11 : memref<!tpu.dma_semaphore, #tpu.memory_space<semaphore_mem>>) {add = true}
      %scan3A_39 = arith.constant 0 : i32
      %scan3A_40 = arith.constant 0 : i32
      %scan3A_41 = arith.constant 8 : i32
      %scan3A_42 = arith.addi %scan3A_40, %scan3A_41 : i32
      %scan3A_43 = arith.constant 1 : i32
      scf.for %scan3A_64 = %scan3A_40 to %scan3A_42 step %scan3A_43  : i32 {
        %mul3A_65 = arith.constant 16 : i32
        %mul3A_66 = arith.muli %scan3A_64, %mul3A_65 : i32
        %get3A = arith.index_cast %add3A_33 : i32 to index
        %get3A_67 = arith.index_cast %mul3A_66 : i32 to index
        %get3A_68 = tpu.vector_load %arg7[%get3A, %get3A_67] {strides = array<i32>} : memref<35x128xf32, #tpu.memory_space<vmem>>, vector<1x16xf32>,
        %get3A_69 = vector.shape_cast %get3A_68 : vector<1x16xf32> to vector<16xf32>
        %slice3A = vector.extract_strided_slice %get3A_69 {offsets = [0], sizes = [1], strides = [1]} : vector<16xf32> to vector<1xf32>
        %squeeze3A = vector.extract %slice3A[0] : f32 from vector<1xf32>
        %broadcast_in_dim3A = vector.broadcast %squeeze3A : f32 to vector<16xf32>
        %mul3A_70 = arith.constant 16 : i32
        %mul3A_71 = arith.muli %scan3A_64, %mul3A_70 : i32
        %add3A_72 = arith.constant 0 : i32
        %add3A_73 = arith.addi %mul3A_71, %add3A_72 : i32
        %swap3A = arith.index_cast %add3A_73 : i32 to index
        %swap3A_74 = arith.constant 0 : index
        %swap3A_75 = tpu.vector_load %arg9[%swap3A, %swap3A_74] {strides = array<i32>} : memref<128x128xf32, #tpu.memory_space<vmem>>, vector<1x16xf32>,
        %swap3A_76 = vector.shape_cast %swap3A_75 : vector<1x16xf32> to vector<16xf32>
        %swap3A_77 = vector.shape_cast %broadcast_in_dim3A : vector<16xf32> to vector<1x16xf32>
        tpu.vector_store %arg9[%swap3A, %swap3A_74], %swap3A_77 {strides = array<i32>} : memref<128x128xf32, #tpu.memory_space<vmem>>, vector<1x16xf32>,
        %slice3A_78 = vector.extract_strided_slice %get3A_69 {offsets = [1], sizes = [1], strides = [1]} : vector<16xf32> to vector<1xf32>
        %squeeze3A_79 = vector.extract %slice3A_78[0] : f32 from vector<1xf32>
        %broadcast_in_dim3A_80 = vector.broadcast %squeeze3A_79 : f32 to vector<16xf32>
        %mul3A_81 = arith.constant 16 : i32
        %mul3A_82 = arith.muli %scan3A_64, %mul3A_81 : i32
        %add3A_83 = arith.constant 1 : i32
        %add3A_84 = arith.addi %mul3A_82, %add3A_83 : i32
        %swap3A_85 = arith.index_cast %add3A_84 : i32 to index
        %swap3A_86 = arith.constant 0 : index
        %swap3A_87 = tpu.vector_load %arg9[%swap3A_85, %swap3A_86] {strides = array<i32>} : memref<128x128xf32, #tpu.memory_space<vmem>>, vector<1x16xf32>,
        %swap3A_88 = vector.shape_cast %swap3A_87 : vector<1x16xf32> to vector<16xf32>
        %swap3A_89 = vector.shape_cast %broadcast_in_dim3A_80 : vector<16xf32> to vector<1x16xf32>
        tpu.vector_store %arg9[%swap3A_85, %swap3A_86], %swap3A_89 {strides = array<i32>} : memref<128x128xf32, #tpu.memory_space<vmem>>, vector<1x16xf32>,
        %slice3A_90 = vector.extract_strided_slice %get3A_69 {offsets = [2], sizes = [1], strides = [1]} : vector<16xf32> to vector<1xf32>
        %squeeze3A_91 = vector.extract %slice3A_90[0] : f32 from vector<1xf32>
        %broadcast_in_dim3A_92 = vector.broadcast %squeeze3A_91 : f32 to vector<16xf32>
        %mul3A_93 = arith.constant 16 : i32
        %mul3A_94 = arith.muli %scan3A_64, %mul3A_93 : i32
        %add3A_95 = arith.constant 2 : i32
        %add3A_96 = arith.addi %mul3A_94, %add3A_95 : i32
        %swap3A_97 = arith.index_cast %add3A_96 : i32 to index
        %swap3A_98 = arith.constant 0 : index
        %swap3A_99 = tpu.vector_load %arg9[%swap3A_97, %swap3A_98] {strides = array<i32>} : memref<128x128xf32, #tpu.memory_space<vmem>>, vector<1x16xf32>,
        %swap3A_100 = vector.shape_cast %swap3A_99 : vector<1x16xf32> to vector<16xf32>
        %swap3A_101 = vector.shape_cast %broadcast_in_dim3A_92 : vector<16xf32> to vector<1x16xf32>
        tpu.vector_store %arg9[%swap3A_97, %swap3A_98], %swap3A_101 {strides = array<i32>} : memref<128x128xf32, #tpu.memory_space<vmem>>, vector<1x16xf32>,
        %slice3A_102 = vector.extract_strided_slice %get3A_69 {offsets = [3], sizes = [1], strides = [1]} : vector<16xf32> to vector<1xf32>
        %squeeze3A_103 = vector.extract %slice3A_102[0] : f32 from vector<1xf32>
        %broadcast_in_dim3A_104 = vector.broadcast %squeeze3A_103 : f32 to vector<16xf32>
        %mul3A_105 = arith.constant 16 : i32
        %mul3A_106 = arith.muli %scan3A_64, %mul3A_105 : i32
        %add3A_107 = arith.constant 3 : i32
        %add3A_108 = arith.addi %mul3A_106, %add3A_107 : i32
        %swap3A_109 = arith.index_cast %add3A_108 : i32 to index
        %swap3A_110 = arith.constant 0 : index
        %swap3A_111 = tpu.vector_load %arg9[%swap3A_109, %swap3A_110] {strides = array<i32>} : memref<128x128xf32, #tpu.memory_space<vmem>>, vector<1x16xf32>,
        %swap3A_112 = vector.shape_cast %swap3A_111 : vector<1x16xf32> to vector<16xf32>
        %swap3A_113 = vector.shape_cast %broadcast_in_dim3A_104 : vector<16xf32> to vector<1x16xf32>
        tpu.vector_store %arg9[%swap3A_109, %swap3A_110], %swap3A_113 {strides = array<i32>} : memref<128x128xf32, #tpu.memory_space<vmem>>, vector<1x16xf32>,
        %slice3A_114 = vector.extract_strided_slice %get3A_69 {offsets = [4], sizes = [1], strides = [1]} : vector<16xf32> to vector<1xf32>
        %squeeze3A_115 = vector.extract %slice3A_114[0] : f32 from vector<1xf32>
        %broadcast_in_dim3A_116 = vector.broadcast %squeeze3A_115 : f32 to vector<16xf32>
        %mul3A_117 = arith.constant 16 : i32
        %mul3A_118 = arith.muli %scan3A_64, %mul3A_117 : i32
        %add3A_119 = arith.constant 4 : i32
        %add3A_120 = arith.addi %mul3A_118, %add3A_119 : i32
        %swap3A_121 = arith.index_cast %add3A_120 : i32 to index
        %swap3A_122 = arith.constant 0 : index
        %swap3A_123 = tpu.vector_load %arg9[%swap3A_121, %swap3A_122] {strides = array<i32>} : memref<128x128xf32, #tpu.memory_space<vmem>>, vector<1x16xf32>,
        %swap3A_124 = vector.shape_cast %swap3A_123 : vector<1x16xf32> to vector<16xf32>
        %swap3A_125 = vector.shape_cast %broadcast_in_dim3A_116 : vector<16xf32> to vector<1x16xf32>
        tpu.vector_store %arg9[%swap3A_121, %swap3A_122], %swap3A_125 {strides = array<i32>} : memref<128x128xf32, #tpu.memory_space<vmem>>, vector<1x16xf32>,
        %slice3A_126 = vector.extract_strided_slice %get3A_69 {offsets = [5], sizes = [1], strides = [1]} : vector<16xf32> to vector<1xf32>
        %squeeze3A_127 = vector.extract %slice3A_126[0] : f32 from vector<1xf32>
        %broadcast_in_dim3A_128 = vector.broadcast %squeeze3A_127 : f32 to vector<16xf32>
        %mul3A_129 = arith.constant 16 : i32
        %mul3A_130 = arith.muli %scan3A_64, %mul3A_129 : i32
        %add3A_131 = arith.constant 5 : i32
        %add3A_132 = arith.addi %mul3A_130, %add3A_131 : i32
        %swap3A_133 = arith.index_cast %add3A_132 : i32 to index
        %swap3A_134 = arith.constant 0 : index
        %swap3A_135 = tpu.vector_load %arg9[%swap3A_133, %swap3A_134] {strides = array<i32>} : memref<128x128xf32, #tpu.memory_space<vmem>>, vector<1x16xf32>,
        %swap3A_136 = vector.shape_cast %swap3A_135 : vector<1x16xf32> to vector<16xf32>
        %swap3A_137 = vector.shape_cast %broadcast_in_dim3A_128 : vector<16xf32> to vector<1x16xf32>
        tpu.vector_store %arg9[%swap3A_133, %swap3A_134], %swap3A_137 {strides = array<i32>} : memref<128x128xf32, #tpu.memory_space<vmem>>, vector<1x16xf32>,
        %slice3A_138 = vector.extract_strided_slice %get3A_69 {offsets = [6], sizes = [1], strides = [1]} : vector<16xf32> to vector<1xf32>
        %squeeze3A_139 = vector.extract %slice3A_138[0] : f32 from vector<1xf32>
        %broadcast_in_dim3A_140 = vector.broadcast %squeeze3A_139 : f32 to vector<16xf32>
        %mul3A_141 = arith.constant 16 : i32
        %mul3A_142 = arith.muli %scan3A_64, %mul3A_141 : i32
        %add3A_143 = arith.constant 6 : i32
        %add3A_144 = arith.addi %mul3A_142, %add3A_143 : i32
        %swap3A_145 = arith.index_cast %add3A_144 : i32 to index
        %swap3A_146 = arith.constant 0 : index
        %swap3A_147 = tpu.vector_load %arg9[%swap3A_145, %swap3A_146] {strides = array<i32>} : memref<128x128xf32, #tpu.memory_space<vmem>>, vector<1x16xf32>,
        %swap3A_148 = vector.shape_cast %swap3A_147 : vector<1x16xf32> to vector<16xf32>
        %swap3A_149 = vector.shape_cast %broadcast_in_dim3A_140 : vector<16xf32> to vector<1x16xf32>
        tpu.vector_store %arg9[%swap3A_145, %swap3A_146], %swap3A_149 {strides = array<i32>} : memref<128x128xf32, #tpu.memory_space<vmem>>, vector<1x16xf32>,
        %slice3A_150 = vector.extract_strided_slice %get3A_69 {offsets = [7], sizes = [1], strides = [1]} : vector<16xf32> to vector<1xf32>
        %squeeze3A_151 = vector.extract %slice3A_150[0] : f32 from vector<1xf32>
        %broadcast_in_dim3A_152 = vector.broadcast %squeeze3A_151 : f32 to vector<16xf32>
        %mul3A_153 = arith.constant 16 : i32
        %mul3A_154 = arith.muli %scan3A_64, %mul3A_153 : i32
        %add3A_155 = arith.constant 7 : i32
        %add3A_156 = arith.addi %mul3A_154, %add3A_155 : i32
        %swap3A_157 = arith.index_cast %add3A_156 : i32 to index
        %swap3A_158 = arith.constant 0 : index
        %swap3A_159 = tpu.vector_load %arg9[%swap3A_157, %swap3A_158] {strides = array<i32>} : memref<128x128xf32, #tpu.memory_space<vmem>>, vector<1x16xf32>,
        %swap3A_160 = vector.shape_cast %swap3A_159 : vector<1x16xf32> to vector<16xf32>
        %swap3A_161 = vector.shape_cast %broadcast_in_dim3A_152 : vector<16xf32> to vector<1x16xf32>
        tpu.vector_store %arg9[%swap3A_157, %swap3A_158], %swap3A_161 {strides = array<i32>} : memref<128x128xf32, #tpu.memory_space<vmem>>, vector<1x16xf32>,
        %slice3A_162 = vector.extract_strided_slice %get3A_69 {offsets = [8], sizes = [1], strides = [1]} : vector<16xf32> to vector<1xf32>
        %squeeze3A_163 = vector.extract %slice3A_162[0] : f32 from vector<1xf32>
        %broadcast_in_dim3A_164 = vector.broadcast %squeeze3A_163 : f32 to vector<16xf32>
        %mul3A_165 = arith.constant 16 : i32
        %mul3A_166 = arith.muli %scan3A_64, %mul3A_165 : i32
        %add3A_167 = arith.constant 8 : i32
        %add3A_168 = arith.addi %mul3A_166, %add3A_167 : i32
        %swap3A_169 = arith.index_cast %add3A_168 : i32 to index
        %swap3A_170 = arith.constant 0 : index
        %swap3A_171 = tpu.vector_load %arg9[%swap3A_169, %swap3A_170] {strides = array<i32>} : memref<128x128xf32, #tpu.memory_space<vmem>>, vector<1x16xf32>,
        %swap3A_172 = vector.shape_cast %swap3A_171 : vector<1x16xf32> to vector<16xf32>
        %swap3A_173 = vector.shape_cast %broadcast_in_dim3A_164 : vector<16xf32> to vector<1x16xf32>
        tpu.vector_store %arg9[%swap3A_169, %swap3A_170], %swap3A_173 {strides = array<i32>} : memref<128x128xf32, #tpu.memory_space<vmem>>, vector<1x16xf32>,
        %slice3A_174 = vector.extract_strided_slice %get3A_69 {offsets = [9], sizes = [1], strides = [1]} : vector<16xf32> to vector<1xf32>
        %squeeze3A_175 = vector.extract %slice3A_174[0] : f32 from vector<1xf32>
        %broadcast_in_dim3A_176 = vector.broadcast %squeeze3A_175 : f32 to vector<16xf32>
        %mul3A_177 = arith.constant 16 : i32
        %mul3A_178 = arith.muli %scan3A_64, %mul3A_177 : i32
        %add3A_179 = arith.constant 9 : i32
        %add3A_180 = arith.addi %mul3A_178, %add3A_179 : i32
        %swap3A_181 = arith.index_cast %add3A_180 : i32 to index
        %swap3A_182 = arith.constant 0 : index
        %swap3A_183 = tpu.vector_load %arg9[%swap3A_181, %swap3A_182] {strides = array<i32>} : memref<128x128xf32, #tpu.memory_space<vmem>>, vector<1x16xf32>,
        %swap3A_184 = vector.shape_cast %swap3A_183 : vector<1x16xf32> to vector<16xf32>
        %swap3A_185 = vector.shape_cast %broadcast_in_dim3A_176 : vector<16xf32> to vector<1x16xf32>
        tpu.vector_store %arg9[%swap3A_181, %swap3A_182], %swap3A_185 {strides = array<i32>} : memref<128x128xf32, #tpu.memory_space<vmem>>, vector<1x16xf32>,
        %slice3A_186 = vector.extract_strided_slice %get3A_69 {offsets = [10], sizes = [1], strides = [1]} : vector<16xf32> to vector<1xf32>
        %squeeze3A_187 = vector.extract %slice3A_186[0] : f32 from vector<1xf32>
        %broadcast_in_dim3A_188 = vector.broadcast %squeeze3A_187 : f32 to vector<16xf32>
        %mul3A_189 = arith.constant 16 : i32
        %mul3A_190 = arith.muli %scan3A_64, %mul3A_189 : i32
        %add3A_191 = arith.constant 10 : i32
        %add3A_192 = arith.addi %mul3A_190, %add3A_191 : i32
        %swap3A_193 = arith.index_cast %add3A_192 : i32 to index
        %swap3A_194 = arith.constant 0 : index
        %swap3A_195 = tpu.vector_load %arg9[%swap3A_193, %swap3A_194] {strides = array<i32>} : memref<128x128xf32, #tpu.memory_space<vmem>>, vector<1x16xf32>,
        %swap3A_196 = vector.shape_cast %swap3A_195 : vector<1x16xf32> to vector<16xf32>
        %swap3A_197 = vector.shape_cast %broadcast_in_dim3A_188 : vector<16xf32> to vector<1x16xf32>
        tpu.vector_store %arg9[%swap3A_193, %swap3A_194], %swap3A_197 {strides = array<i32>} : memref<128x128xf32, #tpu.memory_space<vmem>>, vector<1x16xf32>,
        %slice3A_198 = vector.extract_strided_slice %get3A_69 {offsets = [11], sizes = [1], strides = [1]} : vector<16xf32> to vector<1xf32>
        %squeeze3A_199 = vector.extract %slice3A_198[0] : f32 from vector<1xf32>
        %broadcast_in_dim3A_200 = vector.broadcast %squeeze3A_199 : f32 to vector<16xf32>
        %mul3A_201 = arith.constant 16 : i32
        %mul3A_202 = arith.muli %scan3A_64, %mul3A_201 : i32
        %add3A_203 = arith.constant 11 : i32
        %add3A_204 = arith.addi %mul3A_202, %add3A_203 : i32
        %swap3A_205 = arith.index_cast %add3A_204 : i32 to index
        %swap3A_206 = arith.constant 0 : index
        %swap3A_207 = tpu.vector_load %arg9[%swap3A_205, %swap3A_206] {strides = array<i32>} : memref<128x128xf32, #tpu.memory_space<vmem>>, vector<1x16xf32>,
        %swap3A_208 = vector.shape_cast %swap3A_207 : vector<1x16xf32> to vector<16xf32>
        %swap3A_209 = vector.shape_cast %broadcast_in_dim3A_200 : vector<16xf32> to vector<1x16xf32>
        tpu.vector_store %arg9[%swap3A_205, %swap3A_206], %swap3A_209 {strides = array<i32>} : memref<128x128xf32, #tpu.memory_space<vmem>>, vector<1x16xf32>,
        %slice3A_210 = vector.extract_strided_slice %get3A_69 {offsets = [12], sizes = [1], strides = [1]} : vector<16xf32> to vector<1xf32>
        %squeeze3A_211 = vector.extract %slice3A_210[0] : f32 from vector<1xf32>
        %broadcast_in_dim3A_212 = vector.broadcast %squeeze3A_211 : f32 to vector<16xf32>
        %mul3A_213 = arith.constant 16 : i32
        %mul3A_214 = arith.muli %scan3A_64, %mul3A_213 : i32
        %add3A_215 = arith.constant 12 : i32
        %add3A_216 = arith.addi %mul3A_214, %add3A_215 : i32
        %swap3A_217 = arith.index_cast %add3A_216 : i32 to index
        %swap3A_218 = arith.constant 0 : index
        %swap3A_219 = tpu.vector_load %arg9[%swap3A_217, %swap3A_218] {strides = array<i32>} : memref<128x128xf32, #tpu.memory_space<vmem>>, vector<1x16xf32>,
        %swap3A_220 = vector.shape_cast %swap3A_219 : vector<1x16xf32> to vector<16xf32>
        %swap3A_221 = vector.shape_cast %broadcast_in_dim3A_212 : vector<16xf32> to vector<1x16xf32>
        tpu.vector_store %arg9[%swap3A_217, %swap3A_218], %swap3A_221 {strides = array<i32>} : memref<128x128xf32, #tpu.memory_space<vmem>>, vector<1x16xf32>,
        %slice3A_222 = vector.extract_strided_slice %get3A_69 {offsets = [13], sizes = [1], strides = [1]} : vector<16xf32> to vector<1xf32>
        %squeeze3A_223 = vector.extract %slice3A_222[0] : f32 from vector<1xf32>
        %broadcast_in_dim3A_224 = vector.broadcast %squeeze3A_223 : f32 to vector<16xf32>
        %mul3A_225 = arith.constant 16 : i32
        %mul3A_226 = arith.muli %scan3A_64, %mul3A_225 : i32
        %add3A_227 = arith.constant 13 : i32
        %add3A_228 = arith.addi %mul3A_226, %add3A_227 : i32
        %swap3A_229 = arith.index_cast %add3A_228 : i32 to index
        %swap3A_230 = arith.constant 0 : index
        %swap3A_231 = tpu.vector_load %arg9[%swap3A_229, %swap3A_230] {strides = array<i32>} : memref<128x128xf32, #tpu.memory_space<vmem>>, vector<1x16xf32>,
        %swap3A_232 = vector.shape_cast %swap3A_231 : vector<1x16xf32> to vector<16xf32>
        %swap3A_233 = vector.shape_cast %broadcast_in_dim3A_224 : vector<16xf32> to vector<1x16xf32>
        tpu.vector_store %arg9[%swap3A_229, %swap3A_230], %swap3A_233 {strides = array<i32>} : memref<128x128xf32, #tpu.memory_space<vmem>>, vector<1x16xf32>,
        %slice3A_234 = vector.extract_strided_slice %get3A_69 {offsets = [14], sizes = [1], strides = [1]} : vector<16xf32> to vector<1xf32>
        %squeeze3A_235 = vector.extract %slice3A_234[0] : f32 from vector<1xf32>
        %broadcast_in_dim3A_236 = vector.broadcast %squeeze3A_235 : f32 to vector<16xf32>
        %mul3A_237 = arith.constant 16 : i32
        %mul3A_238 = arith.muli %scan3A_64, %mul3A_237 : i32
        %add3A_239 = arith.constant 14 : i32
        %add3A_240 = arith.addi %mul3A_238, %add3A_239 : i32
        %swap3A_241 = arith.index_cast %add3A_240 : i32 to index
        %swap3A_242 = arith.constant 0 : index
        %swap3A_243 = tpu.vector_load %arg9[%swap3A_241, %swap3A_242] {strides = array<i32>} : memref<128x128xf32, #tpu.memory_space<vmem>>, vector<1x16xf32>,
        %swap3A_244 = vector.shape_cast %swap3A_243 : vector<1x16xf32> to vector<16xf32>
        %swap3A_245 = vector.shape_cast %broadcast_in_dim3A_236 : vector<16xf32> to vector<1x16xf32>
        tpu.vector_store %arg9[%swap3A_241, %swap3A_242], %swap3A_245 {strides = array<i32>} : memref<128x128xf32, #tpu.memory_space<vmem>>, vector<1x16xf32>,
        %slice3A_246 = vector.extract_strided_slice %get3A_69 {offsets = [15], sizes = [1], strides = [1]} : vector<16xf32> to vector<1xf32>
        %squeeze3A_247 = vector.extract %slice3A_246[0] : f32 from vector<1xf32>
        %broadcast_in_dim3A_248 = vector.broadcast %squeeze3A_247 : f32 to vector<16xf32>
        %mul3A_249 = arith.constant 16 : i32
        %mul3A_250 = arith.muli %scan3A_64, %mul3A_249 : i32
        %add3A_251 = arith.constant 15 : i32
        %add3A_252 = arith.addi %mul3A_250, %add3A_251 : i32
        %swap3A_253 = arith.index_cast %add3A_252 : i32 to index
        %swap3A_254 = arith.constant 0 : index
        %swap3A_255 = tpu.vector_load %arg9[%swap3A_253, %swap3A_254] {strides = array<i32>} : memref<128x128xf32, #tpu.memory_space<vmem>>, vector<1x16xf32>,
        %swap3A_256 = vector.shape_cast %swap3A_255 : vector<1x16xf32> to vector<16xf32>
        %swap3A_257 = vector.shape_cast %broadcast_in_dim3A_248 : vector<16xf32> to vector<1x16xf32>
        tpu.vector_store %arg9[%swap3A_253, %swap3A_254], %swap3A_257 {strides = array<i32>} : memref<128x128xf32, #tpu.memory_space<vmem>>, vector<1x16xf32>,
      }
      %scan3A_44 = arith.constant 8 : i32
      %dma_wait3A = arith.constant 0 : i32
      %dma_wait3A_45 = tpu.memref_slice %arg6[%mul3A_29, %dma_wait3A] : memref<35x128xi32, #tpu.memory_space<vmem>> -> memref<1x128xi32, #tpu.memory_space<vmem>>
      %dma_wait3A_46 = tpu.memref_squeeze %dma_wait3A_45 : memref<1x128xi32, #tpu.memory_space<vmem>> -> memref<128xi32, #tpu.memory_space<vmem>>
      %dma_wait3A_47 = arith.constant 0 : i32
      %dma_wait3A_48 = arith.constant 0 : i32
      %dma_wait3A_49 = tpu.memref_slice %arg10[%dma_wait3A_47, %dma_wait3A_48] : memref<7168x128xf32, #tpu.memory_space<vmem_shared>> -> memref<7168x128xf32, #tpu.memory_space<vmem_shared>>
      tpu.wait_indirect_dma semaphore(%arg11 : memref<!tpu.dma_semaphore, #tpu.memory_space<semaphore_mem>>) src(%arg8 : memref<128x128xf32, #tpu.memory_space<vmem>>) dst(%dma_wait3A_49 : memref<7168x128xf32, #tpu.memory_space<vmem_shared>>)
      %dma_start3A_50 = arith.constant 0 : i32
      %dma_start3A_51 = tpu.memref_slice %arg6[%add3A_33, %dma_start3A_50] : memref<35x128xi32, #tpu.memory_space<vmem>> -> memref<1x128xi32, #tpu.memory_space<vmem>>
      %dma_start3A_52 = tpu.memref_squeeze %dma_start3A_51 : memref<1x128xi32, #tpu.memory_space<vmem>> -> memref<128xi32, #tpu.memory_space<vmem>>
      %dma_start3A_53 = arith.constant 0 : i32
      %dma_start3A_54 = arith.constant 0 : i32
      %dma_start3A_55 = tpu.memref_slice %arg10[%dma_start3A_53, %dma_start3A_54] : memref<7168x128xf32, #tpu.memory_space<vmem_shared>> -> memref<7168x128xf32, #tpu.memory_space<vmem_shared>>
      tpu.enqueue_indirect_dma source(%arg9 : memref<128x128xf32, #tpu.memory_space<vmem>>) target(%dma_start3A_55 : memref<7168x128xf32, #tpu.memory_space<vmem_shared>>) offsets(%dma_start3A_52 : memref<128xi32, #tpu.memory_space<vmem>>) semaphore(%arg11 : memref<!tpu.dma_semaphore, #tpu.memory_space<semaphore_mem>>) {add = true}
      %lt3A = arith.constant 16 : i32
      %lt3A_56 = arith.cmpi slt, %scan3A_27, %lt3A : i32
      %convert_element_type3A = arith.extui %lt3A_56 : i1 to i32
      %cond3A = arith.constant 0 : i32
      %cond3A_57 = arith.cmpi ne, %convert_element_type3A, %cond3A : i32
      scf.if %cond3A_57 {
        %add3A_64 = arith.constant 1 : i32
        %add3A_65 = arith.addi %add3A_33, %add3A_64 : i32
        %scan3A_66 = arith.constant 0 : i32
        %scan3A_67 = arith.constant 0 : i32
        %scan3A_68 = arith.constant 8 : i32
        %scan3A_69 = arith.addi %scan3A_67, %scan3A_68 : i32
        %scan3A_70 = arith.constant 1 : i32
        scf.for %scan3A_72 = %scan3A_67 to %scan3A_69 step %scan3A_70  : i32 {
          %mul3A_73 = arith.constant 16 : i32
          %mul3A_74 = arith.muli %scan3A_72, %mul3A_73 : i32
          %get3A = arith.index_cast %add3A_65 : i32 to index
          %get3A_75 = arith.index_cast %mul3A_74 : i32 to index
          %get3A_76 = tpu.vector_load %arg7[%get3A, %get3A_75] {strides = array<i32>} : memref<35x128xf32, #tpu.memory_space<vmem>>, vector<1x16xf32>,
          %get3A_77 = vector.shape_cast %get3A_76 : vector<1x16xf32> to vector<16xf32>
          %slice3A = vector.extract_strided_slice %get3A_77 {offsets = [0], sizes = [1], strides = [1]} : vector<16xf32> to vector<1xf32>
          %squeeze3A = vector.extract %slice3A[0] : f32 from vector<1xf32>
          %broadcast_in_dim3A = vector.broadcast %squeeze3A : f32 to vector<16xf32>
          %mul3A_78 = arith.constant 16 : i32
          %mul3A_79 = arith.muli %scan3A_72, %mul3A_78 : i32
          %add3A_80 = arith.constant 0 : i32
          %add3A_81 = arith.addi %mul3A_79, %add3A_80 : i32
          %swap3A = arith.index_cast %add3A_81 : i32 to index
          %swap3A_82 = arith.constant 0 : index
          %swap3A_83 = tpu.vector_load %arg8[%swap3A, %swap3A_82] {strides = array<i32>} : memref<128x128xf32, #tpu.memory_space<vmem>>, vector<1x16xf32>,
          %swap3A_84 = vector.shape_cast %swap3A_83 : vector<1x16xf32> to vector<16xf32>
          %swap3A_85 = vector.shape_cast %broadcast_in_dim3A : vector<16xf32> to vector<1x16xf32>
          tpu.vector_store %arg8[%swap3A, %swap3A_82], %swap3A_85 {strides = array<i32>} : memref<128x128xf32, #tpu.memory_space<vmem>>, vector<1x16xf32>,
          %slice3A_86 = vector.extract_strided_slice %get3A_77 {offsets = [1], sizes = [1], strides = [1]} : vector<16xf32> to vector<1xf32>
          %squeeze3A_87 = vector.extract %slice3A_86[0] : f32 from vector<1xf32>
          %broadcast_in_dim3A_88 = vector.broadcast %squeeze3A_87 : f32 to vector<16xf32>
          %mul3A_89 = arith.constant 16 : i32
          %mul3A_90 = arith.muli %scan3A_72, %mul3A_89 : i32
          %add3A_91 = arith.constant 1 : i32
          %add3A_92 = arith.addi %mul3A_90, %add3A_91 : i32
          %swap3A_93 = arith.index_cast %add3A_92 : i32 to index
          %swap3A_94 = arith.constant 0 : index
          %swap3A_95 = tpu.vector_load %arg8[%swap3A_93, %swap3A_94] {strides = array<i32>} : memref<128x128xf32, #tpu.memory_space<vmem>>, vector<1x16xf32>,
          %swap3A_96 = vector.shape_cast %swap3A_95 : vector<1x16xf32> to vector<16xf32>
          %swap3A_97 = vector.shape_cast %broadcast_in_dim3A_88 : vector<16xf32> to vector<1x16xf32>
          tpu.vector_store %arg8[%swap3A_93, %swap3A_94], %swap3A_97 {strides = array<i32>} : memref<128x128xf32, #tpu.memory_space<vmem>>, vector<1x16xf32>,
          %slice3A_98 = vector.extract_strided_slice %get3A_77 {offsets = [2], sizes = [1], strides = [1]} : vector<16xf32> to vector<1xf32>
          %squeeze3A_99 = vector.extract %slice3A_98[0] : f32 from vector<1xf32>
          %broadcast_in_dim3A_100 = vector.broadcast %squeeze3A_99 : f32 to vector<16xf32>
          %mul3A_101 = arith.constant 16 : i32
          %mul3A_102 = arith.muli %scan3A_72, %mul3A_101 : i32
          %add3A_103 = arith.constant 2 : i32
          %add3A_104 = arith.addi %mul3A_102, %add3A_103 : i32
          %swap3A_105 = arith.index_cast %add3A_104 : i32 to index
          %swap3A_106 = arith.constant 0 : index
          %swap3A_107 = tpu.vector_load %arg8[%swap3A_105, %swap3A_106] {strides = array<i32>} : memref<128x128xf32, #tpu.memory_space<vmem>>, vector<1x16xf32>,
          %swap3A_108 = vector.shape_cast %swap3A_107 : vector<1x16xf32> to vector<16xf32>
          %swap3A_109 = vector.shape_cast %broadcast_in_dim3A_100 : vector<16xf32> to vector<1x16xf32>
          tpu.vector_store %arg8[%swap3A_105, %swap3A_106], %swap3A_109 {strides = array<i32>} : memref<128x128xf32, #tpu.memory_space<vmem>>, vector<1x16xf32>,
          %slice3A_110 = vector.extract_strided_slice %get3A_77 {offsets = [3], sizes = [1], strides = [1]} : vector<16xf32> to vector<1xf32>
          %squeeze3A_111 = vector.extract %slice3A_110[0] : f32 from vector<1xf32>
          %broadcast_in_dim3A_112 = vector.broadcast %squeeze3A_111 : f32 to vector<16xf32>
          %mul3A_113 = arith.constant 16 : i32
          %mul3A_114 = arith.muli %scan3A_72, %mul3A_113 : i32
          %add3A_115 = arith.constant 3 : i32
          %add3A_116 = arith.addi %mul3A_114, %add3A_115 : i32
          %swap3A_117 = arith.index_cast %add3A_116 : i32 to index
          %swap3A_118 = arith.constant 0 : index
          %swap3A_119 = tpu.vector_load %arg8[%swap3A_117, %swap3A_118] {strides = array<i32>} : memref<128x128xf32, #tpu.memory_space<vmem>>, vector<1x16xf32>,
          %swap3A_120 = vector.shape_cast %swap3A_119 : vector<1x16xf32> to vector<16xf32>
          %swap3A_121 = vector.shape_cast %broadcast_in_dim3A_112 : vector<16xf32> to vector<1x16xf32>
          tpu.vector_store %arg8[%swap3A_117, %swap3A_118], %swap3A_121 {strides = array<i32>} : memref<128x128xf32, #tpu.memory_space<vmem>>, vector<1x16xf32>,
          %slice3A_122 = vector.extract_strided_slice %get3A_77 {offsets = [4], sizes = [1], strides = [1]} : vector<16xf32> to vector<1xf32>
          %squeeze3A_123 = vector.extract %slice3A_122[0] : f32 from vector<1xf32>
          %broadcast_in_dim3A_124 = vector.broadcast %squeeze3A_123 : f32 to vector<16xf32>
          %mul3A_125 = arith.constant 16 : i32
          %mul3A_126 = arith.muli %scan3A_72, %mul3A_125 : i32
          %add3A_127 = arith.constant 4 : i32
          %add3A_128 = arith.addi %mul3A_126, %add3A_127 : i32
          %swap3A_129 = arith.index_cast %add3A_128 : i32 to index
          %swap3A_130 = arith.constant 0 : index
          %swap3A_131 = tpu.vector_load %arg8[%swap3A_129, %swap3A_130] {strides = array<i32>} : memref<128x128xf32, #tpu.memory_space<vmem>>, vector<1x16xf32>,
          %swap3A_132 = vector.shape_cast %swap3A_131 : vector<1x16xf32> to vector<16xf32>
          %swap3A_133 = vector.shape_cast %broadcast_in_dim3A_124 : vector<16xf32> to vector<1x16xf32>
          tpu.vector_store %arg8[%swap3A_129, %swap3A_130], %swap3A_133 {strides = array<i32>} : memref<128x128xf32, #tpu.memory_space<vmem>>, vector<1x16xf32>,
          %slice3A_134 = vector.extract_strided_slice %get3A_77 {offsets = [5], sizes = [1], strides = [1]} : vector<16xf32> to vector<1xf32>
          %squeeze3A_135 = vector.extract %slice3A_134[0] : f32 from vector<1xf32>
          %broadcast_in_dim3A_136 = vector.broadcast %squeeze3A_135 : f32 to vector<16xf32>
          %mul3A_137 = arith.constant 16 : i32
          %mul3A_138 = arith.muli %scan3A_72, %mul3A_137 : i32
          %add3A_139 = arith.constant 5 : i32
          %add3A_140 = arith.addi %mul3A_138, %add3A_139 : i32
          %swap3A_141 = arith.index_cast %add3A_140 : i32 to index
          %swap3A_142 = arith.constant 0 : index
          %swap3A_143 = tpu.vector_load %arg8[%swap3A_141, %swap3A_142] {strides = array<i32>} : memref<128x128xf32, #tpu.memory_space<vmem>>, vector<1x16xf32>,
          %swap3A_144 = vector.shape_cast %swap3A_143 : vector<1x16xf32> to vector<16xf32>
          %swap3A_145 = vector.shape_cast %broadcast_in_dim3A_136 : vector<16xf32> to vector<1x16xf32>
          tpu.vector_store %arg8[%swap3A_141, %swap3A_142], %swap3A_145 {strides = array<i32>} : memref<128x128xf32, #tpu.memory_space<vmem>>, vector<1x16xf32>,
          %slice3A_146 = vector.extract_strided_slice %get3A_77 {offsets = [6], sizes = [1], strides = [1]} : vector<16xf32> to vector<1xf32>
          %squeeze3A_147 = vector.extract %slice3A_146[0] : f32 from vector<1xf32>
          %broadcast_in_dim3A_148 = vector.broadcast %squeeze3A_147 : f32 to vector<16xf32>
          %mul3A_149 = arith.constant 16 : i32
          %mul3A_150 = arith.muli %scan3A_72, %mul3A_149 : i32
          %add3A_151 = arith.constant 6 : i32
          %add3A_152 = arith.addi %mul3A_150, %add3A_151 : i32
          %swap3A_153 = arith.index_cast %add3A_152 : i32 to index
          %swap3A_154 = arith.constant 0 : index
          %swap3A_155 = tpu.vector_load %arg8[%swap3A_153, %swap3A_154] {strides = array<i32>} : memref<128x128xf32, #tpu.memory_space<vmem>>, vector<1x16xf32>,
          %swap3A_156 = vector.shape_cast %swap3A_155 : vector<1x16xf32> to vector<16xf32>
          %swap3A_157 = vector.shape_cast %broadcast_in_dim3A_148 : vector<16xf32> to vector<1x16xf32>
          tpu.vector_store %arg8[%swap3A_153, %swap3A_154], %swap3A_157 {strides = array<i32>} : memref<128x128xf32, #tpu.memory_space<vmem>>, vector<1x16xf32>,
          %slice3A_158 = vector.extract_strided_slice %get3A_77 {offsets = [7], sizes = [1], strides = [1]} : vector<16xf32> to vector<1xf32>
          %squeeze3A_159 = vector.extract %slice3A_158[0] : f32 from vector<1xf32>
          %broadcast_in_dim3A_160 = vector.broadcast %squeeze3A_159 : f32 to vector<16xf32>
          %mul3A_161 = arith.constant 16 : i32
          %mul3A_162 = arith.muli %scan3A_72, %mul3A_161 : i32
          %add3A_163 = arith.constant 7 : i32
          %add3A_164 = arith.addi %mul3A_162, %add3A_163 : i32
          %swap3A_165 = arith.index_cast %add3A_164 : i32 to index
          %swap3A_166 = arith.constant 0 : index
          %swap3A_167 = tpu.vector_load %arg8[%swap3A_165, %swap3A_166] {strides = array<i32>} : memref<128x128xf32, #tpu.memory_space<vmem>>, vector<1x16xf32>,
          %swap3A_168 = vector.shape_cast %swap3A_167 : vector<1x16xf32> to vector<16xf32>
          %swap3A_169 = vector.shape_cast %broadcast_in_dim3A_160 : vector<16xf32> to vector<1x16xf32>
          tpu.vector_store %arg8[%swap3A_165, %swap3A_166], %swap3A_169 {strides = array<i32>} : memref<128x128xf32, #tpu.memory_space<vmem>>, vector<1x16xf32>,
          %slice3A_170 = vector.extract_strided_slice %get3A_77 {offsets = [8], sizes = [1], strides = [1]} : vector<16xf32> to vector<1xf32>
          %squeeze3A_171 = vector.extract %slice3A_170[0] : f32 from vector<1xf32>
          %broadcast_in_dim3A_172 = vector.broadcast %squeeze3A_171 : f32 to vector<16xf32>
          %mul3A_173 = arith.constant 16 : i32
          %mul3A_174 = arith.muli %scan3A_72, %mul3A_173 : i32
          %add3A_175 = arith.constant 8 : i32
          %add3A_176 = arith.addi %mul3A_174, %add3A_175 : i32
          %swap3A_177 = arith.index_cast %add3A_176 : i32 to index
          %swap3A_178 = arith.constant 0 : index
          %swap3A_179 = tpu.vector_load %arg8[%swap3A_177, %swap3A_178] {strides = array<i32>} : memref<128x128xf32, #tpu.memory_space<vmem>>, vector<1x16xf32>,
          %swap3A_180 = vector.shape_cast %swap3A_179 : vector<1x16xf32> to vector<16xf32>
          %swap3A_181 = vector.shape_cast %broadcast_in_dim3A_172 : vector<16xf32> to vector<1x16xf32>
          tpu.vector_store %arg8[%swap3A_177, %swap3A_178], %swap3A_181 {strides = array<i32>} : memref<128x128xf32, #tpu.memory_space<vmem>>, vector<1x16xf32>,
          %slice3A_182 = vector.extract_strided_slice %get3A_77 {offsets = [9], sizes = [1], strides = [1]} : vector<16xf32> to vector<1xf32>
          %squeeze3A_183 = vector.extract %slice3A_182[0] : f32 from vector<1xf32>
          %broadcast_in_dim3A_184 = vector.broadcast %squeeze3A_183 : f32 to vector<16xf32>
          %mul3A_185 = arith.constant 16 : i32
          %mul3A_186 = arith.muli %scan3A_72, %mul3A_185 : i32
          %add3A_187 = arith.constant 9 : i32
          %add3A_188 = arith.addi %mul3A_186, %add3A_187 : i32
          %swap3A_189 = arith.index_cast %add3A_188 : i32 to index
          %swap3A_190 = arith.constant 0 : index
          %swap3A_191 = tpu.vector_load %arg8[%swap3A_189, %swap3A_190] {strides = array<i32>} : memref<128x128xf32, #tpu.memory_space<vmem>>, vector<1x16xf32>,
          %swap3A_192 = vector.shape_cast %swap3A_191 : vector<1x16xf32> to vector<16xf32>
          %swap3A_193 = vector.shape_cast %broadcast_in_dim3A_184 : vector<16xf32> to vector<1x16xf32>
          tpu.vector_store %arg8[%swap3A_189, %swap3A_190], %swap3A_193 {strides = array<i32>} : memref<128x128xf32, #tpu.memory_space<vmem>>, vector<1x16xf32>,
          %slice3A_194 = vector.extract_strided_slice %get3A_77 {offsets = [10], sizes = [1], strides = [1]} : vector<16xf32> to vector<1xf32>
          %squeeze3A_195 = vector.extract %slice3A_194[0] : f32 from vector<1xf32>
          %broadcast_in_dim3A_196 = vector.broadcast %squeeze3A_195 : f32 to vector<16xf32>
          %mul3A_197 = arith.constant 16 : i32
          %mul3A_198 = arith.muli %scan3A_72, %mul3A_197 : i32
          %add3A_199 = arith.constant 10 : i32
          %add3A_200 = arith.addi %mul3A_198, %add3A_199 : i32
          %swap3A_201 = arith.index_cast %add3A_200 : i32 to index
          %swap3A_202 = arith.constant 0 : index
          %swap3A_203 = tpu.vector_load %arg8[%swap3A_201, %swap3A_202] {strides = array<i32>} : memref<128x128xf32, #tpu.memory_space<vmem>>, vector<1x16xf32>,
          %swap3A_204 = vector.shape_cast %swap3A_203 : vector<1x16xf32> to vector<16xf32>
          %swap3A_205 = vector.shape_cast %broadcast_in_dim3A_196 : vector<16xf32> to vector<1x16xf32>
          tpu.vector_store %arg8[%swap3A_201, %swap3A_202], %swap3A_205 {strides = array<i32>} : memref<128x128xf32, #tpu.memory_space<vmem>>, vector<1x16xf32>,
          %slice3A_206 = vector.extract_strided_slice %get3A_77 {offsets = [11], sizes = [1], strides = [1]} : vector<16xf32> to vector<1xf32>
          %squeeze3A_207 = vector.extract %slice3A_206[0] : f32 from vector<1xf32>
          %broadcast_in_dim3A_208 = vector.broadcast %squeeze3A_207 : f32 to vector<16xf32>
          %mul3A_209 = arith.constant 16 : i32
          %mul3A_210 = arith.muli %scan3A_72, %mul3A_209 : i32
          %add3A_211 = arith.constant 11 : i32
          %add3A_212 = arith.addi %mul3A_210, %add3A_211 : i32
          %swap3A_213 = arith.index_cast %add3A_212 : i32 to index
          %swap3A_214 = arith.constant 0 : index
          %swap3A_215 = tpu.vector_load %arg8[%swap3A_213, %swap3A_214] {strides = array<i32>} : memref<128x128xf32, #tpu.memory_space<vmem>>, vector<1x16xf32>,
          %swap3A_216 = vector.shape_cast %swap3A_215 : vector<1x16xf32> to vector<16xf32>
          %swap3A_217 = vector.shape_cast %broadcast_in_dim3A_208 : vector<16xf32> to vector<1x16xf32>
          tpu.vector_store %arg8[%swap3A_213, %swap3A_214], %swap3A_217 {strides = array<i32>} : memref<128x128xf32, #tpu.memory_space<vmem>>, vector<1x16xf32>,
          %slice3A_218 = vector.extract_strided_slice %get3A_77 {offsets = [12], sizes = [1], strides = [1]} : vector<16xf32> to vector<1xf32>
          %squeeze3A_219 = vector.extract %slice3A_218[0] : f32 from vector<1xf32>
          %broadcast_in_dim3A_220 = vector.broadcast %squeeze3A_219 : f32 to vector<16xf32>
          %mul3A_221 = arith.constant 16 : i32
          %mul3A_222 = arith.muli %scan3A_72, %mul3A_221 : i32
          %add3A_223 = arith.constant 12 : i32
          %add3A_224 = arith.addi %mul3A_222, %add3A_223 : i32
          %swap3A_225 = arith.index_cast %add3A_224 : i32 to index
          %swap3A_226 = arith.constant 0 : index
          %swap3A_227 = tpu.vector_load %arg8[%swap3A_225, %swap3A_226] {strides = array<i32>} : memref<128x128xf32, #tpu.memory_space<vmem>>, vector<1x16xf32>,
          %swap3A_228 = vector.shape_cast %swap3A_227 : vector<1x16xf32> to vector<16xf32>
          %swap3A_229 = vector.shape_cast %broadcast_in_dim3A_220 : vector<16xf32> to vector<1x16xf32>
          tpu.vector_store %arg8[%swap3A_225, %swap3A_226], %swap3A_229 {strides = array<i32>} : memref<128x128xf32, #tpu.memory_space<vmem>>, vector<1x16xf32>,
          %slice3A_230 = vector.extract_strided_slice %get3A_77 {offsets = [13], sizes = [1], strides = [1]} : vector<16xf32> to vector<1xf32>
          %squeeze3A_231 = vector.extract %slice3A_230[0] : f32 from vector<1xf32>
          %broadcast_in_dim3A_232 = vector.broadcast %squeeze3A_231 : f32 to vector<16xf32>
          %mul3A_233 = arith.constant 16 : i32
          %mul3A_234 = arith.muli %scan3A_72, %mul3A_233 : i32
          %add3A_235 = arith.constant 13 : i32
          %add3A_236 = arith.addi %mul3A_234, %add3A_235 : i32
          %swap3A_237 = arith.index_cast %add3A_236 : i32 to index
          %swap3A_238 = arith.constant 0 : index
          %swap3A_239 = tpu.vector_load %arg8[%swap3A_237, %swap3A_238] {strides = array<i32>} : memref<128x128xf32, #tpu.memory_space<vmem>>, vector<1x16xf32>,
          %swap3A_240 = vector.shape_cast %swap3A_239 : vector<1x16xf32> to vector<16xf32>
          %swap3A_241 = vector.shape_cast %broadcast_in_dim3A_232 : vector<16xf32> to vector<1x16xf32>
          tpu.vector_store %arg8[%swap3A_237, %swap3A_238], %swap3A_241 {strides = array<i32>} : memref<128x128xf32, #tpu.memory_space<vmem>>, vector<1x16xf32>,
          %slice3A_242 = vector.extract_strided_slice %get3A_77 {offsets = [14], sizes = [1], strides = [1]} : vector<16xf32> to vector<1xf32>
          %squeeze3A_243 = vector.extract %slice3A_242[0] : f32 from vector<1xf32>
          %broadcast_in_dim3A_244 = vector.broadcast %squeeze3A_243 : f32 to vector<16xf32>
          %mul3A_245 = arith.constant 16 : i32
          %mul3A_246 = arith.muli %scan3A_72, %mul3A_245 : i32
          %add3A_247 = arith.constant 14 : i32
          %add3A_248 = arith.addi %mul3A_246, %add3A_247 : i32
          %swap3A_249 = arith.index_cast %add3A_248 : i32 to index
          %swap3A_250 = arith.constant 0 : index
          %swap3A_251 = tpu.vector_load %arg8[%swap3A_249, %swap3A_250] {strides = array<i32>} : memref<128x128xf32, #tpu.memory_space<vmem>>, vector<1x16xf32>,
          %swap3A_252 = vector.shape_cast %swap3A_251 : vector<1x16xf32> to vector<16xf32>
          %swap3A_253 = vector.shape_cast %broadcast_in_dim3A_244 : vector<16xf32> to vector<1x16xf32>
          tpu.vector_store %arg8[%swap3A_249, %swap3A_250], %swap3A_253 {strides = array<i32>} : memref<128x128xf32, #tpu.memory_space<vmem>>, vector<1x16xf32>,
          %slice3A_254 = vector.extract_strided_slice %get3A_77 {offsets = [15], sizes = [1], strides = [1]} : vector<16xf32> to vector<1xf32>
          %squeeze3A_255 = vector.extract %slice3A_254[0] : f32 from vector<1xf32>
          %broadcast_in_dim3A_256 = vector.broadcast %squeeze3A_255 : f32 to vector<16xf32>
          %mul3A_257 = arith.constant 16 : i32
          %mul3A_258 = arith.muli %scan3A_72, %mul3A_257 : i32
          %add3A_259 = arith.constant 15 : i32
          %add3A_260 = arith.addi %mul3A_258, %add3A_259 : i32
          %swap3A_261 = arith.index_cast %add3A_260 : i32 to index
          %swap3A_262 = arith.constant 0 : index
          %swap3A_263 = tpu.vector_load %arg8[%swap3A_261, %swap3A_262] {strides = array<i32>} : memref<128x128xf32, #tpu.memory_space<vmem>>, vector<1x16xf32>,
          %swap3A_264 = vector.shape_cast %swap3A_263 : vector<1x16xf32> to vector<16xf32>
          %swap3A_265 = vector.shape_cast %broadcast_in_dim3A_256 : vector<16xf32> to vector<1x16xf32>
          tpu.vector_store %arg8[%swap3A_261, %swap3A_262], %swap3A_265 {strides = array<i32>} : memref<128x128xf32, #tpu.memory_space<vmem>>, vector<1x16xf32>,
        }
        %scan3A_71 = arith.constant 8 : i32
      } else {
      }
      %dma_wait3A_58 = arith.constant 0 : i32
      %dma_wait3A_59 = tpu.memref_slice %arg6[%add3A_33, %dma_wait3A_58] : memref<35x128xi32, #tpu.memory_space<vmem>> -> memref<1x128xi32, #tpu.memory_space<vmem>>
      %dma_wait3A_60 = tpu.memref_squeeze %dma_wait3A_59 : memref<1x128xi32, #tpu.memory_space<vmem>> -> memref<128xi32, #tpu.memory_space<vmem>>
      %dma_wait3A_61 = arith.constant 0 : i32
      %dma_wait3A_62 = arith.constant 0 : i32
      %dma_wait3A_63 = tpu.memref_slice %arg10[%dma_wait3A_61, %dma_wait3A_62] : memref<7168x128xf32, #tpu.memory_space<vmem_shared>> -> memref<7168x128xf32, #tpu.memory_space<vmem_shared>>
      tpu.wait_indirect_dma semaphore(%arg11 : memref<!tpu.dma_semaphore, #tpu.memory_space<semaphore_mem>>) src(%arg9 : memref<128x128xf32, #tpu.memory_space<vmem>>) dst(%dma_wait3A_63 : memref<7168x128xf32, #tpu.memory_space<vmem_shared>>)
    }
    %scan3A_19 = arith.constant 17 : i32
    %scan3A_20 = arith.constant 0 : i32
    %scan3A_21 = arith.constant 0 : i32
    %scan3A_22 = arith.constant 8 : i32
    %scan3A_23 = arith.addi %scan3A_21, %scan3A_22 : i32
    %scan3A_24 = arith.constant 1 : i32
    scf.for %scan3A_27 = %scan3A_21 to %scan3A_23 step %scan3A_24  : i32 {
      %mul3A_28 = arith.constant 16 : i32
      %mul3A_29 = arith.muli %scan3A_27, %mul3A_28 : i32
      %get3A = arith.constant 34 : i32
      %get3A_30 = arith.index_cast %get3A : i32 to index
      %get3A_31 = arith.index_cast %mul3A_29 : i32 to index
      %get3A_32 = tpu.vector_load %arg7[%get3A_30, %get3A_31] {strides = array<i32>} : memref<35x128xf32, #tpu.memory_space<vmem>>, vector<1x16xf32>,
      %get3A_33 = vector.shape_cast %get3A_32 : vector<1x16xf32> to vector<16xf32>
      %slice3A = vector.extract_strided_slice %get3A_33 {offsets = [0], sizes = [1], strides = [1]} : vector<16xf32> to vector<1xf32>
      %squeeze3A = vector.extract %slice3A[0] : f32 from vector<1xf32>
      %broadcast_in_dim3A = vector.broadcast %squeeze3A : f32 to vector<16xf32>
      %mul3A_34 = arith.constant 16 : i32
      %mul3A_35 = arith.muli %scan3A_27, %mul3A_34 : i32
      %add3A_36 = arith.constant 0 : i32
      %add3A_37 = arith.addi %mul3A_35, %add3A_36 : i32
      %swap3A = arith.index_cast %add3A_37 : i32 to index
      %swap3A_38 = arith.constant 0 : index
      %swap3A_39 = tpu.vector_load %arg8[%swap3A, %swap3A_38] {strides = array<i32>} : memref<128x128xf32, #tpu.memory_space<vmem>>, vector<1x16xf32>,
      %swap3A_40 = vector.shape_cast %swap3A_39 : vector<1x16xf32> to vector<16xf32>
      %swap3A_41 = vector.shape_cast %broadcast_in_dim3A : vector<16xf32> to vector<1x16xf32>
      tpu.vector_store %arg8[%swap3A, %swap3A_38], %swap3A_41 {strides = array<i32>} : memref<128x128xf32, #tpu.memory_space<vmem>>, vector<1x16xf32>,
      %slice3A_42 = vector.extract_strided_slice %get3A_33 {offsets = [1], sizes = [1], strides = [1]} : vector<16xf32> to vector<1xf32>
      %squeeze3A_43 = vector.extract %slice3A_42[0] : f32 from vector<1xf32>
      %broadcast_in_dim3A_44 = vector.broadcast %squeeze3A_43 : f32 to vector<16xf32>
      %mul3A_45 = arith.constant 16 : i32
      %mul3A_46 = arith.muli %scan3A_27, %mul3A_45 : i32
      %add3A_47 = arith.constant 1 : i32
      %add3A_48 = arith.addi %mul3A_46, %add3A_47 : i32
      %swap3A_49 = arith.index_cast %add3A_48 : i32 to index
      %swap3A_50 = arith.constant 0 : index
      %swap3A_51 = tpu.vector_load %arg8[%swap3A_49, %swap3A_50] {strides = array<i32>} : memref<128x128xf32, #tpu.memory_space<vmem>>, vector<1x16xf32>,
      %swap3A_52 = vector.shape_cast %swap3A_51 : vector<1x16xf32> to vector<16xf32>
      %swap3A_53 = vector.shape_cast %broadcast_in_dim3A_44 : vector<16xf32> to vector<1x16xf32>
      tpu.vector_store %arg8[%swap3A_49, %swap3A_50], %swap3A_53 {strides = array<i32>} : memref<128x128xf32, #tpu.memory_space<vmem>>, vector<1x16xf32>,
      %slice3A_54 = vector.extract_strided_slice %get3A_33 {offsets = [2], sizes = [1], strides = [1]} : vector<16xf32> to vector<1xf32>
      %squeeze3A_55 = vector.extract %slice3A_54[0] : f32 from vector<1xf32>
      %broadcast_in_dim3A_56 = vector.broadcast %squeeze3A_55 : f32 to vector<16xf32>
      %mul3A_57 = arith.constant 16 : i32
      %mul3A_58 = arith.muli %scan3A_27, %mul3A_57 : i32
      %add3A_59 = arith.constant 2 : i32
      %add3A_60 = arith.addi %mul3A_58, %add3A_59 : i32
      %swap3A_61 = arith.index_cast %add3A_60 : i32 to index
      %swap3A_62 = arith.constant 0 : index
      %swap3A_63 = tpu.vector_load %arg8[%swap3A_61, %swap3A_62] {strides = array<i32>} : memref<128x128xf32, #tpu.memory_space<vmem>>, vector<1x16xf32>,
      %swap3A_64 = vector.shape_cast %swap3A_63 : vector<1x16xf32> to vector<16xf32>
      %swap3A_65 = vector.shape_cast %broadcast_in_dim3A_56 : vector<16xf32> to vector<1x16xf32>
      tpu.vector_store %arg8[%swap3A_61, %swap3A_62], %swap3A_65 {strides = array<i32>} : memref<128x128xf32, #tpu.memory_space<vmem>>, vector<1x16xf32>,
      %slice3A_66 = vector.extract_strided_slice %get3A_33 {offsets = [3], sizes = [1], strides = [1]} : vector<16xf32> to vector<1xf32>
      %squeeze3A_67 = vector.extract %slice3A_66[0] : f32 from vector<1xf32>
      %broadcast_in_dim3A_68 = vector.broadcast %squeeze3A_67 : f32 to vector<16xf32>
      %mul3A_69 = arith.constant 16 : i32
      %mul3A_70 = arith.muli %scan3A_27, %mul3A_69 : i32
      %add3A_71 = arith.constant 3 : i32
      %add3A_72 = arith.addi %mul3A_70, %add3A_71 : i32
      %swap3A_73 = arith.index_cast %add3A_72 : i32 to index
      %swap3A_74 = arith.constant 0 : index
      %swap3A_75 = tpu.vector_load %arg8[%swap3A_73, %swap3A_74] {strides = array<i32>} : memref<128x128xf32, #tpu.memory_space<vmem>>, vector<1x16xf32>,
      %swap3A_76 = vector.shape_cast %swap3A_75 : vector<1x16xf32> to vector<16xf32>
      %swap3A_77 = vector.shape_cast %broadcast_in_dim3A_68 : vector<16xf32> to vector<1x16xf32>
      tpu.vector_store %arg8[%swap3A_73, %swap3A_74], %swap3A_77 {strides = array<i32>} : memref<128x128xf32, #tpu.memory_space<vmem>>, vector<1x16xf32>,
      %slice3A_78 = vector.extract_strided_slice %get3A_33 {offsets = [4], sizes = [1], strides = [1]} : vector<16xf32> to vector<1xf32>
      %squeeze3A_79 = vector.extract %slice3A_78[0] : f32 from vector<1xf32>
      %broadcast_in_dim3A_80 = vector.broadcast %squeeze3A_79 : f32 to vector<16xf32>
      %mul3A_81 = arith.constant 16 : i32
      %mul3A_82 = arith.muli %scan3A_27, %mul3A_81 : i32
      %add3A_83 = arith.constant 4 : i32
      %add3A_84 = arith.addi %mul3A_82, %add3A_83 : i32
      %swap3A_85 = arith.index_cast %add3A_84 : i32 to index
      %swap3A_86 = arith.constant 0 : index
      %swap3A_87 = tpu.vector_load %arg8[%swap3A_85, %swap3A_86] {strides = array<i32>} : memref<128x128xf32, #tpu.memory_space<vmem>>, vector<1x16xf32>,
      %swap3A_88 = vector.shape_cast %swap3A_87 : vector<1x16xf32> to vector<16xf32>
      %swap3A_89 = vector.shape_cast %broadcast_in_dim3A_80 : vector<16xf32> to vector<1x16xf32>
      tpu.vector_store %arg8[%swap3A_85, %swap3A_86], %swap3A_89 {strides = array<i32>} : memref<128x128xf32, #tpu.memory_space<vmem>>, vector<1x16xf32>,
      %slice3A_90 = vector.extract_strided_slice %get3A_33 {offsets = [5], sizes = [1], strides = [1]} : vector<16xf32> to vector<1xf32>
      %squeeze3A_91 = vector.extract %slice3A_90[0] : f32 from vector<1xf32>
      %broadcast_in_dim3A_92 = vector.broadcast %squeeze3A_91 : f32 to vector<16xf32>
      %mul3A_93 = arith.constant 16 : i32
      %mul3A_94 = arith.muli %scan3A_27, %mul3A_93 : i32
      %add3A_95 = arith.constant 5 : i32
      %add3A_96 = arith.addi %mul3A_94, %add3A_95 : i32
      %swap3A_97 = arith.index_cast %add3A_96 : i32 to index
      %swap3A_98 = arith.constant 0 : index
      %swap3A_99 = tpu.vector_load %arg8[%swap3A_97, %swap3A_98] {strides = array<i32>} : memref<128x128xf32, #tpu.memory_space<vmem>>, vector<1x16xf32>,
      %swap3A_100 = vector.shape_cast %swap3A_99 : vector<1x16xf32> to vector<16xf32>
      %swap3A_101 = vector.shape_cast %broadcast_in_dim3A_92 : vector<16xf32> to vector<1x16xf32>
      tpu.vector_store %arg8[%swap3A_97, %swap3A_98], %swap3A_101 {strides = array<i32>} : memref<128x128xf32, #tpu.memory_space<vmem>>, vector<1x16xf32>,
      %slice3A_102 = vector.extract_strided_slice %get3A_33 {offsets = [6], sizes = [1], strides = [1]} : vector<16xf32> to vector<1xf32>
      %squeeze3A_103 = vector.extract %slice3A_102[0] : f32 from vector<1xf32>
      %broadcast_in_dim3A_104 = vector.broadcast %squeeze3A_103 : f32 to vector<16xf32>
      %mul3A_105 = arith.constant 16 : i32
      %mul3A_106 = arith.muli %scan3A_27, %mul3A_105 : i32
      %add3A_107 = arith.constant 6 : i32
      %add3A_108 = arith.addi %mul3A_106, %add3A_107 : i32
      %swap3A_109 = arith.index_cast %add3A_108 : i32 to index
      %swap3A_110 = arith.constant 0 : index
      %swap3A_111 = tpu.vector_load %arg8[%swap3A_109, %swap3A_110] {strides = array<i32>} : memref<128x128xf32, #tpu.memory_space<vmem>>, vector<1x16xf32>,
      %swap3A_112 = vector.shape_cast %swap3A_111 : vector<1x16xf32> to vector<16xf32>
      %swap3A_113 = vector.shape_cast %broadcast_in_dim3A_104 : vector<16xf32> to vector<1x16xf32>
      tpu.vector_store %arg8[%swap3A_109, %swap3A_110], %swap3A_113 {strides = array<i32>} : memref<128x128xf32, #tpu.memory_space<vmem>>, vector<1x16xf32>,
      %slice3A_114 = vector.extract_strided_slice %get3A_33 {offsets = [7], sizes = [1], strides = [1]} : vector<16xf32> to vector<1xf32>
      %squeeze3A_115 = vector.extract %slice3A_114[0] : f32 from vector<1xf32>
      %broadcast_in_dim3A_116 = vector.broadcast %squeeze3A_115 : f32 to vector<16xf32>
      %mul3A_117 = arith.constant 16 : i32
      %mul3A_118 = arith.muli %scan3A_27, %mul3A_117 : i32
      %add3A_119 = arith.constant 7 : i32
      %add3A_120 = arith.addi %mul3A_118, %add3A_119 : i32
      %swap3A_121 = arith.index_cast %add3A_120 : i32 to index
      %swap3A_122 = arith.constant 0 : index
      %swap3A_123 = tpu.vector_load %arg8[%swap3A_121, %swap3A_122] {strides = array<i32>} : memref<128x128xf32, #tpu.memory_space<vmem>>, vector<1x16xf32>,
      %swap3A_124 = vector.shape_cast %swap3A_123 : vector<1x16xf32> to vector<16xf32>
      %swap3A_125 = vector.shape_cast %broadcast_in_dim3A_116 : vector<16xf32> to vector<1x16xf32>
      tpu.vector_store %arg8[%swap3A_121, %swap3A_122], %swap3A_125 {strides = array<i32>} : memref<128x128xf32, #tpu.memory_space<vmem>>, vector<1x16xf32>,
      %slice3A_126 = vector.extract_strided_slice %get3A_33 {offsets = [8], sizes = [1], strides = [1]} : vector<16xf32> to vector<1xf32>
      %squeeze3A_127 = vector.extract %slice3A_126[0] : f32 from vector<1xf32>
      %broadcast_in_dim3A_128 = vector.broadcast %squeeze3A_127 : f32 to vector<16xf32>
      %mul3A_129 = arith.constant 16 : i32
      %mul3A_130 = arith.muli %scan3A_27, %mul3A_129 : i32
      %add3A_131 = arith.constant 8 : i32
      %add3A_132 = arith.addi %mul3A_130, %add3A_131 : i32
      %swap3A_133 = arith.index_cast %add3A_132 : i32 to index
      %swap3A_134 = arith.constant 0 : index
      %swap3A_135 = tpu.vector_load %arg8[%swap3A_133, %swap3A_134] {strides = array<i32>} : memref<128x128xf32, #tpu.memory_space<vmem>>, vector<1x16xf32>,
      %swap3A_136 = vector.shape_cast %swap3A_135 : vector<1x16xf32> to vector<16xf32>
      %swap3A_137 = vector.shape_cast %broadcast_in_dim3A_128 : vector<16xf32> to vector<1x16xf32>
      tpu.vector_store %arg8[%swap3A_133, %swap3A_134], %swap3A_137 {strides = array<i32>} : memref<128x128xf32, #tpu.memory_space<vmem>>, vector<1x16xf32>,
      %slice3A_138 = vector.extract_strided_slice %get3A_33 {offsets = [9], sizes = [1], strides = [1]} : vector<16xf32> to vector<1xf32>
      %squeeze3A_139 = vector.extract %slice3A_138[0] : f32 from vector<1xf32>
      %broadcast_in_dim3A_140 = vector.broadcast %squeeze3A_139 : f32 to vector<16xf32>
      %mul3A_141 = arith.constant 16 : i32
      %mul3A_142 = arith.muli %scan3A_27, %mul3A_141 : i32
      %add3A_143 = arith.constant 9 : i32
      %add3A_144 = arith.addi %mul3A_142, %add3A_143 : i32
      %swap3A_145 = arith.index_cast %add3A_144 : i32 to index
      %swap3A_146 = arith.constant 0 : index
      %swap3A_147 = tpu.vector_load %arg8[%swap3A_145, %swap3A_146] {strides = array<i32>} : memref<128x128xf32, #tpu.memory_space<vmem>>, vector<1x16xf32>,
      %swap3A_148 = vector.shape_cast %swap3A_147 : vector<1x16xf32> to vector<16xf32>
      %swap3A_149 = vector.shape_cast %broadcast_in_dim3A_140 : vector<16xf32> to vector<1x16xf32>
      tpu.vector_store %arg8[%swap3A_145, %swap3A_146], %swap3A_149 {strides = array<i32>} : memref<128x128xf32, #tpu.memory_space<vmem>>, vector<1x16xf32>,
      %slice3A_150 = vector.extract_strided_slice %get3A_33 {offsets = [10], sizes = [1], strides = [1]} : vector<16xf32> to vector<1xf32>
      %squeeze3A_151 = vector.extract %slice3A_150[0] : f32 from vector<1xf32>
      %broadcast_in_dim3A_152 = vector.broadcast %squeeze3A_151 : f32 to vector<16xf32>
      %mul3A_153 = arith.constant 16 : i32
      %mul3A_154 = arith.muli %scan3A_27, %mul3A_153 : i32
      %add3A_155 = arith.constant 10 : i32
      %add3A_156 = arith.addi %mul3A_154, %add3A_155 : i32
      %swap3A_157 = arith.index_cast %add3A_156 : i32 to index
      %swap3A_158 = arith.constant 0 : index
      %swap3A_159 = tpu.vector_load %arg8[%swap3A_157, %swap3A_158] {strides = array<i32>} : memref<128x128xf32, #tpu.memory_space<vmem>>, vector<1x16xf32>,
      %swap3A_160 = vector.shape_cast %swap3A_159 : vector<1x16xf32> to vector<16xf32>
      %swap3A_161 = vector.shape_cast %broadcast_in_dim3A_152 : vector<16xf32> to vector<1x16xf32>
      tpu.vector_store %arg8[%swap3A_157, %swap3A_158], %swap3A_161 {strides = array<i32>} : memref<128x128xf32, #tpu.memory_space<vmem>>, vector<1x16xf32>,
      %slice3A_162 = vector.extract_strided_slice %get3A_33 {offsets = [11], sizes = [1], strides = [1]} : vector<16xf32> to vector<1xf32>
      %squeeze3A_163 = vector.extract %slice3A_162[0] : f32 from vector<1xf32>
      %broadcast_in_dim3A_164 = vector.broadcast %squeeze3A_163 : f32 to vector<16xf32>
      %mul3A_165 = arith.constant 16 : i32
      %mul3A_166 = arith.muli %scan3A_27, %mul3A_165 : i32
      %add3A_167 = arith.constant 11 : i32
      %add3A_168 = arith.addi %mul3A_166, %add3A_167 : i32
      %swap3A_169 = arith.index_cast %add3A_168 : i32 to index
      %swap3A_170 = arith.constant 0 : index
      %swap3A_171 = tpu.vector_load %arg8[%swap3A_169, %swap3A_170] {strides = array<i32>} : memref<128x128xf32, #tpu.memory_space<vmem>>, vector<1x16xf32>,
      %swap3A_172 = vector.shape_cast %swap3A_171 : vector<1x16xf32> to vector<16xf32>
      %swap3A_173 = vector.shape_cast %broadcast_in_dim3A_164 : vector<16xf32> to vector<1x16xf32>
      tpu.vector_store %arg8[%swap3A_169, %swap3A_170], %swap3A_173 {strides = array<i32>} : memref<128x128xf32, #tpu.memory_space<vmem>>, vector<1x16xf32>,
      %slice3A_174 = vector.extract_strided_slice %get3A_33 {offsets = [12], sizes = [1], strides = [1]} : vector<16xf32> to vector<1xf32>
      %squeeze3A_175 = vector.extract %slice3A_174[0] : f32 from vector<1xf32>
      %broadcast_in_dim3A_176 = vector.broadcast %squeeze3A_175 : f32 to vector<16xf32>
      %mul3A_177 = arith.constant 16 : i32
      %mul3A_178 = arith.muli %scan3A_27, %mul3A_177 : i32
      %add3A_179 = arith.constant 12 : i32
      %add3A_180 = arith.addi %mul3A_178, %add3A_179 : i32
      %swap3A_181 = arith.index_cast %add3A_180 : i32 to index
      %swap3A_182 = arith.constant 0 : index
      %swap3A_183 = tpu.vector_load %arg8[%swap3A_181, %swap3A_182] {strides = array<i32>} : memref<128x128xf32, #tpu.memory_space<vmem>>, vector<1x16xf32>,
      %swap3A_184 = vector.shape_cast %swap3A_183 : vector<1x16xf32> to vector<16xf32>
      %swap3A_185 = vector.shape_cast %broadcast_in_dim3A_176 : vector<16xf32> to vector<1x16xf32>
      tpu.vector_store %arg8[%swap3A_181, %swap3A_182], %swap3A_185 {strides = array<i32>} : memref<128x128xf32, #tpu.memory_space<vmem>>, vector<1x16xf32>,
      %slice3A_186 = vector.extract_strided_slice %get3A_33 {offsets = [13], sizes = [1], strides = [1]} : vector<16xf32> to vector<1xf32>
      %squeeze3A_187 = vector.extract %slice3A_186[0] : f32 from vector<1xf32>
      %broadcast_in_dim3A_188 = vector.broadcast %squeeze3A_187 : f32 to vector<16xf32>
      %mul3A_189 = arith.constant 16 : i32
      %mul3A_190 = arith.muli %scan3A_27, %mul3A_189 : i32
      %add3A_191 = arith.constant 13 : i32
      %add3A_192 = arith.addi %mul3A_190, %add3A_191 : i32
      %swap3A_193 = arith.index_cast %add3A_192 : i32 to index
      %swap3A_194 = arith.constant 0 : index
      %swap3A_195 = tpu.vector_load %arg8[%swap3A_193, %swap3A_194] {strides = array<i32>} : memref<128x128xf32, #tpu.memory_space<vmem>>, vector<1x16xf32>,
      %swap3A_196 = vector.shape_cast %swap3A_195 : vector<1x16xf32> to vector<16xf32>
      %swap3A_197 = vector.shape_cast %broadcast_in_dim3A_188 : vector<16xf32> to vector<1x16xf32>
      tpu.vector_store %arg8[%swap3A_193, %swap3A_194], %swap3A_197 {strides = array<i32>} : memref<128x128xf32, #tpu.memory_space<vmem>>, vector<1x16xf32>,
      %slice3A_198 = vector.extract_strided_slice %get3A_33 {offsets = [14], sizes = [1], strides = [1]} : vector<16xf32> to vector<1xf32>
      %squeeze3A_199 = vector.extract %slice3A_198[0] : f32 from vector<1xf32>
      %broadcast_in_dim3A_200 = vector.broadcast %squeeze3A_199 : f32 to vector<16xf32>
      %mul3A_201 = arith.constant 16 : i32
      %mul3A_202 = arith.muli %scan3A_27, %mul3A_201 : i32
      %add3A_203 = arith.constant 14 : i32
      %add3A_204 = arith.addi %mul3A_202, %add3A_203 : i32
      %swap3A_205 = arith.index_cast %add3A_204 : i32 to index
      %swap3A_206 = arith.constant 0 : index
      %swap3A_207 = tpu.vector_load %arg8[%swap3A_205, %swap3A_206] {strides = array<i32>} : memref<128x128xf32, #tpu.memory_space<vmem>>, vector<1x16xf32>,
      %swap3A_208 = vector.shape_cast %swap3A_207 : vector<1x16xf32> to vector<16xf32>
      %swap3A_209 = vector.shape_cast %broadcast_in_dim3A_200 : vector<16xf32> to vector<1x16xf32>
      tpu.vector_store %arg8[%swap3A_205, %swap3A_206], %swap3A_209 {strides = array<i32>} : memref<128x128xf32, #tpu.memory_space<vmem>>, vector<1x16xf32>,
      %slice3A_210 = vector.extract_strided_slice %get3A_33 {offsets = [15], sizes = [1], strides = [1]} : vector<16xf32> to vector<1xf32>
      %squeeze3A_211 = vector.extract %slice3A_210[0] : f32 from vector<1xf32>
      %broadcast_in_dim3A_212 = vector.broadcast %squeeze3A_211 : f32 to vector<16xf32>
      %mul3A_213 = arith.constant 16 : i32
      %mul3A_214 = arith.muli %scan3A_27, %mul3A_213 : i32
      %add3A_215 = arith.constant 15 : i32
      %add3A_216 = arith.addi %mul3A_214, %add3A_215 : i32
      %swap3A_217 = arith.index_cast %add3A_216 : i32 to index
      %swap3A_218 = arith.constant 0 : index
      %swap3A_219 = tpu.vector_load %arg8[%swap3A_217, %swap3A_218] {strides = array<i32>} : memref<128x128xf32, #tpu.memory_space<vmem>>, vector<1x16xf32>,
      %swap3A_220 = vector.shape_cast %swap3A_219 : vector<1x16xf32> to vector<16xf32>
      %swap3A_221 = vector.shape_cast %broadcast_in_dim3A_212 : vector<16xf32> to vector<1x16xf32>
      tpu.vector_store %arg8[%swap3A_217, %swap3A_218], %swap3A_221 {strides = array<i32>} : memref<128x128xf32, #tpu.memory_space<vmem>>, vector<1x16xf32>,
    }
    %scan3A_25 = arith.constant 8 : i32
    %run_scoped3A = arith.constant 34 : i32
    "tpu.region"() ({
      %run_scoped3A_27 = tpu.sem_alloc : memref<!tpu.dma_semaphore, #tpu.memory_space<semaphore_mem>>
      %dma_start3A = arith.constant 0 : i32
      %dma_start3A_28 = tpu.memref_slice %arg6[%run_scoped3A, %dma_start3A] : memref<35x128xi32, #tpu.memory_space<vmem>> -> memref<1x128xi32, #tpu.memory_space<vmem>>
      %dma_start3A_29 = tpu.memref_squeeze %dma_start3A_28 : memref<1x128xi32, #tpu.memory_space<vmem>> -> memref<128xi32, #tpu.memory_space<vmem>>
      %dma_start3A_30 = arith.constant 0 : i32
      %dma_start3A_31 = arith.constant 0 : i32
      %dma_start3A_32 = tpu.memref_slice %arg10[%dma_start3A_30, %dma_start3A_31] : memref<7168x128xf32, #tpu.memory_space<vmem_shared>> -> memref<7168x128xf32, #tpu.memory_space<vmem_shared>>
      tpu.enqueue_indirect_dma source(%arg8 : memref<128x128xf32, #tpu.memory_space<vmem>>) target(%dma_start3A_32 : memref<7168x128xf32, #tpu.memory_space<vmem_shared>>) offsets(%dma_start3A_29 : memref<128xi32, #tpu.memory_space<vmem>>) semaphore(%run_scoped3A_27 : memref<!tpu.dma_semaphore, #tpu.memory_space<semaphore_mem>>) {add = true}
      %dma_wait3A = arith.constant 0 : i32
      %dma_wait3A_33 = tpu.memref_slice %arg6[%run_scoped3A, %dma_wait3A] : memref<35x128xi32, #tpu.memory_space<vmem>> -> memref<1x128xi32, #tpu.memory_space<vmem>>
      %dma_wait3A_34 = tpu.memref_squeeze %dma_wait3A_33 : memref<1x128xi32, #tpu.memory_space<vmem>> -> memref<128xi32, #tpu.memory_space<vmem>>
      %dma_wait3A_35 = arith.constant 0 : i32
      %dma_wait3A_36 = arith.constant 0 : i32
      %dma_wait3A_37 = tpu.memref_slice %arg10[%dma_wait3A_35, %dma_wait3A_36] : memref<7168x128xf32, #tpu.memory_space<vmem_shared>> -> memref<7168x128xf32, #tpu.memory_space<vmem_shared>>
      tpu.wait_indirect_dma semaphore(%run_scoped3A_27 : memref<!tpu.dma_semaphore, #tpu.memory_space<semaphore_mem>>) src(%arg8 : memref<128x128xf32, #tpu.memory_space<vmem>>) dst(%dma_wait3A_37 : memref<7168x128xf32, #tpu.memory_space<vmem_shared>>)
      tpu.yield
    }) : () -> ()
    %barrier3A_26 = arith.constant 0 : index
    tpu.barrier barrier_id(%barrier3A_26)
    "tpu.region"() ({
      %run_scoped3A_27 = tpu.sem_alloc : memref<!tpu.dma_semaphore, #tpu.memory_space<semaphore_mem>>
      %dma_start3A = arith.constant 0 : i32
      %dma_start3A_28 = tpu.memref_slice %arg5[%arg0, %multiple_of3A, %dma_start3A] : memref<2x7168x128xf32, #tpu.memory_space<hbm>> -> memref<1x448x128xf32, #tpu.memory_space<hbm>>
      %dma_start3A_29 = tpu.memref_squeeze %dma_start3A_28 : memref<1x448x128xf32, #tpu.memory_space<hbm>> -> memref<448x128xf32, #tpu.memory_space<hbm>>
      %dma_start3A_30 = arith.constant 0 : i32
      %dma_start3A_31 = tpu.memref_slice %arg10[%multiple_of3A, %dma_start3A_30] : memref<7168x128xf32, #tpu.memory_space<vmem_shared>> -> memref<448x128xf32, #tpu.memory_space<vmem_shared>>
      tpu.enqueue_dma source(%dma_start3A_31 : memref<448x128xf32, #tpu.memory_space<vmem_shared>>) target(%dma_start3A_29 : memref<448x128xf32, #tpu.memory_space<hbm>>) target_semaphore(%run_scoped3A_27 : memref<!tpu.dma_semaphore, #tpu.memory_space<semaphore_mem>>)
      %dma_wait3A = arith.constant 0 : i32
      %dma_wait3A_32 = tpu.memref_slice %arg5[%arg0, %multiple_of3A, %dma_wait3A] : memref<2x7168x128xf32, #tpu.memory_space<hbm>> -> memref<1x448x128xf32, #tpu.memory_space<hbm>>
      %dma_wait3A_33 = tpu.memref_squeeze %dma_wait3A_32 : memref<1x448x128xf32, #tpu.memory_space<hbm>> -> memref<448x128xf32, #tpu.memory_space<hbm>>
      %dma_wait3A_34 = arith.constant 0 : i32
      %dma_wait3A_35 = tpu.memref_slice %arg10[%multiple_of3A, %dma_wait3A_34] : memref<7168x128xf32, #tpu.memory_space<vmem_shared>> -> memref<448x128xf32, #tpu.memory_space<vmem_shared>>
      tpu.wait_dma2 semaphore(%run_scoped3A_27 : memref<!tpu.dma_semaphore, #tpu.memory_space<semaphore_mem>>) src(%dma_wait3A_35 : memref<448x128xf32, #tpu.memory_space<vmem_shared>>) dst(%dma_wait3A_33 : memref<448x128xf32, #tpu.memory_space<hbm>>)
      tpu.yield
    }) : () -> ()
    return
  }
}

#map = affine_map<(d0, d1) -> (0)>
#map1 = affine_map<(d0, d1) -> (0, 0)>
#map2 = affine_map<(d0, d1) -> (0, 0, 0)>
module attributes {stable_mosaic.version = 14 : i64} {
  func.func @_sc_agg_body(%arg0: i32, %arg1: i32, %arg2: memref<143360xi32, #tpu.memory_space<hbm>>, %arg3: memref<143360xi32, #tpu.memory_space<hbm>>, %arg4: memref<143360xf32, #tpu.memory_space<hbm>>, %arg5: memref<7168x128xf32, #tpu.memory_space<hbm>>, %arg6: memref<7168x128xf32, #tpu.memory_space<hbm>>, %arg7: memref<2x7168x128xf32, #tpu.memory_space<hbm>>, %arg8: memref<128xi32, #tpu.memory_space<vmem>>, %arg9: memref<128xi32, #tpu.memory_space<vmem>>, %arg10: memref<128xf32, #tpu.memory_space<vmem>>, %arg11: memref<128x128xf32, #tpu.memory_space<vmem>>, %arg12: memref<7168x128xf32, #tpu.memory_space<vmem_shared>>) attributes {dimension_semantics = [#tpu.dimension_semantics<core_parallel>, #tpu.dimension_semantics<subcore_parallel>], iteration_bounds = array<i64: 2, 16>, scalar_prefetch = 0 : i64, scratch_operands = 5 : i64, tpu.core_type = #tpu.core_type<sc_vector_subcore>, window_params = [{transform_indices = #map}, {transform_indices = #map}, {transform_indices = #map}, {transform_indices = #map1}, {transform_indices = #map1}, {transform_indices = #map2}]} {
    %mul3A = arith.constant 2 : i32
    %mul3A_0 = arith.muli %arg1, %mul3A : i32
    %add3A = arith.addi %mul3A_0, %arg0 : i32
    %mul3A_1 = arith.constant 448 : i32
    %mul3A_2 = arith.muli %arg1, %mul3A_1 : i32
    %multiple_of3A = tpu.assume_multiple %mul3A_2, 8 : i32
    "tpu.region"() ({
      %run_scoped3A = tpu.sem_alloc : memref<!tpu.dma_semaphore, #tpu.memory_space<semaphore_mem>>
      %dma_start3A = arith.constant 0 : i32
      %dma_start3A_9 = tpu.memref_slice %arg12[%multiple_of3A, %dma_start3A] : memref<7168x128xf32, #tpu.memory_space<vmem_shared>> -> memref<448x128xf32, #tpu.memory_space<vmem_shared>>
      %dma_start3A_10 = arith.constant 0 : i32
      %dma_start3A_11 = tpu.memref_slice %arg6[%multiple_of3A, %dma_start3A_10] : memref<7168x128xf32, #tpu.memory_space<hbm>> -> memref<448x128xf32, #tpu.memory_space<hbm>>
      tpu.enqueue_dma source(%dma_start3A_11 : memref<448x128xf32, #tpu.memory_space<hbm>>) target(%dma_start3A_9 : memref<448x128xf32, #tpu.memory_space<vmem_shared>>) target_semaphore(%run_scoped3A : memref<!tpu.dma_semaphore, #tpu.memory_space<semaphore_mem>>)
      %dma_wait3A = arith.constant 0 : i32
      %dma_wait3A_12 = tpu.memref_slice %arg12[%multiple_of3A, %dma_wait3A] : memref<7168x128xf32, #tpu.memory_space<vmem_shared>> -> memref<448x128xf32, #tpu.memory_space<vmem_shared>>
      %dma_wait3A_13 = arith.constant 0 : i32
      %dma_wait3A_14 = tpu.memref_slice %arg6[%multiple_of3A, %dma_wait3A_13] : memref<7168x128xf32, #tpu.memory_space<hbm>> -> memref<448x128xf32, #tpu.memory_space<hbm>>
      tpu.wait_dma2 semaphore(%run_scoped3A : memref<!tpu.dma_semaphore, #tpu.memory_space<semaphore_mem>>) src(%dma_wait3A_14 : memref<448x128xf32, #tpu.memory_space<hbm>>) dst(%dma_wait3A_12 : memref<448x128xf32, #tpu.memory_space<vmem_shared>>)
      tpu.yield
    }) : () -> ()
    %barrier3A = arith.constant 0 : index
    tpu.barrier barrier_id(%barrier3A)
    %scan3A = arith.constant 0 : i32
    %scan3A_3 = arith.constant 0 : i32
    %scan3A_4 = arith.constant 35 : i32
    %scan3A_5 = arith.addi %scan3A_3, %scan3A_4 : i32
    %scan3A_6 = arith.constant 1 : i32
    scf.for %scan3A_9 = %scan3A_3 to %scan3A_5 step %scan3A_6  : i32 {
      %mul3A_10 = arith.constant 4480 : i32
      %mul3A_11 = arith.muli %add3A, %mul3A_10 : i32
      %mul3A_12 = arith.constant 128 : i32
      %mul3A_13 = arith.muli %scan3A_9, %mul3A_12 : i32
      %add3A_14 = arith.addi %mul3A_11, %mul3A_13 : i32
      "tpu.region"() ({
        %run_scoped3A = tpu.sem_alloc : memref<!tpu.dma_semaphore, #tpu.memory_space<semaphore_mem>>
        %dma_start3A = tpu.memref_slice %arg2[%add3A_14] : memref<143360xi32, #tpu.memory_space<hbm>> -> memref<128xi32, #tpu.memory_space<hbm>>
        %dma_start3A_21 = tpu.memref_slice %arg2[%add3A_14] : memref<143360xi32, #tpu.memory_space<hbm>> -> memref<128xi32, #tpu.memory_space<hbm>>
        tpu.enqueue_dma source(%dma_start3A_21 : memref<128xi32, #tpu.memory_space<hbm>>) target(%arg8 : memref<128xi32, #tpu.memory_space<vmem>>) target_semaphore(%run_scoped3A : memref<!tpu.dma_semaphore, #tpu.memory_space<semaphore_mem>>)
        %dma_wait3A = tpu.memref_slice %arg2[%add3A_14] : memref<143360xi32, #tpu.memory_space<hbm>> -> memref<128xi32, #tpu.memory_space<hbm>>
        %dma_wait3A_22 = tpu.memref_slice %arg2[%add3A_14] : memref<143360xi32, #tpu.memory_space<hbm>> -> memref<128xi32, #tpu.memory_space<hbm>>
        tpu.wait_dma2 semaphore(%run_scoped3A : memref<!tpu.dma_semaphore, #tpu.memory_space<semaphore_mem>>) src(%dma_wait3A_22 : memref<128xi32, #tpu.memory_space<hbm>>) dst(%arg8 : memref<128xi32, #tpu.memory_space<vmem>>)
        tpu.yield
      }) : () -> ()
      "tpu.region"() ({
        %run_scoped3A = tpu.sem_alloc : memref<!tpu.dma_semaphore, #tpu.memory_space<semaphore_mem>>
        %dma_start3A = tpu.memref_slice %arg3[%add3A_14] : memref<143360xi32, #tpu.memory_space<hbm>> -> memref<128xi32, #tpu.memory_space<hbm>>
        %dma_start3A_21 = tpu.memref_slice %arg3[%add3A_14] : memref<143360xi32, #tpu.memory_space<hbm>> -> memref<128xi32, #tpu.memory_space<hbm>>
        tpu.enqueue_dma source(%dma_start3A_21 : memref<128xi32, #tpu.memory_space<hbm>>) target(%arg9 : memref<128xi32, #tpu.memory_space<vmem>>) target_semaphore(%run_scoped3A : memref<!tpu.dma_semaphore, #tpu.memory_space<semaphore_mem>>)
        %dma_wait3A = tpu.memref_slice %arg3[%add3A_14] : memref<143360xi32, #tpu.memory_space<hbm>> -> memref<128xi32, #tpu.memory_space<hbm>>
        %dma_wait3A_22 = tpu.memref_slice %arg3[%add3A_14] : memref<143360xi32, #tpu.memory_space<hbm>> -> memref<128xi32, #tpu.memory_space<hbm>>
        tpu.wait_dma2 semaphore(%run_scoped3A : memref<!tpu.dma_semaphore, #tpu.memory_space<semaphore_mem>>) src(%dma_wait3A_22 : memref<128xi32, #tpu.memory_space<hbm>>) dst(%arg9 : memref<128xi32, #tpu.memory_space<vmem>>)
        tpu.yield
      }) : () -> ()
      "tpu.region"() ({
        %run_scoped3A = tpu.sem_alloc : memref<!tpu.dma_semaphore, #tpu.memory_space<semaphore_mem>>
        %dma_start3A = tpu.memref_slice %arg4[%add3A_14] : memref<143360xf32, #tpu.memory_space<hbm>> -> memref<128xf32, #tpu.memory_space<hbm>>
        %dma_start3A_21 = tpu.memref_slice %arg4[%add3A_14] : memref<143360xf32, #tpu.memory_space<hbm>> -> memref<128xf32, #tpu.memory_space<hbm>>
        tpu.enqueue_dma source(%dma_start3A_21 : memref<128xf32, #tpu.memory_space<hbm>>) target(%arg10 : memref<128xf32, #tpu.memory_space<vmem>>) target_semaphore(%run_scoped3A : memref<!tpu.dma_semaphore, #tpu.memory_space<semaphore_mem>>)
        %dma_wait3A = tpu.memref_slice %arg4[%add3A_14] : memref<143360xf32, #tpu.memory_space<hbm>> -> memref<128xf32, #tpu.memory_space<hbm>>
        %dma_wait3A_22 = tpu.memref_slice %arg4[%add3A_14] : memref<143360xf32, #tpu.memory_space<hbm>> -> memref<128xf32, #tpu.memory_space<hbm>>
        tpu.wait_dma2 semaphore(%run_scoped3A : memref<!tpu.dma_semaphore, #tpu.memory_space<semaphore_mem>>) src(%dma_wait3A_22 : memref<128xf32, #tpu.memory_space<hbm>>) dst(%arg10 : memref<128xf32, #tpu.memory_space<vmem>>)
        tpu.yield
      }) : () -> ()
      "tpu.region"() ({
        %run_scoped3A = tpu.sem_alloc : memref<!tpu.dma_semaphore, #tpu.memory_space<semaphore_mem>>
        %dma_start3A = arith.constant 0 : i32
        %dma_start3A_21 = arith.constant 0 : i32
        %dma_start3A_22 = tpu.memref_slice %arg5[%dma_start3A, %dma_start3A_21] : memref<7168x128xf32, #tpu.memory_space<hbm>> -> memref<7168x128xf32, #tpu.memory_space<hbm>>
        tpu.enqueue_indirect_dma source(%dma_start3A_22 : memref<7168x128xf32, #tpu.memory_space<hbm>>) target(%arg11 : memref<128x128xf32, #tpu.memory_space<vmem>>) offsets(%arg8 : memref<128xi32, #tpu.memory_space<vmem>>) semaphore(%run_scoped3A : memref<!tpu.dma_semaphore, #tpu.memory_space<semaphore_mem>>)
        %dma_wait3A = arith.constant 0 : i32
        %dma_wait3A_23 = arith.constant 0 : i32
        %dma_wait3A_24 = tpu.memref_slice %arg5[%dma_wait3A, %dma_wait3A_23] : memref<7168x128xf32, #tpu.memory_space<hbm>> -> memref<7168x128xf32, #tpu.memory_space<hbm>>
        tpu.wait_indirect_dma semaphore(%run_scoped3A : memref<!tpu.dma_semaphore, #tpu.memory_space<semaphore_mem>>) src(%dma_wait3A_24 : memref<7168x128xf32, #tpu.memory_space<hbm>>) dst(%arg11 : memref<128x128xf32, #tpu.memory_space<vmem>>)
        tpu.yield
      }) : () -> ()
      %scan3A_15 = arith.constant 0 : i32
      %scan3A_16 = arith.constant 0 : i32
      %scan3A_17 = arith.constant 8 : i32
      %scan3A_18 = arith.addi %scan3A_16, %scan3A_17 : i32
      %scan3A_19 = arith.constant 1 : i32
      scf.for %scan3A_21 = %scan3A_16 to %scan3A_18 step %scan3A_19  : i32 {
        %mul3A_22 = arith.constant 16 : i32
        %mul3A_23 = arith.muli %scan3A_21, %mul3A_22 : i32
        %get3A = arith.index_cast %mul3A_23 : i32 to index
        %get3A_24 = tpu.vector_load %arg10[%get3A] {strides = array<i32>} : memref<128xf32, #tpu.memory_space<vmem>>, vector<16xf32>,
        %get3A_25 = vector.shape_cast %get3A_24 : vector<16xf32> to vector<16xf32>
        %slice3A = vector.extract_strided_slice %get3A_25 {offsets = [0], sizes = [1], strides = [1]} : vector<16xf32> to vector<1xf32>
        %squeeze3A = vector.extract %slice3A[0] : f32 from vector<1xf32>
        %mul3A_26 = arith.constant 16 : i32
        %mul3A_27 = arith.muli %scan3A_21, %mul3A_26 : i32
        %add3A_28 = arith.constant 0 : i32
        %add3A_29 = arith.addi %mul3A_27, %add3A_28 : i32
        %get3A_30 = arith.index_cast %add3A_29 : i32 to index
        %get3A_31 = arith.constant 0 : index
        %get3A_32 = tpu.vector_load %arg11[%get3A_30, %get3A_31] {strides = array<i32>} : memref<128x128xf32, #tpu.memory_space<vmem>>, vector<1x16xf32>,
        %get3A_33 = vector.shape_cast %get3A_32 : vector<1x16xf32> to vector<16xf32>
        %mul3A_34 = vector.broadcast %squeeze3A : f32 to vector<16xf32>
        %mul3A_35 = arith.mulf %mul3A_34, %get3A_33 : vector<16xf32>
        %swap3A = arith.index_cast %add3A_29 : i32 to index
        %swap3A_36 = arith.constant 0 : index
        %swap3A_37 = tpu.vector_load %arg11[%swap3A, %swap3A_36] {strides = array<i32>} : memref<128x128xf32, #tpu.memory_space<vmem>>, vector<1x16xf32>,
        %swap3A_38 = vector.shape_cast %swap3A_37 : vector<1x16xf32> to vector<16xf32>
        %swap3A_39 = vector.shape_cast %mul3A_35 : vector<16xf32> to vector<1x16xf32>
        tpu.vector_store %arg11[%swap3A, %swap3A_36], %swap3A_39 {strides = array<i32>} : memref<128x128xf32, #tpu.memory_space<vmem>>, vector<1x16xf32>,
        %get3A_40 = arith.index_cast %add3A_29 : i32 to index
        %get3A_41 = arith.constant 16 : index
        %get3A_42 = tpu.vector_load %arg11[%get3A_40, %get3A_41] {strides = array<i32>} : memref<128x128xf32, #tpu.memory_space<vmem>>, vector<1x16xf32>,
        %get3A_43 = vector.shape_cast %get3A_42 : vector<1x16xf32> to vector<16xf32>
        %mul3A_44 = vector.broadcast %squeeze3A : f32 to vector<16xf32>
        %mul3A_45 = arith.mulf %mul3A_44, %get3A_43 : vector<16xf32>
        %swap3A_46 = arith.index_cast %add3A_29 : i32 to index
        %swap3A_47 = arith.constant 16 : index
        %swap3A_48 = tpu.vector_load %arg11[%swap3A_46, %swap3A_47] {strides = array<i32>} : memref<128x128xf32, #tpu.memory_space<vmem>>, vector<1x16xf32>,
        %swap3A_49 = vector.shape_cast %swap3A_48 : vector<1x16xf32> to vector<16xf32>
        %swap3A_50 = vector.shape_cast %mul3A_45 : vector<16xf32> to vector<1x16xf32>
        tpu.vector_store %arg11[%swap3A_46, %swap3A_47], %swap3A_50 {strides = array<i32>} : memref<128x128xf32, #tpu.memory_space<vmem>>, vector<1x16xf32>,
        %get3A_51 = arith.index_cast %add3A_29 : i32 to index
        %get3A_52 = arith.constant 32 : index
        %get3A_53 = tpu.vector_load %arg11[%get3A_51, %get3A_52] {strides = array<i32>} : memref<128x128xf32, #tpu.memory_space<vmem>>, vector<1x16xf32>,
        %get3A_54 = vector.shape_cast %get3A_53 : vector<1x16xf32> to vector<16xf32>
        %mul3A_55 = vector.broadcast %squeeze3A : f32 to vector<16xf32>
        %mul3A_56 = arith.mulf %mul3A_55, %get3A_54 : vector<16xf32>
        %swap3A_57 = arith.index_cast %add3A_29 : i32 to index
        %swap3A_58 = arith.constant 32 : index
        %swap3A_59 = tpu.vector_load %arg11[%swap3A_57, %swap3A_58] {strides = array<i32>} : memref<128x128xf32, #tpu.memory_space<vmem>>, vector<1x16xf32>,
        %swap3A_60 = vector.shape_cast %swap3A_59 : vector<1x16xf32> to vector<16xf32>
        %swap3A_61 = vector.shape_cast %mul3A_56 : vector<16xf32> to vector<1x16xf32>
        tpu.vector_store %arg11[%swap3A_57, %swap3A_58], %swap3A_61 {strides = array<i32>} : memref<128x128xf32, #tpu.memory_space<vmem>>, vector<1x16xf32>,
        %get3A_62 = arith.index_cast %add3A_29 : i32 to index
        %get3A_63 = arith.constant 48 : index
        %get3A_64 = tpu.vector_load %arg11[%get3A_62, %get3A_63] {strides = array<i32>} : memref<128x128xf32, #tpu.memory_space<vmem>>, vector<1x16xf32>,
        %get3A_65 = vector.shape_cast %get3A_64 : vector<1x16xf32> to vector<16xf32>
        %mul3A_66 = vector.broadcast %squeeze3A : f32 to vector<16xf32>
        %mul3A_67 = arith.mulf %mul3A_66, %get3A_65 : vector<16xf32>
        %swap3A_68 = arith.index_cast %add3A_29 : i32 to index
        %swap3A_69 = arith.constant 48 : index
        %swap3A_70 = tpu.vector_load %arg11[%swap3A_68, %swap3A_69] {strides = array<i32>} : memref<128x128xf32, #tpu.memory_space<vmem>>, vector<1x16xf32>,
        %swap3A_71 = vector.shape_cast %swap3A_70 : vector<1x16xf32> to vector<16xf32>
        %swap3A_72 = vector.shape_cast %mul3A_67 : vector<16xf32> to vector<1x16xf32>
        tpu.vector_store %arg11[%swap3A_68, %swap3A_69], %swap3A_72 {strides = array<i32>} : memref<128x128xf32, #tpu.memory_space<vmem>>, vector<1x16xf32>,
        %slice3A_73 = vector.extract_strided_slice %get3A_25 {offsets = [1], sizes = [1], strides = [1]} : vector<16xf32> to vector<1xf32>
        %squeeze3A_74 = vector.extract %slice3A_73[0] : f32 from vector<1xf32>
        %mul3A_75 = arith.constant 16 : i32
        %mul3A_76 = arith.muli %scan3A_21, %mul3A_75 : i32
        %add3A_77 = arith.constant 1 : i32
        %add3A_78 = arith.addi %mul3A_76, %add3A_77 : i32
        %get3A_79 = arith.index_cast %add3A_78 : i32 to index
        %get3A_80 = arith.constant 0 : index
        %get3A_81 = tpu.vector_load %arg11[%get3A_79, %get3A_80] {strides = array<i32>} : memref<128x128xf32, #tpu.memory_space<vmem>>, vector<1x16xf32>,
        %get3A_82 = vector.shape_cast %get3A_81 : vector<1x16xf32> to vector<16xf32>
        %mul3A_83 = vector.broadcast %squeeze3A_74 : f32 to vector<16xf32>
        %mul3A_84 = arith.mulf %mul3A_83, %get3A_82 : vector<16xf32>
        %swap3A_85 = arith.index_cast %add3A_78 : i32 to index
        %swap3A_86 = arith.constant 0 : index
        %swap3A_87 = tpu.vector_load %arg11[%swap3A_85, %swap3A_86] {strides = array<i32>} : memref<128x128xf32, #tpu.memory_space<vmem>>, vector<1x16xf32>,
        %swap3A_88 = vector.shape_cast %swap3A_87 : vector<1x16xf32> to vector<16xf32>
        %swap3A_89 = vector.shape_cast %mul3A_84 : vector<16xf32> to vector<1x16xf32>
        tpu.vector_store %arg11[%swap3A_85, %swap3A_86], %swap3A_89 {strides = array<i32>} : memref<128x128xf32, #tpu.memory_space<vmem>>, vector<1x16xf32>,
        %get3A_90 = arith.index_cast %add3A_78 : i32 to index
        %get3A_91 = arith.constant 16 : index
        %get3A_92 = tpu.vector_load %arg11[%get3A_90, %get3A_91] {strides = array<i32>} : memref<128x128xf32, #tpu.memory_space<vmem>>, vector<1x16xf32>,
        %get3A_93 = vector.shape_cast %get3A_92 : vector<1x16xf32> to vector<16xf32>
        %mul3A_94 = vector.broadcast %squeeze3A_74 : f32 to vector<16xf32>
        %mul3A_95 = arith.mulf %mul3A_94, %get3A_93 : vector<16xf32>
        %swap3A_96 = arith.index_cast %add3A_78 : i32 to index
        %swap3A_97 = arith.constant 16 : index
        %swap3A_98 = tpu.vector_load %arg11[%swap3A_96, %swap3A_97] {strides = array<i32>} : memref<128x128xf32, #tpu.memory_space<vmem>>, vector<1x16xf32>,
        %swap3A_99 = vector.shape_cast %swap3A_98 : vector<1x16xf32> to vector<16xf32>
        %swap3A_100 = vector.shape_cast %mul3A_95 : vector<16xf32> to vector<1x16xf32>
        tpu.vector_store %arg11[%swap3A_96, %swap3A_97], %swap3A_100 {strides = array<i32>} : memref<128x128xf32, #tpu.memory_space<vmem>>, vector<1x16xf32>,
        %get3A_101 = arith.index_cast %add3A_78 : i32 to index
        %get3A_102 = arith.constant 32 : index
        %get3A_103 = tpu.vector_load %arg11[%get3A_101, %get3A_102] {strides = array<i32>} : memref<128x128xf32, #tpu.memory_space<vmem>>, vector<1x16xf32>,
        %get3A_104 = vector.shape_cast %get3A_103 : vector<1x16xf32> to vector<16xf32>
        %mul3A_105 = vector.broadcast %squeeze3A_74 : f32 to vector<16xf32>
        %mul3A_106 = arith.mulf %mul3A_105, %get3A_104 : vector<16xf32>
        %swap3A_107 = arith.index_cast %add3A_78 : i32 to index
        %swap3A_108 = arith.constant 32 : index
        %swap3A_109 = tpu.vector_load %arg11[%swap3A_107, %swap3A_108] {strides = array<i32>} : memref<128x128xf32, #tpu.memory_space<vmem>>, vector<1x16xf32>,
        %swap3A_110 = vector.shape_cast %swap3A_109 : vector<1x16xf32> to vector<16xf32>
        %swap3A_111 = vector.shape_cast %mul3A_106 : vector<16xf32> to vector<1x16xf32>
        tpu.vector_store %arg11[%swap3A_107, %swap3A_108], %swap3A_111 {strides = array<i32>} : memref<128x128xf32, #tpu.memory_space<vmem>>, vector<1x16xf32>,
        %get3A_112 = arith.index_cast %add3A_78 : i32 to index
        %get3A_113 = arith.constant 48 : index
        %get3A_114 = tpu.vector_load %arg11[%get3A_112, %get3A_113] {strides = array<i32>} : memref<128x128xf32, #tpu.memory_space<vmem>>, vector<1x16xf32>,
        %get3A_115 = vector.shape_cast %get3A_114 : vector<1x16xf32> to vector<16xf32>
        %mul3A_116 = vector.broadcast %squeeze3A_74 : f32 to vector<16xf32>
        %mul3A_117 = arith.mulf %mul3A_116, %get3A_115 : vector<16xf32>
        %swap3A_118 = arith.index_cast %add3A_78 : i32 to index
        %swap3A_119 = arith.constant 48 : index
        %swap3A_120 = tpu.vector_load %arg11[%swap3A_118, %swap3A_119] {strides = array<i32>} : memref<128x128xf32, #tpu.memory_space<vmem>>, vector<1x16xf32>,
        %swap3A_121 = vector.shape_cast %swap3A_120 : vector<1x16xf32> to vector<16xf32>
        %swap3A_122 = vector.shape_cast %mul3A_117 : vector<16xf32> to vector<1x16xf32>
        tpu.vector_store %arg11[%swap3A_118, %swap3A_119], %swap3A_122 {strides = array<i32>} : memref<128x128xf32, #tpu.memory_space<vmem>>, vector<1x16xf32>,
        %slice3A_123 = vector.extract_strided_slice %get3A_25 {offsets = [2], sizes = [1], strides = [1]} : vector<16xf32> to vector<1xf32>
        %squeeze3A_124 = vector.extract %slice3A_123[0] : f32 from vector<1xf32>
        %mul3A_125 = arith.constant 16 : i32
        %mul3A_126 = arith.muli %scan3A_21, %mul3A_125 : i32
        %add3A_127 = arith.constant 2 : i32
        %add3A_128 = arith.addi %mul3A_126, %add3A_127 : i32
        %get3A_129 = arith.index_cast %add3A_128 : i32 to index
        %get3A_130 = arith.constant 0 : index
        %get3A_131 = tpu.vector_load %arg11[%get3A_129, %get3A_130] {strides = array<i32>} : memref<128x128xf32, #tpu.memory_space<vmem>>, vector<1x16xf32>,
        %get3A_132 = vector.shape_cast %get3A_131 : vector<1x16xf32> to vector<16xf32>
        %mul3A_133 = vector.broadcast %squeeze3A_124 : f32 to vector<16xf32>
        %mul3A_134 = arith.mulf %mul3A_133, %get3A_132 : vector<16xf32>
        %swap3A_135 = arith.index_cast %add3A_128 : i32 to index
        %swap3A_136 = arith.constant 0 : index
        %swap3A_137 = tpu.vector_load %arg11[%swap3A_135, %swap3A_136] {strides = array<i32>} : memref<128x128xf32, #tpu.memory_space<vmem>>, vector<1x16xf32>,
        %swap3A_138 = vector.shape_cast %swap3A_137 : vector<1x16xf32> to vector<16xf32>
        %swap3A_139 = vector.shape_cast %mul3A_134 : vector<16xf32> to vector<1x16xf32>
        tpu.vector_store %arg11[%swap3A_135, %swap3A_136], %swap3A_139 {strides = array<i32>} : memref<128x128xf32, #tpu.memory_space<vmem>>, vector<1x16xf32>,
        %get3A_140 = arith.index_cast %add3A_128 : i32 to index
        %get3A_141 = arith.constant 16 : index
        %get3A_142 = tpu.vector_load %arg11[%get3A_140, %get3A_141] {strides = array<i32>} : memref<128x128xf32, #tpu.memory_space<vmem>>, vector<1x16xf32>,
        %get3A_143 = vector.shape_cast %get3A_142 : vector<1x16xf32> to vector<16xf32>
        %mul3A_144 = vector.broadcast %squeeze3A_124 : f32 to vector<16xf32>
        %mul3A_145 = arith.mulf %mul3A_144, %get3A_143 : vector<16xf32>
        %swap3A_146 = arith.index_cast %add3A_128 : i32 to index
        %swap3A_147 = arith.constant 16 : index
        %swap3A_148 = tpu.vector_load %arg11[%swap3A_146, %swap3A_147] {strides = array<i32>} : memref<128x128xf32, #tpu.memory_space<vmem>>, vector<1x16xf32>,
        %swap3A_149 = vector.shape_cast %swap3A_148 : vector<1x16xf32> to vector<16xf32>
        %swap3A_150 = vector.shape_cast %mul3A_145 : vector<16xf32> to vector<1x16xf32>
        tpu.vector_store %arg11[%swap3A_146, %swap3A_147], %swap3A_150 {strides = array<i32>} : memref<128x128xf32, #tpu.memory_space<vmem>>, vector<1x16xf32>,
        %get3A_151 = arith.index_cast %add3A_128 : i32 to index
        %get3A_152 = arith.constant 32 : index
        %get3A_153 = tpu.vector_load %arg11[%get3A_151, %get3A_152] {strides = array<i32>} : memref<128x128xf32, #tpu.memory_space<vmem>>, vector<1x16xf32>,
        %get3A_154 = vector.shape_cast %get3A_153 : vector<1x16xf32> to vector<16xf32>
        %mul3A_155 = vector.broadcast %squeeze3A_124 : f32 to vector<16xf32>
        %mul3A_156 = arith.mulf %mul3A_155, %get3A_154 : vector<16xf32>
        %swap3A_157 = arith.index_cast %add3A_128 : i32 to index
        %swap3A_158 = arith.constant 32 : index
        %swap3A_159 = tpu.vector_load %arg11[%swap3A_157, %swap3A_158] {strides = array<i32>} : memref<128x128xf32, #tpu.memory_space<vmem>>, vector<1x16xf32>,
        %swap3A_160 = vector.shape_cast %swap3A_159 : vector<1x16xf32> to vector<16xf32>
        %swap3A_161 = vector.shape_cast %mul3A_156 : vector<16xf32> to vector<1x16xf32>
        tpu.vector_store %arg11[%swap3A_157, %swap3A_158], %swap3A_161 {strides = array<i32>} : memref<128x128xf32, #tpu.memory_space<vmem>>, vector<1x16xf32>,
        %get3A_162 = arith.index_cast %add3A_128 : i32 to index
        %get3A_163 = arith.constant 48 : index
        %get3A_164 = tpu.vector_load %arg11[%get3A_162, %get3A_163] {strides = array<i32>} : memref<128x128xf32, #tpu.memory_space<vmem>>, vector<1x16xf32>,
        %get3A_165 = vector.shape_cast %get3A_164 : vector<1x16xf32> to vector<16xf32>
        %mul3A_166 = vector.broadcast %squeeze3A_124 : f32 to vector<16xf32>
        %mul3A_167 = arith.mulf %mul3A_166, %get3A_165 : vector<16xf32>
        %swap3A_168 = arith.index_cast %add3A_128 : i32 to index
        %swap3A_169 = arith.constant 48 : index
        %swap3A_170 = tpu.vector_load %arg11[%swap3A_168, %swap3A_169] {strides = array<i32>} : memref<128x128xf32, #tpu.memory_space<vmem>>, vector<1x16xf32>,
        %swap3A_171 = vector.shape_cast %swap3A_170 : vector<1x16xf32> to vector<16xf32>
        %swap3A_172 = vector.shape_cast %mul3A_167 : vector<16xf32> to vector<1x16xf32>
        tpu.vector_store %arg11[%swap3A_168, %swap3A_169], %swap3A_172 {strides = array<i32>} : memref<128x128xf32, #tpu.memory_space<vmem>>, vector<1x16xf32>,
        %slice3A_173 = vector.extract_strided_slice %get3A_25 {offsets = [3], sizes = [1], strides = [1]} : vector<16xf32> to vector<1xf32>
        %squeeze3A_174 = vector.extract %slice3A_173[0] : f32 from vector<1xf32>
        %mul3A_175 = arith.constant 16 : i32
        %mul3A_176 = arith.muli %scan3A_21, %mul3A_175 : i32
        %add3A_177 = arith.constant 3 : i32
        %add3A_178 = arith.addi %mul3A_176, %add3A_177 : i32
        %get3A_179 = arith.index_cast %add3A_178 : i32 to index
        %get3A_180 = arith.constant 0 : index
        %get3A_181 = tpu.vector_load %arg11[%get3A_179, %get3A_180] {strides = array<i32>} : memref<128x128xf32, #tpu.memory_space<vmem>>, vector<1x16xf32>,
        %get3A_182 = vector.shape_cast %get3A_181 : vector<1x16xf32> to vector<16xf32>
        %mul3A_183 = vector.broadcast %squeeze3A_174 : f32 to vector<16xf32>
        %mul3A_184 = arith.mulf %mul3A_183, %get3A_182 : vector<16xf32>
        %swap3A_185 = arith.index_cast %add3A_178 : i32 to index
        %swap3A_186 = arith.constant 0 : index
        %swap3A_187 = tpu.vector_load %arg11[%swap3A_185, %swap3A_186] {strides = array<i32>} : memref<128x128xf32, #tpu.memory_space<vmem>>, vector<1x16xf32>,
        %swap3A_188 = vector.shape_cast %swap3A_187 : vector<1x16xf32> to vector<16xf32>
        %swap3A_189 = vector.shape_cast %mul3A_184 : vector<16xf32> to vector<1x16xf32>
        tpu.vector_store %arg11[%swap3A_185, %swap3A_186], %swap3A_189 {strides = array<i32>} : memref<128x128xf32, #tpu.memory_space<vmem>>, vector<1x16xf32>,
        %get3A_190 = arith.index_cast %add3A_178 : i32 to index
        %get3A_191 = arith.constant 16 : index
        %get3A_192 = tpu.vector_load %arg11[%get3A_190, %get3A_191] {strides = array<i32>} : memref<128x128xf32, #tpu.memory_space<vmem>>, vector<1x16xf32>,
        %get3A_193 = vector.shape_cast %get3A_192 : vector<1x16xf32> to vector<16xf32>
        %mul3A_194 = vector.broadcast %squeeze3A_174 : f32 to vector<16xf32>
        %mul3A_195 = arith.mulf %mul3A_194, %get3A_193 : vector<16xf32>
        %swap3A_196 = arith.index_cast %add3A_178 : i32 to index
        %swap3A_197 = arith.constant 16 : index
        %swap3A_198 = tpu.vector_load %arg11[%swap3A_196, %swap3A_197] {strides = array<i32>} : memref<128x128xf32, #tpu.memory_space<vmem>>, vector<1x16xf32>,
        %swap3A_199 = vector.shape_cast %swap3A_198 : vector<1x16xf32> to vector<16xf32>
        %swap3A_200 = vector.shape_cast %mul3A_195 : vector<16xf32> to vector<1x16xf32>
        tpu.vector_store %arg11[%swap3A_196, %swap3A_197], %swap3A_200 {strides = array<i32>} : memref<128x128xf32, #tpu.memory_space<vmem>>, vector<1x16xf32>,
        %get3A_201 = arith.index_cast %add3A_178 : i32 to index
        %get3A_202 = arith.constant 32 : index
        %get3A_203 = tpu.vector_load %arg11[%get3A_201, %get3A_202] {strides = array<i32>} : memref<128x128xf32, #tpu.memory_space<vmem>>, vector<1x16xf32>,
        %get3A_204 = vector.shape_cast %get3A_203 : vector<1x16xf32> to vector<16xf32>
        %mul3A_205 = vector.broadcast %squeeze3A_174 : f32 to vector<16xf32>
        %mul3A_206 = arith.mulf %mul3A_205, %get3A_204 : vector<16xf32>
        %swap3A_207 = arith.index_cast %add3A_178 : i32 to index
        %swap3A_208 = arith.constant 32 : index
        %swap3A_209 = tpu.vector_load %arg11[%swap3A_207, %swap3A_208] {strides = array<i32>} : memref<128x128xf32, #tpu.memory_space<vmem>>, vector<1x16xf32>,
        %swap3A_210 = vector.shape_cast %swap3A_209 : vector<1x16xf32> to vector<16xf32>
        %swap3A_211 = vector.shape_cast %mul3A_206 : vector<16xf32> to vector<1x16xf32>
        tpu.vector_store %arg11[%swap3A_207, %swap3A_208], %swap3A_211 {strides = array<i32>} : memref<128x128xf32, #tpu.memory_space<vmem>>, vector<1x16xf32>,
        %get3A_212 = arith.index_cast %add3A_178 : i32 to index
        %get3A_213 = arith.constant 48 : index
        %get3A_214 = tpu.vector_load %arg11[%get3A_212, %get3A_213] {strides = array<i32>} : memref<128x128xf32, #tpu.memory_space<vmem>>, vector<1x16xf32>,
        %get3A_215 = vector.shape_cast %get3A_214 : vector<1x16xf32> to vector<16xf32>
        %mul3A_216 = vector.broadcast %squeeze3A_174 : f32 to vector<16xf32>
        %mul3A_217 = arith.mulf %mul3A_216, %get3A_215 : vector<16xf32>
        %swap3A_218 = arith.index_cast %add3A_178 : i32 to index
        %swap3A_219 = arith.constant 48 : index
        %swap3A_220 = tpu.vector_load %arg11[%swap3A_218, %swap3A_219] {strides = array<i32>} : memref<128x128xf32, #tpu.memory_space<vmem>>, vector<1x16xf32>,
        %swap3A_221 = vector.shape_cast %swap3A_220 : vector<1x16xf32> to vector<16xf32>
        %swap3A_222 = vector.shape_cast %mul3A_217 : vector<16xf32> to vector<1x16xf32>
        tpu.vector_store %arg11[%swap3A_218, %swap3A_219], %swap3A_222 {strides = array<i32>} : memref<128x128xf32, #tpu.memory_space<vmem>>, vector<1x16xf32>,
        %slice3A_223 = vector.extract_strided_slice %get3A_25 {offsets = [4], sizes = [1], strides = [1]} : vector<16xf32> to vector<1xf32>
        %squeeze3A_224 = vector.extract %slice3A_223[0] : f32 from vector<1xf32>
        %mul3A_225 = arith.constant 16 : i32
        %mul3A_226 = arith.muli %scan3A_21, %mul3A_225 : i32
        %add3A_227 = arith.constant 4 : i32
        %add3A_228 = arith.addi %mul3A_226, %add3A_227 : i32
        %get3A_229 = arith.index_cast %add3A_228 : i32 to index
        %get3A_230 = arith.constant 0 : index
        %get3A_231 = tpu.vector_load %arg11[%get3A_229, %get3A_230] {strides = array<i32>} : memref<128x128xf32, #tpu.memory_space<vmem>>, vector<1x16xf32>,
        %get3A_232 = vector.shape_cast %get3A_231 : vector<1x16xf32> to vector<16xf32>
        %mul3A_233 = vector.broadcast %squeeze3A_224 : f32 to vector<16xf32>
        %mul3A_234 = arith.mulf %mul3A_233, %get3A_232 : vector<16xf32>
        %swap3A_235 = arith.index_cast %add3A_228 : i32 to index
        %swap3A_236 = arith.constant 0 : index
        %swap3A_237 = tpu.vector_load %arg11[%swap3A_235, %swap3A_236] {strides = array<i32>} : memref<128x128xf32, #tpu.memory_space<vmem>>, vector<1x16xf32>,
        %swap3A_238 = vector.shape_cast %swap3A_237 : vector<1x16xf32> to vector<16xf32>
        %swap3A_239 = vector.shape_cast %mul3A_234 : vector<16xf32> to vector<1x16xf32>
        tpu.vector_store %arg11[%swap3A_235, %swap3A_236], %swap3A_239 {strides = array<i32>} : memref<128x128xf32, #tpu.memory_space<vmem>>, vector<1x16xf32>,
        %get3A_240 = arith.index_cast %add3A_228 : i32 to index
        %get3A_241 = arith.constant 16 : index
        %get3A_242 = tpu.vector_load %arg11[%get3A_240, %get3A_241] {strides = array<i32>} : memref<128x128xf32, #tpu.memory_space<vmem>>, vector<1x16xf32>,
        %get3A_243 = vector.shape_cast %get3A_242 : vector<1x16xf32> to vector<16xf32>
        %mul3A_244 = vector.broadcast %squeeze3A_224 : f32 to vector<16xf32>
        %mul3A_245 = arith.mulf %mul3A_244, %get3A_243 : vector<16xf32>
        %swap3A_246 = arith.index_cast %add3A_228 : i32 to index
        %swap3A_247 = arith.constant 16 : index
        %swap3A_248 = tpu.vector_load %arg11[%swap3A_246, %swap3A_247] {strides = array<i32>} : memref<128x128xf32, #tpu.memory_space<vmem>>, vector<1x16xf32>,
        %swap3A_249 = vector.shape_cast %swap3A_248 : vector<1x16xf32> to vector<16xf32>
        %swap3A_250 = vector.shape_cast %mul3A_245 : vector<16xf32> to vector<1x16xf32>
        tpu.vector_store %arg11[%swap3A_246, %swap3A_247], %swap3A_250 {strides = array<i32>} : memref<128x128xf32, #tpu.memory_space<vmem>>, vector<1x16xf32>,
        %get3A_251 = arith.index_cast %add3A_228 : i32 to index
        %get3A_252 = arith.constant 32 : index
        %get3A_253 = tpu.vector_load %arg11[%get3A_251, %get3A_252] {strides = array<i32>} : memref<128x128xf32, #tpu.memory_space<vmem>>, vector<1x16xf32>,
        %get3A_254 = vector.shape_cast %get3A_253 : vector<1x16xf32> to vector<16xf32>
        %mul3A_255 = vector.broadcast %squeeze3A_224 : f32 to vector<16xf32>
        %mul3A_256 = arith.mulf %mul3A_255, %get3A_254 : vector<16xf32>
        %swap3A_257 = arith.index_cast %add3A_228 : i32 to index
        %swap3A_258 = arith.constant 32 : index
        %swap3A_259 = tpu.vector_load %arg11[%swap3A_257, %swap3A_258] {strides = array<i32>} : memref<128x128xf32, #tpu.memory_space<vmem>>, vector<1x16xf32>,
        %swap3A_260 = vector.shape_cast %swap3A_259 : vector<1x16xf32> to vector<16xf32>
        %swap3A_261 = vector.shape_cast %mul3A_256 : vector<16xf32> to vector<1x16xf32>
        tpu.vector_store %arg11[%swap3A_257, %swap3A_258], %swap3A_261 {strides = array<i32>} : memref<128x128xf32, #tpu.memory_space<vmem>>, vector<1x16xf32>,
        %get3A_262 = arith.index_cast %add3A_228 : i32 to index
        %get3A_263 = arith.constant 48 : index
        %get3A_264 = tpu.vector_load %arg11[%get3A_262, %get3A_263] {strides = array<i32>} : memref<128x128xf32, #tpu.memory_space<vmem>>, vector<1x16xf32>,
        %get3A_265 = vector.shape_cast %get3A_264 : vector<1x16xf32> to vector<16xf32>
        %mul3A_266 = vector.broadcast %squeeze3A_224 : f32 to vector<16xf32>
        %mul3A_267 = arith.mulf %mul3A_266, %get3A_265 : vector<16xf32>
        %swap3A_268 = arith.index_cast %add3A_228 : i32 to index
        %swap3A_269 = arith.constant 48 : index
        %swap3A_270 = tpu.vector_load %arg11[%swap3A_268, %swap3A_269] {strides = array<i32>} : memref<128x128xf32, #tpu.memory_space<vmem>>, vector<1x16xf32>,
        %swap3A_271 = vector.shape_cast %swap3A_270 : vector<1x16xf32> to vector<16xf32>
        %swap3A_272 = vector.shape_cast %mul3A_267 : vector<16xf32> to vector<1x16xf32>
        tpu.vector_store %arg11[%swap3A_268, %swap3A_269], %swap3A_272 {strides = array<i32>} : memref<128x128xf32, #tpu.memory_space<vmem>>, vector<1x16xf32>,
        %slice3A_273 = vector.extract_strided_slice %get3A_25 {offsets = [5], sizes = [1], strides = [1]} : vector<16xf32> to vector<1xf32>
        %squeeze3A_274 = vector.extract %slice3A_273[0] : f32 from vector<1xf32>
        %mul3A_275 = arith.constant 16 : i32
        %mul3A_276 = arith.muli %scan3A_21, %mul3A_275 : i32
        %add3A_277 = arith.constant 5 : i32
        %add3A_278 = arith.addi %mul3A_276, %add3A_277 : i32
        %get3A_279 = arith.index_cast %add3A_278 : i32 to index
        %get3A_280 = arith.constant 0 : index
        %get3A_281 = tpu.vector_load %arg11[%get3A_279, %get3A_280] {strides = array<i32>} : memref<128x128xf32, #tpu.memory_space<vmem>>, vector<1x16xf32>,
        %get3A_282 = vector.shape_cast %get3A_281 : vector<1x16xf32> to vector<16xf32>
        %mul3A_283 = vector.broadcast %squeeze3A_274 : f32 to vector<16xf32>
        %mul3A_284 = arith.mulf %mul3A_283, %get3A_282 : vector<16xf32>
        %swap3A_285 = arith.index_cast %add3A_278 : i32 to index
        %swap3A_286 = arith.constant 0 : index
        %swap3A_287 = tpu.vector_load %arg11[%swap3A_285, %swap3A_286] {strides = array<i32>} : memref<128x128xf32, #tpu.memory_space<vmem>>, vector<1x16xf32>,
        %swap3A_288 = vector.shape_cast %swap3A_287 : vector<1x16xf32> to vector<16xf32>
        %swap3A_289 = vector.shape_cast %mul3A_284 : vector<16xf32> to vector<1x16xf32>
        tpu.vector_store %arg11[%swap3A_285, %swap3A_286], %swap3A_289 {strides = array<i32>} : memref<128x128xf32, #tpu.memory_space<vmem>>, vector<1x16xf32>,
        %get3A_290 = arith.index_cast %add3A_278 : i32 to index
        %get3A_291 = arith.constant 16 : index
        %get3A_292 = tpu.vector_load %arg11[%get3A_290, %get3A_291] {strides = array<i32>} : memref<128x128xf32, #tpu.memory_space<vmem>>, vector<1x16xf32>,
        %get3A_293 = vector.shape_cast %get3A_292 : vector<1x16xf32> to vector<16xf32>
        %mul3A_294 = vector.broadcast %squeeze3A_274 : f32 to vector<16xf32>
        %mul3A_295 = arith.mulf %mul3A_294, %get3A_293 : vector<16xf32>
        %swap3A_296 = arith.index_cast %add3A_278 : i32 to index
        %swap3A_297 = arith.constant 16 : index
        %swap3A_298 = tpu.vector_load %arg11[%swap3A_296, %swap3A_297] {strides = array<i32>} : memref<128x128xf32, #tpu.memory_space<vmem>>, vector<1x16xf32>,
        %swap3A_299 = vector.shape_cast %swap3A_298 : vector<1x16xf32> to vector<16xf32>
        %swap3A_300 = vector.shape_cast %mul3A_295 : vector<16xf32> to vector<1x16xf32>
        tpu.vector_store %arg11[%swap3A_296, %swap3A_297], %swap3A_300 {strides = array<i32>} : memref<128x128xf32, #tpu.memory_space<vmem>>, vector<1x16xf32>,
        %get3A_301 = arith.index_cast %add3A_278 : i32 to index
        %get3A_302 = arith.constant 32 : index
        %get3A_303 = tpu.vector_load %arg11[%get3A_301, %get3A_302] {strides = array<i32>} : memref<128x128xf32, #tpu.memory_space<vmem>>, vector<1x16xf32>,
        %get3A_304 = vector.shape_cast %get3A_303 : vector<1x16xf32> to vector<16xf32>
        %mul3A_305 = vector.broadcast %squeeze3A_274 : f32 to vector<16xf32>
        %mul3A_306 = arith.mulf %mul3A_305, %get3A_304 : vector<16xf32>
        %swap3A_307 = arith.index_cast %add3A_278 : i32 to index
        %swap3A_308 = arith.constant 32 : index
        %swap3A_309 = tpu.vector_load %arg11[%swap3A_307, %swap3A_308] {strides = array<i32>} : memref<128x128xf32, #tpu.memory_space<vmem>>, vector<1x16xf32>,
        %swap3A_310 = vector.shape_cast %swap3A_309 : vector<1x16xf32> to vector<16xf32>
        %swap3A_311 = vector.shape_cast %mul3A_306 : vector<16xf32> to vector<1x16xf32>
        tpu.vector_store %arg11[%swap3A_307, %swap3A_308], %swap3A_311 {strides = array<i32>} : memref<128x128xf32, #tpu.memory_space<vmem>>, vector<1x16xf32>,
        %get3A_312 = arith.index_cast %add3A_278 : i32 to index
        %get3A_313 = arith.constant 48 : index
        %get3A_314 = tpu.vector_load %arg11[%get3A_312, %get3A_313] {strides = array<i32>} : memref<128x128xf32, #tpu.memory_space<vmem>>, vector<1x16xf32>,
        %get3A_315 = vector.shape_cast %get3A_314 : vector<1x16xf32> to vector<16xf32>
        %mul3A_316 = vector.broadcast %squeeze3A_274 : f32 to vector<16xf32>
        %mul3A_317 = arith.mulf %mul3A_316, %get3A_315 : vector<16xf32>
        %swap3A_318 = arith.index_cast %add3A_278 : i32 to index
        %swap3A_319 = arith.constant 48 : index
        %swap3A_320 = tpu.vector_load %arg11[%swap3A_318, %swap3A_319] {strides = array<i32>} : memref<128x128xf32, #tpu.memory_space<vmem>>, vector<1x16xf32>,
        %swap3A_321 = vector.shape_cast %swap3A_320 : vector<1x16xf32> to vector<16xf32>
        %swap3A_322 = vector.shape_cast %mul3A_317 : vector<16xf32> to vector<1x16xf32>
        tpu.vector_store %arg11[%swap3A_318, %swap3A_319], %swap3A_322 {strides = array<i32>} : memref<128x128xf32, #tpu.memory_space<vmem>>, vector<1x16xf32>,
        %slice3A_323 = vector.extract_strided_slice %get3A_25 {offsets = [6], sizes = [1], strides = [1]} : vector<16xf32> to vector<1xf32>
        %squeeze3A_324 = vector.extract %slice3A_323[0] : f32 from vector<1xf32>
        %mul3A_325 = arith.constant 16 : i32
        %mul3A_326 = arith.muli %scan3A_21, %mul3A_325 : i32
        %add3A_327 = arith.constant 6 : i32
        %add3A_328 = arith.addi %mul3A_326, %add3A_327 : i32
        %get3A_329 = arith.index_cast %add3A_328 : i32 to index
        %get3A_330 = arith.constant 0 : index
        %get3A_331 = tpu.vector_load %arg11[%get3A_329, %get3A_330] {strides = array<i32>} : memref<128x128xf32, #tpu.memory_space<vmem>>, vector<1x16xf32>,
        %get3A_332 = vector.shape_cast %get3A_331 : vector<1x16xf32> to vector<16xf32>
        %mul3A_333 = vector.broadcast %squeeze3A_324 : f32 to vector<16xf32>
        %mul3A_334 = arith.mulf %mul3A_333, %get3A_332 : vector<16xf32>
        %swap3A_335 = arith.index_cast %add3A_328 : i32 to index
        %swap3A_336 = arith.constant 0 : index
        %swap3A_337 = tpu.vector_load %arg11[%swap3A_335, %swap3A_336] {strides = array<i32>} : memref<128x128xf32, #tpu.memory_space<vmem>>, vector<1x16xf32>,
        %swap3A_338 = vector.shape_cast %swap3A_337 : vector<1x16xf32> to vector<16xf32>
        %swap3A_339 = vector.shape_cast %mul3A_334 : vector<16xf32> to vector<1x16xf32>
        tpu.vector_store %arg11[%swap3A_335, %swap3A_336], %swap3A_339 {strides = array<i32>} : memref<128x128xf32, #tpu.memory_space<vmem>>, vector<1x16xf32>,
        %get3A_340 = arith.index_cast %add3A_328 : i32 to index
        %get3A_341 = arith.constant 16 : index
        %get3A_342 = tpu.vector_load %arg11[%get3A_340, %get3A_341] {strides = array<i32>} : memref<128x128xf32, #tpu.memory_space<vmem>>, vector<1x16xf32>,
        %get3A_343 = vector.shape_cast %get3A_342 : vector<1x16xf32> to vector<16xf32>
        %mul3A_344 = vector.broadcast %squeeze3A_324 : f32 to vector<16xf32>
        %mul3A_345 = arith.mulf %mul3A_344, %get3A_343 : vector<16xf32>
        %swap3A_346 = arith.index_cast %add3A_328 : i32 to index
        %swap3A_347 = arith.constant 16 : index
        %swap3A_348 = tpu.vector_load %arg11[%swap3A_346, %swap3A_347] {strides = array<i32>} : memref<128x128xf32, #tpu.memory_space<vmem>>, vector<1x16xf32>,
        %swap3A_349 = vector.shape_cast %swap3A_348 : vector<1x16xf32> to vector<16xf32>
        %swap3A_350 = vector.shape_cast %mul3A_345 : vector<16xf32> to vector<1x16xf32>
        tpu.vector_store %arg11[%swap3A_346, %swap3A_347], %swap3A_350 {strides = array<i32>} : memref<128x128xf32, #tpu.memory_space<vmem>>, vector<1x16xf32>,
        %get3A_351 = arith.index_cast %add3A_328 : i32 to index
        %get3A_352 = arith.constant 32 : index
        %get3A_353 = tpu.vector_load %arg11[%get3A_351, %get3A_352] {strides = array<i32>} : memref<128x128xf32, #tpu.memory_space<vmem>>, vector<1x16xf32>,
        %get3A_354 = vector.shape_cast %get3A_353 : vector<1x16xf32> to vector<16xf32>
        %mul3A_355 = vector.broadcast %squeeze3A_324 : f32 to vector<16xf32>
        %mul3A_356 = arith.mulf %mul3A_355, %get3A_354 : vector<16xf32>
        %swap3A_357 = arith.index_cast %add3A_328 : i32 to index
        %swap3A_358 = arith.constant 32 : index
        %swap3A_359 = tpu.vector_load %arg11[%swap3A_357, %swap3A_358] {strides = array<i32>} : memref<128x128xf32, #tpu.memory_space<vmem>>, vector<1x16xf32>,
        %swap3A_360 = vector.shape_cast %swap3A_359 : vector<1x16xf32> to vector<16xf32>
        %swap3A_361 = vector.shape_cast %mul3A_356 : vector<16xf32> to vector<1x16xf32>
        tpu.vector_store %arg11[%swap3A_357, %swap3A_358], %swap3A_361 {strides = array<i32>} : memref<128x128xf32, #tpu.memory_space<vmem>>, vector<1x16xf32>,
        %get3A_362 = arith.index_cast %add3A_328 : i32 to index
        %get3A_363 = arith.constant 48 : index
        %get3A_364 = tpu.vector_load %arg11[%get3A_362, %get3A_363] {strides = array<i32>} : memref<128x128xf32, #tpu.memory_space<vmem>>, vector<1x16xf32>,
        %get3A_365 = vector.shape_cast %get3A_364 : vector<1x16xf32> to vector<16xf32>
        %mul3A_366 = vector.broadcast %squeeze3A_324 : f32 to vector<16xf32>
        %mul3A_367 = arith.mulf %mul3A_366, %get3A_365 : vector<16xf32>
        %swap3A_368 = arith.index_cast %add3A_328 : i32 to index
        %swap3A_369 = arith.constant 48 : index
        %swap3A_370 = tpu.vector_load %arg11[%swap3A_368, %swap3A_369] {strides = array<i32>} : memref<128x128xf32, #tpu.memory_space<vmem>>, vector<1x16xf32>,
        %swap3A_371 = vector.shape_cast %swap3A_370 : vector<1x16xf32> to vector<16xf32>
        %swap3A_372 = vector.shape_cast %mul3A_367 : vector<16xf32> to vector<1x16xf32>
        tpu.vector_store %arg11[%swap3A_368, %swap3A_369], %swap3A_372 {strides = array<i32>} : memref<128x128xf32, #tpu.memory_space<vmem>>, vector<1x16xf32>,
        %slice3A_373 = vector.extract_strided_slice %get3A_25 {offsets = [7], sizes = [1], strides = [1]} : vector<16xf32> to vector<1xf32>
        %squeeze3A_374 = vector.extract %slice3A_373[0] : f32 from vector<1xf32>
        %mul3A_375 = arith.constant 16 : i32
        %mul3A_376 = arith.muli %scan3A_21, %mul3A_375 : i32
        %add3A_377 = arith.constant 7 : i32
        %add3A_378 = arith.addi %mul3A_376, %add3A_377 : i32
        %get3A_379 = arith.index_cast %add3A_378 : i32 to index
        %get3A_380 = arith.constant 0 : index
        %get3A_381 = tpu.vector_load %arg11[%get3A_379, %get3A_380] {strides = array<i32>} : memref<128x128xf32, #tpu.memory_space<vmem>>, vector<1x16xf32>,
        %get3A_382 = vector.shape_cast %get3A_381 : vector<1x16xf32> to vector<16xf32>
        %mul3A_383 = vector.broadcast %squeeze3A_374 : f32 to vector<16xf32>
        %mul3A_384 = arith.mulf %mul3A_383, %get3A_382 : vector<16xf32>
        %swap3A_385 = arith.index_cast %add3A_378 : i32 to index
        %swap3A_386 = arith.constant 0 : index
        %swap3A_387 = tpu.vector_load %arg11[%swap3A_385, %swap3A_386] {strides = array<i32>} : memref<128x128xf32, #tpu.memory_space<vmem>>, vector<1x16xf32>,
        %swap3A_388 = vector.shape_cast %swap3A_387 : vector<1x16xf32> to vector<16xf32>
        %swap3A_389 = vector.shape_cast %mul3A_384 : vector<16xf32> to vector<1x16xf32>
        tpu.vector_store %arg11[%swap3A_385, %swap3A_386], %swap3A_389 {strides = array<i32>} : memref<128x128xf32, #tpu.memory_space<vmem>>, vector<1x16xf32>,
        %get3A_390 = arith.index_cast %add3A_378 : i32 to index
        %get3A_391 = arith.constant 16 : index
        %get3A_392 = tpu.vector_load %arg11[%get3A_390, %get3A_391] {strides = array<i32>} : memref<128x128xf32, #tpu.memory_space<vmem>>, vector<1x16xf32>,
        %get3A_393 = vector.shape_cast %get3A_392 : vector<1x16xf32> to vector<16xf32>
        %mul3A_394 = vector.broadcast %squeeze3A_374 : f32 to vector<16xf32>
        %mul3A_395 = arith.mulf %mul3A_394, %get3A_393 : vector<16xf32>
        %swap3A_396 = arith.index_cast %add3A_378 : i32 to index
        %swap3A_397 = arith.constant 16 : index
        %swap3A_398 = tpu.vector_load %arg11[%swap3A_396, %swap3A_397] {strides = array<i32>} : memref<128x128xf32, #tpu.memory_space<vmem>>, vector<1x16xf32>,
        %swap3A_399 = vector.shape_cast %swap3A_398 : vector<1x16xf32> to vector<16xf32>
        %swap3A_400 = vector.shape_cast %mul3A_395 : vector<16xf32> to vector<1x16xf32>
        tpu.vector_store %arg11[%swap3A_396, %swap3A_397], %swap3A_400 {strides = array<i32>} : memref<128x128xf32, #tpu.memory_space<vmem>>, vector<1x16xf32>,
        %get3A_401 = arith.index_cast %add3A_378 : i32 to index
        %get3A_402 = arith.constant 32 : index
        %get3A_403 = tpu.vector_load %arg11[%get3A_401, %get3A_402] {strides = array<i32>} : memref<128x128xf32, #tpu.memory_space<vmem>>, vector<1x16xf32>,
        %get3A_404 = vector.shape_cast %get3A_403 : vector<1x16xf32> to vector<16xf32>
        %mul3A_405 = vector.broadcast %squeeze3A_374 : f32 to vector<16xf32>
        %mul3A_406 = arith.mulf %mul3A_405, %get3A_404 : vector<16xf32>
        %swap3A_407 = arith.index_cast %add3A_378 : i32 to index
        %swap3A_408 = arith.constant 32 : index
        %swap3A_409 = tpu.vector_load %arg11[%swap3A_407, %swap3A_408] {strides = array<i32>} : memref<128x128xf32, #tpu.memory_space<vmem>>, vector<1x16xf32>,
        %swap3A_410 = vector.shape_cast %swap3A_409 : vector<1x16xf32> to vector<16xf32>
        %swap3A_411 = vector.shape_cast %mul3A_406 : vector<16xf32> to vector<1x16xf32>
        tpu.vector_store %arg11[%swap3A_407, %swap3A_408], %swap3A_411 {strides = array<i32>} : memref<128x128xf32, #tpu.memory_space<vmem>>, vector<1x16xf32>,
        %get3A_412 = arith.index_cast %add3A_378 : i32 to index
        %get3A_413 = arith.constant 48 : index
        %get3A_414 = tpu.vector_load %arg11[%get3A_412, %get3A_413] {strides = array<i32>} : memref<128x128xf32, #tpu.memory_space<vmem>>, vector<1x16xf32>,
        %get3A_415 = vector.shape_cast %get3A_414 : vector<1x16xf32> to vector<16xf32>
        %mul3A_416 = vector.broadcast %squeeze3A_374 : f32 to vector<16xf32>
        %mul3A_417 = arith.mulf %mul3A_416, %get3A_415 : vector<16xf32>
        %swap3A_418 = arith.index_cast %add3A_378 : i32 to index
        %swap3A_419 = arith.constant 48 : index
        %swap3A_420 = tpu.vector_load %arg11[%swap3A_418, %swap3A_419] {strides = array<i32>} : memref<128x128xf32, #tpu.memory_space<vmem>>, vector<1x16xf32>,
        %swap3A_421 = vector.shape_cast %swap3A_420 : vector<1x16xf32> to vector<16xf32>
        %swap3A_422 = vector.shape_cast %mul3A_417 : vector<16xf32> to vector<1x16xf32>
        tpu.vector_store %arg11[%swap3A_418, %swap3A_419], %swap3A_422 {strides = array<i32>} : memref<128x128xf32, #tpu.memory_space<vmem>>, vector<1x16xf32>,
        %slice3A_423 = vector.extract_strided_slice %get3A_25 {offsets = [8], sizes = [1], strides = [1]} : vector<16xf32> to vector<1xf32>
        %squeeze3A_424 = vector.extract %slice3A_423[0] : f32 from vector<1xf32>
        %mul3A_425 = arith.constant 16 : i32
        %mul3A_426 = arith.muli %scan3A_21, %mul3A_425 : i32
        %add3A_427 = arith.constant 8 : i32
        %add3A_428 = arith.addi %mul3A_426, %add3A_427 : i32
        %get3A_429 = arith.index_cast %add3A_428 : i32 to index
        %get3A_430 = arith.constant 0 : index
        %get3A_431 = tpu.vector_load %arg11[%get3A_429, %get3A_430] {strides = array<i32>} : memref<128x128xf32, #tpu.memory_space<vmem>>, vector<1x16xf32>,
        %get3A_432 = vector.shape_cast %get3A_431 : vector<1x16xf32> to vector<16xf32>
        %mul3A_433 = vector.broadcast %squeeze3A_424 : f32 to vector<16xf32>
        %mul3A_434 = arith.mulf %mul3A_433, %get3A_432 : vector<16xf32>
        %swap3A_435 = arith.index_cast %add3A_428 : i32 to index
        %swap3A_436 = arith.constant 0 : index
        %swap3A_437 = tpu.vector_load %arg11[%swap3A_435, %swap3A_436] {strides = array<i32>} : memref<128x128xf32, #tpu.memory_space<vmem>>, vector<1x16xf32>,
        %swap3A_438 = vector.shape_cast %swap3A_437 : vector<1x16xf32> to vector<16xf32>
        %swap3A_439 = vector.shape_cast %mul3A_434 : vector<16xf32> to vector<1x16xf32>
        tpu.vector_store %arg11[%swap3A_435, %swap3A_436], %swap3A_439 {strides = array<i32>} : memref<128x128xf32, #tpu.memory_space<vmem>>, vector<1x16xf32>,
        %get3A_440 = arith.index_cast %add3A_428 : i32 to index
        %get3A_441 = arith.constant 16 : index
        %get3A_442 = tpu.vector_load %arg11[%get3A_440, %get3A_441] {strides = array<i32>} : memref<128x128xf32, #tpu.memory_space<vmem>>, vector<1x16xf32>,
        %get3A_443 = vector.shape_cast %get3A_442 : vector<1x16xf32> to vector<16xf32>
        %mul3A_444 = vector.broadcast %squeeze3A_424 : f32 to vector<16xf32>
        %mul3A_445 = arith.mulf %mul3A_444, %get3A_443 : vector<16xf32>
        %swap3A_446 = arith.index_cast %add3A_428 : i32 to index
        %swap3A_447 = arith.constant 16 : index
        %swap3A_448 = tpu.vector_load %arg11[%swap3A_446, %swap3A_447] {strides = array<i32>} : memref<128x128xf32, #tpu.memory_space<vmem>>, vector<1x16xf32>,
        %swap3A_449 = vector.shape_cast %swap3A_448 : vector<1x16xf32> to vector<16xf32>
        %swap3A_450 = vector.shape_cast %mul3A_445 : vector<16xf32> to vector<1x16xf32>
        tpu.vector_store %arg11[%swap3A_446, %swap3A_447], %swap3A_450 {strides = array<i32>} : memref<128x128xf32, #tpu.memory_space<vmem>>, vector<1x16xf32>,
        %get3A_451 = arith.index_cast %add3A_428 : i32 to index
        %get3A_452 = arith.constant 32 : index
        %get3A_453 = tpu.vector_load %arg11[%get3A_451, %get3A_452] {strides = array<i32>} : memref<128x128xf32, #tpu.memory_space<vmem>>, vector<1x16xf32>,
        %get3A_454 = vector.shape_cast %get3A_453 : vector<1x16xf32> to vector<16xf32>
        %mul3A_455 = vector.broadcast %squeeze3A_424 : f32 to vector<16xf32>
        %mul3A_456 = arith.mulf %mul3A_455, %get3A_454 : vector<16xf32>
        %swap3A_457 = arith.index_cast %add3A_428 : i32 to index
        %swap3A_458 = arith.constant 32 : index
        %swap3A_459 = tpu.vector_load %arg11[%swap3A_457, %swap3A_458] {strides = array<i32>} : memref<128x128xf32, #tpu.memory_space<vmem>>, vector<1x16xf32>,
        %swap3A_460 = vector.shape_cast %swap3A_459 : vector<1x16xf32> to vector<16xf32>
        %swap3A_461 = vector.shape_cast %mul3A_456 : vector<16xf32> to vector<1x16xf32>
        tpu.vector_store %arg11[%swap3A_457, %swap3A_458], %swap3A_461 {strides = array<i32>} : memref<128x128xf32, #tpu.memory_space<vmem>>, vector<1x16xf32>,
        %get3A_462 = arith.index_cast %add3A_428 : i32 to index
        %get3A_463 = arith.constant 48 : index
        %get3A_464 = tpu.vector_load %arg11[%get3A_462, %get3A_463] {strides = array<i32>} : memref<128x128xf32, #tpu.memory_space<vmem>>, vector<1x16xf32>,
        %get3A_465 = vector.shape_cast %get3A_464 : vector<1x16xf32> to vector<16xf32>
        %mul3A_466 = vector.broadcast %squeeze3A_424 : f32 to vector<16xf32>
        %mul3A_467 = arith.mulf %mul3A_466, %get3A_465 : vector<16xf32>
        %swap3A_468 = arith.index_cast %add3A_428 : i32 to index
        %swap3A_469 = arith.constant 48 : index
        %swap3A_470 = tpu.vector_load %arg11[%swap3A_468, %swap3A_469] {strides = array<i32>} : memref<128x128xf32, #tpu.memory_space<vmem>>, vector<1x16xf32>,
        %swap3A_471 = vector.shape_cast %swap3A_470 : vector<1x16xf32> to vector<16xf32>
        %swap3A_472 = vector.shape_cast %mul3A_467 : vector<16xf32> to vector<1x16xf32>
        tpu.vector_store %arg11[%swap3A_468, %swap3A_469], %swap3A_472 {strides = array<i32>} : memref<128x128xf32, #tpu.memory_space<vmem>>, vector<1x16xf32>,
        %slice3A_473 = vector.extract_strided_slice %get3A_25 {offsets = [9], sizes = [1], strides = [1]} : vector<16xf32> to vector<1xf32>
        %squeeze3A_474 = vector.extract %slice3A_473[0] : f32 from vector<1xf32>
        %mul3A_475 = arith.constant 16 : i32
        %mul3A_476 = arith.muli %scan3A_21, %mul3A_475 : i32
        %add3A_477 = arith.constant 9 : i32
        %add3A_478 = arith.addi %mul3A_476, %add3A_477 : i32
        %get3A_479 = arith.index_cast %add3A_478 : i32 to index
        %get3A_480 = arith.constant 0 : index
        %get3A_481 = tpu.vector_load %arg11[%get3A_479, %get3A_480] {strides = array<i32>} : memref<128x128xf32, #tpu.memory_space<vmem>>, vector<1x16xf32>,
        %get3A_482 = vector.shape_cast %get3A_481 : vector<1x16xf32> to vector<16xf32>
        %mul3A_483 = vector.broadcast %squeeze3A_474 : f32 to vector<16xf32>
        %mul3A_484 = arith.mulf %mul3A_483, %get3A_482 : vector<16xf32>
        %swap3A_485 = arith.index_cast %add3A_478 : i32 to index
        %swap3A_486 = arith.constant 0 : index
        %swap3A_487 = tpu.vector_load %arg11[%swap3A_485, %swap3A_486] {strides = array<i32>} : memref<128x128xf32, #tpu.memory_space<vmem>>, vector<1x16xf32>,
        %swap3A_488 = vector.shape_cast %swap3A_487 : vector<1x16xf32> to vector<16xf32>
        %swap3A_489 = vector.shape_cast %mul3A_484 : vector<16xf32> to vector<1x16xf32>
        tpu.vector_store %arg11[%swap3A_485, %swap3A_486], %swap3A_489 {strides = array<i32>} : memref<128x128xf32, #tpu.memory_space<vmem>>, vector<1x16xf32>,
        %get3A_490 = arith.index_cast %add3A_478 : i32 to index
        %get3A_491 = arith.constant 16 : index
        %get3A_492 = tpu.vector_load %arg11[%get3A_490, %get3A_491] {strides = array<i32>} : memref<128x128xf32, #tpu.memory_space<vmem>>, vector<1x16xf32>,
        %get3A_493 = vector.shape_cast %get3A_492 : vector<1x16xf32> to vector<16xf32>
        %mul3A_494 = vector.broadcast %squeeze3A_474 : f32 to vector<16xf32>
        %mul3A_495 = arith.mulf %mul3A_494, %get3A_493 : vector<16xf32>
        %swap3A_496 = arith.index_cast %add3A_478 : i32 to index
        %swap3A_497 = arith.constant 16 : index
        %swap3A_498 = tpu.vector_load %arg11[%swap3A_496, %swap3A_497] {strides = array<i32>} : memref<128x128xf32, #tpu.memory_space<vmem>>, vector<1x16xf32>,
        %swap3A_499 = vector.shape_cast %swap3A_498 : vector<1x16xf32> to vector<16xf32>
        %swap3A_500 = vector.shape_cast %mul3A_495 : vector<16xf32> to vector<1x16xf32>
        tpu.vector_store %arg11[%swap3A_496, %swap3A_497], %swap3A_500 {strides = array<i32>} : memref<128x128xf32, #tpu.memory_space<vmem>>, vector<1x16xf32>,
        %get3A_501 = arith.index_cast %add3A_478 : i32 to index
        %get3A_502 = arith.constant 32 : index
        %get3A_503 = tpu.vector_load %arg11[%get3A_501, %get3A_502] {strides = array<i32>} : memref<128x128xf32, #tpu.memory_space<vmem>>, vector<1x16xf32>,
        %get3A_504 = vector.shape_cast %get3A_503 : vector<1x16xf32> to vector<16xf32>
        %mul3A_505 = vector.broadcast %squeeze3A_474 : f32 to vector<16xf32>
        %mul3A_506 = arith.mulf %mul3A_505, %get3A_504 : vector<16xf32>
        %swap3A_507 = arith.index_cast %add3A_478 : i32 to index
        %swap3A_508 = arith.constant 32 : index
        %swap3A_509 = tpu.vector_load %arg11[%swap3A_507, %swap3A_508] {strides = array<i32>} : memref<128x128xf32, #tpu.memory_space<vmem>>, vector<1x16xf32>,
        %swap3A_510 = vector.shape_cast %swap3A_509 : vector<1x16xf32> to vector<16xf32>
        %swap3A_511 = vector.shape_cast %mul3A_506 : vector<16xf32> to vector<1x16xf32>
        tpu.vector_store %arg11[%swap3A_507, %swap3A_508], %swap3A_511 {strides = array<i32>} : memref<128x128xf32, #tpu.memory_space<vmem>>, vector<1x16xf32>,
        %get3A_512 = arith.index_cast %add3A_478 : i32 to index
        %get3A_513 = arith.constant 48 : index
        %get3A_514 = tpu.vector_load %arg11[%get3A_512, %get3A_513] {strides = array<i32>} : memref<128x128xf32, #tpu.memory_space<vmem>>, vector<1x16xf32>,
        %get3A_515 = vector.shape_cast %get3A_514 : vector<1x16xf32> to vector<16xf32>
        %mul3A_516 = vector.broadcast %squeeze3A_474 : f32 to vector<16xf32>
        %mul3A_517 = arith.mulf %mul3A_516, %get3A_515 : vector<16xf32>
        %swap3A_518 = arith.index_cast %add3A_478 : i32 to index
        %swap3A_519 = arith.constant 48 : index
        %swap3A_520 = tpu.vector_load %arg11[%swap3A_518, %swap3A_519] {strides = array<i32>} : memref<128x128xf32, #tpu.memory_space<vmem>>, vector<1x16xf32>,
        %swap3A_521 = vector.shape_cast %swap3A_520 : vector<1x16xf32> to vector<16xf32>
        %swap3A_522 = vector.shape_cast %mul3A_517 : vector<16xf32> to vector<1x16xf32>
        tpu.vector_store %arg11[%swap3A_518, %swap3A_519], %swap3A_522 {strides = array<i32>} : memref<128x128xf32, #tpu.memory_space<vmem>>, vector<1x16xf32>,
        %slice3A_523 = vector.extract_strided_slice %get3A_25 {offsets = [10], sizes = [1], strides = [1]} : vector<16xf32> to vector<1xf32>
        %squeeze3A_524 = vector.extract %slice3A_523[0] : f32 from vector<1xf32>
        %mul3A_525 = arith.constant 16 : i32
        %mul3A_526 = arith.muli %scan3A_21, %mul3A_525 : i32
        %add3A_527 = arith.constant 10 : i32
        %add3A_528 = arith.addi %mul3A_526, %add3A_527 : i32
        %get3A_529 = arith.index_cast %add3A_528 : i32 to index
        %get3A_530 = arith.constant 0 : index
        %get3A_531 = tpu.vector_load %arg11[%get3A_529, %get3A_530] {strides = array<i32>} : memref<128x128xf32, #tpu.memory_space<vmem>>, vector<1x16xf32>,
        %get3A_532 = vector.shape_cast %get3A_531 : vector<1x16xf32> to vector<16xf32>
        %mul3A_533 = vector.broadcast %squeeze3A_524 : f32 to vector<16xf32>
        %mul3A_534 = arith.mulf %mul3A_533, %get3A_532 : vector<16xf32>
        %swap3A_535 = arith.index_cast %add3A_528 : i32 to index
        %swap3A_536 = arith.constant 0 : index
        %swap3A_537 = tpu.vector_load %arg11[%swap3A_535, %swap3A_536] {strides = array<i32>} : memref<128x128xf32, #tpu.memory_space<vmem>>, vector<1x16xf32>,
        %swap3A_538 = vector.shape_cast %swap3A_537 : vector<1x16xf32> to vector<16xf32>
        %swap3A_539 = vector.shape_cast %mul3A_534 : vector<16xf32> to vector<1x16xf32>
        tpu.vector_store %arg11[%swap3A_535, %swap3A_536], %swap3A_539 {strides = array<i32>} : memref<128x128xf32, #tpu.memory_space<vmem>>, vector<1x16xf32>,
        %get3A_540 = arith.index_cast %add3A_528 : i32 to index
        %get3A_541 = arith.constant 16 : index
        %get3A_542 = tpu.vector_load %arg11[%get3A_540, %get3A_541] {strides = array<i32>} : memref<128x128xf32, #tpu.memory_space<vmem>>, vector<1x16xf32>,
        %get3A_543 = vector.shape_cast %get3A_542 : vector<1x16xf32> to vector<16xf32>
        %mul3A_544 = vector.broadcast %squeeze3A_524 : f32 to vector<16xf32>
        %mul3A_545 = arith.mulf %mul3A_544, %get3A_543 : vector<16xf32>
        %swap3A_546 = arith.index_cast %add3A_528 : i32 to index
        %swap3A_547 = arith.constant 16 : index
        %swap3A_548 = tpu.vector_load %arg11[%swap3A_546, %swap3A_547] {strides = array<i32>} : memref<128x128xf32, #tpu.memory_space<vmem>>, vector<1x16xf32>,
        %swap3A_549 = vector.shape_cast %swap3A_548 : vector<1x16xf32> to vector<16xf32>
        %swap3A_550 = vector.shape_cast %mul3A_545 : vector<16xf32> to vector<1x16xf32>
        tpu.vector_store %arg11[%swap3A_546, %swap3A_547], %swap3A_550 {strides = array<i32>} : memref<128x128xf32, #tpu.memory_space<vmem>>, vector<1x16xf32>,
        %get3A_551 = arith.index_cast %add3A_528 : i32 to index
        %get3A_552 = arith.constant 32 : index
        %get3A_553 = tpu.vector_load %arg11[%get3A_551, %get3A_552] {strides = array<i32>} : memref<128x128xf32, #tpu.memory_space<vmem>>, vector<1x16xf32>,
        %get3A_554 = vector.shape_cast %get3A_553 : vector<1x16xf32> to vector<16xf32>
        %mul3A_555 = vector.broadcast %squeeze3A_524 : f32 to vector<16xf32>
        %mul3A_556 = arith.mulf %mul3A_555, %get3A_554 : vector<16xf32>
        %swap3A_557 = arith.index_cast %add3A_528 : i32 to index
        %swap3A_558 = arith.constant 32 : index
        %swap3A_559 = tpu.vector_load %arg11[%swap3A_557, %swap3A_558] {strides = array<i32>} : memref<128x128xf32, #tpu.memory_space<vmem>>, vector<1x16xf32>,
        %swap3A_560 = vector.shape_cast %swap3A_559 : vector<1x16xf32> to vector<16xf32>
        %swap3A_561 = vector.shape_cast %mul3A_556 : vector<16xf32> to vector<1x16xf32>
        tpu.vector_store %arg11[%swap3A_557, %swap3A_558], %swap3A_561 {strides = array<i32>} : memref<128x128xf32, #tpu.memory_space<vmem>>, vector<1x16xf32>,
        %get3A_562 = arith.index_cast %add3A_528 : i32 to index
        %get3A_563 = arith.constant 48 : index
        %get3A_564 = tpu.vector_load %arg11[%get3A_562, %get3A_563] {strides = array<i32>} : memref<128x128xf32, #tpu.memory_space<vmem>>, vector<1x16xf32>,
        %get3A_565 = vector.shape_cast %get3A_564 : vector<1x16xf32> to vector<16xf32>
        %mul3A_566 = vector.broadcast %squeeze3A_524 : f32 to vector<16xf32>
        %mul3A_567 = arith.mulf %mul3A_566, %get3A_565 : vector<16xf32>
        %swap3A_568 = arith.index_cast %add3A_528 : i32 to index
        %swap3A_569 = arith.constant 48 : index
        %swap3A_570 = tpu.vector_load %arg11[%swap3A_568, %swap3A_569] {strides = array<i32>} : memref<128x128xf32, #tpu.memory_space<vmem>>, vector<1x16xf32>,
        %swap3A_571 = vector.shape_cast %swap3A_570 : vector<1x16xf32> to vector<16xf32>
        %swap3A_572 = vector.shape_cast %mul3A_567 : vector<16xf32> to vector<1x16xf32>
        tpu.vector_store %arg11[%swap3A_568, %swap3A_569], %swap3A_572 {strides = array<i32>} : memref<128x128xf32, #tpu.memory_space<vmem>>, vector<1x16xf32>,
        %slice3A_573 = vector.extract_strided_slice %get3A_25 {offsets = [11], sizes = [1], strides = [1]} : vector<16xf32> to vector<1xf32>
        %squeeze3A_574 = vector.extract %slice3A_573[0] : f32 from vector<1xf32>
        %mul3A_575 = arith.constant 16 : i32
        %mul3A_576 = arith.muli %scan3A_21, %mul3A_575 : i32
        %add3A_577 = arith.constant 11 : i32
        %add3A_578 = arith.addi %mul3A_576, %add3A_577 : i32
        %get3A_579 = arith.index_cast %add3A_578 : i32 to index
        %get3A_580 = arith.constant 0 : index
        %get3A_581 = tpu.vector_load %arg11[%get3A_579, %get3A_580] {strides = array<i32>} : memref<128x128xf32, #tpu.memory_space<vmem>>, vector<1x16xf32>,
        %get3A_582 = vector.shape_cast %get3A_581 : vector<1x16xf32> to vector<16xf32>
        %mul3A_583 = vector.broadcast %squeeze3A_574 : f32 to vector<16xf32>
        %mul3A_584 = arith.mulf %mul3A_583, %get3A_582 : vector<16xf32>
        %swap3A_585 = arith.index_cast %add3A_578 : i32 to index
        %swap3A_586 = arith.constant 0 : index
        %swap3A_587 = tpu.vector_load %arg11[%swap3A_585, %swap3A_586] {strides = array<i32>} : memref<128x128xf32, #tpu.memory_space<vmem>>, vector<1x16xf32>,
        %swap3A_588 = vector.shape_cast %swap3A_587 : vector<1x16xf32> to vector<16xf32>
        %swap3A_589 = vector.shape_cast %mul3A_584 : vector<16xf32> to vector<1x16xf32>
        tpu.vector_store %arg11[%swap3A_585, %swap3A_586], %swap3A_589 {strides = array<i32>} : memref<128x128xf32, #tpu.memory_space<vmem>>, vector<1x16xf32>,
        %get3A_590 = arith.index_cast %add3A_578 : i32 to index
        %get3A_591 = arith.constant 16 : index
        %get3A_592 = tpu.vector_load %arg11[%get3A_590, %get3A_591] {strides = array<i32>} : memref<128x128xf32, #tpu.memory_space<vmem>>, vector<1x16xf32>,
        %get3A_593 = vector.shape_cast %get3A_592 : vector<1x16xf32> to vector<16xf32>
        %mul3A_594 = vector.broadcast %squeeze3A_574 : f32 to vector<16xf32>
        %mul3A_595 = arith.mulf %mul3A_594, %get3A_593 : vector<16xf32>
        %swap3A_596 = arith.index_cast %add3A_578 : i32 to index
        %swap3A_597 = arith.constant 16 : index
        %swap3A_598 = tpu.vector_load %arg11[%swap3A_596, %swap3A_597] {strides = array<i32>} : memref<128x128xf32, #tpu.memory_space<vmem>>, vector<1x16xf32>,
        %swap3A_599 = vector.shape_cast %swap3A_598 : vector<1x16xf32> to vector<16xf32>
        %swap3A_600 = vector.shape_cast %mul3A_595 : vector<16xf32> to vector<1x16xf32>
        tpu.vector_store %arg11[%swap3A_596, %swap3A_597], %swap3A_600 {strides = array<i32>} : memref<128x128xf32, #tpu.memory_space<vmem>>, vector<1x16xf32>,
        %get3A_601 = arith.index_cast %add3A_578 : i32 to index
        %get3A_602 = arith.constant 32 : index
        %get3A_603 = tpu.vector_load %arg11[%get3A_601, %get3A_602] {strides = array<i32>} : memref<128x128xf32, #tpu.memory_space<vmem>>, vector<1x16xf32>,
        %get3A_604 = vector.shape_cast %get3A_603 : vector<1x16xf32> to vector<16xf32>
        %mul3A_605 = vector.broadcast %squeeze3A_574 : f32 to vector<16xf32>
        %mul3A_606 = arith.mulf %mul3A_605, %get3A_604 : vector<16xf32>
        %swap3A_607 = arith.index_cast %add3A_578 : i32 to index
        %swap3A_608 = arith.constant 32 : index
        %swap3A_609 = tpu.vector_load %arg11[%swap3A_607, %swap3A_608] {strides = array<i32>} : memref<128x128xf32, #tpu.memory_space<vmem>>, vector<1x16xf32>,
        %swap3A_610 = vector.shape_cast %swap3A_609 : vector<1x16xf32> to vector<16xf32>
        %swap3A_611 = vector.shape_cast %mul3A_606 : vector<16xf32> to vector<1x16xf32>
        tpu.vector_store %arg11[%swap3A_607, %swap3A_608], %swap3A_611 {strides = array<i32>} : memref<128x128xf32, #tpu.memory_space<vmem>>, vector<1x16xf32>,
        %get3A_612 = arith.index_cast %add3A_578 : i32 to index
        %get3A_613 = arith.constant 48 : index
        %get3A_614 = tpu.vector_load %arg11[%get3A_612, %get3A_613] {strides = array<i32>} : memref<128x128xf32, #tpu.memory_space<vmem>>, vector<1x16xf32>,
        %get3A_615 = vector.shape_cast %get3A_614 : vector<1x16xf32> to vector<16xf32>
        %mul3A_616 = vector.broadcast %squeeze3A_574 : f32 to vector<16xf32>
        %mul3A_617 = arith.mulf %mul3A_616, %get3A_615 : vector<16xf32>
        %swap3A_618 = arith.index_cast %add3A_578 : i32 to index
        %swap3A_619 = arith.constant 48 : index
        %swap3A_620 = tpu.vector_load %arg11[%swap3A_618, %swap3A_619] {strides = array<i32>} : memref<128x128xf32, #tpu.memory_space<vmem>>, vector<1x16xf32>,
        %swap3A_621 = vector.shape_cast %swap3A_620 : vector<1x16xf32> to vector<16xf32>
        %swap3A_622 = vector.shape_cast %mul3A_617 : vector<16xf32> to vector<1x16xf32>
        tpu.vector_store %arg11[%swap3A_618, %swap3A_619], %swap3A_622 {strides = array<i32>} : memref<128x128xf32, #tpu.memory_space<vmem>>, vector<1x16xf32>,
        %slice3A_623 = vector.extract_strided_slice %get3A_25 {offsets = [12], sizes = [1], strides = [1]} : vector<16xf32> to vector<1xf32>
        %squeeze3A_624 = vector.extract %slice3A_623[0] : f32 from vector<1xf32>
        %mul3A_625 = arith.constant 16 : i32
        %mul3A_626 = arith.muli %scan3A_21, %mul3A_625 : i32
        %add3A_627 = arith.constant 12 : i32
        %add3A_628 = arith.addi %mul3A_626, %add3A_627 : i32
        %get3A_629 = arith.index_cast %add3A_628 : i32 to index
        %get3A_630 = arith.constant 0 : index
        %get3A_631 = tpu.vector_load %arg11[%get3A_629, %get3A_630] {strides = array<i32>} : memref<128x128xf32, #tpu.memory_space<vmem>>, vector<1x16xf32>,
        %get3A_632 = vector.shape_cast %get3A_631 : vector<1x16xf32> to vector<16xf32>
        %mul3A_633 = vector.broadcast %squeeze3A_624 : f32 to vector<16xf32>
        %mul3A_634 = arith.mulf %mul3A_633, %get3A_632 : vector<16xf32>
        %swap3A_635 = arith.index_cast %add3A_628 : i32 to index
        %swap3A_636 = arith.constant 0 : index
        %swap3A_637 = tpu.vector_load %arg11[%swap3A_635, %swap3A_636] {strides = array<i32>} : memref<128x128xf32, #tpu.memory_space<vmem>>, vector<1x16xf32>,
        %swap3A_638 = vector.shape_cast %swap3A_637 : vector<1x16xf32> to vector<16xf32>
        %swap3A_639 = vector.shape_cast %mul3A_634 : vector<16xf32> to vector<1x16xf32>
        tpu.vector_store %arg11[%swap3A_635, %swap3A_636], %swap3A_639 {strides = array<i32>} : memref<128x128xf32, #tpu.memory_space<vmem>>, vector<1x16xf32>,
        %get3A_640 = arith.index_cast %add3A_628 : i32 to index
        %get3A_641 = arith.constant 16 : index
        %get3A_642 = tpu.vector_load %arg11[%get3A_640, %get3A_641] {strides = array<i32>} : memref<128x128xf32, #tpu.memory_space<vmem>>, vector<1x16xf32>,
        %get3A_643 = vector.shape_cast %get3A_642 : vector<1x16xf32> to vector<16xf32>
        %mul3A_644 = vector.broadcast %squeeze3A_624 : f32 to vector<16xf32>
        %mul3A_645 = arith.mulf %mul3A_644, %get3A_643 : vector<16xf32>
        %swap3A_646 = arith.index_cast %add3A_628 : i32 to index
        %swap3A_647 = arith.constant 16 : index
        %swap3A_648 = tpu.vector_load %arg11[%swap3A_646, %swap3A_647] {strides = array<i32>} : memref<128x128xf32, #tpu.memory_space<vmem>>, vector<1x16xf32>,
        %swap3A_649 = vector.shape_cast %swap3A_648 : vector<1x16xf32> to vector<16xf32>
        %swap3A_650 = vector.shape_cast %mul3A_645 : vector<16xf32> to vector<1x16xf32>
        tpu.vector_store %arg11[%swap3A_646, %swap3A_647], %swap3A_650 {strides = array<i32>} : memref<128x128xf32, #tpu.memory_space<vmem>>, vector<1x16xf32>,
        %get3A_651 = arith.index_cast %add3A_628 : i32 to index
        %get3A_652 = arith.constant 32 : index
        %get3A_653 = tpu.vector_load %arg11[%get3A_651, %get3A_652] {strides = array<i32>} : memref<128x128xf32, #tpu.memory_space<vmem>>, vector<1x16xf32>,
        %get3A_654 = vector.shape_cast %get3A_653 : vector<1x16xf32> to vector<16xf32>
        %mul3A_655 = vector.broadcast %squeeze3A_624 : f32 to vector<16xf32>
        %mul3A_656 = arith.mulf %mul3A_655, %get3A_654 : vector<16xf32>
        %swap3A_657 = arith.index_cast %add3A_628 : i32 to index
        %swap3A_658 = arith.constant 32 : index
        %swap3A_659 = tpu.vector_load %arg11[%swap3A_657, %swap3A_658] {strides = array<i32>} : memref<128x128xf32, #tpu.memory_space<vmem>>, vector<1x16xf32>,
        %swap3A_660 = vector.shape_cast %swap3A_659 : vector<1x16xf32> to vector<16xf32>
        %swap3A_661 = vector.shape_cast %mul3A_656 : vector<16xf32> to vector<1x16xf32>
        tpu.vector_store %arg11[%swap3A_657, %swap3A_658], %swap3A_661 {strides = array<i32>} : memref<128x128xf32, #tpu.memory_space<vmem>>, vector<1x16xf32>,
        %get3A_662 = arith.index_cast %add3A_628 : i32 to index
        %get3A_663 = arith.constant 48 : index
        %get3A_664 = tpu.vector_load %arg11[%get3A_662, %get3A_663] {strides = array<i32>} : memref<128x128xf32, #tpu.memory_space<vmem>>, vector<1x16xf32>,
        %get3A_665 = vector.shape_cast %get3A_664 : vector<1x16xf32> to vector<16xf32>
        %mul3A_666 = vector.broadcast %squeeze3A_624 : f32 to vector<16xf32>
        %mul3A_667 = arith.mulf %mul3A_666, %get3A_665 : vector<16xf32>
        %swap3A_668 = arith.index_cast %add3A_628 : i32 to index
        %swap3A_669 = arith.constant 48 : index
        %swap3A_670 = tpu.vector_load %arg11[%swap3A_668, %swap3A_669] {strides = array<i32>} : memref<128x128xf32, #tpu.memory_space<vmem>>, vector<1x16xf32>,
        %swap3A_671 = vector.shape_cast %swap3A_670 : vector<1x16xf32> to vector<16xf32>
        %swap3A_672 = vector.shape_cast %mul3A_667 : vector<16xf32> to vector<1x16xf32>
        tpu.vector_store %arg11[%swap3A_668, %swap3A_669], %swap3A_672 {strides = array<i32>} : memref<128x128xf32, #tpu.memory_space<vmem>>, vector<1x16xf32>,
        %slice3A_673 = vector.extract_strided_slice %get3A_25 {offsets = [13], sizes = [1], strides = [1]} : vector<16xf32> to vector<1xf32>
        %squeeze3A_674 = vector.extract %slice3A_673[0] : f32 from vector<1xf32>
        %mul3A_675 = arith.constant 16 : i32
        %mul3A_676 = arith.muli %scan3A_21, %mul3A_675 : i32
        %add3A_677 = arith.constant 13 : i32
        %add3A_678 = arith.addi %mul3A_676, %add3A_677 : i32
        %get3A_679 = arith.index_cast %add3A_678 : i32 to index
        %get3A_680 = arith.constant 0 : index
        %get3A_681 = tpu.vector_load %arg11[%get3A_679, %get3A_680] {strides = array<i32>} : memref<128x128xf32, #tpu.memory_space<vmem>>, vector<1x16xf32>,
        %get3A_682 = vector.shape_cast %get3A_681 : vector<1x16xf32> to vector<16xf32>
        %mul3A_683 = vector.broadcast %squeeze3A_674 : f32 to vector<16xf32>
        %mul3A_684 = arith.mulf %mul3A_683, %get3A_682 : vector<16xf32>
        %swap3A_685 = arith.index_cast %add3A_678 : i32 to index
        %swap3A_686 = arith.constant 0 : index
        %swap3A_687 = tpu.vector_load %arg11[%swap3A_685, %swap3A_686] {strides = array<i32>} : memref<128x128xf32, #tpu.memory_space<vmem>>, vector<1x16xf32>,
        %swap3A_688 = vector.shape_cast %swap3A_687 : vector<1x16xf32> to vector<16xf32>
        %swap3A_689 = vector.shape_cast %mul3A_684 : vector<16xf32> to vector<1x16xf32>
        tpu.vector_store %arg11[%swap3A_685, %swap3A_686], %swap3A_689 {strides = array<i32>} : memref<128x128xf32, #tpu.memory_space<vmem>>, vector<1x16xf32>,
        %get3A_690 = arith.index_cast %add3A_678 : i32 to index
        %get3A_691 = arith.constant 16 : index
        %get3A_692 = tpu.vector_load %arg11[%get3A_690, %get3A_691] {strides = array<i32>} : memref<128x128xf32, #tpu.memory_space<vmem>>, vector<1x16xf32>,
        %get3A_693 = vector.shape_cast %get3A_692 : vector<1x16xf32> to vector<16xf32>
        %mul3A_694 = vector.broadcast %squeeze3A_674 : f32 to vector<16xf32>
        %mul3A_695 = arith.mulf %mul3A_694, %get3A_693 : vector<16xf32>
        %swap3A_696 = arith.index_cast %add3A_678 : i32 to index
        %swap3A_697 = arith.constant 16 : index
        %swap3A_698 = tpu.vector_load %arg11[%swap3A_696, %swap3A_697] {strides = array<i32>} : memref<128x128xf32, #tpu.memory_space<vmem>>, vector<1x16xf32>,
        %swap3A_699 = vector.shape_cast %swap3A_698 : vector<1x16xf32> to vector<16xf32>
        %swap3A_700 = vector.shape_cast %mul3A_695 : vector<16xf32> to vector<1x16xf32>
        tpu.vector_store %arg11[%swap3A_696, %swap3A_697], %swap3A_700 {strides = array<i32>} : memref<128x128xf32, #tpu.memory_space<vmem>>, vector<1x16xf32>,
        %get3A_701 = arith.index_cast %add3A_678 : i32 to index
        %get3A_702 = arith.constant 32 : index
        %get3A_703 = tpu.vector_load %arg11[%get3A_701, %get3A_702] {strides = array<i32>} : memref<128x128xf32, #tpu.memory_space<vmem>>, vector<1x16xf32>,
        %get3A_704 = vector.shape_cast %get3A_703 : vector<1x16xf32> to vector<16xf32>
        %mul3A_705 = vector.broadcast %squeeze3A_674 : f32 to vector<16xf32>
        %mul3A_706 = arith.mulf %mul3A_705, %get3A_704 : vector<16xf32>
        %swap3A_707 = arith.index_cast %add3A_678 : i32 to index
        %swap3A_708 = arith.constant 32 : index
        %swap3A_709 = tpu.vector_load %arg11[%swap3A_707, %swap3A_708] {strides = array<i32>} : memref<128x128xf32, #tpu.memory_space<vmem>>, vector<1x16xf32>,
        %swap3A_710 = vector.shape_cast %swap3A_709 : vector<1x16xf32> to vector<16xf32>
        %swap3A_711 = vector.shape_cast %mul3A_706 : vector<16xf32> to vector<1x16xf32>
        tpu.vector_store %arg11[%swap3A_707, %swap3A_708], %swap3A_711 {strides = array<i32>} : memref<128x128xf32, #tpu.memory_space<vmem>>, vector<1x16xf32>,
        %get3A_712 = arith.index_cast %add3A_678 : i32 to index
        %get3A_713 = arith.constant 48 : index
        %get3A_714 = tpu.vector_load %arg11[%get3A_712, %get3A_713] {strides = array<i32>} : memref<128x128xf32, #tpu.memory_space<vmem>>, vector<1x16xf32>,
        %get3A_715 = vector.shape_cast %get3A_714 : vector<1x16xf32> to vector<16xf32>
        %mul3A_716 = vector.broadcast %squeeze3A_674 : f32 to vector<16xf32>
        %mul3A_717 = arith.mulf %mul3A_716, %get3A_715 : vector<16xf32>
        %swap3A_718 = arith.index_cast %add3A_678 : i32 to index
        %swap3A_719 = arith.constant 48 : index
        %swap3A_720 = tpu.vector_load %arg11[%swap3A_718, %swap3A_719] {strides = array<i32>} : memref<128x128xf32, #tpu.memory_space<vmem>>, vector<1x16xf32>,
        %swap3A_721 = vector.shape_cast %swap3A_720 : vector<1x16xf32> to vector<16xf32>
        %swap3A_722 = vector.shape_cast %mul3A_717 : vector<16xf32> to vector<1x16xf32>
        tpu.vector_store %arg11[%swap3A_718, %swap3A_719], %swap3A_722 {strides = array<i32>} : memref<128x128xf32, #tpu.memory_space<vmem>>, vector<1x16xf32>,
        %slice3A_723 = vector.extract_strided_slice %get3A_25 {offsets = [14], sizes = [1], strides = [1]} : vector<16xf32> to vector<1xf32>
        %squeeze3A_724 = vector.extract %slice3A_723[0] : f32 from vector<1xf32>
        %mul3A_725 = arith.constant 16 : i32
        %mul3A_726 = arith.muli %scan3A_21, %mul3A_725 : i32
        %add3A_727 = arith.constant 14 : i32
        %add3A_728 = arith.addi %mul3A_726, %add3A_727 : i32
        %get3A_729 = arith.index_cast %add3A_728 : i32 to index
        %get3A_730 = arith.constant 0 : index
        %get3A_731 = tpu.vector_load %arg11[%get3A_729, %get3A_730] {strides = array<i32>} : memref<128x128xf32, #tpu.memory_space<vmem>>, vector<1x16xf32>,
        %get3A_732 = vector.shape_cast %get3A_731 : vector<1x16xf32> to vector<16xf32>
        %mul3A_733 = vector.broadcast %squeeze3A_724 : f32 to vector<16xf32>
        %mul3A_734 = arith.mulf %mul3A_733, %get3A_732 : vector<16xf32>
        %swap3A_735 = arith.index_cast %add3A_728 : i32 to index
        %swap3A_736 = arith.constant 0 : index
        %swap3A_737 = tpu.vector_load %arg11[%swap3A_735, %swap3A_736] {strides = array<i32>} : memref<128x128xf32, #tpu.memory_space<vmem>>, vector<1x16xf32>,
        %swap3A_738 = vector.shape_cast %swap3A_737 : vector<1x16xf32> to vector<16xf32>
        %swap3A_739 = vector.shape_cast %mul3A_734 : vector<16xf32> to vector<1x16xf32>
        tpu.vector_store %arg11[%swap3A_735, %swap3A_736], %swap3A_739 {strides = array<i32>} : memref<128x128xf32, #tpu.memory_space<vmem>>, vector<1x16xf32>,
        %get3A_740 = arith.index_cast %add3A_728 : i32 to index
        %get3A_741 = arith.constant 16 : index
        %get3A_742 = tpu.vector_load %arg11[%get3A_740, %get3A_741] {strides = array<i32>} : memref<128x128xf32, #tpu.memory_space<vmem>>, vector<1x16xf32>,
        %get3A_743 = vector.shape_cast %get3A_742 : vector<1x16xf32> to vector<16xf32>
        %mul3A_744 = vector.broadcast %squeeze3A_724 : f32 to vector<16xf32>
        %mul3A_745 = arith.mulf %mul3A_744, %get3A_743 : vector<16xf32>
        %swap3A_746 = arith.index_cast %add3A_728 : i32 to index
        %swap3A_747 = arith.constant 16 : index
        %swap3A_748 = tpu.vector_load %arg11[%swap3A_746, %swap3A_747] {strides = array<i32>} : memref<128x128xf32, #tpu.memory_space<vmem>>, vector<1x16xf32>,
        %swap3A_749 = vector.shape_cast %swap3A_748 : vector<1x16xf32> to vector<16xf32>
        %swap3A_750 = vector.shape_cast %mul3A_745 : vector<16xf32> to vector<1x16xf32>
        tpu.vector_store %arg11[%swap3A_746, %swap3A_747], %swap3A_750 {strides = array<i32>} : memref<128x128xf32, #tpu.memory_space<vmem>>, vector<1x16xf32>,
        %get3A_751 = arith.index_cast %add3A_728 : i32 to index
        %get3A_752 = arith.constant 32 : index
        %get3A_753 = tpu.vector_load %arg11[%get3A_751, %get3A_752] {strides = array<i32>} : memref<128x128xf32, #tpu.memory_space<vmem>>, vector<1x16xf32>,
        %get3A_754 = vector.shape_cast %get3A_753 : vector<1x16xf32> to vector<16xf32>
        %mul3A_755 = vector.broadcast %squeeze3A_724 : f32 to vector<16xf32>
        %mul3A_756 = arith.mulf %mul3A_755, %get3A_754 : vector<16xf32>
        %swap3A_757 = arith.index_cast %add3A_728 : i32 to index
        %swap3A_758 = arith.constant 32 : index
        %swap3A_759 = tpu.vector_load %arg11[%swap3A_757, %swap3A_758] {strides = array<i32>} : memref<128x128xf32, #tpu.memory_space<vmem>>, vector<1x16xf32>,
        %swap3A_760 = vector.shape_cast %swap3A_759 : vector<1x16xf32> to vector<16xf32>
        %swap3A_761 = vector.shape_cast %mul3A_756 : vector<16xf32> to vector<1x16xf32>
        tpu.vector_store %arg11[%swap3A_757, %swap3A_758], %swap3A_761 {strides = array<i32>} : memref<128x128xf32, #tpu.memory_space<vmem>>, vector<1x16xf32>,
        %get3A_762 = arith.index_cast %add3A_728 : i32 to index
        %get3A_763 = arith.constant 48 : index
        %get3A_764 = tpu.vector_load %arg11[%get3A_762, %get3A_763] {strides = array<i32>} : memref<128x128xf32, #tpu.memory_space<vmem>>, vector<1x16xf32>,
        %get3A_765 = vector.shape_cast %get3A_764 : vector<1x16xf32> to vector<16xf32>
        %mul3A_766 = vector.broadcast %squeeze3A_724 : f32 to vector<16xf32>
        %mul3A_767 = arith.mulf %mul3A_766, %get3A_765 : vector<16xf32>
        %swap3A_768 = arith.index_cast %add3A_728 : i32 to index
        %swap3A_769 = arith.constant 48 : index
        %swap3A_770 = tpu.vector_load %arg11[%swap3A_768, %swap3A_769] {strides = array<i32>} : memref<128x128xf32, #tpu.memory_space<vmem>>, vector<1x16xf32>,
        %swap3A_771 = vector.shape_cast %swap3A_770 : vector<1x16xf32> to vector<16xf32>
        %swap3A_772 = vector.shape_cast %mul3A_767 : vector<16xf32> to vector<1x16xf32>
        tpu.vector_store %arg11[%swap3A_768, %swap3A_769], %swap3A_772 {strides = array<i32>} : memref<128x128xf32, #tpu.memory_space<vmem>>, vector<1x16xf32>,
        %slice3A_773 = vector.extract_strided_slice %get3A_25 {offsets = [15], sizes = [1], strides = [1]} : vector<16xf32> to vector<1xf32>
        %squeeze3A_774 = vector.extract %slice3A_773[0] : f32 from vector<1xf32>
        %mul3A_775 = arith.constant 16 : i32
        %mul3A_776 = arith.muli %scan3A_21, %mul3A_775 : i32
        %add3A_777 = arith.constant 15 : i32
        %add3A_778 = arith.addi %mul3A_776, %add3A_777 : i32
        %get3A_779 = arith.index_cast %add3A_778 : i32 to index
        %get3A_780 = arith.constant 0 : index
        %get3A_781 = tpu.vector_load %arg11[%get3A_779, %get3A_780] {strides = array<i32>} : memref<128x128xf32, #tpu.memory_space<vmem>>, vector<1x16xf32>,
        %get3A_782 = vector.shape_cast %get3A_781 : vector<1x16xf32> to vector<16xf32>
        %mul3A_783 = vector.broadcast %squeeze3A_774 : f32 to vector<16xf32>
        %mul3A_784 = arith.mulf %mul3A_783, %get3A_782 : vector<16xf32>
        %swap3A_785 = arith.index_cast %add3A_778 : i32 to index
        %swap3A_786 = arith.constant 0 : index
        %swap3A_787 = tpu.vector_load %arg11[%swap3A_785, %swap3A_786] {strides = array<i32>} : memref<128x128xf32, #tpu.memory_space<vmem>>, vector<1x16xf32>,
        %swap3A_788 = vector.shape_cast %swap3A_787 : vector<1x16xf32> to vector<16xf32>
        %swap3A_789 = vector.shape_cast %mul3A_784 : vector<16xf32> to vector<1x16xf32>
        tpu.vector_store %arg11[%swap3A_785, %swap3A_786], %swap3A_789 {strides = array<i32>} : memref<128x128xf32, #tpu.memory_space<vmem>>, vector<1x16xf32>,
        %get3A_790 = arith.index_cast %add3A_778 : i32 to index
        %get3A_791 = arith.constant 16 : index
        %get3A_792 = tpu.vector_load %arg11[%get3A_790, %get3A_791] {strides = array<i32>} : memref<128x128xf32, #tpu.memory_space<vmem>>, vector<1x16xf32>,
        %get3A_793 = vector.shape_cast %get3A_792 : vector<1x16xf32> to vector<16xf32>
        %mul3A_794 = vector.broadcast %squeeze3A_774 : f32 to vector<16xf32>
        %mul3A_795 = arith.mulf %mul3A_794, %get3A_793 : vector<16xf32>
        %swap3A_796 = arith.index_cast %add3A_778 : i32 to index
        %swap3A_797 = arith.constant 16 : index
        %swap3A_798 = tpu.vector_load %arg11[%swap3A_796, %swap3A_797] {strides = array<i32>} : memref<128x128xf32, #tpu.memory_space<vmem>>, vector<1x16xf32>,
        %swap3A_799 = vector.shape_cast %swap3A_798 : vector<1x16xf32> to vector<16xf32>
        %swap3A_800 = vector.shape_cast %mul3A_795 : vector<16xf32> to vector<1x16xf32>
        tpu.vector_store %arg11[%swap3A_796, %swap3A_797], %swap3A_800 {strides = array<i32>} : memref<128x128xf32, #tpu.memory_space<vmem>>, vector<1x16xf32>,
        %get3A_801 = arith.index_cast %add3A_778 : i32 to index
        %get3A_802 = arith.constant 32 : index
        %get3A_803 = tpu.vector_load %arg11[%get3A_801, %get3A_802] {strides = array<i32>} : memref<128x128xf32, #tpu.memory_space<vmem>>, vector<1x16xf32>,
        %get3A_804 = vector.shape_cast %get3A_803 : vector<1x16xf32> to vector<16xf32>
        %mul3A_805 = vector.broadcast %squeeze3A_774 : f32 to vector<16xf32>
        %mul3A_806 = arith.mulf %mul3A_805, %get3A_804 : vector<16xf32>
        %swap3A_807 = arith.index_cast %add3A_778 : i32 to index
        %swap3A_808 = arith.constant 32 : index
        %swap3A_809 = tpu.vector_load %arg11[%swap3A_807, %swap3A_808] {strides = array<i32>} : memref<128x128xf32, #tpu.memory_space<vmem>>, vector<1x16xf32>,
        %swap3A_810 = vector.shape_cast %swap3A_809 : vector<1x16xf32> to vector<16xf32>
        %swap3A_811 = vector.shape_cast %mul3A_806 : vector<16xf32> to vector<1x16xf32>
        tpu.vector_store %arg11[%swap3A_807, %swap3A_808], %swap3A_811 {strides = array<i32>} : memref<128x128xf32, #tpu.memory_space<vmem>>, vector<1x16xf32>,
        %get3A_812 = arith.index_cast %add3A_778 : i32 to index
        %get3A_813 = arith.constant 48 : index
        %get3A_814 = tpu.vector_load %arg11[%get3A_812, %get3A_813] {strides = array<i32>} : memref<128x128xf32, #tpu.memory_space<vmem>>, vector<1x16xf32>,
        %get3A_815 = vector.shape_cast %get3A_814 : vector<1x16xf32> to vector<16xf32>
        %mul3A_816 = vector.broadcast %squeeze3A_774 : f32 to vector<16xf32>
        %mul3A_817 = arith.mulf %mul3A_816, %get3A_815 : vector<16xf32>
        %swap3A_818 = arith.index_cast %add3A_778 : i32 to index
        %swap3A_819 = arith.constant 48 : index
        %swap3A_820 = tpu.vector_load %arg11[%swap3A_818, %swap3A_819] {strides = array<i32>} : memref<128x128xf32, #tpu.memory_space<vmem>>, vector<1x16xf32>,
        %swap3A_821 = vector.shape_cast %swap3A_820 : vector<1x16xf32> to vector<16xf32>
        %swap3A_822 = vector.shape_cast %mul3A_817 : vector<16xf32> to vector<1x16xf32>
        tpu.vector_store %arg11[%swap3A_818, %swap3A_819], %swap3A_822 {strides = array<i32>} : memref<128x128xf32, #tpu.memory_space<vmem>>, vector<1x16xf32>,
      }
      %scan3A_20 = arith.constant 8 : i32
      "tpu.region"() ({
        %run_scoped3A = tpu.sem_alloc : memref<!tpu.dma_semaphore, #tpu.memory_space<semaphore_mem>>
        %dma_start3A = arith.constant 0 : i32
        %dma_start3A_21 = arith.constant 0 : i32
        %dma_start3A_22 = tpu.memref_slice %arg12[%dma_start3A, %dma_start3A_21] : memref<7168x128xf32, #tpu.memory_space<vmem_shared>> -> memref<7168x128xf32, #tpu.memory_space<vmem_shared>>
        tpu.enqueue_indirect_dma source(%arg11 : memref<128x128xf32, #tpu.memory_space<vmem>>) target(%dma_start3A_22 : memref<7168x128xf32, #tpu.memory_space<vmem_shared>>) offsets(%arg9 : memref<128xi32, #tpu.memory_space<vmem>>) semaphore(%run_scoped3A : memref<!tpu.dma_semaphore, #tpu.memory_space<semaphore_mem>>) {add = true}
        %dma_wait3A = arith.constant 0 : i32
        %dma_wait3A_23 = arith.constant 0 : i32
        %dma_wait3A_24 = tpu.memref_slice %arg12[%dma_wait3A, %dma_wait3A_23] : memref<7168x128xf32, #tpu.memory_space<vmem_shared>> -> memref<7168x128xf32, #tpu.memory_space<vmem_shared>>
        tpu.wait_indirect_dma semaphore(%run_scoped3A : memref<!tpu.dma_semaphore, #tpu.memory_space<semaphore_mem>>) src(%arg11 : memref<128x128xf32, #tpu.memory_space<vmem>>) dst(%dma_wait3A_24 : memref<7168x128xf32, #tpu.memory_space<vmem_shared>>)
        tpu.yield
      }) : () -> ()
    }
    %scan3A_7 = arith.constant 35 : i32
    %barrier3A_8 = arith.constant 0 : index
    tpu.barrier barrier_id(%barrier3A_8)
    "tpu.region"() ({
      %run_scoped3A = tpu.sem_alloc : memref<!tpu.dma_semaphore, #tpu.memory_space<semaphore_mem>>
      %dma_start3A = arith.constant 0 : i32
      %dma_start3A_9 = tpu.memref_slice %arg7[%arg0, %multiple_of3A, %dma_start3A] : memref<2x7168x128xf32, #tpu.memory_space<hbm>> -> memref<1x448x128xf32, #tpu.memory_space<hbm>>
      %dma_start3A_10 = tpu.memref_squeeze %dma_start3A_9 : memref<1x448x128xf32, #tpu.memory_space<hbm>> -> memref<448x128xf32, #tpu.memory_space<hbm>>
      %dma_start3A_11 = arith.constant 0 : i32
      %dma_start3A_12 = tpu.memref_slice %arg12[%multiple_of3A, %dma_start3A_11] : memref<7168x128xf32, #tpu.memory_space<vmem_shared>> -> memref<448x128xf32, #tpu.memory_space<vmem_shared>>
      tpu.enqueue_dma source(%dma_start3A_12 : memref<448x128xf32, #tpu.memory_space<vmem_shared>>) target(%dma_start3A_10 : memref<448x128xf32, #tpu.memory_space<hbm>>) target_semaphore(%run_scoped3A : memref<!tpu.dma_semaphore, #tpu.memory_space<semaphore_mem>>)
      %dma_wait3A = arith.constant 0 : i32
      %dma_wait3A_13 = tpu.memref_slice %arg7[%arg0, %multiple_of3A, %dma_wait3A] : memref<2x7168x128xf32, #tpu.memory_space<hbm>> -> memref<1x448x128xf32, #tpu.memory_space<hbm>>
      %dma_wait3A_14 = tpu.memref_squeeze %dma_wait3A_13 : memref<1x448x128xf32, #tpu.memory_space<hbm>> -> memref<448x128xf32, #tpu.memory_space<hbm>>
      %dma_wait3A_15 = arith.constant 0 : i32
      %dma_wait3A_16 = tpu.memref_slice %arg12[%multiple_of3A, %dma_wait3A_15] : memref<7168x128xf32, #tpu.memory_space<vmem_shared>> -> memref<448x128xf32, #tpu.memory_space<vmem_shared>>
      tpu.wait_dma2 semaphore(%run_scoped3A : memref<!tpu.dma_semaphore, #tpu.memory_space<semaphore_mem>>) src(%dma_wait3A_16 : memref<448x128xf32, #tpu.memory_space<vmem_shared>>) dst(%dma_wait3A_14 : memref<448x128xf32, #tpu.memory_space<hbm>>)
      tpu.yield
    }) : () -> ()
    return
  }
}

module attributes {stable_mosaic.version = 14 : i64} {
  func.func @_tc_pre_kernel(%arg0: memref<5000x64xf32, #tpu.memory_space<vmem>>, %arg1: memref<5000x64xf32, #tpu.memory_space<vmem>>, %arg2: memref<2000x64xf32, #tpu.memory_space<vmem>>, %arg3: memref<2x7168x128xf32, #tpu.memory_space<vmem>>, %arg4: memref<64x64xf32, #tpu.memory_space<vmem>>, %arg5: memref<1x64xf32, #tpu.memory_space<vmem>>, %arg6: memref<5000x64xf32, #tpu.memory_space<vmem>>, %arg7: memref<5000x64xf32, #tpu.memory_space<vmem>>, %arg8: memref<7168x128xf32, #tpu.memory_space<vmem>>, %arg9: memref<7168x1xf32, #tpu.memory_space<vmem>>) attributes {dimension_semantics = [], scalar_prefetch = 0 : i64, scratch_operands = 0 : i64, tpu.core_type = #tpu.core_type<tc>} {
    %get3A = arith.constant 0 : index
    %get3A_0 = arith.constant 0 : index
    %get3A_1 = vector.load %arg0[%get3A, %get3A_0] : memref<5000x64xf32, #tpu.memory_space<vmem>>, vector<5000x64xf32>
    %mul3A = arith.mulf %get3A_1, %get3A_1 : vector<5000x64xf32>
    %reduce_sum3A = arith.constant dense<0.000000e+00> : vector<5000xf32>
    %reduce_sum3A_2 = vector.multi_reduction <add>, %mul3A, %reduce_sum3A [1] : vector<5000x64xf32> to vector<5000xf32>
    %broadcast_in_dim3A = vector.shape_cast %reduce_sum3A_2 : vector<5000xf32> to vector<5000x1xf32>
    %sqrt3A = math.sqrt %broadcast_in_dim3A : vector<5000x1xf32>
    %gt3A = arith.constant 1.000000e+00 : f32
    %gt3A_3 = vector.broadcast %gt3A : f32 to vector<5000x1xf32>
    %gt3A_4 = arith.cmpf ogt, %sqrt3A, %gt3A_3 : vector<5000x1xf32>
    %add3A = arith.constant 1.000000e-07 : f32
    %add3A_5 = vector.broadcast %add3A : f32 to vector<5000x1xf32>
    %add3A_6 = arith.addf %sqrt3A, %add3A_5 : vector<5000x1xf32>
    %div3A = arith.constant 1.000000e+00 : f32
    %div3A_7 = vector.broadcast %div3A : f32 to vector<5000x1xf32>
    %div3A_8 = arith.divf %div3A_7, %add3A_6 : vector<5000x1xf32>
    %jit3A = arith.constant 1.000000e+00 : f32
    %broadcast_in_dim3A_9 = vector.broadcast %jit3A : f32 to vector<5000x1xf32>
    %select_n3A = arith.select %gt3A_4, %div3A_8, %broadcast_in_dim3A_9 : vector<5000x1xi1>, vector<5000x1xf32>
    %mul3A_10 = vector.broadcast %select_n3A : vector<5000x1xf32> to vector<5000x64xf32>
    %mul3A_11 = arith.mulf %get3A_1, %mul3A_10 : vector<5000x64xf32>
    %reduce_sum3A_12 = arith.constant dense<0.000000e+00> : vector<64xf32>
    %reduce_sum3A_13 = vector.multi_reduction <add>, %mul3A_11, %reduce_sum3A_12 [0] : vector<5000x64xf32> to vector<64xf32>
    %div3A_14 = arith.constant 5.000000e+03 : f32
    %div3A_15 = vector.broadcast %div3A_14 : f32 to vector<64xf32>
    %div3A_16 = arith.divf %reduce_sum3A_13, %div3A_15 : vector<64xf32>
    %mul3A_17 = arith.mulf %mul3A_11, %mul3A_11 : vector<5000x64xf32>
    %reduce_sum3A_18 = arith.constant dense<0.000000e+00> : vector<64xf32>
    %reduce_sum3A_19 = vector.multi_reduction <add>, %mul3A_17, %reduce_sum3A_18 [0] : vector<5000x64xf32> to vector<64xf32>
    %div3A_20 = arith.constant 5.000000e+03 : f32
    %div3A_21 = vector.broadcast %div3A_20 : f32 to vector<64xf32>
    %div3A_22 = arith.divf %reduce_sum3A_19, %div3A_21 : vector<64xf32>
    %mul3A_23 = arith.mulf %div3A_16, %div3A_16 : vector<64xf32>
    %sub3A = arith.subf %div3A_22, %mul3A_23 : vector<64xf32>
    %broadcast_in_dim3A_24 = vector.shape_cast %div3A_16 : vector<64xf32> to vector<1x64xf32>
    %sub3A_25 = vector.broadcast %broadcast_in_dim3A_24 : vector<1x64xf32> to vector<5000x64xf32>
    %sub3A_26 = arith.subf %mul3A_11, %sub3A_25 : vector<5000x64xf32>
    %add3A_27 = arith.constant 9.99999974E-6 : f32
    %add3A_28 = vector.broadcast %add3A_27 : f32 to vector<64xf32>
    %add3A_29 = arith.addf %sub3A, %add3A_28 : vector<64xf32>
    %rsqrt3A = math.rsqrt %add3A_29 : vector<64xf32>
    %broadcast_in_dim3A_30 = vector.shape_cast %rsqrt3A : vector<64xf32> to vector<1x64xf32>
    %mul3A_31 = vector.broadcast %broadcast_in_dim3A_30 : vector<1x64xf32> to vector<5000x64xf32>
    %mul3A_32 = arith.mulf %sub3A_26, %mul3A_31 : vector<5000x64xf32>
    %max3A = arith.constant 0.000000e+00 : f32
    %max3A_33 = vector.broadcast %max3A : f32 to vector<5000x64xf32>
    %max3A_34 = arith.maximumf %mul3A_32, %max3A_33 : vector<5000x64xf32>
    %swap3A = arith.constant 0 : index
    %swap3A_35 = arith.constant 0 : index
    %swap3A_36 = vector.load %arg6[%swap3A, %swap3A_35] : memref<5000x64xf32, #tpu.memory_space<vmem>>, vector<5000x64xf32>
    tpu.vector_store %arg6[%swap3A, %swap3A_35], %max3A_34 {strides = array<i32>} : memref<5000x64xf32, #tpu.memory_space<vmem>>, vector<5000x64xf32>,
    %get3A_37 = arith.constant 0 : index
    %get3A_38 = arith.constant 0 : index
    %get3A_39 = vector.load %arg1[%get3A_37, %get3A_38] : memref<5000x64xf32, #tpu.memory_space<vmem>>, vector<5000x64xf32>
    %mul3A_40 = arith.mulf %get3A_39, %get3A_39 : vector<5000x64xf32>
    %reduce_sum3A_41 = arith.constant dense<0.000000e+00> : vector<5000xf32>
    %reduce_sum3A_42 = vector.multi_reduction <add>, %mul3A_40, %reduce_sum3A_41 [1] : vector<5000x64xf32> to vector<5000xf32>
    %broadcast_in_dim3A_43 = vector.shape_cast %reduce_sum3A_42 : vector<5000xf32> to vector<5000x1xf32>
    %sqrt3A_44 = math.sqrt %broadcast_in_dim3A_43 : vector<5000x1xf32>
    %gt3A_45 = arith.constant 1.000000e+00 : f32
    %gt3A_46 = vector.broadcast %gt3A_45 : f32 to vector<5000x1xf32>
    %gt3A_47 = arith.cmpf ogt, %sqrt3A_44, %gt3A_46 : vector<5000x1xf32>
    %add3A_48 = arith.constant 1.000000e-07 : f32
    %add3A_49 = vector.broadcast %add3A_48 : f32 to vector<5000x1xf32>
    %add3A_50 = arith.addf %sqrt3A_44, %add3A_49 : vector<5000x1xf32>
    %div3A_51 = arith.constant 1.000000e+00 : f32
    %div3A_52 = vector.broadcast %div3A_51 : f32 to vector<5000x1xf32>
    %div3A_53 = arith.divf %div3A_52, %add3A_50 : vector<5000x1xf32>
    %jit3A_54 = arith.constant 1.000000e+00 : f32
    %broadcast_in_dim3A_55 = vector.broadcast %jit3A_54 : f32 to vector<5000x1xf32>
    %select_n3A_56 = arith.select %gt3A_47, %div3A_53, %broadcast_in_dim3A_55 : vector<5000x1xi1>, vector<5000x1xf32>
    %mul3A_57 = vector.broadcast %select_n3A_56 : vector<5000x1xf32> to vector<5000x64xf32>
    %mul3A_58 = arith.mulf %get3A_39, %mul3A_57 : vector<5000x64xf32>
    %get3A_59 = arith.constant 0 : index
    %get3A_60 = arith.constant 0 : index
    %get3A_61 = vector.load %arg2[%get3A_59, %get3A_60] : memref<2000x64xf32, #tpu.memory_space<vmem>>, vector<2000x64xf32>
    %mul3A_62 = arith.mulf %get3A_61, %get3A_61 : vector<2000x64xf32>
    %reduce_sum3A_63 = arith.constant dense<0.000000e+00> : vector<2000xf32>
    %reduce_sum3A_64 = vector.multi_reduction <add>, %mul3A_62, %reduce_sum3A_63 [1] : vector<2000x64xf32> to vector<2000xf32>
    %broadcast_in_dim3A_65 = vector.shape_cast %reduce_sum3A_64 : vector<2000xf32> to vector<2000x1xf32>
    %sqrt3A_66 = math.sqrt %broadcast_in_dim3A_65 : vector<2000x1xf32>
    %gt3A_67 = arith.constant 1.000000e+00 : f32
    %gt3A_68 = vector.broadcast %gt3A_67 : f32 to vector<2000x1xf32>
    %gt3A_69 = arith.cmpf ogt, %sqrt3A_66, %gt3A_68 : vector<2000x1xf32>
    %add3A_70 = arith.constant 1.000000e-07 : f32
    %add3A_71 = vector.broadcast %add3A_70 : f32 to vector<2000x1xf32>
    %add3A_72 = arith.addf %sqrt3A_66, %add3A_71 : vector<2000x1xf32>
    %div3A_73 = arith.constant 1.000000e+00 : f32
    %div3A_74 = vector.broadcast %div3A_73 : f32 to vector<2000x1xf32>
    %div3A_75 = arith.divf %div3A_74, %add3A_72 : vector<2000x1xf32>
    %jit3A_76 = arith.constant 1.000000e+00 : f32
    %broadcast_in_dim3A_77 = vector.broadcast %jit3A_76 : f32 to vector<2000x1xf32>
    %select_n3A_78 = arith.select %gt3A_69, %div3A_75, %broadcast_in_dim3A_77 : vector<2000x1xi1>, vector<2000x1xf32>
    %mul3A_79 = vector.broadcast %select_n3A_78 : vector<2000x1xf32> to vector<2000x64xf32>
    %mul3A_80 = arith.mulf %get3A_61, %mul3A_79 : vector<2000x64xf32>
    %get3A_81 = arith.constant 0 : index
    %get3A_82 = arith.constant 0 : index
    %get3A_83 = arith.constant 0 : index
    %get3A_84 = vector.load %arg3[%get3A_81, %get3A_82, %get3A_83] : memref<2x7168x128xf32, #tpu.memory_space<vmem>>, vector<1x7168x1xf32>
    %get3A_85 = vector.shape_cast %get3A_84 : vector<1x7168x1xf32> to vector<7168x1xf32>
    %get3A_86 = arith.constant 1 : index
    %get3A_87 = arith.constant 0 : index
    %get3A_88 = arith.constant 0 : index
    %get3A_89 = vector.load %arg3[%get3A_86, %get3A_87, %get3A_88] : memref<2x7168x128xf32, #tpu.memory_space<vmem>>, vector<1x7168x1xf32>
    %get3A_90 = vector.shape_cast %get3A_89 : vector<1x7168x1xf32> to vector<7168x1xf32>
    %add3A_91 = arith.addf %get3A_85, %get3A_90 : vector<7168x1xf32>
    %add3A_92 = arith.constant 1.000000e+00 : f32
    %add3A_93 = vector.broadcast %add3A_92 : f32 to vector<7168x1xf32>
    %add3A_94 = arith.addf %add3A_91, %add3A_93 : vector<7168x1xf32>
    %rsqrt3A_95 = math.rsqrt %add3A_94 : vector<7168x1xf32>
    %swap3A_96 = arith.constant 0 : index
    %swap3A_97 = arith.constant 0 : index
    %swap3A_98 = vector.load %arg9[%swap3A_96, %swap3A_97] : memref<7168x1xf32, #tpu.memory_space<vmem>>, vector<7168x1xf32>
    tpu.vector_store %arg9[%swap3A_96, %swap3A_97], %rsqrt3A_95 {strides = array<i32>} : memref<7168x1xf32, #tpu.memory_space<vmem>>, vector<7168x1xf32>,
    %slice3A = vector.extract_strided_slice %rsqrt3A_95 {offsets = [0, 0], sizes = [5000, 1], strides = [1, 1]} : vector<7168x1xf32> to vector<5000x1xf32>
    %mul3A_99 = vector.broadcast %slice3A : vector<5000x1xf32> to vector<5000x64xf32>
    %mul3A_100 = arith.mulf %mul3A_99, %mul3A_58 : vector<5000x64xf32>
    %broadcast_in_dim3A_101 = arith.constant 0.000000e+00 : f32
    %broadcast_in_dim3A_102 = vector.broadcast %broadcast_in_dim3A_101 : f32 to vector<120x64xf32>
    %concatenate3A = tpu.concatenate %mul3A_100, %broadcast_in_dim3A_102 in 0 : vector<5000x64xf32>, vector<120x64xf32> -> vector<5120x64xf32>
    %swap3A_103 = arith.constant 0 : index
    %swap3A_104 = arith.constant 0 : index
    %swap3A_105 = vector.load %arg8[%swap3A_103, %swap3A_104] : memref<7168x128xf32, #tpu.memory_space<vmem>>, vector<5120x64xf32>
    tpu.vector_store %arg8[%swap3A_103, %swap3A_104], %concatenate3A {strides = array<i32>} : memref<7168x128xf32, #tpu.memory_space<vmem>>, vector<5120x64xf32>,
    %slice3A_106 = vector.extract_strided_slice %rsqrt3A_95 {offsets = [5120, 0], sizes = [2000, 1], strides = [1, 1]} : vector<7168x1xf32> to vector<2000x1xf32>
    %mul3A_107 = vector.broadcast %slice3A_106 : vector<2000x1xf32> to vector<2000x64xf32>
    %mul3A_108 = arith.mulf %mul3A_107, %mul3A_80 : vector<2000x64xf32>
    %broadcast_in_dim3A_109 = arith.constant 0.000000e+00 : f32
    %broadcast_in_dim3A_110 = vector.broadcast %broadcast_in_dim3A_109 : f32 to vector<48x64xf32>
    %concatenate3A_111 = tpu.concatenate %mul3A_108, %broadcast_in_dim3A_110 in 0 : vector<2000x64xf32>, vector<48x64xf32> -> vector<2048x64xf32>
    %swap3A_112 = arith.constant 5120 : index
    %swap3A_113 = arith.constant 0 : index
    %swap3A_114 = vector.load %arg8[%swap3A_112, %swap3A_113] : memref<7168x128xf32, #tpu.memory_space<vmem>>, vector<2048x64xf32>
    tpu.vector_store %arg8[%swap3A_112, %swap3A_113], %concatenate3A_111 {strides = array<i32>} : memref<7168x128xf32, #tpu.memory_space<vmem>>, vector<2048x64xf32>,
    %broadcast_in_dim3A_115 = arith.constant 0.000000e+00 : f32
    %broadcast_in_dim3A_116 = vector.broadcast %broadcast_in_dim3A_115 : f32 to vector<7168x64xf32>
    %swap3A_117 = arith.constant 0 : index
    %swap3A_118 = arith.constant 64 : index
    %swap3A_119 = vector.load %arg8[%swap3A_117, %swap3A_118] : memref<7168x128xf32, #tpu.memory_space<vmem>>, vector<7168x64xf32>
    tpu.vector_store %arg8[%swap3A_117, %swap3A_118], %broadcast_in_dim3A_116 {strides = array<i32>} : memref<7168x128xf32, #tpu.memory_space<vmem>>, vector<7168x64xf32>,
    %get3A_120 = arith.constant 0 : index
    %get3A_121 = arith.constant 0 : index
    %get3A_122 = vector.load %arg4[%get3A_120, %get3A_121] : memref<64x64xf32, #tpu.memory_space<vmem>>, vector<64x64xf32>
    %dot_general3A = arith.constant dense<0.000000e+00> : vector<5000x64xf32>
    %dot_general3A_123 = tpu.matmul %mul3A_58, %get3A_122, %dot_general3A {dimension_numbers = #tpu.dot_dimension_numbers<[1], [0], [0], [1], [0, 0, 1, 1], [], []>, transpose_lhs_hint = false} : vector<5000x64xf32>, vector<64x64xf32>, vector<5000x64xf32> -> vector<5000x64xf32>
    %get3A_124 = arith.constant 0 : index
    %get3A_125 = arith.constant 0 : index
    %get3A_126 = vector.load %arg5[%get3A_124, %get3A_125] : memref<1x64xf32, #tpu.memory_space<vmem>>, vector<1x64xf32>
    %get3A_127 = vector.shape_cast %get3A_126 : vector<1x64xf32> to vector<64xf32>
    %broadcast_in_dim3A_128 = vector.shape_cast %get3A_127 : vector<64xf32> to vector<1x64xf32>
    %add3A_129 = vector.broadcast %broadcast_in_dim3A_128 : vector<1x64xf32> to vector<5000x64xf32>
    %add3A_130 = arith.addf %dot_general3A_123, %add3A_129 : vector<5000x64xf32>
    %swap3A_131 = arith.constant 0 : index
    %swap3A_132 = arith.constant 0 : index
    %swap3A_133 = vector.load %arg7[%swap3A_131, %swap3A_132] : memref<5000x64xf32, #tpu.memory_space<vmem>>, vector<5000x64xf32>
    tpu.vector_store %arg7[%swap3A_131, %swap3A_132], %add3A_130 {strides = array<i32>} : memref<5000x64xf32, #tpu.memory_space<vmem>>, vector<5000x64xf32>,
    return
  }
}

module attributes {stable_mosaic.version = 14 : i64} {
  func.func @_tc_mid_kernel(%arg0: memref<5000x64xf32, #tpu.memory_space<vmem>>, %arg1: memref<5000x64xf32, #tpu.memory_space<vmem>>, %arg2: memref<2x7168x128xf32, #tpu.memory_space<vmem>>, %arg3: memref<7168x128xf32, #tpu.memory_space<vmem>>, %arg4: memref<7168x1xf32, #tpu.memory_space<vmem>>, %arg5: memref<32x2xi32, #tpu.memory_space<vmem>>, %arg6: memref<64x64xf32, #tpu.memory_space<vmem>>, %arg7: memref<1x64xf32, #tpu.memory_space<vmem>>, %arg8: memref<64x64xf32, #tpu.memory_space<vmem>>, %arg9: memref<1x64xf32, #tpu.memory_space<vmem>>, %arg10: memref<64x64xf32, #tpu.memory_space<vmem>>, %arg11: memref<1x64xf32, #tpu.memory_space<vmem>>, %arg12: memref<64x64xf32, #tpu.memory_space<vmem>>, %arg13: memref<1x64xf32, #tpu.memory_space<vmem>>, %arg14: memref<64x64xf32, #tpu.memory_space<vmem>>, %arg15: memref<1x64xf32, #tpu.memory_space<vmem>>, %arg16: memref<64x64xf32, #tpu.memory_space<vmem>>, %arg17: memref<1x64xf32, #tpu.memory_space<vmem>>, %arg18: memref<5000x64xf32, #tpu.memory_space<vmem>>, %arg19: memref<5000x64xf32, #tpu.memory_space<vmem>>, %arg20: memref<32x64xf32, #tpu.memory_space<vmem>>) attributes {dimension_semantics = [], scalar_prefetch = 0 : i64, scratch_operands = 0 : i64, tpu.core_type = #tpu.core_type<tc>} {
    %get3A = arith.constant 0 : index
    %get3A_0 = arith.constant 0 : index
    %get3A_1 = arith.constant 0 : index
    %get3A_2 = vector.load %arg2[%get3A, %get3A_0, %get3A_1] : memref<2x7168x128xf32, #tpu.memory_space<vmem>>, vector<1x7168x64xf32>
    %get3A_3 = vector.shape_cast %get3A_2 : vector<1x7168x64xf32> to vector<7168x64xf32>
    %get3A_4 = arith.constant 1 : index
    %get3A_5 = arith.constant 0 : index
    %get3A_6 = arith.constant 0 : index
    %get3A_7 = vector.load %arg2[%get3A_4, %get3A_5, %get3A_6] : memref<2x7168x128xf32, #tpu.memory_space<vmem>>, vector<1x7168x64xf32>
    %get3A_8 = vector.shape_cast %get3A_7 : vector<1x7168x64xf32> to vector<7168x64xf32>
    %add3A = arith.addf %get3A_3, %get3A_8 : vector<7168x64xf32>
    %get3A_9 = arith.constant 0 : index
    %get3A_10 = arith.constant 0 : index
    %get3A_11 = vector.load %arg3[%get3A_9, %get3A_10] : memref<7168x128xf32, #tpu.memory_space<vmem>>, vector<7168x64xf32>
    %add3A_12 = arith.addf %add3A, %get3A_11 : vector<7168x64xf32>
    %get3A_13 = arith.constant 0 : index
    %get3A_14 = arith.constant 0 : index
    %get3A_15 = vector.load %arg4[%get3A_13, %get3A_14] : memref<7168x1xf32, #tpu.memory_space<vmem>>, vector<7168x1xf32>
    %mul3A = vector.broadcast %get3A_15 : vector<7168x1xf32> to vector<7168x64xf32>
    %mul3A_16 = arith.mulf %mul3A, %add3A_12 : vector<7168x64xf32>
    %slice3A = vector.extract_strided_slice %mul3A_16 {offsets = [0, 0], sizes = [5000, 64], strides = [1, 1]} : vector<7168x64xf32> to vector<5000x64xf32>
    %get3A_17 = arith.constant 0 : index
    %get3A_18 = arith.constant 0 : index
    %get3A_19 = vector.load %arg6[%get3A_17, %get3A_18] : memref<64x64xf32, #tpu.memory_space<vmem>>, vector<64x64xf32>
    %dot_general3A = arith.constant dense<0.000000e+00> : vector<5000x64xf32>
    %dot_general3A_20 = tpu.matmul %slice3A, %get3A_19, %dot_general3A {dimension_numbers = #tpu.dot_dimension_numbers<[1], [0], [0], [1], [0, 0, 1, 1], [], []>, transpose_lhs_hint = false} : vector<5000x64xf32>, vector<64x64xf32>, vector<5000x64xf32> -> vector<5000x64xf32>
    %get3A_21 = arith.constant 0 : index
    %get3A_22 = arith.constant 0 : index
    %get3A_23 = vector.load %arg7[%get3A_21, %get3A_22] : memref<1x64xf32, #tpu.memory_space<vmem>>, vector<1x64xf32>
    %get3A_24 = vector.shape_cast %get3A_23 : vector<1x64xf32> to vector<64xf32>
    %broadcast_in_dim3A = vector.shape_cast %get3A_24 : vector<64xf32> to vector<1x64xf32>
    %add3A_25 = vector.broadcast %broadcast_in_dim3A : vector<1x64xf32> to vector<5000x64xf32>
    %add3A_26 = arith.addf %dot_general3A_20, %add3A_25 : vector<5000x64xf32>
    %get3A_27 = arith.constant 0 : index
    %get3A_28 = arith.constant 0 : index
    %get3A_29 = vector.load %arg0[%get3A_27, %get3A_28] : memref<5000x64xf32, #tpu.memory_space<vmem>>, vector<5000x64xf32>
    %mul3A_30 = arith.constant 2.000000e-01 : f32
    %mul3A_31 = vector.broadcast %mul3A_30 : f32 to vector<5000x64xf32>
    %mul3A_32 = arith.mulf %mul3A_31, %add3A_26 : vector<5000x64xf32>
    %add3A_33 = arith.addf %get3A_29, %mul3A_32 : vector<5000x64xf32>
    %get3A_34 = arith.constant 0 : index
    %get3A_35 = arith.constant 0 : index
    %get3A_36 = vector.load %arg1[%get3A_34, %get3A_35] : memref<5000x64xf32, #tpu.memory_space<vmem>>, vector<5000x64xf32>
    %mul3A_37 = arith.constant 2.000000e-01 : f32
    %mul3A_38 = vector.broadcast %mul3A_37 : f32 to vector<5000x64xf32>
    %mul3A_39 = arith.mulf %mul3A_38, %get3A_36 : vector<5000x64xf32>
    %add3A_40 = arith.addf %get3A_29, %mul3A_39 : vector<5000x64xf32>
    %get3A_41 = arith.constant 0 : index
    %get3A_42 = arith.constant 0 : index
    %get3A_43 = vector.load %arg10[%get3A_41, %get3A_42] : memref<64x64xf32, #tpu.memory_space<vmem>>, vector<64x64xf32>
    %get3A_44 = arith.constant 0 : index
    %get3A_45 = arith.constant 0 : index
    %get3A_46 = vector.load %arg11[%get3A_44, %get3A_45] : memref<1x64xf32, #tpu.memory_space<vmem>>, vector<1x64xf32>
    %get3A_47 = vector.shape_cast %get3A_46 : vector<1x64xf32> to vector<64xf32>
    %dot_general3A_48 = arith.constant dense<0.000000e+00> : vector<5000x64xf32>
    %dot_general3A_49 = tpu.matmul %add3A_33, %get3A_43, %dot_general3A_48 {dimension_numbers = #tpu.dot_dimension_numbers<[1], [0], [0], [1], [0, 0, 1, 1], [], []>, transpose_lhs_hint = false} : vector<5000x64xf32>, vector<64x64xf32>, vector<5000x64xf32> -> vector<5000x64xf32>
    %broadcast_in_dim3A_50 = vector.shape_cast %get3A_47 : vector<64xf32> to vector<1x64xf32>
    %add3A_51 = vector.broadcast %broadcast_in_dim3A_50 : vector<1x64xf32> to vector<5000x64xf32>
    %add3A_52 = arith.addf %dot_general3A_49, %add3A_51 : vector<5000x64xf32>
    %get3A_53 = arith.constant 0 : index
    %get3A_54 = arith.constant 0 : index
    %get3A_55 = vector.load %arg10[%get3A_53, %get3A_54] : memref<64x64xf32, #tpu.memory_space<vmem>>, vector<64x64xf32>
    %get3A_56 = arith.constant 0 : index
    %get3A_57 = arith.constant 0 : index
    %get3A_58 = vector.load %arg11[%get3A_56, %get3A_57] : memref<1x64xf32, #tpu.memory_space<vmem>>, vector<1x64xf32>
    %get3A_59 = vector.shape_cast %get3A_58 : vector<1x64xf32> to vector<64xf32>
    %dot_general3A_60 = arith.constant dense<0.000000e+00> : vector<5000x64xf32>
    %dot_general3A_61 = tpu.matmul %add3A_40, %get3A_55, %dot_general3A_60 {dimension_numbers = #tpu.dot_dimension_numbers<[1], [0], [0], [1], [0, 0, 1, 1], [], []>, transpose_lhs_hint = false} : vector<5000x64xf32>, vector<64x64xf32>, vector<5000x64xf32> -> vector<5000x64xf32>
    %broadcast_in_dim3A_62 = vector.shape_cast %get3A_59 : vector<64xf32> to vector<1x64xf32>
    %add3A_63 = vector.broadcast %broadcast_in_dim3A_62 : vector<1x64xf32> to vector<5000x64xf32>
    %add3A_64 = arith.addf %dot_general3A_61, %add3A_63 : vector<5000x64xf32>
    %reduce_sum3A = arith.constant dense<0.000000e+00> : vector<64xf32>
    %reduce_sum3A_65 = vector.multi_reduction <add>, %add3A_52, %reduce_sum3A [0] : vector<5000x64xf32> to vector<64xf32>
    %reduce_sum3A_66 = arith.constant dense<0.000000e+00> : vector<64xf32>
    %reduce_sum3A_67 = vector.multi_reduction <add>, %add3A_64, %reduce_sum3A_66 [0] : vector<5000x64xf32> to vector<64xf32>
    %mul3A_68 = arith.constant 3.100000e+01 : f32
    %mul3A_69 = vector.broadcast %mul3A_68 : f32 to vector<64xf32>
    %mul3A_70 = arith.mulf %mul3A_69, %reduce_sum3A_67 : vector<64xf32>
    %add3A_71 = arith.addf %reduce_sum3A_65, %mul3A_70 : vector<64xf32>
    %div3A = arith.constant 1.600000e+05 : f32
    %div3A_72 = vector.broadcast %div3A : f32 to vector<64xf32>
    %div3A_73 = arith.divf %add3A_71, %div3A_72 : vector<64xf32>
    %mul3A_74 = arith.mulf %add3A_52, %add3A_52 : vector<5000x64xf32>
    %reduce_sum3A_75 = arith.constant dense<0.000000e+00> : vector<64xf32>
    %reduce_sum3A_76 = vector.multi_reduction <add>, %mul3A_74, %reduce_sum3A_75 [0] : vector<5000x64xf32> to vector<64xf32>
    %mul3A_77 = arith.mulf %add3A_64, %add3A_64 : vector<5000x64xf32>
    %reduce_sum3A_78 = arith.constant dense<0.000000e+00> : vector<64xf32>
    %reduce_sum3A_79 = vector.multi_reduction <add>, %mul3A_77, %reduce_sum3A_78 [0] : vector<5000x64xf32> to vector<64xf32>
    %mul3A_80 = arith.constant 3.100000e+01 : f32
    %mul3A_81 = vector.broadcast %mul3A_80 : f32 to vector<64xf32>
    %mul3A_82 = arith.mulf %mul3A_81, %reduce_sum3A_79 : vector<64xf32>
    %add3A_83 = arith.addf %reduce_sum3A_76, %mul3A_82 : vector<64xf32>
    %div3A_84 = arith.constant 1.600000e+05 : f32
    %div3A_85 = vector.broadcast %div3A_84 : f32 to vector<64xf32>
    %div3A_86 = arith.divf %add3A_83, %div3A_85 : vector<64xf32>
    %mul3A_87 = arith.mulf %div3A_73, %div3A_73 : vector<64xf32>
    %sub3A = arith.subf %div3A_86, %mul3A_87 : vector<64xf32>
    %add3A_88 = arith.constant 9.99999974E-6 : f32
    %add3A_89 = vector.broadcast %add3A_88 : f32 to vector<64xf32>
    %add3A_90 = arith.addf %sub3A, %add3A_89 : vector<64xf32>
    %rsqrt3A = math.rsqrt %add3A_90 : vector<64xf32>
    %broadcast_in_dim3A_91 = vector.shape_cast %div3A_73 : vector<64xf32> to vector<1x64xf32>
    %sub3A_92 = vector.broadcast %broadcast_in_dim3A_91 : vector<1x64xf32> to vector<5000x64xf32>
    %sub3A_93 = arith.subf %add3A_52, %sub3A_92 : vector<5000x64xf32>
    %broadcast_in_dim3A_94 = vector.shape_cast %rsqrt3A : vector<64xf32> to vector<1x64xf32>
    %mul3A_95 = vector.broadcast %broadcast_in_dim3A_94 : vector<1x64xf32> to vector<5000x64xf32>
    %mul3A_96 = arith.mulf %sub3A_93, %mul3A_95 : vector<5000x64xf32>
    %broadcast_in_dim3A_97 = vector.shape_cast %div3A_73 : vector<64xf32> to vector<1x64xf32>
    %sub3A_98 = vector.broadcast %broadcast_in_dim3A_97 : vector<1x64xf32> to vector<5000x64xf32>
    %sub3A_99 = arith.subf %add3A_64, %sub3A_98 : vector<5000x64xf32>
    %broadcast_in_dim3A_100 = vector.shape_cast %rsqrt3A : vector<64xf32> to vector<1x64xf32>
    %mul3A_101 = vector.broadcast %broadcast_in_dim3A_100 : vector<1x64xf32> to vector<5000x64xf32>
    %mul3A_102 = arith.mulf %sub3A_99, %mul3A_101 : vector<5000x64xf32>
    %max3A = arith.constant 0.000000e+00 : f32
    %max3A_103 = vector.broadcast %max3A : f32 to vector<5000x64xf32>
    %max3A_104 = arith.maximumf %mul3A_96, %max3A_103 : vector<5000x64xf32>
    %max3A_105 = arith.constant 0.000000e+00 : f32
    %max3A_106 = vector.broadcast %max3A_105 : f32 to vector<5000x64xf32>
    %max3A_107 = arith.maximumf %mul3A_102, %max3A_106 : vector<5000x64xf32>
    %get3A_108 = arith.constant 0 : index
    %get3A_109 = arith.constant 0 : index
    %get3A_110 = vector.load %arg12[%get3A_108, %get3A_109] : memref<64x64xf32, #tpu.memory_space<vmem>>, vector<64x64xf32>
    %get3A_111 = arith.constant 0 : index
    %get3A_112 = arith.constant 0 : index
    %get3A_113 = vector.load %arg13[%get3A_111, %get3A_112] : memref<1x64xf32, #tpu.memory_space<vmem>>, vector<1x64xf32>
    %get3A_114 = vector.shape_cast %get3A_113 : vector<1x64xf32> to vector<64xf32>
    %dot_general3A_115 = arith.constant dense<0.000000e+00> : vector<5000x64xf32>
    %dot_general3A_116 = tpu.matmul %max3A_104, %get3A_110, %dot_general3A_115 {dimension_numbers = #tpu.dot_dimension_numbers<[1], [0], [0], [1], [0, 0, 1, 1], [], []>, transpose_lhs_hint = false} : vector<5000x64xf32>, vector<64x64xf32>, vector<5000x64xf32> -> vector<5000x64xf32>
    %broadcast_in_dim3A_117 = vector.shape_cast %get3A_114 : vector<64xf32> to vector<1x64xf32>
    %add3A_118 = vector.broadcast %broadcast_in_dim3A_117 : vector<1x64xf32> to vector<5000x64xf32>
    %add3A_119 = arith.addf %dot_general3A_116, %add3A_118 : vector<5000x64xf32>
    %get3A_120 = arith.constant 0 : index
    %get3A_121 = arith.constant 0 : index
    %get3A_122 = vector.load %arg12[%get3A_120, %get3A_121] : memref<64x64xf32, #tpu.memory_space<vmem>>, vector<64x64xf32>
    %get3A_123 = arith.constant 0 : index
    %get3A_124 = arith.constant 0 : index
    %get3A_125 = vector.load %arg13[%get3A_123, %get3A_124] : memref<1x64xf32, #tpu.memory_space<vmem>>, vector<1x64xf32>
    %get3A_126 = vector.shape_cast %get3A_125 : vector<1x64xf32> to vector<64xf32>
    %dot_general3A_127 = arith.constant dense<0.000000e+00> : vector<5000x64xf32>
    %dot_general3A_128 = tpu.matmul %max3A_107, %get3A_122, %dot_general3A_127 {dimension_numbers = #tpu.dot_dimension_numbers<[1], [0], [0], [1], [0, 0, 1, 1], [], []>, transpose_lhs_hint = false} : vector<5000x64xf32>, vector<64x64xf32>, vector<5000x64xf32> -> vector<5000x64xf32>
    %broadcast_in_dim3A_129 = vector.shape_cast %get3A_126 : vector<64xf32> to vector<1x64xf32>
    %add3A_130 = vector.broadcast %broadcast_in_dim3A_129 : vector<1x64xf32> to vector<5000x64xf32>
    %add3A_131 = arith.addf %dot_general3A_128, %add3A_130 : vector<5000x64xf32>
    %reduce_sum3A_132 = arith.constant dense<0.000000e+00> : vector<64xf32>
    %reduce_sum3A_133 = vector.multi_reduction <add>, %add3A_119, %reduce_sum3A_132 [0] : vector<5000x64xf32> to vector<64xf32>
    %reduce_sum3A_134 = arith.constant dense<0.000000e+00> : vector<64xf32>
    %reduce_sum3A_135 = vector.multi_reduction <add>, %add3A_131, %reduce_sum3A_134 [0] : vector<5000x64xf32> to vector<64xf32>
    %mul3A_136 = arith.constant 3.100000e+01 : f32
    %mul3A_137 = vector.broadcast %mul3A_136 : f32 to vector<64xf32>
    %mul3A_138 = arith.mulf %mul3A_137, %reduce_sum3A_135 : vector<64xf32>
    %add3A_139 = arith.addf %reduce_sum3A_133, %mul3A_138 : vector<64xf32>
    %div3A_140 = arith.constant 1.600000e+05 : f32
    %div3A_141 = vector.broadcast %div3A_140 : f32 to vector<64xf32>
    %div3A_142 = arith.divf %add3A_139, %div3A_141 : vector<64xf32>
    %mul3A_143 = arith.mulf %add3A_119, %add3A_119 : vector<5000x64xf32>
    %reduce_sum3A_144 = arith.constant dense<0.000000e+00> : vector<64xf32>
    %reduce_sum3A_145 = vector.multi_reduction <add>, %mul3A_143, %reduce_sum3A_144 [0] : vector<5000x64xf32> to vector<64xf32>
    %mul3A_146 = arith.mulf %add3A_131, %add3A_131 : vector<5000x64xf32>
    %reduce_sum3A_147 = arith.constant dense<0.000000e+00> : vector<64xf32>
    %reduce_sum3A_148 = vector.multi_reduction <add>, %mul3A_146, %reduce_sum3A_147 [0] : vector<5000x64xf32> to vector<64xf32>
    %mul3A_149 = arith.constant 3.100000e+01 : f32
    %mul3A_150 = vector.broadcast %mul3A_149 : f32 to vector<64xf32>
    %mul3A_151 = arith.mulf %mul3A_150, %reduce_sum3A_148 : vector<64xf32>
    %add3A_152 = arith.addf %reduce_sum3A_145, %mul3A_151 : vector<64xf32>
    %div3A_153 = arith.constant 1.600000e+05 : f32
    %div3A_154 = vector.broadcast %div3A_153 : f32 to vector<64xf32>
    %div3A_155 = arith.divf %add3A_152, %div3A_154 : vector<64xf32>
    %mul3A_156 = arith.mulf %div3A_142, %div3A_142 : vector<64xf32>
    %sub3A_157 = arith.subf %div3A_155, %mul3A_156 : vector<64xf32>
    %add3A_158 = arith.constant 9.99999974E-6 : f32
    %add3A_159 = vector.broadcast %add3A_158 : f32 to vector<64xf32>
    %add3A_160 = arith.addf %sub3A_157, %add3A_159 : vector<64xf32>
    %rsqrt3A_161 = math.rsqrt %add3A_160 : vector<64xf32>
    %broadcast_in_dim3A_162 = vector.shape_cast %div3A_142 : vector<64xf32> to vector<1x64xf32>
    %sub3A_163 = vector.broadcast %broadcast_in_dim3A_162 : vector<1x64xf32> to vector<5000x64xf32>
    %sub3A_164 = arith.subf %add3A_119, %sub3A_163 : vector<5000x64xf32>
    %broadcast_in_dim3A_165 = vector.shape_cast %rsqrt3A_161 : vector<64xf32> to vector<1x64xf32>
    %mul3A_166 = vector.broadcast %broadcast_in_dim3A_165 : vector<1x64xf32> to vector<5000x64xf32>
    %mul3A_167 = arith.mulf %sub3A_164, %mul3A_166 : vector<5000x64xf32>
    %broadcast_in_dim3A_168 = vector.shape_cast %div3A_142 : vector<64xf32> to vector<1x64xf32>
    %sub3A_169 = vector.broadcast %broadcast_in_dim3A_168 : vector<1x64xf32> to vector<5000x64xf32>
    %sub3A_170 = arith.subf %add3A_131, %sub3A_169 : vector<5000x64xf32>
    %broadcast_in_dim3A_171 = vector.shape_cast %rsqrt3A_161 : vector<64xf32> to vector<1x64xf32>
    %mul3A_172 = vector.broadcast %broadcast_in_dim3A_171 : vector<1x64xf32> to vector<5000x64xf32>
    %mul3A_173 = arith.mulf %sub3A_170, %mul3A_172 : vector<5000x64xf32>
    %get3A_174 = arith.constant 0 : index
    %get3A_175 = arith.constant 0 : index
    %get3A_176 = vector.load %arg5[%get3A_174, %get3A_175] : memref<32x2xi32, #tpu.memory_space<vmem>>, vector<32x2xi32>
    %iota3A = tpu.iota {dimensions = array<i32: 1>} : vector<32x2048xi32>
    %slice3A_177 = vector.extract_strided_slice %get3A_176 {offsets = [0, 0], sizes = [32, 1], strides = [1, 1]} : vector<32x2xi32> to vector<32x1xi32>
    %eq3A = vector.broadcast %slice3A_177 : vector<32x1xi32> to vector<32x2048xi32>
    %eq3A_178 = arith.cmpi eq, %iota3A, %eq3A : vector<32x2048xi32>
    %convert_element_type3A = arith.extui %eq3A_178 : vector<32x2048xi1> to vector<32x2048xi32>
    %convert_element_type3A_179 = arith.sitofp %convert_element_type3A : vector<32x2048xi32> to vector<32x2048xf32>
    %slice3A_180 = vector.extract_strided_slice %get3A_176 {offsets = [0, 1], sizes = [32, 1], strides = [1, 1]} : vector<32x2xi32> to vector<32x1xi32>
    %eq3A_181 = vector.broadcast %slice3A_180 : vector<32x1xi32> to vector<32x2048xi32>
    %eq3A_182 = arith.cmpi eq, %iota3A, %eq3A_181 : vector<32x2048xi32>
    %convert_element_type3A_183 = arith.extui %eq3A_182 : vector<32x2048xi1> to vector<32x2048xi32>
    %convert_element_type3A_184 = arith.sitofp %convert_element_type3A_183 : vector<32x2048xi32> to vector<32x2048xf32>
    %add3A_185 = arith.addf %convert_element_type3A_179, %convert_element_type3A_184 : vector<32x2048xf32>
    %slice3A_186 = vector.extract_strided_slice %mul3A_16 {offsets = [5120, 0], sizes = [2048, 64], strides = [1, 1]} : vector<7168x64xf32> to vector<2048x64xf32>
    %dot_general3A_187 = arith.constant dense<0.000000e+00> : vector<32x64xf32>
    %dot_general3A_188 = tpu.matmul %add3A_185, %slice3A_186, %dot_general3A_187 {dimension_numbers = #tpu.dot_dimension_numbers<[1], [0], [0], [1], [0, 0, 1, 1], [], []>, transpose_lhs_hint = false} : vector<32x2048xf32>, vector<2048x64xf32>, vector<32x64xf32> -> vector<32x64xf32>
    %get3A_189 = arith.constant 0 : index
    %get3A_190 = arith.constant 0 : index
    %get3A_191 = vector.load %arg8[%get3A_189, %get3A_190] : memref<64x64xf32, #tpu.memory_space<vmem>>, vector<64x64xf32>
    %dot_general3A_192 = arith.constant dense<0.000000e+00> : vector<32x64xf32>
    %dot_general3A_193 = tpu.matmul %dot_general3A_188, %get3A_191, %dot_general3A_192 {dimension_numbers = #tpu.dot_dimension_numbers<[1], [0], [0], [1], [0, 0, 1, 1], [], []>, transpose_lhs_hint = false} : vector<32x64xf32>, vector<64x64xf32>, vector<32x64xf32> -> vector<32x64xf32>
    %get3A_194 = arith.constant 0 : index
    %get3A_195 = arith.constant 0 : index
    %get3A_196 = vector.load %arg9[%get3A_194, %get3A_195] : memref<1x64xf32, #tpu.memory_space<vmem>>, vector<1x64xf32>
    %get3A_197 = vector.shape_cast %get3A_196 : vector<1x64xf32> to vector<64xf32>
    %mul3A_198 = arith.constant 2.000000e+00 : f32
    %mul3A_199 = vector.broadcast %mul3A_198 : f32 to vector<64xf32>
    %mul3A_200 = arith.mulf %mul3A_199, %get3A_197 : vector<64xf32>
    %broadcast_in_dim3A_201 = vector.shape_cast %mul3A_200 : vector<64xf32> to vector<1x64xf32>
    %add3A_202 = vector.broadcast %broadcast_in_dim3A_201 : vector<1x64xf32> to vector<32x64xf32>
    %add3A_203 = arith.addf %dot_general3A_193, %add3A_202 : vector<32x64xf32>
    %get3A_204 = arith.constant 0 : index
    %get3A_205 = arith.constant 0 : index
    %get3A_206 = vector.load %arg14[%get3A_204, %get3A_205] : memref<64x64xf32, #tpu.memory_space<vmem>>, vector<64x64xf32>
    %get3A_207 = arith.constant 0 : index
    %get3A_208 = arith.constant 0 : index
    %get3A_209 = vector.load %arg15[%get3A_207, %get3A_208] : memref<1x64xf32, #tpu.memory_space<vmem>>, vector<1x64xf32>
    %get3A_210 = vector.shape_cast %get3A_209 : vector<1x64xf32> to vector<64xf32>
    %dot_general3A_211 = arith.constant dense<0.000000e+00> : vector<32x64xf32>
    %dot_general3A_212 = tpu.matmul %add3A_203, %get3A_206, %dot_general3A_211 {dimension_numbers = #tpu.dot_dimension_numbers<[1], [0], [0], [1], [0, 0, 1, 1], [], []>, transpose_lhs_hint = false} : vector<32x64xf32>, vector<64x64xf32>, vector<32x64xf32> -> vector<32x64xf32>
    %broadcast_in_dim3A_213 = vector.shape_cast %get3A_210 : vector<64xf32> to vector<1x64xf32>
    %add3A_214 = vector.broadcast %broadcast_in_dim3A_213 : vector<1x64xf32> to vector<32x64xf32>
    %add3A_215 = arith.addf %dot_general3A_212, %add3A_214 : vector<32x64xf32>
    %reduce_sum3A_216 = arith.constant dense<0.000000e+00> : vector<64xf32>
    %reduce_sum3A_217 = vector.multi_reduction <add>, %add3A_215, %reduce_sum3A_216 [0] : vector<32x64xf32> to vector<64xf32>
    %div3A_218 = arith.constant 3.200000e+01 : f32
    %div3A_219 = vector.broadcast %div3A_218 : f32 to vector<64xf32>
    %div3A_220 = arith.divf %reduce_sum3A_217, %div3A_219 : vector<64xf32>
    %mul3A_221 = arith.mulf %add3A_215, %add3A_215 : vector<32x64xf32>
    %reduce_sum3A_222 = arith.constant dense<0.000000e+00> : vector<64xf32>
    %reduce_sum3A_223 = vector.multi_reduction <add>, %mul3A_221, %reduce_sum3A_222 [0] : vector<32x64xf32> to vector<64xf32>
    %div3A_224 = arith.constant 3.200000e+01 : f32
    %div3A_225 = vector.broadcast %div3A_224 : f32 to vector<64xf32>
    %div3A_226 = arith.divf %reduce_sum3A_223, %div3A_225 : vector<64xf32>
    %mul3A_227 = arith.mulf %div3A_220, %div3A_220 : vector<64xf32>
    %sub3A_228 = arith.subf %div3A_226, %mul3A_227 : vector<64xf32>
    %broadcast_in_dim3A_229 = vector.shape_cast %div3A_220 : vector<64xf32> to vector<1x64xf32>
    %sub3A_230 = vector.broadcast %broadcast_in_dim3A_229 : vector<1x64xf32> to vector<32x64xf32>
    %sub3A_231 = arith.subf %add3A_215, %sub3A_230 : vector<32x64xf32>
    %add3A_232 = arith.constant 9.99999974E-6 : f32
    %add3A_233 = vector.broadcast %add3A_232 : f32 to vector<64xf32>
    %add3A_234 = arith.addf %sub3A_228, %add3A_233 : vector<64xf32>
    %rsqrt3A_235 = math.rsqrt %add3A_234 : vector<64xf32>
    %broadcast_in_dim3A_236 = vector.shape_cast %rsqrt3A_235 : vector<64xf32> to vector<1x64xf32>
    %mul3A_237 = vector.broadcast %broadcast_in_dim3A_236 : vector<1x64xf32> to vector<32x64xf32>
    %mul3A_238 = arith.mulf %sub3A_231, %mul3A_237 : vector<32x64xf32>
    %max3A_239 = arith.constant 0.000000e+00 : f32
    %max3A_240 = vector.broadcast %max3A_239 : f32 to vector<32x64xf32>
    %max3A_241 = arith.maximumf %mul3A_238, %max3A_240 : vector<32x64xf32>
    %get3A_242 = arith.constant 0 : index
    %get3A_243 = arith.constant 0 : index
    %get3A_244 = vector.load %arg16[%get3A_242, %get3A_243] : memref<64x64xf32, #tpu.memory_space<vmem>>, vector<64x64xf32>
    %get3A_245 = arith.constant 0 : index
    %get3A_246 = arith.constant 0 : index
    %get3A_247 = vector.load %arg17[%get3A_245, %get3A_246] : memref<1x64xf32, #tpu.memory_space<vmem>>, vector<1x64xf32>
    %get3A_248 = vector.shape_cast %get3A_247 : vector<1x64xf32> to vector<64xf32>
    %dot_general3A_249 = arith.constant dense<0.000000e+00> : vector<32x64xf32>
    %dot_general3A_250 = tpu.matmul %max3A_241, %get3A_244, %dot_general3A_249 {dimension_numbers = #tpu.dot_dimension_numbers<[1], [0], [0], [1], [0, 0, 1, 1], [], []>, transpose_lhs_hint = false} : vector<32x64xf32>, vector<64x64xf32>, vector<32x64xf32> -> vector<32x64xf32>
    %broadcast_in_dim3A_251 = vector.shape_cast %get3A_248 : vector<64xf32> to vector<1x64xf32>
    %add3A_252 = vector.broadcast %broadcast_in_dim3A_251 : vector<1x64xf32> to vector<32x64xf32>
    %add3A_253 = arith.addf %dot_general3A_250, %add3A_252 : vector<32x64xf32>
    %reduce_sum3A_254 = arith.constant dense<0.000000e+00> : vector<64xf32>
    %reduce_sum3A_255 = vector.multi_reduction <add>, %add3A_253, %reduce_sum3A_254 [0] : vector<32x64xf32> to vector<64xf32>
    %div3A_256 = arith.constant 3.200000e+01 : f32
    %div3A_257 = vector.broadcast %div3A_256 : f32 to vector<64xf32>
    %div3A_258 = arith.divf %reduce_sum3A_255, %div3A_257 : vector<64xf32>
    %mul3A_259 = arith.mulf %add3A_253, %add3A_253 : vector<32x64xf32>
    %reduce_sum3A_260 = arith.constant dense<0.000000e+00> : vector<64xf32>
    %reduce_sum3A_261 = vector.multi_reduction <add>, %mul3A_259, %reduce_sum3A_260 [0] : vector<32x64xf32> to vector<64xf32>
    %div3A_262 = arith.constant 3.200000e+01 : f32
    %div3A_263 = vector.broadcast %div3A_262 : f32 to vector<64xf32>
    %div3A_264 = arith.divf %reduce_sum3A_261, %div3A_263 : vector<64xf32>
    %mul3A_265 = arith.mulf %div3A_258, %div3A_258 : vector<64xf32>
    %sub3A_266 = arith.subf %div3A_264, %mul3A_265 : vector<64xf32>
    %broadcast_in_dim3A_267 = vector.shape_cast %div3A_258 : vector<64xf32> to vector<1x64xf32>
    %sub3A_268 = vector.broadcast %broadcast_in_dim3A_267 : vector<1x64xf32> to vector<32x64xf32>
    %sub3A_269 = arith.subf %add3A_253, %sub3A_268 : vector<32x64xf32>
    %add3A_270 = arith.constant 9.99999974E-6 : f32
    %add3A_271 = vector.broadcast %add3A_270 : f32 to vector<64xf32>
    %add3A_272 = arith.addf %sub3A_266, %add3A_271 : vector<64xf32>
    %rsqrt3A_273 = math.rsqrt %add3A_272 : vector<64xf32>
    %broadcast_in_dim3A_274 = vector.shape_cast %rsqrt3A_273 : vector<64xf32> to vector<1x64xf32>
    %mul3A_275 = vector.broadcast %broadcast_in_dim3A_274 : vector<1x64xf32> to vector<32x64xf32>
    %mul3A_276 = arith.mulf %sub3A_269, %mul3A_275 : vector<32x64xf32>
    %reduce_sum3A_277 = arith.constant dense<0.000000e+00> : vector<64xf32>
    %reduce_sum3A_278 = vector.multi_reduction <add>, %mul3A_167, %reduce_sum3A_277 [0] : vector<5000x64xf32> to vector<64xf32>
    %reduce_sum3A_279 = arith.constant dense<0.000000e+00> : vector<64xf32>
    %reduce_sum3A_280 = vector.multi_reduction <add>, %mul3A_173, %reduce_sum3A_279 [0] : vector<5000x64xf32> to vector<64xf32>
    %mul3A_281 = arith.mulf %mul3A_167, %mul3A_167 : vector<5000x64xf32>
    %reduce_sum3A_282 = arith.constant dense<0.000000e+00> : vector<64xf32>
    %reduce_sum3A_283 = vector.multi_reduction <add>, %mul3A_281, %reduce_sum3A_282 [0] : vector<5000x64xf32> to vector<64xf32>
    %mul3A_284 = arith.mulf %mul3A_173, %mul3A_173 : vector<5000x64xf32>
    %reduce_sum3A_285 = arith.constant dense<0.000000e+00> : vector<64xf32>
    %reduce_sum3A_286 = vector.multi_reduction <add>, %mul3A_284, %reduce_sum3A_285 [0] : vector<5000x64xf32> to vector<64xf32>
    %reduce_sum3A_287 = arith.constant dense<0.000000e+00> : vector<64xf32>
    %reduce_sum3A_288 = vector.multi_reduction <add>, %mul3A_276, %reduce_sum3A_287 [0] : vector<32x64xf32> to vector<64xf32>
    %slice3A_289 = vector.extract_strided_slice %mul3A_276 {offsets = [0, 0], sizes = [1, 64], strides = [1, 1]} : vector<32x64xf32> to vector<1x64xf32>
    %squeeze3A = vector.shape_cast %slice3A_289 : vector<1x64xf32> to vector<64xf32>
    %sub3A_290 = arith.subf %reduce_sum3A_288, %squeeze3A : vector<64xf32>
    %mul3A_291 = arith.mulf %mul3A_276, %mul3A_276 : vector<32x64xf32>
    %reduce_sum3A_292 = arith.constant dense<0.000000e+00> : vector<64xf32>
    %reduce_sum3A_293 = vector.multi_reduction <add>, %mul3A_291, %reduce_sum3A_292 [0] : vector<32x64xf32> to vector<64xf32>
    %mul3A_294 = arith.mulf %squeeze3A, %squeeze3A : vector<64xf32>
    %sub3A_295 = arith.subf %reduce_sum3A_293, %mul3A_294 : vector<64xf32>
    %mul3A_296 = arith.constant 3.100000e+01 : f32
    %mul3A_297 = vector.broadcast %mul3A_296 : f32 to vector<64xf32>
    %mul3A_298 = arith.mulf %mul3A_297, %reduce_sum3A_280 : vector<64xf32>
    %add3A_299 = arith.addf %reduce_sum3A_278, %mul3A_298 : vector<64xf32>
    %div3A_300 = arith.constant 1.600000e+05 : f32
    %div3A_301 = vector.broadcast %div3A_300 : f32 to vector<64xf32>
    %div3A_302 = arith.divf %add3A_299, %div3A_301 : vector<64xf32>
    %div3A_303 = arith.constant 3.200000e+01 : f32
    %div3A_304 = vector.broadcast %div3A_303 : f32 to vector<64xf32>
    %div3A_305 = arith.divf %reduce_sum3A_288, %div3A_304 : vector<64xf32>
    %add3A_306 = arith.addf %div3A_302, %div3A_305 : vector<64xf32>
    %mul3A_307 = arith.constant 2.000000e+00 : f32
    %mul3A_308 = vector.broadcast %mul3A_307 : f32 to vector<64xf32>
    %mul3A_309 = arith.mulf %mul3A_308, %squeeze3A : vector<64xf32>
    %mul3A_310 = arith.mulf %mul3A_309, %reduce_sum3A_278 : vector<64xf32>
    %add3A_311 = arith.addf %reduce_sum3A_283, %mul3A_310 : vector<64xf32>
    %mul3A_312 = arith.constant 5.000000e+03 : f32
    %mul3A_313 = vector.broadcast %mul3A_312 : f32 to vector<64xf32>
    %mul3A_314 = arith.mulf %mul3A_313, %squeeze3A : vector<64xf32>
    %mul3A_315 = arith.mulf %mul3A_314, %squeeze3A : vector<64xf32>
    %add3A_316 = arith.addf %add3A_311, %mul3A_315 : vector<64xf32>
    %mul3A_317 = arith.constant 3.100000e+01 : f32
    %mul3A_318 = vector.broadcast %mul3A_317 : f32 to vector<64xf32>
    %mul3A_319 = arith.mulf %mul3A_318, %reduce_sum3A_286 : vector<64xf32>
    %add3A_320 = arith.addf %add3A_316, %mul3A_319 : vector<64xf32>
    %mul3A_321 = arith.constant 2.000000e+00 : f32
    %mul3A_322 = vector.broadcast %mul3A_321 : f32 to vector<64xf32>
    %mul3A_323 = arith.mulf %mul3A_322, %sub3A_290 : vector<64xf32>
    %mul3A_324 = arith.mulf %mul3A_323, %reduce_sum3A_280 : vector<64xf32>
    %add3A_325 = arith.addf %add3A_320, %mul3A_324 : vector<64xf32>
    %mul3A_326 = arith.constant 5.000000e+03 : f32
    %mul3A_327 = vector.broadcast %mul3A_326 : f32 to vector<64xf32>
    %mul3A_328 = arith.mulf %mul3A_327, %sub3A_295 : vector<64xf32>
    %add3A_329 = arith.addf %add3A_325, %mul3A_328 : vector<64xf32>
    %div3A_330 = arith.constant 1.600000e+05 : f32
    %div3A_331 = vector.broadcast %div3A_330 : f32 to vector<64xf32>
    %div3A_332 = arith.divf %add3A_329, %div3A_331 : vector<64xf32>
    %mul3A_333 = arith.mulf %add3A_306, %add3A_306 : vector<64xf32>
    %sub3A_334 = arith.subf %div3A_332, %mul3A_333 : vector<64xf32>
    %add3A_335 = arith.constant 9.99999974E-6 : f32
    %add3A_336 = vector.broadcast %add3A_335 : f32 to vector<64xf32>
    %add3A_337 = arith.addf %sub3A_334, %add3A_336 : vector<64xf32>
    %rsqrt3A_338 = math.rsqrt %add3A_337 : vector<64xf32>
    %broadcast_in_dim3A_339 = vector.shape_cast %add3A_306 : vector<64xf32> to vector<1x64xf32>
    %sub3A_340 = vector.broadcast %broadcast_in_dim3A_339 : vector<1x64xf32> to vector<5000x64xf32>
    %sub3A_341 = arith.subf %mul3A_167, %sub3A_340 : vector<5000x64xf32>
    %broadcast_in_dim3A_342 = vector.shape_cast %rsqrt3A_338 : vector<64xf32> to vector<1x64xf32>
    %mul3A_343 = vector.broadcast %broadcast_in_dim3A_342 : vector<1x64xf32> to vector<5000x64xf32>
    %mul3A_344 = arith.mulf %sub3A_341, %mul3A_343 : vector<5000x64xf32>
    %swap3A = arith.constant 0 : index
    %swap3A_345 = arith.constant 0 : index
    %swap3A_346 = vector.load %arg18[%swap3A, %swap3A_345] : memref<5000x64xf32, #tpu.memory_space<vmem>>, vector<5000x64xf32>
    tpu.vector_store %arg18[%swap3A, %swap3A_345], %mul3A_344 {strides = array<i32>} : memref<5000x64xf32, #tpu.memory_space<vmem>>, vector<5000x64xf32>,
    %broadcast_in_dim3A_347 = vector.shape_cast %add3A_306 : vector<64xf32> to vector<1x64xf32>
    %sub3A_348 = vector.broadcast %broadcast_in_dim3A_347 : vector<1x64xf32> to vector<5000x64xf32>
    %sub3A_349 = arith.subf %mul3A_173, %sub3A_348 : vector<5000x64xf32>
    %broadcast_in_dim3A_350 = vector.shape_cast %rsqrt3A_338 : vector<64xf32> to vector<1x64xf32>
    %mul3A_351 = vector.broadcast %broadcast_in_dim3A_350 : vector<1x64xf32> to vector<5000x64xf32>
    %mul3A_352 = arith.mulf %sub3A_349, %mul3A_351 : vector<5000x64xf32>
    %swap3A_353 = arith.constant 0 : index
    %swap3A_354 = arith.constant 0 : index
    %swap3A_355 = vector.load %arg19[%swap3A_353, %swap3A_354] : memref<5000x64xf32, #tpu.memory_space<vmem>>, vector<5000x64xf32>
    tpu.vector_store %arg19[%swap3A_353, %swap3A_354], %mul3A_352 {strides = array<i32>} : memref<5000x64xf32, #tpu.memory_space<vmem>>, vector<5000x64xf32>,
    %broadcast_in_dim3A_356 = vector.shape_cast %rsqrt3A_338 : vector<64xf32> to vector<1x64xf32>
    %mul3A_357 = vector.broadcast %broadcast_in_dim3A_356 : vector<1x64xf32> to vector<32x64xf32>
    %mul3A_358 = arith.mulf %mul3A_276, %mul3A_357 : vector<32x64xf32>
    %swap3A_359 = arith.constant 0 : index
    %swap3A_360 = arith.constant 0 : index
    %swap3A_361 = vector.load %arg20[%swap3A_359, %swap3A_360] : memref<32x64xf32, #tpu.memory_space<vmem>>, vector<32x64xf32>
    tpu.vector_store %arg20[%swap3A_359, %swap3A_360], %mul3A_358 {strides = array<i32>} : memref<32x64xf32, #tpu.memory_space<vmem>>, vector<32x64xf32>,
    return
  }
}

module attributes {stable_mosaic.version = 14 : i64} {
  func.func @_big_kernel(%arg0: i32, %arg1: i32, %arg2: memref<200x64xf32, #tpu.memory_space<vmem>>, %arg3: memref<200x64xf32, #tpu.memory_space<vmem>>, %arg4: memref<32x64xf32, #tpu.memory_space<vmem>>, %arg5: memref<64x128xf32, #tpu.memory_space<vmem>>, %arg6: memref<1x128xf32, #tpu.memory_space<vmem>>, %arg7: memref<128x64xf32, #tpu.memory_space<vmem>>, %arg8: memref<1x64xf32, #tpu.memory_space<vmem>>, %arg9: memref<200x64xf32, #tpu.memory_space<vmem>>, %arg10: memref<5000x64xf32, #tpu.memory_space<vmem>>, %arg11: memref<1x64xf32, #tpu.memory_space<vmem>>, %arg12: memref<64x64xf32, #tpu.memory_space<vmem>>, %arg13: memref<1x64xf32, #tpu.memory_space<vmem>>, %arg14: memref<5000x1xf32, #tpu.memory_space<vmem>>, %arg15: memref<5000x1xf32, #tpu.memory_space<vmem>>, %arg16: memref<5000x64xf32, #tpu.memory_space<vmem>>, %arg17: memref<5000x1xf32, #tpu.memory_space<vmem>>, %arg18: memref<5000x32xf32, #tpu.memory_space<vmem>>, %arg19: memref<5000x32xf32, #tpu.memory_space<vmem>>, %arg20: memref<2x128xf32, #tpu.memory_space<vmem>>, %arg21: memref<2x128xf32, #tpu.memory_space<vmem>>, %arg22: memref<2x128xf32, #tpu.memory_space<vmem>>, %arg23: memref<2x128xf32, #tpu.memory_space<vmem>>, %arg24: memref<5000x32xf32, #tpu.memory_space<vmem>>) attributes {dimension_semantics = [#tpu.dimension_semantics<arbitrary>, #tpu.dimension_semantics<arbitrary>], iteration_bounds = array<i64: 3, 25>, scalar_prefetch = 0 : i64, scratch_operands = 5 : i64, tpu.core_type = #tpu.core_type<tc>, window_params = [{transform_indices = @transform_0, window_bounds = array<i64: 200, 64>}, {transform_indices = @transform_1, window_bounds = array<i64: 200, 64>}, {pipeline_mode = #tpu.pipeline_mode<synchronous>, transform_indices = @transform_2, window_bounds = array<i64: 32, 64>}, {pipeline_mode = #tpu.pipeline_mode<synchronous>, transform_indices = @transform_3, window_bounds = array<i64: 64, 128>}, {pipeline_mode = #tpu.pipeline_mode<synchronous>, transform_indices = @transform_4, window_bounds = array<i64: 1, 128>}, {pipeline_mode = #tpu.pipeline_mode<synchronous>, transform_indices = @transform_5, window_bounds = array<i64: 128, 64>}, {pipeline_mode = #tpu.pipeline_mode<synchronous>, transform_indices = @transform_6, window_bounds = array<i64: 1, 64>}, {transform_indices = @transform_7, window_bounds = array<i64: 200, 64>}, {pipeline_mode = #tpu.pipeline_mode<synchronous>, transform_indices = @transform_8, window_bounds = array<i64: 5000, 64>}, {pipeline_mode = #tpu.pipeline_mode<synchronous>, transform_indices = @transform_9, window_bounds = array<i64: 1, 64>}, {pipeline_mode = #tpu.pipeline_mode<synchronous>, transform_indices = @transform_10, window_bounds = array<i64: 64, 64>}, {pipeline_mode = #tpu.pipeline_mode<synchronous>, transform_indices = @transform_11, window_bounds = array<i64: 1, 64>}, {pipeline_mode = #tpu.pipeline_mode<synchronous>, transform_indices = @transform_12, window_bounds = array<i64: 5000, 1>}, {pipeline_mode = #tpu.pipeline_mode<synchronous>, transform_indices = @transform_13, window_bounds = array<i64: 5000, 1>}, {pipeline_mode = #tpu.pipeline_mode<synchronous>, transform_indices = @transform_14, window_bounds = array<i64: 5000, 64>}, {pipeline_mode = #tpu.pipeline_mode<synchronous>, transform_indices = @transform_15, window_bounds = array<i64: 5000, 1>}, {pipeline_mode = #tpu.pipeline_mode<synchronous>, transform_indices = @transform_16, window_bounds = array<i64: 5000, 32>}, {pipeline_mode = #tpu.pipeline_mode<synchronous>, transform_indices = @transform_17, window_bounds = array<i64: 5000, 32>}]} {
    %eq3A = arith.constant 0 : i32
    %eq3A_0 = arith.cmpi eq, %arg0, %eq3A : i32
    %eq3A_1 = arith.constant 0 : i32
    %eq3A_2 = arith.cmpi eq, %arg1, %eq3A_1 : i32
    %and3A = arith.andi %eq3A_0, %eq3A_2 : i1
    %convert_element_type3A = arith.extui %and3A : i1 to i32
    %cond3A = arith.constant 0 : i32
    %cond3A_3 = arith.cmpi ne, %convert_element_type3A, %cond3A : i32
    scf.if %cond3A_3 {
      %broadcast_in_dim3A_62 = arith.constant 0.000000e+00 : f32
      %broadcast_in_dim3A_63 = vector.broadcast %broadcast_in_dim3A_62 : f32 to vector<2x128xf32>
      %swap3A = arith.constant 0 : index
      %swap3A_64 = arith.constant 0 : index
      %swap3A_65 = vector.load %arg20[%swap3A, %swap3A_64] : memref<2x128xf32, #tpu.memory_space<vmem>>, vector<2x128xf32>
      tpu.vector_store %arg20[%swap3A, %swap3A_64], %broadcast_in_dim3A_63 {strides = array<i32>} : memref<2x128xf32, #tpu.memory_space<vmem>>, vector<2x128xf32>,
      %broadcast_in_dim3A_66 = arith.constant 0.000000e+00 : f32
      %broadcast_in_dim3A_67 = vector.broadcast %broadcast_in_dim3A_66 : f32 to vector<2x128xf32>
      %swap3A_68 = arith.constant 0 : index
      %swap3A_69 = arith.constant 0 : index
      %swap3A_70 = vector.load %arg21[%swap3A_68, %swap3A_69] : memref<2x128xf32, #tpu.memory_space<vmem>>, vector<2x128xf32>
      tpu.vector_store %arg21[%swap3A_68, %swap3A_69], %broadcast_in_dim3A_67 {strides = array<i32>} : memref<2x128xf32, #tpu.memory_space<vmem>>, vector<2x128xf32>,
    } else {
    }
    %eq3A_4 = arith.constant 1 : i32
    %eq3A_5 = arith.cmpi eq, %arg0, %eq3A_4 : i32
    %eq3A_6 = arith.constant 0 : i32
    %eq3A_7 = arith.cmpi eq, %arg1, %eq3A_6 : i32
    %and3A_8 = arith.andi %eq3A_5, %eq3A_7 : i1
    %convert_element_type3A_9 = arith.extui %and3A_8 : i1 to i32
    %cond3A_10 = arith.constant 0 : i32
    %cond3A_11 = arith.cmpi ne, %convert_element_type3A_9, %cond3A_10 : i32
    scf.if %cond3A_11 {
      %get3A_62 = arith.constant 0 : index
      %get3A_63 = arith.constant 0 : index
      %get3A_64 = vector.load %arg20[%get3A_62, %get3A_63] : memref<2x128xf32, #tpu.memory_space<vmem>>, vector<1x128xf32>
      %get3A_65 = vector.shape_cast %get3A_64 : vector<1x128xf32> to vector<128xf32>
      %div3A = arith.constant 1.600000e+05 : f32
      %div3A_66 = vector.broadcast %div3A : f32 to vector<128xf32>
      %div3A_67 = arith.divf %get3A_65, %div3A_66 : vector<128xf32>
      %get3A_68 = arith.constant 1 : index
      %get3A_69 = arith.constant 0 : index
      %get3A_70 = vector.load %arg20[%get3A_68, %get3A_69] : memref<2x128xf32, #tpu.memory_space<vmem>>, vector<1x128xf32>
      %get3A_71 = vector.shape_cast %get3A_70 : vector<1x128xf32> to vector<128xf32>
      %div3A_72 = arith.constant 1.600000e+05 : f32
      %div3A_73 = vector.broadcast %div3A_72 : f32 to vector<128xf32>
      %div3A_74 = arith.divf %get3A_71, %div3A_73 : vector<128xf32>
      %mul3A = arith.mulf %div3A_67, %div3A_67 : vector<128xf32>
      %sub3A = arith.subf %div3A_74, %mul3A : vector<128xf32>
      %swap3A = arith.constant 0 : index
      %swap3A_75 = arith.constant 0 : index
      %swap3A_76 = vector.load %arg22[%swap3A, %swap3A_75] : memref<2x128xf32, #tpu.memory_space<vmem>>, vector<1x128xf32>
      %swap3A_77 = vector.shape_cast %swap3A_76 : vector<1x128xf32> to vector<128xf32>
      %swap3A_78 = vector.shape_cast %div3A_67 : vector<128xf32> to vector<1x128xf32>
      tpu.vector_store %arg22[%swap3A, %swap3A_75], %swap3A_78 {strides = array<i32>} : memref<2x128xf32, #tpu.memory_space<vmem>>, vector<1x128xf32>,
      %add3A_79 = arith.constant 9.99999974E-6 : f32
      %add3A_80 = vector.broadcast %add3A_79 : f32 to vector<128xf32>
      %add3A_81 = arith.addf %sub3A, %add3A_80 : vector<128xf32>
      %rsqrt3A = math.rsqrt %add3A_81 : vector<128xf32>
      %swap3A_82 = arith.constant 1 : index
      %swap3A_83 = arith.constant 0 : index
      %swap3A_84 = vector.load %arg22[%swap3A_82, %swap3A_83] : memref<2x128xf32, #tpu.memory_space<vmem>>, vector<1x128xf32>
      %swap3A_85 = vector.shape_cast %swap3A_84 : vector<1x128xf32> to vector<128xf32>
      %swap3A_86 = vector.shape_cast %rsqrt3A : vector<128xf32> to vector<1x128xf32>
      tpu.vector_store %arg22[%swap3A_82, %swap3A_83], %swap3A_86 {strides = array<i32>} : memref<2x128xf32, #tpu.memory_space<vmem>>, vector<1x128xf32>,
    } else {
    }
    %eq3A_12 = arith.constant 2 : i32
    %eq3A_13 = arith.cmpi eq, %arg0, %eq3A_12 : i32
    %eq3A_14 = arith.constant 0 : i32
    %eq3A_15 = arith.cmpi eq, %arg1, %eq3A_14 : i32
    %and3A_16 = arith.andi %eq3A_13, %eq3A_15 : i1
    %convert_element_type3A_17 = arith.extui %and3A_16 : i1 to i32
    %cond3A_18 = arith.constant 0 : i32
    %cond3A_19 = arith.cmpi ne, %convert_element_type3A_17, %cond3A_18 : i32
    scf.if %cond3A_19 {
      %get3A_62 = arith.constant 0 : index
      %get3A_63 = arith.constant 0 : index
      %get3A_64 = vector.load %arg21[%get3A_62, %get3A_63] : memref<2x128xf32, #tpu.memory_space<vmem>>, vector<1x128xf32>
      %get3A_65 = vector.shape_cast %get3A_64 : vector<1x128xf32> to vector<128xf32>
      %div3A = arith.constant 1.600000e+05 : f32
      %div3A_66 = vector.broadcast %div3A : f32 to vector<128xf32>
      %div3A_67 = arith.divf %get3A_65, %div3A_66 : vector<128xf32>
      %get3A_68 = arith.constant 1 : index
      %get3A_69 = arith.constant 0 : index
      %get3A_70 = vector.load %arg21[%get3A_68, %get3A_69] : memref<2x128xf32, #tpu.memory_space<vmem>>, vector<1x128xf32>
      %get3A_71 = vector.shape_cast %get3A_70 : vector<1x128xf32> to vector<128xf32>
      %div3A_72 = arith.constant 1.600000e+05 : f32
      %div3A_73 = vector.broadcast %div3A_72 : f32 to vector<128xf32>
      %div3A_74 = arith.divf %get3A_71, %div3A_73 : vector<128xf32>
      %mul3A = arith.mulf %div3A_67, %div3A_67 : vector<128xf32>
      %sub3A = arith.subf %div3A_74, %mul3A : vector<128xf32>
      %swap3A = arith.constant 0 : index
      %swap3A_75 = arith.constant 0 : index
      %swap3A_76 = vector.load %arg23[%swap3A, %swap3A_75] : memref<2x128xf32, #tpu.memory_space<vmem>>, vector<1x128xf32>
      %swap3A_77 = vector.shape_cast %swap3A_76 : vector<1x128xf32> to vector<128xf32>
      %swap3A_78 = vector.shape_cast %div3A_67 : vector<128xf32> to vector<1x128xf32>
      tpu.vector_store %arg23[%swap3A, %swap3A_75], %swap3A_78 {strides = array<i32>} : memref<2x128xf32, #tpu.memory_space<vmem>>, vector<1x128xf32>,
      %add3A_79 = arith.constant 9.99999974E-6 : f32
      %add3A_80 = vector.broadcast %add3A_79 : f32 to vector<128xf32>
      %add3A_81 = arith.addf %sub3A, %add3A_80 : vector<128xf32>
      %rsqrt3A = math.rsqrt %add3A_81 : vector<128xf32>
      %swap3A_82 = arith.constant 1 : index
      %swap3A_83 = arith.constant 0 : index
      %swap3A_84 = vector.load %arg23[%swap3A_82, %swap3A_83] : memref<2x128xf32, #tpu.memory_space<vmem>>, vector<1x128xf32>
      %swap3A_85 = vector.shape_cast %swap3A_84 : vector<1x128xf32> to vector<128xf32>
      %swap3A_86 = vector.shape_cast %rsqrt3A : vector<128xf32> to vector<1x128xf32>
      tpu.vector_store %arg23[%swap3A_82, %swap3A_83], %swap3A_86 {strides = array<i32>} : memref<2x128xf32, #tpu.memory_space<vmem>>, vector<1x128xf32>,
    } else {
    }
    %get3A = arith.constant 0 : index
    %get3A_20 = arith.constant 0 : index
    %get3A_21 = vector.load %arg2[%get3A, %get3A_20] : memref<200x64xf32, #tpu.memory_space<vmem>>, vector<200x64xf32>
    %get3A_22 = arith.constant 0 : index
    %get3A_23 = arith.constant 0 : index
    %get3A_24 = vector.load %arg3[%get3A_22, %get3A_23] : memref<200x64xf32, #tpu.memory_space<vmem>>, vector<200x64xf32>
    %iota3A = tpu.iota {dimensions = array<i32: 1>} : vector<1x32x1xi32>
    %eq3A_25 = arith.constant 0 : i32
    %eq3A_26 = vector.broadcast %eq3A_25 : i32 to vector<1x32x1xi32>
    %eq3A_27 = arith.cmpi eq, %iota3A, %eq3A_26 : vector<1x32x1xi32>
    %broadcast_in_dim3A = vector.shape_cast %get3A_21 : vector<200x64xf32> to vector<200x1x64xf32>
    %broadcast_in_dim3A_28 = vector.shape_cast %get3A_24 : vector<200x64xf32> to vector<200x1x64xf32>
    %broadcast_in_dim3A_29 = vector.shape_cast %eq3A_27 : vector<1x32x1xi1> to vector<1x32x1xi1>
    %broadcast_in_dim3A_30 = vector.broadcast %broadcast_in_dim3A_29 : vector<1x32x1xi1> to vector<200x32x64xi1>
    %broadcast_in_dim3A_31 = vector.shape_cast %broadcast_in_dim3A : vector<200x1x64xf32> to vector<200x1x64xf32>
    %broadcast_in_dim3A_32 = vector.broadcast %broadcast_in_dim3A_31 : vector<200x1x64xf32> to vector<200x32x64xf32>
    %broadcast_in_dim3A_33 = vector.shape_cast %broadcast_in_dim3A_28 : vector<200x1x64xf32> to vector<200x1x64xf32>
    %broadcast_in_dim3A_34 = vector.broadcast %broadcast_in_dim3A_33 : vector<200x1x64xf32> to vector<200x32x64xf32>
    %select_n3A = arith.select %broadcast_in_dim3A_30, %broadcast_in_dim3A_32, %broadcast_in_dim3A_34 : vector<200x32x64xi1>, vector<200x32x64xf32>
    %get3A_35 = arith.constant 0 : index
    %get3A_36 = arith.constant 0 : index
    %get3A_37 = vector.load %arg4[%get3A_35, %get3A_36] : memref<32x64xf32, #tpu.memory_space<vmem>>, vector<32x64xf32>
    %broadcast_in_dim3A_38 = vector.shape_cast %get3A_37 : vector<32x64xf32> to vector<1x32x64xf32>
    %add3A = vector.broadcast %broadcast_in_dim3A_38 : vector<1x32x64xf32> to vector<200x32x64xf32>
    %add3A_39 = arith.addf %select_n3A, %add3A : vector<200x32x64xf32>
    %max3A = arith.constant 0.000000e+00 : f32
    %max3A_40 = vector.broadcast %max3A : f32 to vector<200x32x64xf32>
    %max3A_41 = arith.maximumf %add3A_39, %max3A_40 : vector<200x32x64xf32>
    %reshape3A = vector.shape_cast %max3A_41 : vector<200x32x64xf32> to vector<6400x64xf32>
    %get3A_42 = arith.constant 0 : index
    %get3A_43 = arith.constant 0 : index
    %get3A_44 = vector.load %arg5[%get3A_42, %get3A_43] : memref<64x128xf32, #tpu.memory_space<vmem>>, vector<64x128xf32>
    %dot_general3A = arith.constant dense<0.000000e+00> : vector<6400x128xf32>
    %dot_general3A_45 = tpu.matmul %reshape3A, %get3A_44, %dot_general3A {dimension_numbers = #tpu.dot_dimension_numbers<[1], [0], [0], [1], [0, 0, 1, 1], [], []>, transpose_lhs_hint = false} : vector<6400x64xf32>, vector<64x128xf32>, vector<6400x128xf32> -> vector<6400x128xf32>
    %get3A_46 = arith.constant 0 : index
    %get3A_47 = arith.constant 0 : index
    %get3A_48 = vector.load %arg6[%get3A_46, %get3A_47] : memref<1x128xf32, #tpu.memory_space<vmem>>, vector<1x128xf32>
    %get3A_49 = vector.shape_cast %get3A_48 : vector<1x128xf32> to vector<128xf32>
    %broadcast_in_dim3A_50 = vector.shape_cast %get3A_49 : vector<128xf32> to vector<1x128xf32>
    %add3A_51 = vector.broadcast %broadcast_in_dim3A_50 : vector<1x128xf32> to vector<6400x128xf32>
    %add3A_52 = arith.addf %dot_general3A_45, %add3A_51 : vector<6400x128xf32>
    %eq3A_53 = arith.constant 0 : i32
    %eq3A_54 = arith.cmpi eq, %arg0, %eq3A_53 : i32
    %convert_element_type3A_55 = arith.extui %eq3A_54 : i1 to i32
    %cond3A_56 = arith.constant 0 : i32
    %cond3A_57 = arith.cmpi ne, %convert_element_type3A_55, %cond3A_56 : i32
    scf.if %cond3A_57 {
      %get3A_62 = arith.constant 0 : index
      %get3A_63 = arith.constant 0 : index
      %get3A_64 = vector.load %arg20[%get3A_62, %get3A_63] : memref<2x128xf32, #tpu.memory_space<vmem>>, vector<1x128xf32>
      %get3A_65 = vector.shape_cast %get3A_64 : vector<1x128xf32> to vector<128xf32>
      %reduce_sum3A = arith.constant dense<0.000000e+00> : vector<128xf32>
      %reduce_sum3A_66 = vector.multi_reduction <add>, %add3A_52, %reduce_sum3A [0] : vector<6400x128xf32> to vector<128xf32>
      %add3A_67 = arith.addf %get3A_65, %reduce_sum3A_66 : vector<128xf32>
      %swap3A = arith.constant 0 : index
      %swap3A_68 = arith.constant 0 : index
      %swap3A_69 = vector.load %arg20[%swap3A, %swap3A_68] : memref<2x128xf32, #tpu.memory_space<vmem>>, vector<1x128xf32>
      %swap3A_70 = vector.shape_cast %swap3A_69 : vector<1x128xf32> to vector<128xf32>
      %swap3A_71 = vector.shape_cast %add3A_67 : vector<128xf32> to vector<1x128xf32>
      tpu.vector_store %arg20[%swap3A, %swap3A_68], %swap3A_71 {strides = array<i32>} : memref<2x128xf32, #tpu.memory_space<vmem>>, vector<1x128xf32>,
      %get3A_72 = arith.constant 1 : index
      %get3A_73 = arith.constant 0 : index
      %get3A_74 = vector.load %arg20[%get3A_72, %get3A_73] : memref<2x128xf32, #tpu.memory_space<vmem>>, vector<1x128xf32>
      %get3A_75 = vector.shape_cast %get3A_74 : vector<1x128xf32> to vector<128xf32>
      %mul3A = arith.mulf %add3A_52, %add3A_52 : vector<6400x128xf32>
      %reduce_sum3A_76 = arith.constant dense<0.000000e+00> : vector<128xf32>
      %reduce_sum3A_77 = vector.multi_reduction <add>, %mul3A, %reduce_sum3A_76 [0] : vector<6400x128xf32> to vector<128xf32>
      %add3A_78 = arith.addf %get3A_75, %reduce_sum3A_77 : vector<128xf32>
      %swap3A_79 = arith.constant 1 : index
      %swap3A_80 = arith.constant 0 : index
      %swap3A_81 = vector.load %arg20[%swap3A_79, %swap3A_80] : memref<2x128xf32, #tpu.memory_space<vmem>>, vector<1x128xf32>
      %swap3A_82 = vector.shape_cast %swap3A_81 : vector<1x128xf32> to vector<128xf32>
      %swap3A_83 = vector.shape_cast %add3A_78 : vector<128xf32> to vector<1x128xf32>
      tpu.vector_store %arg20[%swap3A_79, %swap3A_80], %swap3A_83 {strides = array<i32>} : memref<2x128xf32, #tpu.memory_space<vmem>>, vector<1x128xf32>,
    } else {
    }
    %ge3A = arith.constant 1 : i32
    %ge3A_58 = arith.cmpi sge, %arg0, %ge3A : i32
    %convert_element_type3A_59 = arith.extui %ge3A_58 : i1 to i32
    %cond3A_60 = arith.constant 0 : i32
    %cond3A_61 = arith.cmpi ne, %convert_element_type3A_59, %cond3A_60 : i32
    scf.if %cond3A_61 {
      %get3A_62 = arith.constant 0 : index
      %get3A_63 = arith.constant 0 : index
      %get3A_64 = vector.load %arg22[%get3A_62, %get3A_63] : memref<2x128xf32, #tpu.memory_space<vmem>>, vector<1x128xf32>
      %get3A_65 = vector.shape_cast %get3A_64 : vector<1x128xf32> to vector<128xf32>
      %broadcast_in_dim3A_66 = vector.shape_cast %get3A_65 : vector<128xf32> to vector<1x128xf32>
      %sub3A = vector.broadcast %broadcast_in_dim3A_66 : vector<1x128xf32> to vector<6400x128xf32>
      %sub3A_67 = arith.subf %add3A_52, %sub3A : vector<6400x128xf32>
      %get3A_68 = arith.constant 1 : index
      %get3A_69 = arith.constant 0 : index
      %get3A_70 = vector.load %arg22[%get3A_68, %get3A_69] : memref<2x128xf32, #tpu.memory_space<vmem>>, vector<1x128xf32>
      %get3A_71 = vector.shape_cast %get3A_70 : vector<1x128xf32> to vector<128xf32>
      %broadcast_in_dim3A_72 = vector.shape_cast %get3A_71 : vector<128xf32> to vector<1x128xf32>
      %mul3A = vector.broadcast %broadcast_in_dim3A_72 : vector<1x128xf32> to vector<6400x128xf32>
      %mul3A_73 = arith.mulf %sub3A_67, %mul3A : vector<6400x128xf32>
      %max3A_74 = arith.constant 0.000000e+00 : f32
      %max3A_75 = vector.broadcast %max3A_74 : f32 to vector<6400x128xf32>
      %max3A_76 = arith.maximumf %mul3A_73, %max3A_75 : vector<6400x128xf32>
      %get3A_77 = arith.constant 0 : index
      %get3A_78 = arith.constant 0 : index
      %get3A_79 = vector.load %arg7[%get3A_77, %get3A_78] : memref<128x64xf32, #tpu.memory_space<vmem>>, vector<128x64xf32>
      %dot_general3A_80 = arith.constant dense<0.000000e+00> : vector<6400x64xf32>
      %dot_general3A_81 = tpu.matmul %max3A_76, %get3A_79, %dot_general3A_80 {dimension_numbers = #tpu.dot_dimension_numbers<[1], [0], [0], [1], [0, 0, 1, 1], [], []>, transpose_lhs_hint = false} : vector<6400x128xf32>, vector<128x64xf32>, vector<6400x64xf32> -> vector<6400x64xf32>
      %get3A_82 = arith.constant 0 : index
      %get3A_83 = arith.constant 0 : index
      %get3A_84 = vector.load %arg8[%get3A_82, %get3A_83] : memref<1x64xf32, #tpu.memory_space<vmem>>, vector<1x64xf32>
      %get3A_85 = vector.shape_cast %get3A_84 : vector<1x64xf32> to vector<64xf32>
      %broadcast_in_dim3A_86 = vector.shape_cast %get3A_85 : vector<64xf32> to vector<1x64xf32>
      %add3A_87 = vector.broadcast %broadcast_in_dim3A_86 : vector<1x64xf32> to vector<6400x64xf32>
      %add3A_88 = arith.addf %dot_general3A_81, %add3A_87 : vector<6400x64xf32>
      %eq3A_89 = arith.constant 1 : i32
      %eq3A_90 = arith.cmpi eq, %arg0, %eq3A_89 : i32
      %convert_element_type3A_91 = arith.extui %eq3A_90 : i1 to i32
      %cond3A_92 = arith.constant 0 : i32
      %cond3A_93 = arith.cmpi ne, %convert_element_type3A_91, %cond3A_92 : i32
      scf.if %cond3A_93 {
        %get3A_99 = arith.constant 0 : index
        %get3A_100 = arith.constant 0 : index
        %get3A_101 = vector.load %arg21[%get3A_99, %get3A_100] : memref<2x128xf32, #tpu.memory_space<vmem>>, vector<1x64xf32>
        %get3A_102 = vector.shape_cast %get3A_101 : vector<1x64xf32> to vector<64xf32>
        %reduce_sum3A = arith.constant dense<0.000000e+00> : vector<64xf32>
        %reduce_sum3A_103 = vector.multi_reduction <add>, %add3A_88, %reduce_sum3A [0] : vector<6400x64xf32> to vector<64xf32>
        %add3A_104 = arith.addf %get3A_102, %reduce_sum3A_103 : vector<64xf32>
        %swap3A = arith.constant 0 : index
        %swap3A_105 = arith.constant 0 : index
        %swap3A_106 = vector.load %arg21[%swap3A, %swap3A_105] : memref<2x128xf32, #tpu.memory_space<vmem>>, vector<1x64xf32>
        %swap3A_107 = vector.shape_cast %swap3A_106 : vector<1x64xf32> to vector<64xf32>
        %swap3A_108 = vector.shape_cast %add3A_104 : vector<64xf32> to vector<1x64xf32>
        tpu.vector_store %arg21[%swap3A, %swap3A_105], %swap3A_108 {strides = array<i32>} : memref<2x128xf32, #tpu.memory_space<vmem>>, vector<1x64xf32>,
        %get3A_109 = arith.constant 1 : index
        %get3A_110 = arith.constant 0 : index
        %get3A_111 = vector.load %arg21[%get3A_109, %get3A_110] : memref<2x128xf32, #tpu.memory_space<vmem>>, vector<1x64xf32>
        %get3A_112 = vector.shape_cast %get3A_111 : vector<1x64xf32> to vector<64xf32>
        %mul3A_113 = arith.mulf %add3A_88, %add3A_88 : vector<6400x64xf32>
        %reduce_sum3A_114 = arith.constant dense<0.000000e+00> : vector<64xf32>
        %reduce_sum3A_115 = vector.multi_reduction <add>, %mul3A_113, %reduce_sum3A_114 [0] : vector<6400x64xf32> to vector<64xf32>
        %add3A_116 = arith.addf %get3A_112, %reduce_sum3A_115 : vector<64xf32>
        %swap3A_117 = arith.constant 1 : index
        %swap3A_118 = arith.constant 0 : index
        %swap3A_119 = vector.load %arg21[%swap3A_117, %swap3A_118] : memref<2x128xf32, #tpu.memory_space<vmem>>, vector<1x64xf32>
        %swap3A_120 = vector.shape_cast %swap3A_119 : vector<1x64xf32> to vector<64xf32>
        %swap3A_121 = vector.shape_cast %add3A_116 : vector<64xf32> to vector<1x64xf32>
        tpu.vector_store %arg21[%swap3A_117, %swap3A_118], %swap3A_121 {strides = array<i32>} : memref<2x128xf32, #tpu.memory_space<vmem>>, vector<1x64xf32>,
      } else {
      }
      %eq3A_94 = arith.constant 2 : i32
      %eq3A_95 = arith.cmpi eq, %arg0, %eq3A_94 : i32
      %convert_element_type3A_96 = arith.extui %eq3A_95 : i1 to i32
      %cond3A_97 = arith.constant 0 : i32
      %cond3A_98 = arith.cmpi ne, %convert_element_type3A_96, %cond3A_97 : i32
      scf.if %cond3A_98 {
        %get3A_99 = arith.constant 0 : index
        %get3A_100 = arith.constant 0 : index
        %get3A_101 = vector.load %arg23[%get3A_99, %get3A_100] : memref<2x128xf32, #tpu.memory_space<vmem>>, vector<1x64xf32>
        %get3A_102 = vector.shape_cast %get3A_101 : vector<1x64xf32> to vector<64xf32>
        %broadcast_in_dim3A_103 = vector.shape_cast %get3A_102 : vector<64xf32> to vector<1x64xf32>
        %sub3A_104 = vector.broadcast %broadcast_in_dim3A_103 : vector<1x64xf32> to vector<6400x64xf32>
        %sub3A_105 = arith.subf %add3A_88, %sub3A_104 : vector<6400x64xf32>
        %get3A_106 = arith.constant 1 : index
        %get3A_107 = arith.constant 0 : index
        %get3A_108 = vector.load %arg23[%get3A_106, %get3A_107] : memref<2x128xf32, #tpu.memory_space<vmem>>, vector<1x64xf32>
        %get3A_109 = vector.shape_cast %get3A_108 : vector<1x64xf32> to vector<64xf32>
        %broadcast_in_dim3A_110 = vector.shape_cast %get3A_109 : vector<64xf32> to vector<1x64xf32>
        %mul3A_111 = vector.broadcast %broadcast_in_dim3A_110 : vector<1x64xf32> to vector<6400x64xf32>
        %mul3A_112 = arith.mulf %sub3A_105, %mul3A_111 : vector<6400x64xf32>
        %get3A_113 = arith.constant 0 : index
        %get3A_114 = arith.constant 0 : index
        %get3A_115 = vector.load %arg9[%get3A_113, %get3A_114] : memref<200x64xf32, #tpu.memory_space<vmem>>, vector<200x64xf32>
        %reshape3A_116 = vector.shape_cast %mul3A_112 : vector<6400x64xf32> to vector<200x32x64xf32>
        %broadcast_in_dim3A_117 = vector.shape_cast %get3A_115 : vector<200x64xf32> to vector<200x1x64xf32>
        %mul3A_118 = vector.broadcast %broadcast_in_dim3A_117 : vector<200x1x64xf32> to vector<200x32x64xf32>
        %mul3A_119 = arith.mulf %reshape3A_116, %mul3A_118 : vector<200x32x64xf32>
        %reduce_sum3A = arith.constant dense<0.000000e+00> : vector<200x32xf32>
        %reduce_sum3A_120 = vector.multi_reduction <add>, %mul3A_119, %reduce_sum3A [2] : vector<200x32x64xf32> to vector<200x32xf32>
        %mul3A_121 = arith.constant 200 : i32
        %mul3A_122 = arith.muli %arg1, %mul3A_121 : i32
        %multiple_of3A = tpu.assume_multiple %mul3A_122, 8 : i32
        %swap3A = arith.index_cast %multiple_of3A : i32 to index
        %swap3A_123 = arith.constant 0 : index
        %swap3A_124 = vector.load %arg24[%swap3A, %swap3A_123] : memref<5000x32xf32, #tpu.memory_space<vmem>>, vector<200x32xf32>
        tpu.vector_store %arg24[%swap3A, %swap3A_123], %reduce_sum3A_120 {strides = array<i32>} : memref<5000x32xf32, #tpu.memory_space<vmem>>, vector<200x32xf32>,
        %eq3A_125 = arith.constant 24 : i32
        %eq3A_126 = arith.cmpi eq, %arg1, %eq3A_125 : i32
        %convert_element_type3A_127 = arith.extui %eq3A_126 : i1 to i32
        %cond3A_128 = arith.constant 0 : i32
        %cond3A_129 = arith.cmpi ne, %convert_element_type3A_127, %cond3A_128 : i32
        scf.if %cond3A_129 {
          %get3A_130 = arith.constant 0 : index
          %get3A_131 = arith.constant 0 : index
          %get3A_132 = vector.load %arg24[%get3A_130, %get3A_131] : memref<5000x32xf32, #tpu.memory_space<vmem>>, vector<5000x32xf32>
          %get3A_133 = arith.constant 0 : index
          %get3A_134 = arith.constant 0 : index
          %get3A_135 = vector.load %arg14[%get3A_133, %get3A_134] : memref<5000x1xf32, #tpu.memory_space<vmem>>, vector<5000x1xf32>
          %add3A_136 = vector.broadcast %get3A_135 : vector<5000x1xf32> to vector<5000x32xf32>
          %add3A_137 = arith.addf %get3A_132, %add3A_136 : vector<5000x32xf32>
          %get3A_138 = arith.constant 0 : index
          %get3A_139 = arith.constant 0 : index
          %get3A_140 = vector.load %arg10[%get3A_138, %get3A_139] : memref<5000x64xf32, #tpu.memory_space<vmem>>, vector<5000x64xf32>
          %dot_general3A_141 = arith.constant dense<0.000000e+00> : vector<32x64xf32>
          %dot_general3A_142 = tpu.matmul %add3A_137, %get3A_140, %dot_general3A_141 {dimension_numbers = #tpu.dot_dimension_numbers<[0], [0], [1], [1], [0, 1, 1, 1], [], []>, transpose_lhs_hint = false} : vector<5000x32xf32>, vector<5000x64xf32>, vector<32x64xf32> -> vector<32x64xf32>
          %get3A_143 = arith.constant 0 : index
          %get3A_144 = arith.constant 0 : index
          %get3A_145 = vector.load %arg11[%get3A_143, %get3A_144] : memref<1x64xf32, #tpu.memory_space<vmem>>, vector<1x64xf32>
          %get3A_146 = vector.shape_cast %get3A_145 : vector<1x64xf32> to vector<64xf32>
          %broadcast_in_dim3A_147 = vector.shape_cast %get3A_146 : vector<64xf32> to vector<1x64xf32>
          %add3A_148 = vector.broadcast %broadcast_in_dim3A_147 : vector<1x64xf32> to vector<32x64xf32>
          %add3A_149 = arith.addf %dot_general3A_142, %add3A_148 : vector<32x64xf32>
          %reduce_sum3A_150 = arith.constant dense<0.000000e+00> : vector<64xf32>
          %reduce_sum3A_151 = vector.multi_reduction <add>, %add3A_149, %reduce_sum3A_150 [0] : vector<32x64xf32> to vector<64xf32>
          %div3A = arith.constant 3.200000e+01 : f32
          %div3A_152 = vector.broadcast %div3A : f32 to vector<64xf32>
          %div3A_153 = arith.divf %reduce_sum3A_151, %div3A_152 : vector<64xf32>
          %mul3A_154 = arith.mulf %add3A_149, %add3A_149 : vector<32x64xf32>
          %reduce_sum3A_155 = arith.constant dense<0.000000e+00> : vector<64xf32>
          %reduce_sum3A_156 = vector.multi_reduction <add>, %mul3A_154, %reduce_sum3A_155 [0] : vector<32x64xf32> to vector<64xf32>
          %div3A_157 = arith.constant 3.200000e+01 : f32
          %div3A_158 = vector.broadcast %div3A_157 : f32 to vector<64xf32>
          %div3A_159 = arith.divf %reduce_sum3A_156, %div3A_158 : vector<64xf32>
          %mul3A_160 = arith.mulf %div3A_153, %div3A_153 : vector<64xf32>
          %sub3A_161 = arith.subf %div3A_159, %mul3A_160 : vector<64xf32>
          %broadcast_in_dim3A_162 = vector.shape_cast %div3A_153 : vector<64xf32> to vector<1x64xf32>
          %sub3A_163 = vector.broadcast %broadcast_in_dim3A_162 : vector<1x64xf32> to vector<32x64xf32>
          %sub3A_164 = arith.subf %add3A_149, %sub3A_163 : vector<32x64xf32>
          %add3A_165 = arith.constant 9.99999974E-6 : f32
          %add3A_166 = vector.broadcast %add3A_165 : f32 to vector<64xf32>
          %add3A_167 = arith.addf %sub3A_161, %add3A_166 : vector<64xf32>
          %rsqrt3A = math.rsqrt %add3A_167 : vector<64xf32>
          %broadcast_in_dim3A_168 = vector.shape_cast %rsqrt3A : vector<64xf32> to vector<1x64xf32>
          %mul3A_169 = vector.broadcast %broadcast_in_dim3A_168 : vector<1x64xf32> to vector<32x64xf32>
          %mul3A_170 = arith.mulf %sub3A_164, %mul3A_169 : vector<32x64xf32>
          %max3A_171 = arith.constant 0.000000e+00 : f32
          %max3A_172 = vector.broadcast %max3A_171 : f32 to vector<32x64xf32>
          %max3A_173 = arith.maximumf %mul3A_170, %max3A_172 : vector<32x64xf32>
          %get3A_174 = arith.constant 0 : index
          %get3A_175 = arith.constant 0 : index
          %get3A_176 = vector.load %arg12[%get3A_174, %get3A_175] : memref<64x64xf32, #tpu.memory_space<vmem>>, vector<64x64xf32>
          %dot_general3A_177 = arith.constant dense<0.000000e+00> : vector<32x64xf32>
          %dot_general3A_178 = tpu.matmul %max3A_173, %get3A_176, %dot_general3A_177 {dimension_numbers = #tpu.dot_dimension_numbers<[1], [0], [0], [1], [0, 0, 1, 1], [], []>, transpose_lhs_hint = false} : vector<32x64xf32>, vector<64x64xf32>, vector<32x64xf32> -> vector<32x64xf32>
          %get3A_179 = arith.constant 0 : index
          %get3A_180 = arith.constant 0 : index
          %get3A_181 = vector.load %arg13[%get3A_179, %get3A_180] : memref<1x64xf32, #tpu.memory_space<vmem>>, vector<1x64xf32>
          %get3A_182 = vector.shape_cast %get3A_181 : vector<1x64xf32> to vector<64xf32>
          %broadcast_in_dim3A_183 = vector.shape_cast %get3A_182 : vector<64xf32> to vector<1x64xf32>
          %add3A_184 = vector.broadcast %broadcast_in_dim3A_183 : vector<1x64xf32> to vector<32x64xf32>
          %add3A_185 = arith.addf %dot_general3A_178, %add3A_184 : vector<32x64xf32>
          %reduce_sum3A_186 = arith.constant dense<0.000000e+00> : vector<64xf32>
          %reduce_sum3A_187 = vector.multi_reduction <add>, %add3A_185, %reduce_sum3A_186 [0] : vector<32x64xf32> to vector<64xf32>
          %div3A_188 = arith.constant 3.200000e+01 : f32
          %div3A_189 = vector.broadcast %div3A_188 : f32 to vector<64xf32>
          %div3A_190 = arith.divf %reduce_sum3A_187, %div3A_189 : vector<64xf32>
          %mul3A_191 = arith.mulf %add3A_185, %add3A_185 : vector<32x64xf32>
          %reduce_sum3A_192 = arith.constant dense<0.000000e+00> : vector<64xf32>
          %reduce_sum3A_193 = vector.multi_reduction <add>, %mul3A_191, %reduce_sum3A_192 [0] : vector<32x64xf32> to vector<64xf32>
          %div3A_194 = arith.constant 3.200000e+01 : f32
          %div3A_195 = vector.broadcast %div3A_194 : f32 to vector<64xf32>
          %div3A_196 = arith.divf %reduce_sum3A_193, %div3A_195 : vector<64xf32>
          %mul3A_197 = arith.mulf %div3A_190, %div3A_190 : vector<64xf32>
          %sub3A_198 = arith.subf %div3A_196, %mul3A_197 : vector<64xf32>
          %broadcast_in_dim3A_199 = vector.shape_cast %div3A_190 : vector<64xf32> to vector<1x64xf32>
          %sub3A_200 = vector.broadcast %broadcast_in_dim3A_199 : vector<1x64xf32> to vector<32x64xf32>
          %sub3A_201 = arith.subf %add3A_185, %sub3A_200 : vector<32x64xf32>
          %add3A_202 = arith.constant 9.99999974E-6 : f32
          %add3A_203 = vector.broadcast %add3A_202 : f32 to vector<64xf32>
          %add3A_204 = arith.addf %sub3A_198, %add3A_203 : vector<64xf32>
          %rsqrt3A_205 = math.rsqrt %add3A_204 : vector<64xf32>
          %broadcast_in_dim3A_206 = vector.shape_cast %rsqrt3A_205 : vector<64xf32> to vector<1x64xf32>
          %mul3A_207 = vector.broadcast %broadcast_in_dim3A_206 : vector<1x64xf32> to vector<32x64xf32>
          %mul3A_208 = arith.mulf %sub3A_201, %mul3A_207 : vector<32x64xf32>
          %get3A_209 = arith.constant 0 : index
          %get3A_210 = arith.constant 0 : index
          %get3A_211 = vector.load %arg16[%get3A_209, %get3A_210] : memref<5000x64xf32, #tpu.memory_space<vmem>>, vector<5000x64xf32>
          %dot_general3A_212 = arith.constant dense<0.000000e+00> : vector<5000x32xf32>
          %dot_general3A_213 = tpu.matmul %get3A_211, %mul3A_208, %dot_general3A_212 {dimension_numbers = #tpu.dot_dimension_numbers<[1], [1], [0], [0], [0, 0, 1, 0], [], []>, transpose_lhs_hint = false} : vector<5000x64xf32>, vector<32x64xf32>, vector<5000x32xf32> -> vector<5000x32xf32>
          %get3A_214 = arith.constant 0 : index
          %get3A_215 = arith.constant 0 : index
          %get3A_216 = vector.load %arg15[%get3A_214, %get3A_215] : memref<5000x1xf32, #tpu.memory_space<vmem>>, vector<5000x1xf32>
          %mul3A_217 = vector.broadcast %get3A_216 : vector<5000x1xf32> to vector<5000x32xf32>
          %mul3A_218 = arith.mulf %add3A_137, %mul3A_217 : vector<5000x32xf32>
          %add3A_219 = arith.addf %mul3A_218, %dot_general3A_213 : vector<5000x32xf32>
          %get3A_220 = arith.constant 0 : index
          %get3A_221 = arith.constant 0 : index
          %get3A_222 = vector.load %arg17[%get3A_220, %get3A_221] : memref<5000x1xf32, #tpu.memory_space<vmem>>, vector<5000x1xf32>
          %add3A_223 = vector.broadcast %get3A_222 : vector<5000x1xf32> to vector<5000x32xf32>
          %add3A_224 = arith.addf %add3A_219, %add3A_223 : vector<5000x32xf32>
          %get3A_225 = arith.constant 0 : index
          %get3A_226 = arith.constant 0 : index
          %get3A_227 = vector.load %arg18[%get3A_225, %get3A_226] : memref<5000x32xf32, #tpu.memory_space<vmem>>, vector<5000x32xf32>
          %add3A_228 = arith.addf %add3A_224, %get3A_227 : vector<5000x32xf32>
          %swap3A_229 = arith.constant 0 : index
          %swap3A_230 = arith.constant 0 : index
          %swap3A_231 = vector.load %arg19[%swap3A_229, %swap3A_230] : memref<5000x32xf32, #tpu.memory_space<vmem>>, vector<5000x32xf32>
          tpu.vector_store %arg19[%swap3A_229, %swap3A_230], %add3A_228 {strides = array<i32>} : memref<5000x32xf32, #tpu.memory_space<vmem>>, vector<5000x32xf32>,
        } else {
        }
      } else {
      }
    } else {
    }
    return
  }
  func.func @transform_0(%arg0: i32, %arg1: i32) -> (i32, i32) {
    %c0_i32 = arith.constant 0 : i32
    %c0_i32_0 = arith.constant 0 : i32
    return %arg1, %c0_i32 : i32, i32
  }
  func.func @transform_1(%arg0: i32, %arg1: i32) -> (i32, i32) {
    %c0_i32 = arith.constant 0 : i32
    %c0_i32_0 = arith.constant 0 : i32
    return %arg1, %c0_i32 : i32, i32
  }
  func.func @transform_2(%arg0: i32, %arg1: i32) -> (i32, i32) {
    %c0_i32 = arith.constant 0 : i32
    %c0_i32_0 = arith.constant 0 : i32
    %c0_i32_1 = arith.constant 0 : i32
    return %c0_i32, %c0_i32_0 : i32, i32
  }
  func.func @transform_3(%arg0: i32, %arg1: i32) -> (i32, i32) {
    %c0_i32 = arith.constant 0 : i32
    %c0_i32_0 = arith.constant 0 : i32
    %c0_i32_1 = arith.constant 0 : i32
    return %c0_i32, %c0_i32_0 : i32, i32
  }
  func.func @transform_4(%arg0: i32, %arg1: i32) -> (i32, i32) {
    %c0_i32 = arith.constant 0 : i32
    %c0_i32_0 = arith.constant 0 : i32
    %c0_i32_1 = arith.constant 0 : i32
    return %c0_i32, %c0_i32_0 : i32, i32
  }
  func.func @transform_5(%arg0: i32, %arg1: i32) -> (i32, i32) {
    %c0_i32 = arith.constant 0 : i32
    %c0_i32_0 = arith.constant 0 : i32
    %c0_i32_1 = arith.constant 0 : i32
    return %c0_i32, %c0_i32_0 : i32, i32
  }
  func.func @transform_6(%arg0: i32, %arg1: i32) -> (i32, i32) {
    %c0_i32 = arith.constant 0 : i32
    %c0_i32_0 = arith.constant 0 : i32
    %c0_i32_1 = arith.constant 0 : i32
    return %c0_i32, %c0_i32_0 : i32, i32
  }
  func.func @transform_7(%arg0: i32, %arg1: i32) -> (i32, i32) {
    %c0_i32 = arith.constant 0 : i32
    %c0_i32_0 = arith.constant 0 : i32
    return %arg1, %c0_i32 : i32, i32
  }
  func.func @transform_8(%arg0: i32, %arg1: i32) -> (i32, i32) {
    %c0_i32 = arith.constant 0 : i32
    %c0_i32_0 = arith.constant 0 : i32
    %c0_i32_1 = arith.constant 0 : i32
    return %c0_i32, %c0_i32_0 : i32, i32
  }
  func.func @transform_9(%arg0: i32, %arg1: i32) -> (i32, i32) {
    %c0_i32 = arith.constant 0 : i32
    %c0_i32_0 = arith.constant 0 : i32
    %c0_i32_1 = arith.constant 0 : i32
    return %c0_i32, %c0_i32_0 : i32, i32
  }
  func.func @transform_10(%arg0: i32, %arg1: i32) -> (i32, i32) {
    %c0_i32 = arith.constant 0 : i32
    %c0_i32_0 = arith.constant 0 : i32
    %c0_i32_1 = arith.constant 0 : i32
    return %c0_i32, %c0_i32_0 : i32, i32
  }
  func.func @transform_11(%arg0: i32, %arg1: i32) -> (i32, i32) {
    %c0_i32 = arith.constant 0 : i32
    %c0_i32_0 = arith.constant 0 : i32
    %c0_i32_1 = arith.constant 0 : i32
    return %c0_i32, %c0_i32_0 : i32, i32
  }
  func.func @transform_12(%arg0: i32, %arg1: i32) -> (i32, i32) {
    %c0_i32 = arith.constant 0 : i32
    %c0_i32_0 = arith.constant 0 : i32
    %c0_i32_1 = arith.constant 0 : i32
    return %c0_i32, %c0_i32_0 : i32, i32
  }
  func.func @transform_13(%arg0: i32, %arg1: i32) -> (i32, i32) {
    %c0_i32 = arith.constant 0 : i32
    %c0_i32_0 = arith.constant 0 : i32
    %c0_i32_1 = arith.constant 0 : i32
    return %c0_i32, %c0_i32_0 : i32, i32
  }
  func.func @transform_14(%arg0: i32, %arg1: i32) -> (i32, i32) {
    %c0_i32 = arith.constant 0 : i32
    %c0_i32_0 = arith.constant 0 : i32
    %c0_i32_1 = arith.constant 0 : i32
    return %c0_i32, %c0_i32_0 : i32, i32
  }
  func.func @transform_15(%arg0: i32, %arg1: i32) -> (i32, i32) {
    %c0_i32 = arith.constant 0 : i32
    %c0_i32_0 = arith.constant 0 : i32
    %c0_i32_1 = arith.constant 0 : i32
    return %c0_i32, %c0_i32_0 : i32, i32
  }
  func.func @transform_16(%arg0: i32, %arg1: i32) -> (i32, i32) {
    %c0_i32 = arith.constant 0 : i32
    %c0_i32_0 = arith.constant 0 : i32
    %c0_i32_1 = arith.constant 0 : i32
    return %c0_i32, %c0_i32_0 : i32, i32
  }
  func.func @transform_17(%arg0: i32, %arg1: i32) -> (i32, i32) {
    %c0_i32 = arith.constant 0 : i32
    %c0_i32_0 = arith.constant 0 : i32
    %c0_i32_1 = arith.constant 0 : i32
    return %c0_i32, %c0_i32_0 : i32, i32
  }
}

</mosaic_0001>

<sc_bundles>
// kernel: kernel.10.cloned.1.call-start
scs
__scs_entry_jumppad:
0x0: {  	(pc) =	sbr.rel $0x88, $3  }
0x1: {  	(tag) =	ssettag $0x0;
	lr =	simm.s32 $0x1  }
0x2: {  	[smem:$0x3F80] =	sst lr;
	_ =	strace $0xD0000000  }
0x3: {  	_ = 	snop  }
0x4: {  	_ = 	snop  }
0x5: {  	_ = 	snop  }
0x6: {  	_ = 	snop  }
0x7: {  	_ = 	snop  }
__scs_overlays_trampoline_lowered:
0x8: {  	[smem:$0x3F8F] =	sst s0  }
0x9: {  	[smem:$0x3F90] =	sst s1  }
0xa: {  	[smem:$0x3F91] =	sst s2  }
0xb: {  	[smem:$0x3F92] =	sst s3  }
0xc: {  	[smem:$0x3F93] =	sst s4  }
0xd: {  	[smem:$0x3F94] =	sst s5  }
0xe: {  	[smem:$0x3F95] =	sst s6  }
0xf: {  	[smem:$0x3F96] =	sst s7  }
0x10: {  	[smem:$0x3F97] =	sst s8  }
0x11: {  	[smem:$0x3F98] =	sst s9;
	s0 =	simm.s32 @!p0 $0x0  }
0x12: {  	s1 =	sld [smem:$0x3F7E];
	s0 =	simm.s32 @p0 $0x1  }
0x13: {  	[smem:$0x3F99] =	sst s0;
	s0 =	simm.s32 @!p1 $0x0  }
0x14: {  	s2 =	sld [smem:$0x3F7D];
	s0 =	simm.s32 @p1 $0x1  }
0x15: {  	[smem:$0x3F9A] =	sst s0;
	s0 =	simm.s32 @!p2 $0x0  }
0x16: {  	s3 =	sld [smem:$0x3FDB];
	s0 =	simm.s32 @p2 $0x1  }
0x17: {  	s4 =	simm.s32 $0x1BF5;
	[smem:$0x3F9C] =	sst s0  }
0x18: {  	s0 =	sld [smem:$0x3F7F];
	_ =	swait.ge [sflag:s4], $0x0  }
0x19: {  	s7 =	sld [smem:$0x3F80]  }
0x1a: {  	s8 =	sadd.s32 $0xFFFFE003, lr  }
0x1b: {  	s9 =	sadd.s32 $0xFFFFFEF7, lr;
	s5 =	simm.s32 $0xFFFFFFFF;
	p2 =	slt.u32 s8, $0xFFFFF086  }
0x1c: {  	p1 =	slt.u32 s9, $0xF7A;
	s5 =	simm.s32 @!p2 $0x0  }
0x1d: {  	s5 =	simm.s32 @p1 $0x1;
	p0 =	seq.s32 s7, s2  }
0x1e: {  	s7 =	smul.u32 @!p0 $0xF7A, s2;
	p2 =	seq.s32 @!p0 s5, $0x0  }
0x1f: {  	s9 =	smul.u32 $0xF7A, s1;
	s8 =	simm.s32 @!p0 $0x1BF5;
	p2 =	por !p2, p0  }
0x20: {  	[sflag:s8] =	ssyncset.s32 @!p0 $0xFFFFF086;
	s6 =	sadd.s32 @!p0 s3, s7;
	s7 =	simm.s32 @!p0 $0x108  }
0x21: {  	s3 =	sadd.s32 s3, s9;
	s6 =	sadd.s32 @!p0 $0x88, s6;
	s7 =	simm.s32 @p2 $0x1082  }
0x22: {  	[simem:s7], [sflag:s8] =	dma.local @!p0 [hbm:s6], $0xF7A  }
0x23: {  	s9 =	sor.u32 $0xD0000000, s2;
	s6 =	simm.s32 $0x108;
	_ =	swait.ge @!p0 [sflag:s8], $0x0  }
0x24: {  	s3 =	sadd.s32 $0x88, s3;
	s6 =	simm.s32 @!p1 $0x1082;
	[sflag:s4] =	ssyncset.s32 $0xFFFFF086  }
0x25: {  	[simem:s6], [sflag:s4] =	dma.local [hbm:s3], $0xF7A  }
0x26: {  	[smem:$0x3F80] =	sst s1;
	(tag) =	ssettag s2;
	_ =	strace s9  }
0x27: {  	s1 =	sld [smem:$0x3F90]  }
0x28: {  	s2 =	sld [smem:$0x3F91]  }
0x29: {  	s4 =	sld [smem:$0x3F93]  }
0x2a: {  	p0 =	seq.s32 s5, $0x0;
	s5 =	sld [smem:$0x3F94]  }
0x2b: {  	s6 =	sld [smem:$0x3F95]  }
0x2c: {  	s7 =	sld [smem:$0x3F96]  }
0x2d: {  	s3 =	simm.s32 $0x108;
	s8 =	sld [smem:$0x3F97]  }
0x2e: {  	s3 =	simm.s32 @!p0 $0x1082;
	s9 =	sld [smem:$0x3F98]  }
0x2f: {  	lr =	sadd.s32 s0, s3;
	s0 =	sld [smem:$0x3F8F]  }
0x30: {  	s3 =	sld [smem:$0x3F92]  }
0x31: {  	[smem:$0x3F9B] =	sst s10  }
0x32: {  	s10 =	sld [smem:$0x3F99];
	_ =	sdelay $0x3  }
0x33: {  	p0 =	seq.s32 s10, $0x1;
	s10 =	sld [smem:$0x3F9B];
	_ =	sdelay $0x3  }
0x34: {  	[smem:$0x3F9B] =	sst s10  }
0x35: {  	s10 =	sld [smem:$0x3F9A];
	_ =	sdelay $0x3  }
0x36: {  	p1 =	seq.s32 s10, $0x1;
	s10 =	sld [smem:$0x3F9B];
	_ =	sdelay $0x3  }
0x37: {  	[smem:$0x3F9B] =	sst s10  }
0x38: {  	s10 =	sld [smem:$0x3F9C]  }
0x39: {  	_ = 	snop;
	(pc) =	sbr.ind lr, $3  }
0x3a: {  	_ = 	snop  }
0x3b: {  	_ = 	snop  }
0x3c: {  	p2 =	seq.s32 s10, $0x1;
	s10 =	sld [smem:$0x3F9B]  }
0x3d: {  	_ =	shalt  }
0x3e: {  	_ =	shalt  }
0x3f: {  	_ =	shalt  }
0x40: {  	_ =	shalt  }
0x41: {  	_ =	shalt  }
0x42: {  	_ =	shalt  }
0x43: {  	_ =	shalt  }
0x44: {  	_ =	shalt  }
0x45: {  	_ =	shalt  }
0x46: {  	_ =	shalt  }
0x47: {  	_ =	shalt  }
0x48: {  	_ =	shalt  }
0x49: {  	_ =	shalt  }
0x4a: {  	_ =	shalt  }
0x4b: {  	_ =	shalt  }
0x4c: {  	_ =	shalt  }
0x4d: {  	_ =	shalt  }
0x4e: {  	_ =	shalt  }
0x4f: {  	_ =	shalt  }
0x50: {  	_ =	shalt  }
0x51: {  	_ =	shalt  }
0x52: {  	_ =	shalt  }
0x53: {  	_ =	shalt  }
0x54: {  	_ =	shalt  }
0x55: {  	_ =	shalt  }
0x56: {  	_ =	shalt  }
0x57: {  	_ =	shalt  }
0x58: {  	_ =	shalt  }
0x59: {  	_ =	shalt  }
0x5a: {  	_ =	shalt  }
0x5b: {  	_ =	shalt  }
0x5c: {  	_ =	shalt  }
0x5d: {  	_ =	shalt  }
0x5e: {  	_ =	shalt  }
0x5f: {  	_ =	shalt  }
0x60: {  	_ =	shalt  }
0x61: {  	_ =	shalt  }
0x62: {  	_ =	shalt  }
0x63: {  	_ =	shalt  }
0x64: {  	_ =	shalt  }
0x65: {  	_ =	shalt  }
0x66: {  	_ =	shalt  }
0x67: {  	_ =	shalt  }
0x68: {  	_ =	shalt  }
0x69: {  	_ =	shalt  }
0x6a: {  	_ =	shalt  }
0x6b: {  	_ =	shalt  }
0x6c: {  	_ =	shalt  }
0x6d: {  	_ =	shalt  }
0x6e: {  	_ =	shalt  }
0x6f: {  	_ =	shalt  }
0x70: {  	_ =	shalt  }
0x71: {  	_ =	shalt  }
0x72: {  	_ =	shalt  }
0x73: {  	_ =	shalt  }
0x74: {  	_ =	shalt  }
0x75: {  	_ =	shalt  }
0x76: {  	_ =	shalt  }
0x77: {  	_ =	shalt  }
0x78: {  	_ =	shalt  }
0x79: {  	_ =	shalt  }
0x7a: {  	_ =	shalt  }
0x7b: {  	_ =	shalt  }
0x7c: {  	_ =	shalt  }
0x7d: {  	_ =	shalt  }
0x7e: {  	_ =	shalt  }
0x7f: {  	_ =	shalt  }
0x80: {  	_ =	shalt  }
0x81: {  	_ =	shalt  }
0x82: {  	_ =	shalt  }
0x83: {  	_ =	shalt  }
0x84: {  	_ =	shalt  }
0x85: {  	_ =	shalt  }
0x86: {  	_ =	shalt  }
0x87: {  	_ =	shalt  }
.Lfunc_end0:
.L_simem_size_0:
called_computation.1_lowered:
.L_overlay_start_0:
0x88: {  	s2 =	sld [smem:$0x3FD9]  }
0x89: {  	s3 =	sld [smem:$0x3FFE];
	_ =	sdelay $0x1  }
0x8a: {  	s1 =	srdreg.scid  }
0x8b: {  	s0 =	sand.u32 $0x1, s1  }
0x8c: {  	s16 =	sshll.u32 s0, $0xA;
	s2 =	sadd.s32 s3, s2  }
0x8d: {  	s2 =	sadd.s32 s2, s16  }
0x8e: {  	[smem:$0x3FA7] =	sst s2  }
0x8f: {  	_ = 	snop  }
0x90: {  	(tm) =	ssettm $0x1  }
0x91: {  	s17 =	sld [smem:$0x3FFB];
	_ =	sdelay $0x3  }
0x92: {  	_ =	strace s17  }
0x93: {  	s2 =	sld [smem:$0x3FFC];
	_ =	sdelay $0x3  }
0x94: {  	_ =	strace s2  }
0x95: {  	s2 =	sld [smem:$0x3FFD];
	_ =	sdelay $0x3  }
0x96: {  	_ =	strace s2  }
0x97: {  	_ =	strace $0x8FFFFFFF  }
0x98: {  	s18 =	sld [smem:$0x3FDB];
	_ =	sdelay $0x1  }
0x99: {  	s19 =	simm.s32 $_scs_section_size  }
0x9a: {  	s4 =	simm.s32 $_size__tile_overlayer_lowered;
	s5 =	simm.s32 $_tile_overlayer_lowered  }
0x9b: {  	s22 =	simm.s32 $0x1BFF;
	s21 =	sshll.u32 s5, $0x1;
	s2 =	sadd.s32 s19, s18  }
0x9c: {  	s6 =	simm.s32 $0x0;
	s20 =	sshll.u32 s4, $0x1;
	s4 =	sadd.s32 s21, s2  }
0x9d: {  	[timem:s6], [sflag:s22] =	dma.local [hbm:s4], s20  }
0x9e: {  	_ =	swait.ge [sflag:s22], s20  }
0x9f: {  	s3 =	ssub.s32 $0x0, s20;
	[sflag:s22] =	ssyncset.done $0x0  }
0xa0: {  	[sflag:s22] =	ssyncadd.s32 s3;
	_ =	sdelay $0x1  }
0xa1: {  	s23 =	simm.s32 $0x1B8B  }
0xa2: {  	_ =	swait.ge [sflag:s23], $0x1  }
0xa3: {  	[sflag:s23] =	ssyncset.done $0x0  }
0xa4: {  	s25 =	simm.s32 $0x1B8E;
	s24 =	sld [smem:$0x3FFE];
	[sflag:s23] =	ssyncadd.s32 $0xFFFFFFFF  }
0xa5: {  	s26 =	simm.s32 $execute0_lowered;
	[smem:$0x3FD2] =	sst s25  }
0xa6: {  	s4 =	sshll.u32 s26, $0x1;
	_ =	strace $0x80000049;
	[dreg:$0x1] =	wrdreg $0xFFFFFFFF  }
0xa7: {  	s28 =	simm.s32 $_size_execute0_lowered;
	s2 =	sadd.s32 s2, s4;
	[dreg:$0x0] =	wrdreg $0x0  }
0xa8: {  	s4 =	sshll.u32 s28, $0x1;
	[dreg:$0x2] =	wrdreg s2  }
0xa9: {  	[dreg:$0x3] =	wrdreg s4  }
0xaa: {  	[dreg:$0x4] =	wrdreg $0xC0  }
0xab: {  	_ =	task [dreg:s6], $0x5FFFF  }
0xac: {  	[dreg:$0x1] =	wrdreg $0xFFFFFFFF  }
0xad: {  	[dreg:$0x0] =	wrdreg $0x60  }
0xae: {  	[dreg:$0x2] =	wrdreg s24  }
0xaf: {  	[dreg:$0x3] =	wrdreg $0x41800  }
0xb0: {  	[dreg:$0x4] =	wrdreg $0x9  }
0xb1: {  	_ =	task.clear_ibuf [dreg:s6], $0x5FFFF;
	_ =	strace $0x90000049  }
0xb2: {  	s29 =	simm.s32 $0x9;
	_ =	strace $0x8000004B  }
0xb3: {  	_ =	swait.ge [sflag:s29], $0x1  }
0xb4: {  	[sflag:s29] =	ssyncadd.s32 $0xFFFFFFFF  }
0xb5: {  	_ =	strace $0x9000004B  }
0xb6: {  	_ =	sfence  }
0xb7: {  	s30 =	sld [smem:$0x0];
	_ =	sdelay $0x2  }
0xb8: {  	s31 =	sshll.u32 s1, $0xD;
	s1 =	sshrl.u32 s1, $0x2  }
0xb9: {  	s3 =	sand.u32 $0x4000, s31;
	s1 =	sadd.s32 s1, s30  }
0xba: {  	s0 =	sor.u32 s3, s0;
	s1 =	sshll.u32 s1, $0x11  }
0xbb: {  	s0 =	sor.u32 s1, s0  }
0xbc: {  	s0 =	sadd.s32 $0x8F2B, s0  }
0xbd: {  	[sflag:s0] =	ssyncadd.remote.s32 $0x1  }
0xbe: {  	_ =	sfence.sel $0xFFFF  }
0xbf: {  	[dreg:$0x0] =	wrdreg $0xFFFFFFFF;
	(pc) =	sbr.abs _section_cstart, $3  }
0xc0: {  	[dreg:$0x1] =	wrdreg $0xFFFFFFFF  }
0xc1: {  	_ =	task.clear_ibuf [dreg:s6], $0x2FFFF;
	_ =	strace $0x9FFFFFFF  }
0xc2: {  	(tm) =	ssettm $0x7FFFFFFF  }
0xc3: {  	_ =	shalt  }
tec
execute0_lowered:
.L_overlay_start_1:
0x0: {  	(tag) =	ssettag $0x1  }
0x1: {  	s8 =	rddreg [dreg:$0x0]  }
0x2: {  	s2 =	rddreg [dreg:$0x1]  }
0x3: {  	s0 =	rddreg [dreg:$0x2]  }
0x4: {  	s3 =	simm.s32 $0x0;
	s1 =	stileid.u32;
	s4 =	srdreg.scid  }
0x5: {  	s16 =	simm.s32 $0x100;
	s17 =	simm.s32 $0x180;
	[smem:$0x7FF] =	sst s3  }
0x6: {  	s9 =	smul.u32 $0xE000, s1;
	s10 =	sand.u32 $0x1, s4;
	s4 =	sadd.s32 $0x66600, s8  }
0x7: {  	s5 =	sadd.s32 $0x4A00, s8;
	s6 =	sadd.s32 $0x9000, s8;
	s7 =	sadd.s32 $0x2E600, s8  }
0x8: {  	s13 =	smul.u32 $0x38000, s1;
	s29 =	sshll.u32 s1, $0x1;
	s31 =	sshll.u32 s1, $0x6  }
0x9: {  	_ =	strace $0x8000004A;
	s11 =	smul.u32 $0xE0000, s10;
	s26 =	ssub.s32 $0x2, s10  }
0xa: {  	s10 =	sor.u32 s10, s29;
	s12 =	sshrl.u32 s9, $0x3;
	s28 =	sshrl.u32 s26, $0x1  }
0xb: {  	s30 =	sshrl.u32 s13, $0x2;
	s10 =	smul.u32 $0x23, s10;
	s9 =	sadd.s32 s9, s11  }
0xc: {  	s12 =	sadd.s32 s12, s8;
	s13 =	sadd.s32 s30, s2;
	s9 =	sshrl.u32 s9, $0x3  }
0xd: {  	s15 =	ssub.s32 s26, s28;
	s13 =	sshrl.u32 s13, $0x3;
	s14 =	sadd.s32 s9, s8  }
0xe: {  	s8 =	sadd.s32 $0x12600, s12;
	s9 =	sor.u32 $0x1C01, s31;
	s12 =	smax.u32 s15, $0x1  }
0xf: {  	s15 =	simm.s32 $0x80;
	s11 =	sadd.s32 $0x92000, s14;
	s14 =	simm.s32 $0x1  }
.LBB2_1:
0x10: {  	[spmem:s13], [sflag:s9] =	dma.local [hbm:s8], $0x1C00  }
0x11: {  	_ =	swait.ge [sflag:s14], $0x1C00  }
0x12: {  	[sflag:s14] =	ssyncset.done $0x0  }
0x13: {  	[sflag:s14] =	ssyncadd.s32 $0xFFFFE400  }
0x14: {  	s18 =	simm.s32 $0x0;
	[bflag:$0x0] =	sbarrier.arrive $0xFFFF  }
.LBB2_2:
0x15: {  	s19 =	sadd.s32 s10, s18  }
0x16: {  	s20 =	sshll.u32 s19, $0x4  }
0x17: {  	s19 =	simm.s32 $0x0;
	s21 =	sadd.s32 s4, s20  }
0x18: {  	[tilespmem:s19], [sflag:$0x1] =	stream.linear.gather [hbm4b:s21+s19], $0x80, $0x38;
	[tilespmem:$0x12180] =	vst v63  }
0x19: {  	_ =	swait.ge [sflag:s14], $0x80  }
0x1a: {  	[sflag:s14] =	ssyncset.done $0x0  }
0x1b: {  	s31 =	sadd.s32 s5, s20;
	[sflag:s14] =	ssyncadd.s32 $0xFFFFFF80  }
0x1c: {  	[tilespmem:s15], [sflag:$0x1] =	stream.linear.gather [hbm4b:s31+s19], $0x80, $0x38;
	[tilespmem:$0x12180] =	vst v63  }
0x1d: {  	_ =	swait.ge [sflag:s14], $0x80  }
0x1e: {  	[sflag:s14] =	ssyncset.done $0x0  }
0x1f: {  	s20 =	sadd.s32 s6, s20;
	[sflag:s14] =	ssyncadd.s32 $0xFFFFFF80  }
0x20: {  	[tilespmem:s16], [sflag:$0x1] =	stream.linear.gather [hbm4b:s20+s19], $0x80, $0x38;
	[tilespmem:$0x12180] =	vst v63  }
0x21: {  	_ =	swait.ge [sflag:s14], $0x80  }
0x22: {  	[sflag:s14] =	ssyncset.done $0x0  }
0x23: {  	[sflag:s14] =	ssyncadd.s32 $0xFFFFFF80  }
0x24: {  	[tilespmem:s17], [sflag:$0x1] =	stream.indirect.gather [hbm4b:s7+s15], $0x80, s19, s15, $0xb8;
	[tilespmem:$0x12180] =	vst v63  }
0x25: {  	_ =	swait.ge [sflag:s14], $0x4000  }
0x26: {  	[sflag:s14] =	ssyncset.done $0x0  }
0x27: {  	s20 =	simm.s32 $0x580;
	[sflag:s14] =	ssyncadd.s32 $0xFFFFC000  }
.LBB2_3:
0x28: {  	s21 =	sshra.s32 s19, $0x2  }
0x29: {  	v0 =	vld [tilespmem:s21+$0x100];
	_ =	sdelay $0x1  }
0x2a: {  	v1 =	vld [tilespmem:s20+$0xFFFFFC00]  }
0x2b: {  	v2 =	vld [tilespmem:s20+$0xFFFFFC80]  }
0x2c: {  	v3 =	vld [tilespmem:s20+$0xFFFFFD00]  }
0x2d: {  	v5 =	vld [tilespmem:s20+$0xFFFFFD80];
	v4 =	vbroadcast v0, $0x0  }
0x2e: {  	v7 =	vld [tilespmem:s20+$0xFFFFFE00];
	v6 =	vbroadcast v0, $0x1  }
0x2f: {  	v9 =	vld [tilespmem:s20+$0xFFFFFE80];
	v8 =	vbroadcast v0, $0x2;
	v1 =	vmul.f32 v1, v4  }
0x30: {  	v11 =	vld [tilespmem:s20+$0xFFFFFF00];
	v10 =	vbroadcast v0, $0x3;
	v2 =	vmul.f32 v2, v6  }
0x31: {  	v12 =	vld [tilespmem:s20+$0xFFFFFF80];
	v33 =	vbroadcast v0, $0x4;
	v32 =	vmul.f32 v3, v8;
	[tilespmem:s20+$0xFFFFFC00] =	vst v1  }
0x32: {  	v13 =	vld [tilespmem:s20+$0xFFFFFC10];
	v35 =	vbroadcast v0, $0x5;
	v34 =	vmul.f32 v5, v10;
	[tilespmem:s20+$0xFFFFFC80] =	vst v2  }
0x33: {  	v14 =	vld [tilespmem:s20+$0xFFFFFC90];
	v37 =	vbroadcast v0, $0x6;
	v36 =	vmul.f32 v7, v33;
	[tilespmem:s20+$0xFFFFFD00] =	vst v32  }
0x34: {  	v15 =	vld [tilespmem:s20+$0xFFFFFD10];
	v39 =	vbroadcast v0, $0x7;
	v38 =	vmul.f32 v9, v35;
	[tilespmem:s20+$0xFFFFFD80] =	vst v34  }
0x35: {  	v45 =	vld [tilespmem:s20+$0xFFFFFF90];
	v11 =	vmul.f32 v11, v37;
	[tilespmem:s20+$0xFFFFFE00] =	vst v36  }
0x36: {  	v57 =	vld [tilespmem:s20+$0xFFFFFDB0];
	v12 =	vmul.f32 v12, v39;
	[tilespmem:s20+$0xFFFFFE80] =	vst v38  }
0x37: {  	v60 =	vld [tilespmem:s20+$0xFFFFFF30];
	v13 =	vmul.f32 v13, v4;
	[tilespmem:s20+$0xFFFFFF00] =	vst v11  }
0x38: {  	v61 =	vld [tilespmem:s20+$0xFFFFFFB0];
	v14 =	vmul.f32 v14, v6;
	[tilespmem:s20+$0xFFFFFF80] =	vst v12  }
0x39: {  	v63 =	vld [tilespmem:s20+$0x0];
	v44 =	vmul.f32 v15, v8;
	[tilespmem:s20+$0xFFFFFC10] =	vst v13  }
0x3a: {  	v40 =	vld [tilespmem:s20+$0xFFFFFD90];
	v15 =	vmul.f32 v45, v39;
	[tilespmem:s20+$0xFFFFFC90] =	vst v14  }
0x3b: {  	v41 =	vld [tilespmem:s20+$0xFFFFFE10];
	v62 =	vmul.f32 v57, v10;
	[tilespmem:s20+$0xFFFFFD10] =	vst v44  }
0x3c: {  	v42 =	vld [tilespmem:s20+$0xFFFFFE90];
	v17 =	vbroadcast v0, $0x8;
	v16 =	vmul.f32 v60, v37;
	[tilespmem:s20+$0xFFFFFF90] =	vst v15  }
0x3d: {  	v43 =	vld [tilespmem:s20+$0xFFFFFF10];
	v19 =	vmul.f32 v61, v39;
	[tilespmem:s20+$0xFFFFFDB0] =	vst v62  }
0x3e: {  	v46 =	vld [tilespmem:s20+$0xFFFFFC20];
	v22 =	vmul.f32 v63, v17;
	[tilespmem:s20+$0xFFFFFF30] =	vst v16  }
0x3f: {  	v47 =	vld [tilespmem:s20+$0xFFFFFCA0];
	v1 =	vmul.f32 v40, v10;
	[tilespmem:s20+$0xFFFFFFB0] =	vst v19  }
0x40: {  	v52 =	vld [tilespmem:s20+$0xFFFFFF20];
	v2 =	vmul.f32 v41, v33;
	[tilespmem:s20+$0x0] =	vst v22  }
0x41: {  	v54 =	vld [tilespmem:s20+$0xFFFFFC30];
	v11 =	vmul.f32 v42, v35;
	[tilespmem:s20+$0xFFFFFD90] =	vst v1  }
0x42: {  	v18 =	vld [tilespmem:s20+$0x180];
	v12 =	vmul.f32 v43, v37;
	[tilespmem:s20+$0xFFFFFE10] =	vst v2  }
0x43: {  	v48 =	vld [tilespmem:s20+$0xFFFFFD20];
	v14 =	vmul.f32 v46, v4;
	[tilespmem:s20+$0xFFFFFE90] =	vst v11  }
0x44: {  	v49 =	vld [tilespmem:s20+$0xFFFFFDA0];
	v13 =	vmul.f32 v47, v6;
	[tilespmem:s20+$0xFFFFFF10] =	vst v12  }
0x45: {  	v50 =	vld [tilespmem:s20+$0xFFFFFE20];
	v26 =	vbroadcast v0, $0xB;
	v15 =	vmul.f32 v52, v37;
	[tilespmem:s20+$0xFFFFFC20] =	vst v14  }
0x46: {  	v51 =	vld [tilespmem:s20+$0xFFFFFEA0];
	v4 =	vmul.f32 v54, v4;
	[tilespmem:s20+$0xFFFFFCA0] =	vst v13  }
0x47: {  	v53 =	vld [tilespmem:s20+$0xFFFFFFA0];
	v32 =	vmul.f32 v18, v26;
	[tilespmem:s20+$0xFFFFFF20] =	vst v15  }
0x48: {  	v31 =	vld [tilespmem:s20+$0x10];
	v1 =	vmul.f32 v48, v8;
	[tilespmem:s20+$0xFFFFFC30] =	vst v4  }
0x49: {  	v57 =	vld [tilespmem:s20+$0x330];
	v2 =	vmul.f32 v49, v10;
	[tilespmem:s20+$0x180] =	vst v32  }
0x4a: {  	v55 =	vld [tilespmem:s20+$0xFFFFFCB0];
	v11 =	vmul.f32 v50, v33;
	[tilespmem:s20+$0xFFFFFD20] =	vst v1  }
0x4b: {  	v56 =	vld [tilespmem:s20+$0xFFFFFD30];
	v12 =	vmul.f32 v51, v35;
	[tilespmem:s20+$0xFFFFFDA0] =	vst v2  }
0x4c: {  	v58 =	vld [tilespmem:s20+$0xFFFFFE30];
	v36 =	vbroadcast v0, $0xE;
	v14 =	vmul.f32 v53, v39;
	[tilespmem:s20+$0xFFFFFE20] =	vst v11  }
0x4d: {  	v59 =	vld [tilespmem:s20+$0xFFFFFEB0];
	v13 =	vmul.f32 v31, v17;
	[tilespmem:s20+$0xFFFFFEA0] =	vst v12  }
0x4e: {  	v21 =	vld [tilespmem:s20+$0x200];
	v63 =	vmul.f32 v57, v36;
	[tilespmem:s20+$0xFFFFFFA0] =	vst v14  }
0x4f: {  	v54 =	vld [tilespmem:s20+$0x1B0];
	v1 =	vmul.f32 v55, v6;
	[tilespmem:s20+$0x10] =	vst v13  }
0x50: {  	v24 =	vld [tilespmem:s20+$0x280];
	v2 =	vmul.f32 v56, v8;
	[tilespmem:s20+$0x330] =	vst v63  }
0x51: {  	v27 =	vld [tilespmem:s20+$0x300];
	v29 =	vbroadcast v0, $0xC;
	v11 =	vmul.f32 v58, v33;
	[tilespmem:s20+$0xFFFFFCB0] =	vst v1  }
0x52: {  	v34 =	vld [tilespmem:s20+$0x90];
	v14 =	vmul.f32 v59, v35;
	[tilespmem:s20+$0xFFFFFD30] =	vst v2  }
0x53: {  	v37 =	vld [tilespmem:s20+$0x110];
	v33 =	vbroadcast v0, $0xD;
	v35 =	vmul.f32 v21, v29;
	[tilespmem:s20+$0xFFFFFE30] =	vst v11  }
0x54: {  	v38 =	vld [tilespmem:s20+$0x190];
	v60 =	vmul.f32 v54, v26;
	[tilespmem:s20+$0xFFFFFEB0] =	vst v14  }
0x55: {  	v20 =	vbroadcast v0, $0x9;
	v42 =	vld [tilespmem:s20+$0x390];
	v10 =	vmul.f32 v24, v33;
	[tilespmem:s20+$0x200] =	vst v35  }
0x56: {  	v23 =	vbroadcast v0, $0xA;
	v15 =	vld [tilespmem:s20+$0x100];
	v11 =	vmul.f32 v27, v36;
	[tilespmem:s20+$0x1B0] =	vst v60  }
0x57: {  	v53 =	vld [tilespmem:s20+$0x130];
	v14 =	vmul.f32 v34, v20;
	[tilespmem:s20+$0x280] =	vst v10  }
0x58: {  	v39 =	vld [tilespmem:s20+$0x210];
	v0 =	vbroadcast v0, $0xF;
	v1 =	vmul.f32 v37, v23;
	[tilespmem:s20+$0x300] =	vst v11  }
0x59: {  	v40 =	vld [tilespmem:s20+$0x290];
	v2 =	vmul.f32 v38, v26;
	[tilespmem:s20+$0x90] =	vst v14  }
0x5a: {  	v43 =	vld [tilespmem:s20+$0x20];
	v13 =	vmul.f32 v42, v0;
	[tilespmem:s20+$0x110] =	vst v1  }
0x5b: {  	v44 =	vld [tilespmem:s20+$0xA0];
	v28 =	vmul.f32 v15, v23;
	[tilespmem:s20+$0x190] =	vst v2  }
0x5c: {  	v45 =	vld [tilespmem:s20+$0x120];
	v58 =	vmul.f32 v53, v23;
	[tilespmem:s20+$0x390] =	vst v13  }
0x5d: {  	v49 =	vld [tilespmem:s20+$0x320];
	v10 =	vmul.f32 v39, v29;
	[tilespmem:s20+$0x100] =	vst v28  }
0x5e: {  	v12 =	vld [tilespmem:s20+$0x80];
	v11 =	vmul.f32 v40, v33;
	[tilespmem:s20+$0x130] =	vst v58  }
0x5f: {  	v30 =	vld [tilespmem:s20+$0x380];
	v14 =	vmul.f32 v43, v17;
	[tilespmem:s20+$0x210] =	vst v10  }
0x60: {  	v55 =	vld [tilespmem:s20+$0x230];
	v1 =	vmul.f32 v44, v20;
	[tilespmem:s20+$0x290] =	vst v11  }
0x61: {  	v56 =	vld [tilespmem:s20+$0x2B0];
	v2 =	vmul.f32 v45, v23;
	[tilespmem:s20+$0x20] =	vst v14  }
0x62: {  	v46 =	vld [tilespmem:s20+$0x1A0];
	v13 =	vmul.f32 v49, v36;
	[tilespmem:s20+$0xA0] =	vst v1  }
0x63: {  	v47 =	vld [tilespmem:s20+$0x220];
	v25 =	vmul.f32 v12, v20;
	[tilespmem:s20+$0x120] =	vst v2  }
0x64: {  	v50 =	vld [tilespmem:s20+$0x3A0];
	v12 =	vmul.f32 v30, v0;
	[tilespmem:s20+$0x320] =	vst v13  }
0x65: {  	v51 =	vld [tilespmem:s20+$0x30];
	v61 =	vmul.f32 v55, v29;
	[tilespmem:s20+$0x80] =	vst v25  }
0x66: {  	v52 =	vld [tilespmem:s20+$0xB0];
	v62 =	vmul.f32 v56, v33;
	[tilespmem:s20+$0x380] =	vst v12  }
0x67: {  	v41 =	vld [tilespmem:s20+$0x310];
	v10 =	vmul.f32 v46, v26;
	[tilespmem:s20+$0x230] =	vst v61  }
0x68: {  	v59 =	vld [tilespmem:s20+$0x3B0];
	v11 =	vmul.f32 v47, v29;
	[tilespmem:s20+$0x2B0] =	vst v62  }
0x69: {  	v48 =	vld [tilespmem:s20+$0x2A0];
	v14 =	vmul.f32 v50, v0;
	[tilespmem:s20+$0x1A0] =	vst v10  }
0x6a: {  	v1 =	vmul.f32 v51, v17;
	[tilespmem:s20+$0x220] =	vst v11  }
0x6b: {  	p0 =	sne.s32 s19, $0x1C0;
	v2 =	vmul.f32 v52, v20;
	[tilespmem:s20+$0x3A0] =	vst v14  }
.Ltmp0:
0x6c: {  	v12 =	vmul.f32 v41, v36;
	[tilespmem:s20+$0x30] =	vst v1;
	(pc) =	sbr.rel @p0 .LBB2_3-.Ltmp0, $4  }
0x6d: {  	v0 =	vmul.f32 v59, v0;
	[tilespmem:s20+$0xB0] =	vst v2  }
0x6e: {  	[tilespmem:s20+$0x310] =	vst v12;
	v12 =	vmul.f32 v48, v33  }
0x6f: {  	[tilespmem:s20+$0x3B0] =	vst v0  }
0x70: {  	s19 =	sadd.s32 $0x40, s19;
	[tilespmem:s20+$0x2A0] =	vst v12;
	s20 =	sadd.s32 $0x800, s20  }
0x71: {  	s18 =	sadd.s32 $0x1, s18  }
0x72: {  	p0 =	sne.s32 s18, $0x23  }
.Ltmp1:
0x73: {  	_ = 	snop;
	(pc) =	sbr.rel @p0 .LBB2_2-.Ltmp1, $4  }
0x74: {  	[spmem:s2] =	stream.indirect.scatter.add.f32 [tilespmem:s17], [sflag:$0x1], $0x80, s15, s15, $0xb8;
	[tilespmem:$0x12180] =	vst v63  }
0x75: {  	_ =	swait.ge [sflag:s14], $0x4000  }
0x76: {  	[sflag:s14] =	ssyncset.done $0x0  }
0x77: {  	[sflag:s14] =	ssyncadd.s32 $0xFFFFC000  }
0x78: {  	s3 =	sadd.s32 $0x1, s3  }
0x79: {  	p0 =	sne.s32 s3, s12  }
.Ltmp2:
0x7a: {  	[bflag:$0x0] =	sbarrier.arrive $0xFFFF;
	(pc) =	sbr.rel @p0 .LBB2_1-.Ltmp2, $4  }
0x7b: {  	[hbm:s11], [sflag:s9] =	dma.local [spmem:s13], $0x1C00  }
0x7c: {  	_ =	swait.ge [sflag:s14], $0x1C00  }
0x7d: {  	[sflag:s14] =	ssyncset.done $0x0  }
0x7e: {  	[sflag:s14] =	ssyncadd.s32 $0xFFFFE400  }
0x7f: {  	_ =	sfence.sel $0x180000  }
0x80: {  	[bflag:$0x0] =	sbarrier.arrive $0xFFFF  }
0x81: {  	p0 =	sne.s32 s1, $0x0;
	_ =	strace $0x9000004A  }
0x82: {  	s0 =	sadd.s32 @!p0 $0x100000, s0;
	[bflag:$0x2] =	sbarrier.arrive $0xFFFF  }
0x83: {  	[sflag:s0] =	ssyncadd.tile.s32 @!p0 $0x1;
	_ =	shalt  }
.Lfunc_end2:
_tile_overlayer_lowered:
.L_overlay_start_2:
0x84: {  	(tag) =	ssettag $0x2  }
0x85: {  	s0 =	rddreg [dreg:$0x0];
	s2 =	stileid.u32  }
0x86: {  	s1 =	rddreg [dreg:$0x1];
	p0 =	sne.s32 s2, $0x0  }
0x87: {  	s3 =	rddreg [dreg:$0x2];
	[bflag:$0x3] =	sbarrier.arrive $0xFFFF;
	s2 =	simm.s32 @!p0 $0x1C01  }
0x88: {  	[timem:s3], [sflag:s2] =	dma.local @!p0 [hbm:s0], s1  }
0x89: {  	s0 =	simm.s32 @!p0 $0x1  }
0x8a: {  	_ =	swait.ge @!p0 [sflag:s0], s1  }
0x8b: {  	s1 =	ssub.s32 @!p0 $0x0, s1;
	[sflag:s0] =	ssyncset.done @!p0 $0x0  }
0x8c: {  	[sflag:s0] =	ssyncadd.s32 @!p0 s1  }
0x8d: {  	[bflag:$0x3] =	sbarrier.arrive $0xFFFF  }
0x8e: {  	_ =	shalt  }

// kernel: kernel.7.cloned.1.call-start
scs
__scs_entry_jumppad:
0x0: {  	(pc) =	sbr.rel $0x88, $3  }
0x1: {  	(tag) =	ssettag $0x0;
	lr =	simm.s32 $0x1  }
0x2: {  	[smem:$0x3F80] =	sst lr;
	_ =	strace $0xD0000000  }
0x3: {  	_ = 	snop  }
0x4: {  	_ = 	snop  }
0x5: {  	_ = 	snop  }
0x6: {  	_ = 	snop  }
0x7: {  	_ = 	snop  }
__scs_overlays_trampoline_lowered:
0x8: {  	[smem:$0x3F8F] =	sst s0  }
0x9: {  	[smem:$0x3F90] =	sst s1  }
0xa: {  	[smem:$0x3F91] =	sst s2  }
0xb: {  	[smem:$0x3F92] =	sst s3  }
0xc: {  	[smem:$0x3F93] =	sst s4  }
0xd: {  	[smem:$0x3F94] =	sst s5  }
0xe: {  	[smem:$0x3F95] =	sst s6  }
0xf: {  	[smem:$0x3F96] =	sst s7  }
0x10: {  	[smem:$0x3F97] =	sst s8  }
0x11: {  	[smem:$0x3F98] =	sst s9;
	s0 =	simm.s32 @!p0 $0x0  }
0x12: {  	s1 =	sld [smem:$0x3F7E];
	s0 =	simm.s32 @p0 $0x1  }
0x13: {  	[smem:$0x3F99] =	sst s0;
	s0 =	simm.s32 @!p1 $0x0  }
0x14: {  	s2 =	sld [smem:$0x3F7D];
	s0 =	simm.s32 @p1 $0x1  }
0x15: {  	[smem:$0x3F9A] =	sst s0;
	s0 =	simm.s32 @!p2 $0x0  }
0x16: {  	s3 =	sld [smem:$0x3FDB];
	s0 =	simm.s32 @p2 $0x1  }
0x17: {  	s4 =	simm.s32 $0x1BF5;
	[smem:$0x3F9C] =	sst s0  }
0x18: {  	s0 =	sld [smem:$0x3F7F];
	_ =	swait.ge [sflag:s4], $0x0  }
0x19: {  	s7 =	sld [smem:$0x3F80]  }
0x1a: {  	s8 =	sadd.s32 $0xFFFFE003, lr  }
0x1b: {  	s9 =	sadd.s32 $0xFFFFFEF7, lr;
	s5 =	simm.s32 $0xFFFFFFFF;
	p2 =	slt.u32 s8, $0xFFFFF086  }
0x1c: {  	p1 =	slt.u32 s9, $0xF7A;
	s5 =	simm.s32 @!p2 $0x0  }
0x1d: {  	s5 =	simm.s32 @p1 $0x1;
	p0 =	seq.s32 s7, s2  }
0x1e: {  	s7 =	smul.u32 @!p0 $0xF7A, s2;
	p2 =	seq.s32 @!p0 s5, $0x0  }
0x1f: {  	s9 =	smul.u32 $0xF7A, s1;
	s8 =	simm.s32 @!p0 $0x1BF5;
	p2 =	por !p2, p0  }
0x20: {  	[sflag:s8] =	ssyncset.s32 @!p0 $0xFFFFF086;
	s6 =	sadd.s32 @!p0 s3, s7;
	s7 =	simm.s32 @!p0 $0x108  }
0x21: {  	s3 =	sadd.s32 s3, s9;
	s6 =	sadd.s32 @!p0 $0x88, s6;
	s7 =	simm.s32 @p2 $0x1082  }
0x22: {  	[simem:s7], [sflag:s8] =	dma.local @!p0 [hbm:s6], $0xF7A  }
0x23: {  	s9 =	sor.u32 $0xD0000000, s2;
	s6 =	simm.s32 $0x108;
	_ =	swait.ge @!p0 [sflag:s8], $0x0  }
0x24: {  	s3 =	sadd.s32 $0x88, s3;
	s6 =	simm.s32 @!p1 $0x1082;
	[sflag:s4] =	ssyncset.s32 $0xFFFFF086  }
0x25: {  	[simem:s6], [sflag:s4] =	dma.local [hbm:s3], $0xF7A  }
0x26: {  	[smem:$0x3F80] =	sst s1;
	(tag) =	ssettag s2;
	_ =	strace s9  }
0x27: {  	s1 =	sld [smem:$0x3F90]  }
0x28: {  	s2 =	sld [smem:$0x3F91]  }
0x29: {  	s4 =	sld [smem:$0x3F93]  }
0x2a: {  	p0 =	seq.s32 s5, $0x0;
	s5 =	sld [smem:$0x3F94]  }
0x2b: {  	s6 =	sld [smem:$0x3F95]  }
0x2c: {  	s7 =	sld [smem:$0x3F96]  }
0x2d: {  	s3 =	simm.s32 $0x108;
	s8 =	sld [smem:$0x3F97]  }
0x2e: {  	s3 =	simm.s32 @!p0 $0x1082;
	s9 =	sld [smem:$0x3F98]  }
0x2f: {  	lr =	sadd.s32 s0, s3;
	s0 =	sld [smem:$0x3F8F]  }
0x30: {  	s3 =	sld [smem:$0x3F92]  }
0x31: {  	[smem:$0x3F9B] =	sst s10  }
0x32: {  	s10 =	sld [smem:$0x3F99];
	_ =	sdelay $0x3  }
0x33: {  	p0 =	seq.s32 s10, $0x1;
	s10 =	sld [smem:$0x3F9B];
	_ =	sdelay $0x3  }
0x34: {  	[smem:$0x3F9B] =	sst s10  }
0x35: {  	s10 =	sld [smem:$0x3F9A];
	_ =	sdelay $0x3  }
0x36: {  	p1 =	seq.s32 s10, $0x1;
	s10 =	sld [smem:$0x3F9B];
	_ =	sdelay $0x3  }
0x37: {  	[smem:$0x3F9B] =	sst s10  }
0x38: {  	s10 =	sld [smem:$0x3F9C]  }
0x39: {  	_ = 	snop;
	(pc) =	sbr.ind lr, $3  }
0x3a: {  	_ = 	snop  }
0x3b: {  	_ = 	snop  }
0x3c: {  	p2 =	seq.s32 s10, $0x1;
	s10 =	sld [smem:$0x3F9B]  }
0x3d: {  	_ =	shalt  }
0x3e: {  	_ =	shalt  }
0x3f: {  	_ =	shalt  }
0x40: {  	_ =	shalt  }
0x41: {  	_ =	shalt  }
0x42: {  	_ =	shalt  }
0x43: {  	_ =	shalt  }
0x44: {  	_ =	shalt  }
0x45: {  	_ =	shalt  }
0x46: {  	_ =	shalt  }
0x47: {  	_ =	shalt  }
0x48: {  	_ =	shalt  }
0x49: {  	_ =	shalt  }
0x4a: {  	_ =	shalt  }
0x4b: {  	_ =	shalt  }
0x4c: {  	_ =	shalt  }
0x4d: {  	_ =	shalt  }
0x4e: {  	_ =	shalt  }
0x4f: {  	_ =	shalt  }
0x50: {  	_ =	shalt  }
0x51: {  	_ =	shalt  }
0x52: {  	_ =	shalt  }
0x53: {  	_ =	shalt  }
0x54: {  	_ =	shalt  }
0x55: {  	_ =	shalt  }
0x56: {  	_ =	shalt  }
0x57: {  	_ =	shalt  }
0x58: {  	_ =	shalt  }
0x59: {  	_ =	shalt  }
0x5a: {  	_ =	shalt  }
0x5b: {  	_ =	shalt  }
0x5c: {  	_ =	shalt  }
0x5d: {  	_ =	shalt  }
0x5e: {  	_ =	shalt  }
0x5f: {  	_ =	shalt  }
0x60: {  	_ =	shalt  }
0x61: {  	_ =	shalt  }
0x62: {  	_ =	shalt  }
0x63: {  	_ =	shalt  }
0x64: {  	_ =	shalt  }
0x65: {  	_ =	shalt  }
0x66: {  	_ =	shalt  }
0x67: {  	_ =	shalt  }
0x68: {  	_ =	shalt  }
0x69: {  	_ =	shalt  }
0x6a: {  	_ =	shalt  }
0x6b: {  	_ =	shalt  }
0x6c: {  	_ =	shalt  }
0x6d: {  	_ =	shalt  }
0x6e: {  	_ =	shalt  }
0x6f: {  	_ =	shalt  }
0x70: {  	_ =	shalt  }
0x71: {  	_ =	shalt  }
0x72: {  	_ =	shalt  }
0x73: {  	_ =	shalt  }
0x74: {  	_ =	shalt  }
0x75: {  	_ =	shalt  }
0x76: {  	_ =	shalt  }
0x77: {  	_ =	shalt  }
0x78: {  	_ =	shalt  }
0x79: {  	_ =	shalt  }
0x7a: {  	_ =	shalt  }
0x7b: {  	_ =	shalt  }
0x7c: {  	_ =	shalt  }
0x7d: {  	_ =	shalt  }
0x7e: {  	_ =	shalt  }
0x7f: {  	_ =	shalt  }
0x80: {  	_ =	shalt  }
0x81: {  	_ =	shalt  }
0x82: {  	_ =	shalt  }
0x83: {  	_ =	shalt  }
0x84: {  	_ =	shalt  }
0x85: {  	_ =	shalt  }
0x86: {  	_ =	shalt  }
0x87: {  	_ =	shalt  }
.Lfunc_end0:
.L_simem_size_0:
called_computation_lowered:
.L_overlay_start_0:
0x88: {  	s2 =	sld [smem:$0x3FD9]  }
0x89: {  	s3 =	sld [smem:$0x3FFE];
	_ =	sdelay $0x1  }
0x8a: {  	s1 =	srdreg.scid  }
0x8b: {  	s0 =	sand.u32 $0x1, s1  }
0x8c: {  	s17 =	sshll.u32 s0, $0xA;
	s2 =	sadd.s32 s3, s2  }
0x8d: {  	s2 =	sadd.s32 s2, s17  }
0x8e: {  	[smem:$0x3FA7] =	sst s2  }
0x8f: {  	_ = 	snop  }
0x90: {  	s2 =	sld [smem:$0x3FD0];
	(tm) =	ssettm $0x1  }
0x91: {  	s18 =	sld [smem:$0x3FFB];
	_ =	sdelay $0x3  }
0x92: {  	_ =	strace s18  }
0x93: {  	s3 =	sld [smem:$0x3FFC];
	_ =	sdelay $0x3  }
0x94: {  	_ =	strace s3  }
0x95: {  	s3 =	sld [smem:$0x3FFD];
	_ =	sdelay $0x3  }
0x96: {  	_ =	strace s3  }
0x97: {  	_ =	strace $0x8FFFFFFF  }
0x98: {  	s19 =	sld [smem:$0x3FDB];
	_ =	sdelay $0x1  }
0x99: {  	s4 =	simm.s32 $_scs_section_size  }
0x9a: {  	s5 =	simm.s32 $_size__tile_overlayer_lowered;
	s6 =	simm.s32 $_tile_overlayer_lowered  }
0x9b: {  	s22 =	simm.s32 $0x1BFF;
	s21 =	sshll.u32 s6, $0x1;
	s3 =	sadd.s32 s4, s19  }
0x9c: {  	s7 =	simm.s32 $0x0;
	s20 =	sshll.u32 s5, $0x1;
	s5 =	sadd.s32 s21, s3  }
0x9d: {  	[timem:s7], [sflag:s22] =	dma.local [hbm:s5], s20  }
0x9e: {  	_ =	swait.ge [sflag:s22], s20  }
0x9f: {  	s4 =	ssub.s32 $0x0, s20;
	[sflag:s22] =	ssyncset.done $0x0  }
0xa0: {  	[sflag:s22] =	ssyncadd.s32 s4;
	_ =	sdelay $0x1  }
0xa1: {  	s23 =	simm.s32 $0x1B8B  }
0xa2: {  	_ =	swait.ge [sflag:s23], $0x1  }
0xa3: {  	[sflag:s23] =	ssyncset.done $0x0  }
0xa4: {  	s25 =	simm.s32 $0x1B8E;
	s24 =	sld [smem:$0x3FFE];
	[sflag:s23] =	ssyncadd.s32 $0xFFFFFFFF  }
0xa5: {  	s26 =	simm.s32 $execute0_lowered;
	[smem:$0x3FD2] =	sst s25  }
0xa6: {  	s5 =	sshll.u32 s26, $0x1;
	_ =	strace $0x80000046;
	[dreg:$0x1] =	wrdreg $0xFFFFFFFF  }
0xa7: {  	s28 =	simm.s32 $_size_execute0_lowered;
	s3 =	sadd.s32 s3, s5;
	[dreg:$0x0] =	wrdreg $0x0  }
0xa8: {  	s5 =	sshll.u32 s28, $0x1;
	[dreg:$0x2] =	wrdreg s3  }
0xa9: {  	[dreg:$0x3] =	wrdreg s5  }
0xaa: {  	[dreg:$0x4] =	wrdreg $0xC0  }
0xab: {  	_ =	task [dreg:s7], $0x5FFFF  }
0xac: {  	[dreg:$0x1] =	wrdreg $0xFFFFFFFF  }
0xad: {  	[dreg:$0x0] =	wrdreg $0x60  }
0xae: {  	[dreg:$0x2] =	wrdreg s2  }
0xaf: {  	[dreg:$0x3] =	wrdreg s24  }
0xb0: {  	[dreg:$0x4] =	wrdreg $0xA8000  }
0xb1: {  	[dreg:$0x5] =	wrdreg $0x9  }
0xb2: {  	_ =	task.clear_ibuf [dreg:s7], $0x6FFFF;
	_ =	strace $0x90000046  }
0xb3: {  	s29 =	simm.s32 $0x9;
	_ =	strace $0x80000048  }
0xb4: {  	_ =	swait.ge [sflag:s29], $0x1  }
0xb5: {  	[sflag:s29] =	ssyncadd.s32 $0xFFFFFFFF  }
0xb6: {  	_ =	strace $0x90000048  }
0xb7: {  	_ =	sfence  }
0xb8: {  	s30 =	sld [smem:$0x0];
	_ =	sdelay $0x2  }
0xb9: {  	s31 =	sshll.u32 s1, $0xD;
	s1 =	sshrl.u32 s1, $0x2  }
0xba: {  	s3 =	sand.u32 $0x4000, s31;
	s1 =	sadd.s32 s1, s30  }
0xbb: {  	s0 =	sor.u32 s3, s0;
	s1 =	sshll.u32 s1, $0x11  }
0xbc: {  	s0 =	sor.u32 s1, s0  }
0xbd: {  	s0 =	sadd.s32 $0x8F2B, s0  }
0xbe: {  	[sflag:s0] =	ssyncadd.remote.s32 $0x1  }
0xbf: {  	_ =	sfence.sel $0xFFFF  }
0xc0: {  	[dreg:$0x0] =	wrdreg $0xFFFFFFFF;
	(pc) =	sbr.abs _section_cstart, $3  }
0xc1: {  	[dreg:$0x1] =	wrdreg $0xFFFFFFFF  }
0xc2: {  	_ =	task.clear_ibuf [dreg:s7], $0x2FFFF;
	_ =	strace $0x9FFFFFFF  }
0xc3: {  	(tm) =	ssettm $0x7FFFFFFF  }
tec
execute0_lowered:
.L_overlay_start_1:
0x0: {  	(tag) =	ssettag $0x1  }
0x1: {  	s1 =	srdreg.scid;
	s6 =	rddreg [dreg:$0x0]  }
0x2: {  	s0 =	stileid.u32;
	s5 =	rddreg [dreg:$0x1]  }
0x3: {  	s2 =	rddreg [dreg:$0x2];
	s3 =	simm.s32 $0x0;
	s14 =	simm.s32 $0x2800  }
0x4: {  	s15 =	simm.s32 $0x1;
	s16 =	simm.s32 $0x6800;
	s17 =	simm.s32 $0x1100  }
0x5: {  	s18 =	simm.s32 $0x0;
	s4 =	sand.u32 $0x1, s1;
	s8 =	smul.u32 $0xE000, s0  }
0x6: {  	s28 =	sshll.u32 s0, $0x1;
	[smem:$0x7FF] =	sst s3;
	s29 =	smul.u32 $0x38000, s0  }
0x7: {  	s31 =	sshll.u32 s0, $0x6;
	s1 =	sor.u32 s4, s28;
	s9 =	smul.u32 $0xE0000, s4  }
0x8: {  	s4 =	ssub.s32 $0x2, s4;
	s7 =	smul.u32 $0x280, s1;
	s1 =	rddreg [dreg:$0x3]  }
0x9: {  	_ =	strace $0x80000047;
	s11 =	sshrl.u32 s8, $0x3;
	s30 =	sshrl.u32 s4, $0x1  }
0xa: {  	s8 =	sadd.s32 s8, s9;
	s11 =	sadd.s32 s11, s5;
	s9 =	sshrl.u32 s29, $0x2  }
0xb: {  	s12 =	ssub.s32 s4, s30;
	s10 =	sadd.s32 s7, s5;
	s8 =	sshrl.u32 s8, $0x3  }
0xc: {  	s13 =	sadd.s32 s9, s2;
	s4 =	sadd.s32 $0x12600, s11;
	s6 =	sadd.s32 s6, s7  }
0xd: {  	s9 =	smax.u32 s12, $0x1;
	s11 =	simm.s32 $0x2;
	s12 =	simm.s32 $0x1400  }
0xe: {  	s8 =	sadd.s32 s8, s5;
	s5 =	sor.u32 $0x1C02, s31;
	s7 =	sadd.s32 $0xD600, s10  }
0xf: {  	v0 =	vimm.f32 $0.0e+00;
	s10 =	sshrl.u32 s13, $0x3;
	s13 =	simm.s32 $0x80;
	s8 =	sadd.s32 $0x2E600, s8  }
.LBB2_1:
0x10: {  	[spmem:s10], [sflag:s5] =	dma.local [hbm:s4], $0x1C00  }
0x11: {  	_ =	swait.ge [sflag:s11], $0x1C00  }
0x12: {  	[sflag:s11] =	ssyncset.done $0x0  }
0x13: {  	[sflag:s11] =	ssyncadd.s32 $0xFFFFE400  }
0x14: {  	[tilespmem:s3], [sflag:$0x2] =	stream.linear.gather [hbm4b:s6+s3], $0x1180, $0x38;
	[tilespmem:$0x18800] =	vst v63  }
0x15: {  	_ =	swait.ge [sflag:s11], $0x1180  }
0x16: {  	[sflag:s11] =	ssyncset.done $0x0  }
0x17: {  	[sflag:s11] =	ssyncadd.s32 $0xFFFFEE80  }
0x18: {  	[tilespmem:s12], [sflag:$0x2] =	stream.linear.gather [hbm4b:s7+s3], $0x1180, $0x38;
	[tilespmem:$0x18800] =	vst v63  }
0x19: {  	_ =	swait.ge [sflag:s11], $0x1180  }
0x1a: {  	[sflag:s11] =	ssyncset.done $0x0  }
0x1b: {  	s19 =	simm.s32 $0x0;
	s20 =	simm.s32 $0x200;
	[sflag:s11] =	ssyncadd.s32 $0xFFFFEE80  }
.LBB2_2:
0x1c: {  	p0 =	sne.s32 s20, $0xFE00;
	[tilespmem:s19+$0x6870] =	vst v0  }
0x1d: {  	[tilespmem:s19+$0x2810] =	vst v0  }
0x1e: {  	[tilespmem:s19+$0x6810] =	vst v0  }
0x1f: {  	[tilespmem:s19+$0x2820] =	vst v0  }
0x20: {  	[tilespmem:s19+$0x6820] =	vst v0  }
0x21: {  	[tilespmem:s19+$0x2830] =	vst v0  }
0x22: {  	[tilespmem:s19+$0x6830] =	vst v0  }
0x23: {  	[tilespmem:s19+$0x2840] =	vst v0  }
0x24: {  	[tilespmem:s19+$0x6840] =	vst v0  }
.Ltmp0:
0x25: {  	[tilespmem:s19+$0x2850] =	vst v0;
	(pc) =	sbr.rel @p0 .LBB2_2-.Ltmp0, $4  }
0x26: {  	[tilespmem:s19+$0x6850] =	vst v0  }
0x27: {  	[tilespmem:s19+$0x2860] =	vst v0  }
0x28: {  	[tilespmem:s19+$0x6860] =	vst v0  }
0x29: {  	[tilespmem:s19+$0x2870] =	vst v0;
	s19 =	sshra.s32 s20, $0x2;
	s20 =	sadd.s32 $0x200, s20  }
0x2a: {  	[tilespmem:s19+$0x6870] =	vst v0  }
0x2b: {  	[tilespmem:s19+$0x2810] =	vst v0  }
0x2c: {  	[tilespmem:s19+$0x6810] =	vst v0  }
0x2d: {  	[tilespmem:s19+$0x2820] =	vst v0  }
0x2e: {  	[tilespmem:s19+$0x6820] =	vst v0  }
0x2f: {  	[tilespmem:s19+$0x2830] =	vst v0  }
0x30: {  	[tilespmem:s19+$0x6830] =	vst v0  }
0x31: {  	[tilespmem:s19+$0x2840] =	vst v0  }
0x32: {  	[tilespmem:s19+$0x6840] =	vst v0  }
0x33: {  	[tilespmem:s19+$0x2850] =	vst v0  }
0x34: {  	[tilespmem:s19+$0x6850] =	vst v0  }
0x35: {  	[tilespmem:s19+$0x2860] =	vst v0  }
0x36: {  	[tilespmem:s19+$0x6860] =	vst v0  }
0x37: {  	[tilespmem:s19+$0x2870] =	vst v0  }
0x38: {  	s31 =	simm.s32 $0x0;
	[bflag:$0x0] =	sbarrier.arrive $0xFFFF  }
0x39: {  	v1 =	vld [tilespmem:s31+$0x1400];
	_ =	sdelay $0x4  }
0x3a: {  	v2 =	vbroadcast v1, $0x0  }
0x3b: {  	s20 =	simm.s32 $0x2C00;
	v3 =	vbroadcast v1, $0x1  }
0x3c: {  	v4 =	vbroadcast v1, $0x2;
	[tilespmem:s20+$0xFFFFFC00] =	vst v2  }
0x3d: {  	v60 =	vbroadcast v1, $0x5;
	[tilespmem:s20+$0xFFFFFC80] =	vst v3  }
0x3e: {  	v61 =	vbroadcast v1, $0x8;
	[tilespmem:s20+$0xFFFFFD00] =	vst v4  }
0x3f: {  	v62 =	vbroadcast v1, $0xB;
	[tilespmem:s20+$0xFFFFFE80] =	vst v60  }
0x40: {  	v63 =	vbroadcast v1, $0xE;
	[tilespmem:s20+$0x0] =	vst v61  }
0x41: {  	v2 =	vbroadcast v1, $0x3;
	[tilespmem:s20+$0x180] =	vst v62  }
0x42: {  	v3 =	vbroadcast v1, $0x4;
	[tilespmem:s20+$0x300] =	vst v63  }
0x43: {  	[tilespmem:s20+$0xFFFFFD80] =	vst v2;
	v2 =	vbroadcast v1, $0x6  }
0x44: {  	[tilespmem:s20+$0xFFFFFE00] =	vst v3;
	v3 =	vbroadcast v1, $0x7  }
0x45: {  	[tilespmem:s20+$0xFFFFFF00] =	vst v2;
	v2 =	vbroadcast v1, $0x9  }
0x46: {  	[tilespmem:s20+$0xFFFFFF80] =	vst v3;
	v3 =	vbroadcast v1, $0xA  }
0x47: {  	[tilespmem:s20+$0x80] =	vst v2;
	v2 =	vbroadcast v1, $0xC  }
0x48: {  	[tilespmem:s20+$0x100] =	vst v3;
	v3 =	vbroadcast v1, $0xD  }
0x49: {  	v1 =	vbroadcast v1, $0xF;
	[tilespmem:s20+$0x200] =	vst v2  }
0x4a: {  	[tilespmem:s20+$0x280] =	vst v3  }
0x4b: {  	s19 =	simm.s32 $0x0;
	s22 =	simm.s32 $0x10;
	s21 =	simm.s32 $0x80;
	[tilespmem:s20+$0x380] =	vst v1  }
.LBB2_4:
0x4c: {  	p0 =	sne.s32 s21, $0x1C0;
	v1 =	vld [tilespmem:s22+$0x1400];
	_ =	sdelay $0x4  }
0x4d: {  	v2 =	vbroadcast v1, $0x0;
	v3 =	vbroadcast v1, $0x1  }
0x4e: {  	s20 =	sadd.s32 $0x800, s20;
	v4 =	vbroadcast v1, $0x2;
	v5 =	vbroadcast v1, $0x3  }
0x4f: {  	v6 =	vbroadcast v1, $0x5;
	[tilespmem:s20+$0xFFFFFC00] =	vst v2;
	v2 =	vbroadcast v1, $0x4  }
0x50: {  	v7 =	vbroadcast v1, $0x7;
	[tilespmem:s20+$0xFFFFFC80] =	vst v3;
	v3 =	vbroadcast v1, $0x6  }
0x51: {  	v8 =	vbroadcast v1, $0x9;
	[tilespmem:s20+$0xFFFFFD00] =	vst v4;
	v4 =	vbroadcast v1, $0x8  }
0x52: {  	v9 =	vbroadcast v1, $0xB;
	[tilespmem:s20+$0xFFFFFD80] =	vst v5;
	v5 =	vbroadcast v1, $0xA  }
0x53: {  	v10 =	vbroadcast v1, $0xD;
	[tilespmem:s20+$0xFFFFFE00] =	vst v2;
	v2 =	vbroadcast v1, $0xC  }
0x54: {  	[tilespmem:s20+$0xFFFFFE80] =	vst v6;
	v6 =	vbroadcast v1, $0xE;
	v1 =	vbroadcast v1, $0xF  }
0x55: {  	[tilespmem:s20+$0xFFFFFF00] =	vst v3  }
0x56: {  	[tilespmem:s20+$0xFFFFFF80] =	vst v7  }
0x57: {  	[tilespmem:s20+$0x0] =	vst v4  }
0x58: {  	[tilespmem:s20+$0x80] =	vst v8  }
0x59: {  	[tilespmem:s20+$0x100] =	vst v5  }
.Ltmp1:
0x5a: {  	[tilespmem:s20+$0x180] =	vst v9;
	(pc) =	sbr.rel @p0 .LBB2_4-.Ltmp1, $4  }
0x5b: {  	[tilespmem:s20+$0x200] =	vst v2  }
0x5c: {  	[tilespmem:s20+$0x280] =	vst v10  }
0x5d: {  	[tilespmem:s20+$0x300] =	vst v6  }
0x5e: {  	s22 =	sshra.s32 s21, $0x2;
	s21 =	sadd.s32 $0x40, s21;
	[tilespmem:s20+$0x380] =	vst v1  }
0x5f: {  	v1 =	vld [tilespmem:s22+$0x1400];
	_ =	sdelay $0x4  }
0x60: {  	v2 =	vbroadcast v1, $0x0  }
0x61: {  	s20 =	sadd.s32 $0x800, s20;
	v3 =	vbroadcast v1, $0x1  }
0x62: {  	v4 =	vbroadcast v1, $0x2;
	[tilespmem:s20+$0xFFFFFC00] =	vst v2  }
0x63: {  	v60 =	vbroadcast v1, $0x5;
	[tilespmem:s20+$0xFFFFFC80] =	vst v3  }
0x64: {  	v61 =	vbroadcast v1, $0x8;
	[tilespmem:s20+$0xFFFFFD00] =	vst v4  }
0x65: {  	v62 =	vbroadcast v1, $0xB;
	[tilespmem:s20+$0xFFFFFE80] =	vst v60  }
0x66: {  	v63 =	vbroadcast v1, $0xE;
	[tilespmem:s20+$0x0] =	vst v61  }
0x67: {  	v2 =	vbroadcast v1, $0x3;
	[tilespmem:s20+$0x180] =	vst v62  }
0x68: {  	v3 =	vbroadcast v1, $0x4;
	[tilespmem:s20+$0x300] =	vst v63  }
0x69: {  	[tilespmem:s20+$0xFFFFFD80] =	vst v2;
	v2 =	vbroadcast v1, $0x6  }
0x6a: {  	[tilespmem:s20+$0xFFFFFE00] =	vst v3;
	v3 =	vbroadcast v1, $0x7  }
0x6b: {  	[tilespmem:s20+$0xFFFFFF00] =	vst v2;
	v2 =	vbroadcast v1, $0x9  }
0x6c: {  	[tilespmem:s20+$0xFFFFFF80] =	vst v3;
	v3 =	vbroadcast v1, $0xA  }
.Ltmp2:
0x6d: {  	[tilespmem:s20+$0x80] =	vst v2;
	v2 =	vbroadcast v1, $0xC;
	(pc) =	sbr.rel .LBB2_6-.Ltmp2, $4  }
0x6e: {  	[tilespmem:s20+$0x100] =	vst v3;
	v3 =	vbroadcast v1, $0xD  }
0x6f: {  	v1 =	vbroadcast v1, $0xF;
	[tilespmem:s20+$0x200] =	vst v2  }
0x70: {  	[tilespmem:s20+$0x280] =	vst v3  }
0x71: {  	s21 =	simm.s32 $0x1500;
	[tilespmem:s20+$0x380] =	vst v1;
	s20 =	simm.s32 $0x1480  }
.LBB2_12:
0x72: {  	s19 =	sadd.s32 $0x1, s19  }
0x73: {  	p0 =	sne.s32 s19, $0x11  }
.Ltmp3:
0x74: {  	_ = 	snop;
	(pc) =	sbr.rel @!p0 .LBB2_13-.Ltmp3, $4  }
0x75: {  	_ = 	snop  }
0x76: {  	_ =	swait.ge [sflag:s15], $0x4000  }
0x77: {  	[sflag:s15] =	ssyncset.done $0x0  }
0x78: {  	s20 =	sadd.s32 $0x100, s20;
	s21 =	sadd.s32 $0x100, s21;
	[sflag:s15] =	ssyncadd.s32 $0xFFFFC000  }
.LBB2_6:
0x79: {  	v1 =	vmov s20;
	_ =	sdelay $0x1  }
0x7a: {  	s22 =	sshll.u32 s19, $0xA  }
0x7b: {  	s31 =	simm.s32 $0x0;
	s23 =	sshra.s32 s22, $0x2  }
0x7c: {  	[spmem:s2] =	stream.indirect.scatter.add.f32 [tilespmem:s14], [sflag:$0x1], $0x80, s23, s13, $0xb8;
	[tilespmem:$0x18800] =	vst v63  }
0x7d: {  	v2 =	vld.idx.msk [tilespmem:v1+s31+$0x0 ss:$0x1], $0xffff;
	_ =	sdelay $0x4  }
0x7e: {  	v3 =	vbroadcast v2, $0x0  }
0x7f: {  	s23 =	simm.s32 $0x6C00;
	v4 =	vbroadcast v2, $0x1  }
0x80: {  	v5 =	vbroadcast v2, $0x2;
	[tilespmem:s23+$0xFFFFFC00] =	vst v3  }
0x81: {  	v56 =	vbroadcast v2, $0x4;
	[tilespmem:s23+$0xFFFFFC80] =	vst v4  }
0x82: {  	v57 =	vbroadcast v2, $0x5;
	[tilespmem:s23+$0xFFFFFD00] =	vst v5  }
0x83: {  	v58 =	vbroadcast v2, $0x7;
	[tilespmem:s23+$0xFFFFFE00] =	vst v56  }
0x84: {  	v59 =	vbroadcast v2, $0x8;
	[tilespmem:s23+$0xFFFFFE80] =	vst v57  }
0x85: {  	v60 =	vbroadcast v2, $0xA;
	[tilespmem:s23+$0xFFFFFF80] =	vst v58  }
0x86: {  	v3 =	vbroadcast v2, $0x3;
	[tilespmem:s23+$0x0] =	vst v59  }
0x87: {  	v61 =	vbroadcast v2, $0xB;
	[tilespmem:s23+$0x100] =	vst v60  }
0x88: {  	[tilespmem:s23+$0xFFFFFD80] =	vst v3;
	v3 =	vbroadcast v2, $0x6  }
0x89: {  	v62 =	vbroadcast v2, $0xD;
	[tilespmem:s23+$0x180] =	vst v61  }
0x8a: {  	[tilespmem:s23+$0xFFFFFF00] =	vst v3;
	v3 =	vbroadcast v2, $0x9  }
0x8b: {  	v63 =	vbroadcast v2, $0xE;
	[tilespmem:s23+$0x280] =	vst v62  }
0x8c: {  	[tilespmem:s23+$0x80] =	vst v3;
	v3 =	vbroadcast v2, $0xC  }
0x8d: {  	[tilespmem:s23+$0x300] =	vst v63;
	v2 =	vbroadcast v2, $0xF  }
0x8e: {  	[tilespmem:s23+$0x200] =	vst v3  }
0x8f: {  	s25 =	simm.s32 $0x10;
	s24 =	simm.s32 $0x80;
	s22 =	sor.u32 $0x200, s22;
	[tilespmem:s23+$0x380] =	vst v2  }
.LBB2_7:
0x90: {  	p0 =	sne.s32 s24, $0x1C0;
	v2 =	vld.idx.msk [tilespmem:v1+s25+$0x0 ss:$0x1], $0xffff;
	_ =	sdelay $0x5  }
0x91: {  	v3 =	vbroadcast v2, $0x0;
	v4 =	vbroadcast v2, $0x1  }
0x92: {  	s23 =	sadd.s32 $0x800, s23;
	v5 =	vbroadcast v2, $0x2;
	v6 =	vbroadcast v2, $0x3  }
0x93: {  	v7 =	vbroadcast v2, $0x5;
	[tilespmem:s23+$0xFFFFFC00] =	vst v3;
	v3 =	vbroadcast v2, $0x4  }
0x94: {  	v8 =	vbroadcast v2, $0x7;
	[tilespmem:s23+$0xFFFFFC80] =	vst v4;
	v4 =	vbroadcast v2, $0x6  }
0x95: {  	v9 =	vbroadcast v2, $0x9;
	[tilespmem:s23+$0xFFFFFD00] =	vst v5;
	v5 =	vbroadcast v2, $0x8  }
0x96: {  	v10 =	vbroadcast v2, $0xB;
	[tilespmem:s23+$0xFFFFFD80] =	vst v6;
	v6 =	vbroadcast v2, $0xA  }
0x97: {  	v11 =	vbroadcast v2, $0xD;
	[tilespmem:s23+$0xFFFFFE00] =	vst v3;
	v3 =	vbroadcast v2, $0xC  }
0x98: {  	[tilespmem:s23+$0xFFFFFE80] =	vst v7;
	v7 =	vbroadcast v2, $0xE;
	v2 =	vbroadcast v2, $0xF  }
0x99: {  	[tilespmem:s23+$0xFFFFFF00] =	vst v4  }
0x9a: {  	[tilespmem:s23+$0xFFFFFF80] =	vst v8  }
0x9b: {  	[tilespmem:s23+$0x0] =	vst v5  }
0x9c: {  	[tilespmem:s23+$0x80] =	vst v9  }
0x9d: {  	[tilespmem:s23+$0x100] =	vst v6  }
.Ltmp4:
0x9e: {  	[tilespmem:s23+$0x180] =	vst v10;
	(pc) =	sbr.rel @p0 .LBB2_7-.Ltmp4, $4  }
0x9f: {  	[tilespmem:s23+$0x200] =	vst v3  }
0xa0: {  	[tilespmem:s23+$0x280] =	vst v11  }
0xa1: {  	[tilespmem:s23+$0x300] =	vst v7  }
0xa2: {  	s25 =	sshra.s32 s24, $0x2;
	s24 =	sadd.s32 $0x40, s24;
	[tilespmem:s23+$0x380] =	vst v2  }
0xa3: {  	_ =	sdelay $0x3  }
0xa4: {  	v1 =	vld.idx.msk [tilespmem:v1+s25+$0x0 ss:$0x1], $0xffff;
	_ =	sdelay $0x4  }
0xa5: {  	v2 =	vbroadcast v1, $0x0  }
0xa6: {  	s23 =	sadd.s32 $0x800, s23;
	v3 =	vbroadcast v1, $0x1  }
0xa7: {  	v4 =	vbroadcast v1, $0x2;
	[tilespmem:s23+$0xFFFFFC00] =	vst v2  }
0xa8: {  	v60 =	vbroadcast v1, $0x5;
	[tilespmem:s23+$0xFFFFFC80] =	vst v3  }
0xa9: {  	v61 =	vbroadcast v1, $0x8;
	[tilespmem:s23+$0xFFFFFD00] =	vst v4  }
0xaa: {  	v62 =	vbroadcast v1, $0xB;
	[tilespmem:s23+$0xFFFFFE80] =	vst v60  }
0xab: {  	v63 =	vbroadcast v1, $0xE;
	[tilespmem:s23+$0x0] =	vst v61  }
0xac: {  	v2 =	vbroadcast v1, $0x3;
	[tilespmem:s23+$0x180] =	vst v62  }
0xad: {  	v3 =	vbroadcast v1, $0x4;
	[tilespmem:s23+$0x300] =	vst v63  }
0xae: {  	[tilespmem:s23+$0xFFFFFD80] =	vst v2;
	v2 =	vbroadcast v1, $0x6  }
0xaf: {  	[tilespmem:s23+$0xFFFFFE00] =	vst v3;
	v3 =	vbroadcast v1, $0x7  }
0xb0: {  	[tilespmem:s23+$0xFFFFFF00] =	vst v2;
	v2 =	vbroadcast v1, $0x9  }
0xb1: {  	[tilespmem:s23+$0xFFFFFF80] =	vst v3;
	v3 =	vbroadcast v1, $0xA  }
0xb2: {  	[tilespmem:s23+$0x80] =	vst v2;
	v2 =	vbroadcast v1, $0xC  }
0xb3: {  	[tilespmem:s23+$0x100] =	vst v3;
	v3 =	vbroadcast v1, $0xD  }
0xb4: {  	v1 =	vbroadcast v1, $0xF;
	[tilespmem:s23+$0x200] =	vst v2  }
0xb5: {  	p0 =	seq.s32 s19, $0x10;
	[tilespmem:s23+$0x280] =	vst v3  }
.Ltmp5:
0xb6: {  	[tilespmem:s23+$0x380] =	vst v1;
	(pc) =	sbr.rel @p0 .LBB2_12-.Ltmp5, $4  }
0xb7: {  	_ =	swait.ge [sflag:s15], $0x4000  }
0xb8: {  	[sflag:s15] =	ssyncset.done $0x0  }
0xb9: {  	s22 =	sshra.s32 s22, $0x2;
	[sflag:s15] =	ssyncadd.s32 $0xFFFFC000  }
0xba: {  	[spmem:s2] =	stream.indirect.scatter.add.f32 [tilespmem:s16], [sflag:$0x1], $0x80, s22, s13, $0xb8;
	[tilespmem:$0x18800] =	vst v63  }
0xbb: {  	v1 =	vmov s21;
	_ =	sdelay $0x3  }
0xbc: {  	s22 =	simm.s32 $0x0  }
0xbd: {  	v2 =	vld.idx.msk [tilespmem:v1+s22+$0x0 ss:$0x1], $0xffff;
	_ =	sdelay $0x4  }
0xbe: {  	v3 =	vbroadcast v2, $0x0  }
0xbf: {  	s22 =	simm.s32 $0x2C00;
	v4 =	vbroadcast v2, $0x1  }
0xc0: {  	v5 =	vbroadcast v2, $0x2;
	[tilespmem:s22+$0xFFFFFC00] =	vst v3  }
0xc1: {  	v56 =	vbroadcast v2, $0x4;
	[tilespmem:s22+$0xFFFFFC80] =	vst v4  }
0xc2: {  	v57 =	vbroadcast v2, $0x5;
	[tilespmem:s22+$0xFFFFFD00] =	vst v5  }
0xc3: {  	v58 =	vbroadcast v2, $0x7;
	[tilespmem:s22+$0xFFFFFE00] =	vst v56  }
0xc4: {  	v59 =	vbroadcast v2, $0x8;
	[tilespmem:s22+$0xFFFFFE80] =	vst v57  }
0xc5: {  	v60 =	vbroadcast v2, $0xA;
	[tilespmem:s22+$0xFFFFFF80] =	vst v58  }
0xc6: {  	v3 =	vbroadcast v2, $0x3;
	[tilespmem:s22+$0x0] =	vst v59  }
0xc7: {  	v61 =	vbroadcast v2, $0xB;
	[tilespmem:s22+$0x100] =	vst v60  }
0xc8: {  	[tilespmem:s22+$0xFFFFFD80] =	vst v3;
	v3 =	vbroadcast v2, $0x6  }
0xc9: {  	v62 =	vbroadcast v2, $0xD;
	[tilespmem:s22+$0x180] =	vst v61  }
0xca: {  	[tilespmem:s22+$0xFFFFFF00] =	vst v3;
	v3 =	vbroadcast v2, $0x9  }
0xcb: {  	v63 =	vbroadcast v2, $0xE;
	[tilespmem:s22+$0x280] =	vst v62  }
0xcc: {  	[tilespmem:s22+$0x80] =	vst v3;
	v3 =	vbroadcast v2, $0xC  }
0xcd: {  	[tilespmem:s22+$0x300] =	vst v63;
	v2 =	vbroadcast v2, $0xF  }
0xce: {  	[tilespmem:s22+$0x200] =	vst v3  }
0xcf: {  	s24 =	simm.s32 $0x10;
	s23 =	simm.s32 $0x80;
	[tilespmem:s22+$0x380] =	vst v2  }
.LBB2_10:
0xd0: {  	p0 =	sne.s32 s23, $0x1C0;
	v2 =	vld.idx.msk [tilespmem:v1+s24+$0x0 ss:$0x1], $0xffff;
	_ =	sdelay $0x5  }
0xd1: {  	v3 =	vbroadcast v2, $0x0;
	v4 =	vbroadcast v2, $0x1  }
0xd2: {  	s22 =	sadd.s32 $0x800, s22;
	v5 =	vbroadcast v2, $0x2;
	v6 =	vbroadcast v2, $0x3  }
0xd3: {  	v7 =	vbroadcast v2, $0x5;
	[tilespmem:s22+$0xFFFFFC00] =	vst v3;
	v3 =	vbroadcast v2, $0x4  }
0xd4: {  	v8 =	vbroadcast v2, $0x7;
	[tilespmem:s22+$0xFFFFFC80] =	vst v4;
	v4 =	vbroadcast v2, $0x6  }
0xd5: {  	v9 =	vbroadcast v2, $0x9;
	[tilespmem:s22+$0xFFFFFD00] =	vst v5;
	v5 =	vbroadcast v2, $0x8  }
0xd6: {  	v10 =	vbroadcast v2, $0xB;
	[tilespmem:s22+$0xFFFFFD80] =	vst v6;
	v6 =	vbroadcast v2, $0xA  }
0xd7: {  	v11 =	vbroadcast v2, $0xD;
	[tilespmem:s22+$0xFFFFFE00] =	vst v3;
	v3 =	vbroadcast v2, $0xC  }
0xd8: {  	[tilespmem:s22+$0xFFFFFE80] =	vst v7;
	v7 =	vbroadcast v2, $0xE;
	v2 =	vbroadcast v2, $0xF  }
0xd9: {  	[tilespmem:s22+$0xFFFFFF00] =	vst v4  }
0xda: {  	[tilespmem:s22+$0xFFFFFF80] =	vst v8  }
0xdb: {  	[tilespmem:s22+$0x0] =	vst v5  }
0xdc: {  	[tilespmem:s22+$0x80] =	vst v9  }
0xdd: {  	[tilespmem:s22+$0x100] =	vst v6  }
.Ltmp6:
0xde: {  	[tilespmem:s22+$0x180] =	vst v10;
	(pc) =	sbr.rel @p0 .LBB2_10-.Ltmp6, $4  }
0xdf: {  	[tilespmem:s22+$0x200] =	vst v3  }
0xe0: {  	[tilespmem:s22+$0x280] =	vst v11  }
0xe1: {  	[tilespmem:s22+$0x300] =	vst v7  }
0xe2: {  	s24 =	sshra.s32 s23, $0x2;
	s23 =	sadd.s32 $0x40, s23;
	[tilespmem:s22+$0x380] =	vst v2  }
0xe3: {  	_ =	sdelay $0x3  }
0xe4: {  	v1 =	vld.idx.msk [tilespmem:v1+s24+$0x0 ss:$0x1], $0xffff;
	_ =	sdelay $0x4  }
0xe5: {  	v2 =	vbroadcast v1, $0x0  }
0xe6: {  	s22 =	sadd.s32 $0x800, s22;
	v3 =	vbroadcast v1, $0x1  }
0xe7: {  	v4 =	vbroadcast v1, $0x2;
	[tilespmem:s22+$0xFFFFFC00] =	vst v2  }
0xe8: {  	v60 =	vbroadcast v1, $0x5;
	[tilespmem:s22+$0xFFFFFC80] =	vst v3  }
0xe9: {  	v61 =	vbroadcast v1, $0x8;
	[tilespmem:s22+$0xFFFFFD00] =	vst v4  }
0xea: {  	v62 =	vbroadcast v1, $0xB;
	[tilespmem:s22+$0xFFFFFE80] =	vst v60  }
0xeb: {  	v63 =	vbroadcast v1, $0xE;
	[tilespmem:s22+$0x0] =	vst v61  }
0xec: {  	v2 =	vbroadcast v1, $0x3;
	[tilespmem:s22+$0x180] =	vst v62  }
0xed: {  	v3 =	vbroadcast v1, $0x4;
	[tilespmem:s22+$0x300] =	vst v63  }
0xee: {  	[tilespmem:s22+$0xFFFFFD80] =	vst v2;
	v2 =	vbroadcast v1, $0x6  }
0xef: {  	[tilespmem:s22+$0xFFFFFE00] =	vst v3;
	v3 =	vbroadcast v1, $0x7  }
0xf0: {  	[tilespmem:s22+$0xFFFFFF00] =	vst v2;
	v2 =	vbroadcast v1, $0x9  }
0xf1: {  	[tilespmem:s22+$0xFFFFFF80] =	vst v3;
	v3 =	vbroadcast v1, $0xA  }
.Ltmp7:
0xf2: {  	[tilespmem:s22+$0x80] =	vst v2;
	v2 =	vbroadcast v1, $0xC;
	(pc) =	sbr.rel .LBB2_12-.Ltmp7, $4  }
0xf3: {  	[tilespmem:s22+$0x100] =	vst v3;
	v3 =	vbroadcast v1, $0xD  }
0xf4: {  	v1 =	vbroadcast v1, $0xF;
	[tilespmem:s22+$0x200] =	vst v2  }
0xf5: {  	[tilespmem:s22+$0x280] =	vst v3  }
0xf6: {  	[tilespmem:s22+$0x380] =	vst v1  }
.LBB2_13:
0xf7: {  	s19 =	simm.s32 $0x0  }
0xf8: {  	v1 =	vld [tilespmem:s19+$0x2500];
	_ =	sdelay $0x4  }
0xf9: {  	v2 =	vbroadcast v1, $0x0  }
0xfa: {  	s19 =	simm.s32 $0x2C00;
	v3 =	vbroadcast v1, $0x1  }
0xfb: {  	v4 =	vbroadcast v1, $0x2;
	[tilespmem:s19+$0xFFFFFC00] =	vst v2  }
0xfc: {  	v60 =	vbroadcast v1, $0x5;
	[tilespmem:s19+$0xFFFFFC80] =	vst v3  }
0xfd: {  	v61 =	vbroadcast v1, $0x8;
	[tilespmem:s19+$0xFFFFFD00] =	vst v4  }
0xfe: {  	v62 =	vbroadcast v1, $0xB;
	[tilespmem:s19+$0xFFFFFE80] =	vst v60  }
0xff: {  	v63 =	vbroadcast v1, $0xE;
	[tilespmem:s19+$0x0] =	vst v61  }
0x100: {  	v2 =	vbroadcast v1, $0x3;
	[tilespmem:s19+$0x180] =	vst v62  }
0x101: {  	v3 =	vbroadcast v1, $0x4;
	[tilespmem:s19+$0x300] =	vst v63  }
0x102: {  	[tilespmem:s19+$0xFFFFFD80] =	vst v2;
	v2 =	vbroadcast v1, $0x6  }
0x103: {  	[tilespmem:s19+$0xFFFFFE00] =	vst v3;
	v3 =	vbroadcast v1, $0x7  }
0x104: {  	[tilespmem:s19+$0xFFFFFF00] =	vst v2;
	v2 =	vbroadcast v1, $0x9  }
0x105: {  	[tilespmem:s19+$0xFFFFFF80] =	vst v3;
	v3 =	vbroadcast v1, $0xA  }
0x106: {  	[tilespmem:s19+$0x80] =	vst v2;
	v2 =	vbroadcast v1, $0xC  }
0x107: {  	[tilespmem:s19+$0x100] =	vst v3;
	v3 =	vbroadcast v1, $0xD  }
0x108: {  	v1 =	vbroadcast v1, $0xF;
	[tilespmem:s19+$0x200] =	vst v2  }
0x109: {  	[tilespmem:s19+$0x280] =	vst v3  }
0x10a: {  	s21 =	simm.s32 $0x10;
	s20 =	simm.s32 $0x80;
	[tilespmem:s19+$0x380] =	vst v1  }
.LBB2_14:
0x10b: {  	p0 =	sne.s32 s20, $0x1C0;
	v1 =	vld [tilespmem:s21+$0x2500];
	_ =	sdelay $0x4  }
0x10c: {  	v2 =	vbroadcast v1, $0x0;
	v3 =	vbroadcast v1, $0x1  }
0x10d: {  	s19 =	sadd.s32 $0x800, s19;
	v4 =	vbroadcast v1, $0x2;
	v5 =	vbroadcast v1, $0x3  }
0x10e: {  	v6 =	vbroadcast v1, $0x5;
	[tilespmem:s19+$0xFFFFFC00] =	vst v2;
	v2 =	vbroadcast v1, $0x4  }
0x10f: {  	v7 =	vbroadcast v1, $0x7;
	[tilespmem:s19+$0xFFFFFC80] =	vst v3;
	v3 =	vbroadcast v1, $0x6  }
0x110: {  	v8 =	vbroadcast v1, $0x9;
	[tilespmem:s19+$0xFFFFFD00] =	vst v4;
	v4 =	vbroadcast v1, $0x8  }
0x111: {  	v9 =	vbroadcast v1, $0xB;
	[tilespmem:s19+$0xFFFFFD80] =	vst v5;
	v5 =	vbroadcast v1, $0xA  }
0x112: {  	v10 =	vbroadcast v1, $0xD;
	[tilespmem:s19+$0xFFFFFE00] =	vst v2;
	v2 =	vbroadcast v1, $0xC  }
0x113: {  	[tilespmem:s19+$0xFFFFFE80] =	vst v6;
	v6 =	vbroadcast v1, $0xE;
	v1 =	vbroadcast v1, $0xF  }
0x114: {  	[tilespmem:s19+$0xFFFFFF00] =	vst v3  }
0x115: {  	[tilespmem:s19+$0xFFFFFF80] =	vst v7  }
0x116: {  	[tilespmem:s19+$0x0] =	vst v4  }
0x117: {  	[tilespmem:s19+$0x80] =	vst v8  }
0x118: {  	[tilespmem:s19+$0x100] =	vst v5  }
.Ltmp8:
0x119: {  	[tilespmem:s19+$0x180] =	vst v9;
	(pc) =	sbr.rel @p0 .LBB2_14-.Ltmp8, $4  }
0x11a: {  	[tilespmem:s19+$0x200] =	vst v2  }
0x11b: {  	[tilespmem:s19+$0x280] =	vst v10  }
0x11c: {  	[tilespmem:s19+$0x300] =	vst v6  }
0x11d: {  	s21 =	sshra.s32 s20, $0x2;
	s20 =	sadd.s32 $0x40, s20;
	[tilespmem:s19+$0x380] =	vst v1  }
0x11e: {  	v1 =	vld [tilespmem:s21+$0x2500];
	_ =	sdelay $0x4  }
0x11f: {  	v2 =	vbroadcast v1, $0x0  }
0x120: {  	s19 =	sadd.s32 $0x800, s19;
	v3 =	vbroadcast v1, $0x1  }
0x121: {  	v4 =	vbroadcast v1, $0x2;
	[tilespmem:s19+$0xFFFFFC00] =	vst v2  }
0x122: {  	v60 =	vbroadcast v1, $0x5;
	[tilespmem:s19+$0xFFFFFC80] =	vst v3  }
0x123: {  	v61 =	vbroadcast v1, $0x8;
	[tilespmem:s19+$0xFFFFFD00] =	vst v4  }
0x124: {  	v62 =	vbroadcast v1, $0xB;
	[tilespmem:s19+$0xFFFFFE80] =	vst v60  }
0x125: {  	v63 =	vbroadcast v1, $0xE;
	[tilespmem:s19+$0x0] =	vst v61  }
0x126: {  	v2 =	vbroadcast v1, $0x3;
	[tilespmem:s19+$0x180] =	vst v62  }
0x127: {  	v3 =	vbroadcast v1, $0x4;
	[tilespmem:s19+$0x300] =	vst v63  }
0x128: {  	[tilespmem:s19+$0xFFFFFD80] =	vst v2;
	v2 =	vbroadcast v1, $0x6  }
0x129: {  	[tilespmem:s19+$0xFFFFFE00] =	vst v3;
	v3 =	vbroadcast v1, $0x7  }
0x12a: {  	[tilespmem:s19+$0xFFFFFF00] =	vst v2;
	v2 =	vbroadcast v1, $0x9  }
0x12b: {  	[tilespmem:s19+$0xFFFFFF80] =	vst v3;
	v3 =	vbroadcast v1, $0xA  }
0x12c: {  	[tilespmem:s19+$0x80] =	vst v2;
	v2 =	vbroadcast v1, $0xC  }
0x12d: {  	[tilespmem:s19+$0x100] =	vst v3;
	v3 =	vbroadcast v1, $0xD  }
0x12e: {  	v1 =	vbroadcast v1, $0xF;
	[tilespmem:s19+$0x200] =	vst v2  }
0x12f: {  	[tilespmem:s19+$0x280] =	vst v3  }
0x130: {  	[tilespmem:s19+$0x380] =	vst v1  }
0x131: {  	[spmem:s2] =	stream.indirect.scatter.add.f32 [tilespmem:s14], [sflag:$0x2], $0x80, s17, s13, $0xb8;
	[tilespmem:$0x18800] =	vst v63  }
0x132: {  	_ =	swait.ge [sflag:s11], $0x4000  }
0x133: {  	s18 =	sadd.s32 $0x1, s18;
	[sflag:s11] =	ssyncset.done $0x0  }
0x134: {  	p0 =	sne.s32 s18, s9;
	[sflag:s11] =	ssyncadd.s32 $0xFFFFC000  }
.Ltmp9:
0x135: {  	[bflag:$0x0] =	sbarrier.arrive $0xFFFF;
	(pc) =	sbr.rel @p0 .LBB2_1-.Ltmp9, $4  }
0x136: {  	[hbm:s8], [sflag:s5] =	dma.local [spmem:s10], $0x1C00  }
0x137: {  	_ =	swait.ge [sflag:s11], $0x1C00  }
0x138: {  	[sflag:s11] =	ssyncset.done $0x0  }
0x139: {  	[sflag:s11] =	ssyncadd.s32 $0xFFFFE400  }
0x13a: {  	_ =	sfence.sel $0x180000  }
0x13b: {  	[bflag:$0x0] =	sbarrier.arrive $0xFFFF  }
0x13c: {  	p0 =	sne.s32 s0, $0x0;
	_ =	strace $0x90000047  }
0x13d: {  	s0 =	sadd.s32 @!p0 $0x100000, s1;
	[bflag:$0x2] =	sbarrier.arrive $0xFFFF  }
0x13e: {  	[sflag:s0] =	ssyncadd.tile.s32 @!p0 $0x1;
	_ =	shalt  }
.Lfunc_end2:
_tile_overlayer_lowered:
.L_overlay_start_2:
0x13f: {  	(tag) =	ssettag $0x2  }
0x140: {  	s0 =	rddreg [dreg:$0x0];
	s2 =	stileid.u32  }
0x141: {  	s1 =	rddreg [dreg:$0x1];
	p0 =	sne.s32 s2, $0x0  }
0x142: {  	s3 =	rddreg [dreg:$0x2];
	[bflag:$0x3] =	sbarrier.arrive $0xFFFF;
	s2 =	simm.s32 @!p0 $0x1C02  }
0x143: {  	[timem:s3], [sflag:s2] =	dma.local @!p0 [hbm:s0], s1  }
0x144: {  	s0 =	simm.s32 @!p0 $0x2  }
0x145: {  	_ =	swait.ge @!p0 [sflag:s0], s1  }
0x146: {  	s1 =	ssub.s32 @!p0 $0x0, s1;
	[sflag:s0] =	ssyncset.done @!p0 $0x0  }
0x147: {  	[sflag:s0] =	ssyncadd.s32 @!p0 s1  }
0x148: {  	[bflag:$0x3] =	sbarrier.arrive $0xFFFF  }
0x149: {  	_ =	shalt  }

</sc_bundles>
